<compile_context>
chip_gen: v7x
topology: tpu7x:2x2x1
jax: 0.10.2.dev20260603
libtpu: 0.0.44.dev20260713+nightly
codegen_flags: <defaults>
</compile_context>

<pallas_src>
import functools

import jax
import jax.numpy as jnp
from jax import lax
from jax.experimental import pallas as pl
from jax.experimental.pallas import tpu as pltpu
from jax.experimental.pallas import tpu_sc as plsc

N = 10000
NP = 10240
E = 320000
ERV = E // 128
F = 128
FH = 64
C16 = 16
BM = 5000

_mesh = plsc.VectorSubcoreMesh(core_axis_name="c", subcore_axis_name="s")
_sc_params = pltpu.CompilerParams(use_tc_tiling_on_sc=False)


@functools.partial(
    pl.kernel,
    out_type=[jax.ShapeDtypeStruct((NP,), jnp.float32),
              jax.ShapeDtypeStruct((NP,), jnp.float32)],
    mesh=_mesh,
    compiler_params=_sc_params,
    scratch_types=[
        pltpu.VMEM((80, 128), jnp.int32),
        pltpu.VMEM((128,), jnp.float32),
        pltpu.VMEM_SHARED((NP,), jnp.float32),
        pltpu.SemaphoreType.DMA,
    ],
)
def _deg_kernel(e3_hbm, zeros_hbm, out0_hbm, out1_hbm, dst_v, ones_v, acc_sh, sem):
    c = lax.axis_index("c")
    s = lax.axis_index("s")
    wid = s * 2 + c
    rows = jnp.where(wid < 31, 80, 20)
    pltpu.sync_copy(zeros_hbm.at[pl.ds(s * 640, 640)], acc_sh.at[pl.ds(s * 640, 640)])
    for k in range(8):
        ones_v[pl.ds(k * 16, 16)] = jnp.full((16,), 1.0, jnp.float32)
    dst_h = e3_hbm.at[1]

    @pl.when(wid < 31)
    def _stage_full():
        pltpu.sync_copy(dst_h.at[pl.ds(wid * 80, 80)], dst_v)

    @pl.when(wid == 31)
    def _stage_tail():
        pltpu.sync_copy(dst_h.at[pl.ds(2480, 20)], dst_v.at[pl.ds(0, 20)])

    plsc.subcore_barrier()

    def fire(j, carry):
        pltpu.async_copy(ones_v, acc_sh.at[dst_v.at[j]], sem, add=True)

        @pl.when(j >= 8)
        def _bound():
            pltpu.make_async_copy(ones_v, acc_sh.at[dst_v.at[0]], sem).wait()

        return carry

    lax.fori_loop(0, rows, fire, 0)

    def drain(j, carry):
        pltpu.make_async_copy(ones_v, acc_sh.at[dst_v.at[0]], sem).wait()
        return carry

    lax.fori_loop(0, jnp.minimum(rows, 8), drain, 0)
    plsc.subcore_barrier()
    plsc.subcore_barrier()

    @pl.when(c == 0)
    def _out0():
        pltpu.sync_copy(acc_sh.at[pl.ds(s * 640, 640)], out0_hbm.at[pl.ds(s * 640, 640)])

    @pl.when(c == 1)
    def _out1():
        pltpu.sync_copy(acc_sh.at[pl.ds(s * 640, 640)], out1_hbm.at[pl.ds(s * 640, 640)])


@functools.partial(
    pl.kernel,
    out_type=jax.ShapeDtypeStruct((2, NP, FH), jnp.float32),
    mesh=_mesh,
    compiler_params=_sc_params,
    scratch_types=[
        pltpu.VMEM((160, 128), jnp.int32),
        pltpu.VMEM((160, 128), jnp.int32),
        pltpu.VMEM((5, 128, FH), jnp.float32),
        pltpu.VMEM_SHARED((NP, FH), jnp.float32),
        [pltpu.SemaphoreType.DMA] * 5,
        [pltpu.SemaphoreType.DMA] * 5,
    ],
)
def _spmm1_kernel(hs_hbm, e3_hbm, out_hbm, src_v, dst_v, bufs, acc_sh, sg, ss):
    c = lax.axis_index("c")
    s = lax.axis_index("s")
    grps = jnp.where(s < 15, 32, 20)
    pltpu.sync_copy(hs_hbm.at[c, pl.ds(s * 640, 640)], acc_sh.at[pl.ds(s * 640, 640)])
    src_h = e3_hbm.at[0]
    dst_h = e3_hbm.at[1]

    @pl.when(s < 15)
    def _stage_full():
        pltpu.sync_copy(src_h.at[pl.ds(s * 160, 160)], src_v)
        pltpu.sync_copy(dst_h.at[pl.ds(s * 160, 160)], dst_v)

    @pl.when(s == 15)
    def _stage_tail():
        pltpu.sync_copy(src_h.at[pl.ds(2400, 100)], src_v.at[pl.ds(0, 100)])
        pltpu.sync_copy(dst_h.at[pl.ds(2400, 100)], dst_v.at[pl.ds(0, 100)])

    plsc.subcore_barrier()
    hs_c = hs_hbm.at[c]

    for b in range(5):
        pltpu.async_copy(hs_c.at[src_v.at[b]], bufs.at[b], sg[b])

    def grp(qq, carry):
        j0 = qq * 5
        for b in range(5):
            pltpu.make_async_copy(hs_c.at[src_v.at[j0 + b]], bufs.at[b], sg[b]).wait()
            pltpu.async_copy(bufs.at[b], acc_sh.at[dst_v.at[j0 + b]], ss[b], add=True)

        @pl.when(qq < grps - 1)
        def _refill():
            for b in range(5):
                pltpu.make_async_copy(bufs.at[b], acc_sh.at[dst_v.at[0]], ss[b]).wait()
                pltpu.async_copy(hs_c.at[src_v.at[j0 + 5 + b]], bufs.at[b], sg[b])

        return carry

    lax.fori_loop(0, grps, grp, 0)
    for b in range(5):
        pltpu.make_async_copy(bufs.at[b], acc_sh.at[dst_v.at[0]], ss[b]).wait()
    plsc.subcore_barrier()
    plsc.subcore_barrier()
    pltpu.sync_copy(acc_sh.at[pl.ds(s * 640, 640)], out_hbm.at[c, pl.ds(s * 640, 640)])


@functools.partial(
    pl.kernel,
    out_type=jax.ShapeDtypeStruct((2, NP, C16), jnp.float32),
    mesh=_mesh,
    compiler_params=_sc_params,
    scratch_types=[
        pltpu.VMEM((80, 128), jnp.int32),
        pltpu.VMEM((80, 128), jnp.int32),
        pltpu.VMEM((4, 128, C16), jnp.float32),
        pltpu.VMEM_SHARED((NP, C16), jnp.float32),
        pltpu.VMEM_SHARED((NP, C16), jnp.float32),
        [pltpu.SemaphoreType.DMA] * 4,
        [pltpu.SemaphoreType.DMA] * 4,
    ],
)
def _spmm2_kernel(hs_hbm, e3_hbm, out_hbm, src_v, dst_v, bufs, hs_sh, acc_sh, sg, ss):
    c = lax.axis_index("c")
    s = lax.axis_index("s")
    wid = s * 2 + c
    quads = jnp.where(wid < 31, 20, 5)
    pltpu.sync_copy(hs_hbm.at[pl.ds(s * 640, 640)], hs_sh.at[pl.ds(s * 640, 640)])
    pltpu.sync_copy(hs_hbm.at[pl.ds(s * 640, 640)], acc_sh.at[pl.ds(s * 640, 640)])
    src_h = e3_hbm.at[0]
    dst_h = e3_hbm.at[1]

    @pl.when(wid < 31)
    def _stage_full():
        pltpu.sync_copy(src_h.at[pl.ds(wid * 80, 80)], src_v)
        pltpu.sync_copy(dst_h.at[pl.ds(wid * 80, 80)], dst_v)

    @pl.when(wid == 31)
    def _stage_tail():
        pltpu.sync_copy(src_h.at[pl.ds(2480, 20)], src_v.at[pl.ds(0, 20)])
        pltpu.sync_copy(dst_h.at[pl.ds(2480, 20)], dst_v.at[pl.ds(0, 20)])

    plsc.subcore_barrier()

    for b in range(4):
        pltpu.async_copy(hs_sh.at[src_v.at[b]], bufs.at[b], sg[b])

    def quad(qq, carry):
        j0 = qq * 4
        for b in range(4):
            pltpu.make_async_copy(hs_sh.at[src_v.at[j0 + b]], bufs.at[b], sg[b]).wait()
            pltpu.async_copy(bufs.at[b], acc_sh.at[dst_v.at[j0 + b]], ss[b], add=True)

        @pl.when(qq < quads - 1)
        def _refill():
            for b in range(4):
                pltpu.make_async_copy(bufs.at[b], acc_sh.at[dst_v.at[0]], ss[b]).wait()
                pltpu.async_copy(hs_sh.at[src_v.at[j0 + 4 + b]], bufs.at[b], sg[b])

        return carry

    lax.fori_loop(0, quads, quad, 0)
    for b in range(4):
        pltpu.make_async_copy(bufs.at[b], acc_sh.at[dst_v.at[0]], ss[b]).wait()
    plsc.subcore_barrier()
    plsc.subcore_barrier()
    pltpu.sync_copy(acc_sh.at[pl.ds(s * 640, 640)], out_hbm.at[c, pl.ds(s * 640, 640)])


def _k1_body(x_ref, w_ref, d0_ref, d1_ref, hs_ref, dis_ref):
    deg = d0_ref[:, 0] + d1_ref[:, 0] + 1.0
    dis = lax.rsqrt(deg)[:, None]
    dis_ref[...] = dis
    h = jnp.dot(x_ref[...], w_ref[0], preferred_element_type=jnp.float32)
    hs_ref[0] = h * dis


def _k1(x, W1r, d0, d1):
    return pl.pallas_call(
        _k1_body,
        grid=(N // BM, 2),
        in_specs=[
            pl.BlockSpec((BM, F), lambda i, j: (i, 0)),
            pl.BlockSpec((1, F, FH), lambda i, j: (j, 0, 0)),
            pl.BlockSpec((BM, 1), lambda i, j: (i, 0)),
            pl.BlockSpec((BM, 1), lambda i, j: (i, 0)),
        ],
        out_specs=[
            pl.BlockSpec((1, BM, FH), lambda i, j: (j, i, 0)),
            pl.BlockSpec((BM, 1), lambda i, j: (i, 0)),
        ],
        out_shape=[
            jax.ShapeDtypeStruct((2, NP, FH), jnp.float32),
            jax.ShapeDtypeStruct((NP, 1), jnp.float32),
        ],
    )(x, W1r, d0, d1)


def _k3_body(a0_ref, a1_ref, dis_ref, b1_ref, w2_ref, hs2_ref):
    dis = dis_ref[...]
    acc = jnp.concatenate([a0_ref[0], a1_ref[0]], axis=1)
    h1 = jnp.maximum(acc * dis + b1_ref[...], 0.0)
    hs2_ref[...] = jnp.dot(h1, w2_ref[...], preferred_element_type=jnp.float32) * dis


def _k3(acc1, disp, b1r, W2p):
    return pl.pallas_call(
        _k3_body,
        grid=(N // BM,),
        in_specs=[
            pl.BlockSpec((1, BM, FH), lambda i: (0, i, 0)),
            pl.BlockSpec((1, BM, FH), lambda i: (1, i, 0)),
            pl.BlockSpec((BM, 1), lambda i: (i, 0)),
            pl.BlockSpec((1, F), lambda i: (0, 0)),
            pl.BlockSpec((F, C16), lambda i: (0, 0)),
        ],
        out_specs=pl.BlockSpec((BM, C16), lambda i: (i, 0)),
        out_shape=jax.ShapeDtypeStruct((NP, C16), jnp.float32),
    )(acc1, acc1, disp, b1r, W2p)


def _k5_body(a0_ref, a1_ref, hs2_ref, dis_ref, b2_ref, out_ref):
    agg = a0_ref[0] + a1_ref[0] - hs2_ref[...]
    out_ref[...] = (agg * dis_ref[...] + b2_ref[...])[:, :7]


def _k5(acc2, hs2, disp, b2r):
    return pl.pallas_call(
        _k5_body,
        grid=(N // BM,),
        in_specs=[
            pl.BlockSpec((1, BM, C16), lambda i: (0, i, 0)),
            pl.BlockSpec((1, BM, C16), lambda i: (1, i, 0)),
            pl.BlockSpec((BM, C16), lambda i: (i, 0)),
            pl.BlockSpec((BM, 1), lambda i: (i, 0)),
            pl.BlockSpec((1, C16), lambda i: (0, 0)),
        ],
        out_specs=pl.BlockSpec((BM, 7), lambda i: (i, 0)),
        out_shape=jax.ShapeDtypeStruct((N, 7), jnp.float32),
    )(acc2, acc2, hs2, disp, b2r)


def kernel(x, edge_index, W1, b1, W2, b2):
    e3 = edge_index.astype(jnp.int32).reshape(2, ERV, 128)
    W1r = W1.reshape(F, 2, FH).transpose(1, 0, 2)
    W2p = jnp.pad(W2, ((0, 0), (0, C16 - W2.shape[1])))
    b1r = b1.reshape(1, F)
    b2r = jnp.pad(b2, (0, C16 - b2.shape[0])).reshape(1, C16)
    zeros_np = jnp.zeros((NP,), jnp.float32)

    deg0, deg1 = _deg_kernel(e3, zeros_np)
    hs_r, disp = _k1(x, W1r, deg0.reshape(NP, 1), deg1.reshape(NP, 1))
    acc1 = _spmm1_kernel(hs_r, e3)
    hs2 = _k3(acc1, disp, b1r, W2p)
    acc2 = _spmm2_kernel(hs2, e3)
    return _k5(acc2, hs2, disp, b2r)

# --- scband reference (transcript-rebuilt; emitter-appended) ---
"""Pipeline reference for scband-gcn-83734682403304 (READ-ONLY COPY).

The authoritative reference and input builder live on the scoring server;
editing this copy changes nothing except your own understanding.
"""

import jax, jax.numpy as jnp
import numpy as np

NUM_NODES = 10000
IN_FEATS = 128
HIDDEN = 128
NUM_CLASSES = 7
NUM_EDGES = 320000


def setup_inputs(seed: int = 0) -> dict:
    key = jax.random.key(seed)
    k1, k2, k3, k4, k5, k6 = jax.random.split(key, 6)
    x = jax.random.normal(k1, (NUM_NODES, IN_FEATS), dtype=jnp.float32)
    edge_index = jax.random.randint(k2, (2, NUM_EDGES), 0, NUM_NODES, dtype=jnp.int64)
    # GCNConv learned parameters (glorot-style init)
    s1 = (6.0 / (IN_FEATS + HIDDEN)) ** 0.5
    W1 = jax.random.uniform(k3, (IN_FEATS, HIDDEN), dtype=jnp.float32, minval=-s1, maxval=s1)
    b1 = jnp.zeros((HIDDEN,), dtype=jnp.float32)
    s2 = (6.0 / (HIDDEN + NUM_CLASSES)) ** 0.5
    W2 = jax.random.uniform(k4, (HIDDEN, NUM_CLASSES), dtype=jnp.float32, minval=-s2, maxval=s2)
    b2 = jnp.zeros((NUM_CLASSES,), dtype=jnp.float32)
    return {"x": x, "edge_index": edge_index, "W1": W1, "b1": b1, "W2": W2, "b2": b2}


def _gcn_conv(x, edge_index, W, b, num_nodes):
    # Faithful to torch_geometric GCNConv (add_self_loops=True, normalize=True)
    src = edge_index[0]
    dst = edge_index[1]
    loop = jnp.arange(num_nodes, dtype=edge_index.dtype)
    src = jnp.concatenate([src, loop])
    dst = jnp.concatenate([dst, loop])
    # symmetric normalization: deg computed over destination nodes
    deg = jnp.zeros((num_nodes,), dtype=jnp.float32).at[dst].add(1.0)
    deg_inv_sqrt = jnp.where(deg > 0, jax.lax.rsqrt(jnp.maximum(deg, 1e-12)), 0.0)
    norm = deg_inv_sqrt[src] * deg_inv_sqrt[dst]
    h = x @ W
    msg = h[src] * norm[:, None]
    out = jnp.zeros((num_nodes, W.shape[1]), dtype=jnp.float32).at[dst].add(msg)
    return out + b


def reference(x, edge_index, W1, b1, W2, b2):
    num_nodes = x.shape[0]
    h = _gcn_conv(x, edge_index, W1, b1, num_nodes)
    h = jax.nn.relu(h)
    # dropout p=0.5 is identity in eval mode (deterministic reference)
    out = _gcn_conv(h, edge_index, W2, b2, num_nodes)
    return out

if __name__ == "__main__":
    import jax
    _d = setup_inputs()
    print(jax.jit(kernel)(*tuple(_d.values())))

</pallas_src>

<mosaic_0001>
#map = affine_map<(d0, d1) -> (0, 0, 0)>
module attributes {stable_mosaic.version = 14 : i64} {
  func.func @_spmm1_kernel(%arg0: i32, %arg1: i32, %arg2: memref<2x10240x64xf32, #tpu.memory_space<hbm>>, %arg3: memref<2x2500x128xi32, #tpu.memory_space<hbm>>, %arg4: memref<2x10240x64xf32, #tpu.memory_space<hbm>>, %arg5: memref<160x128xi32, #tpu.memory_space<vmem>>, %arg6: memref<160x128xi32, #tpu.memory_space<vmem>>, %arg7: memref<5x128x64xf32, #tpu.memory_space<vmem>>, %arg8: memref<10240x64xf32, #tpu.memory_space<vmem_shared>>, %arg9: memref<!tpu.dma_semaphore, #tpu.memory_space<semaphore_mem>>, %arg10: memref<!tpu.dma_semaphore, #tpu.memory_space<semaphore_mem>>, %arg11: memref<!tpu.dma_semaphore, #tpu.memory_space<semaphore_mem>>, %arg12: memref<!tpu.dma_semaphore, #tpu.memory_space<semaphore_mem>>, %arg13: memref<!tpu.dma_semaphore, #tpu.memory_space<semaphore_mem>>, %arg14: memref<!tpu.dma_semaphore, #tpu.memory_space<semaphore_mem>>, %arg15: memref<!tpu.dma_semaphore, #tpu.memory_space<semaphore_mem>>, %arg16: memref<!tpu.dma_semaphore, #tpu.memory_space<semaphore_mem>>, %arg17: memref<!tpu.dma_semaphore, #tpu.memory_space<semaphore_mem>>, %arg18: memref<!tpu.dma_semaphore, #tpu.memory_space<semaphore_mem>>) attributes {dimension_semantics = [#tpu.dimension_semantics<core_parallel>, #tpu.dimension_semantics<subcore_parallel>], iteration_bounds = array<i64: 2, 16>, scalar_prefetch = 0 : i64, scratch_operands = 14 : i64, tpu.core_type = #tpu.core_type<sc_vector_subcore>, window_params = [{transform_indices = #map}, {transform_indices = #map}, {transform_indices = #map}]} {
    %lt3A = arith.constant 15 : i32
    %lt3A_0 = arith.cmpi slt, %arg1, %lt3A : i32
    %jit3A = arith.constant 32 : i32
    %jit3A_1 = arith.constant 20 : i32
    %select_n3A = arith.select %lt3A_0, %jit3A, %jit3A_1 : i32
    %mul3A = arith.constant 640 : i32
    %mul3A_2 = arith.muli %arg1, %mul3A : i32
    %mul3A_3 = arith.constant 640 : i32
    %mul3A_4 = arith.muli %arg1, %mul3A_3 : i32
    "tpu.region"() ({
      %run_scoped3A = tpu.sem_alloc : memref<!tpu.dma_semaphore, #tpu.memory_space<semaphore_mem>>
      %dma_start3A_169 = arith.constant 0 : i32
      %dma_start3A_170 = tpu.memref_slice %arg8[%mul3A_4, %dma_start3A_169] : memref<10240x64xf32, #tpu.memory_space<vmem_shared>> -> memref<640x64xf32, #tpu.memory_space<vmem_shared>>
      %dma_start3A_171 = arith.constant 0 : i32
      %dma_start3A_172 = tpu.memref_slice %arg2[%arg0, %mul3A_2, %dma_start3A_171] : memref<2x10240x64xf32, #tpu.memory_space<hbm>> -> memref<1x640x64xf32, #tpu.memory_space<hbm>>
      %dma_start3A_173 = tpu.memref_squeeze %dma_start3A_172 : memref<1x640x64xf32, #tpu.memory_space<hbm>> -> memref<640x64xf32, #tpu.memory_space<hbm>>
      tpu.enqueue_dma source(%dma_start3A_173 : memref<640x64xf32, #tpu.memory_space<hbm>>) target(%dma_start3A_170 : memref<640x64xf32, #tpu.memory_space<vmem_shared>>) target_semaphore(%run_scoped3A : memref<!tpu.dma_semaphore, #tpu.memory_space<semaphore_mem>>)
      %dma_wait3A_174 = arith.constant 0 : i32
      %dma_wait3A_175 = tpu.memref_slice %arg8[%mul3A_4, %dma_wait3A_174] : memref<10240x64xf32, #tpu.memory_space<vmem_shared>> -> memref<640x64xf32, #tpu.memory_space<vmem_shared>>
      %dma_wait3A_176 = arith.constant 0 : i32
      %dma_wait3A_177 = tpu.memref_slice %arg2[%arg0, %mul3A_2, %dma_wait3A_176] : memref<2x10240x64xf32, #tpu.memory_space<hbm>> -> memref<1x640x64xf32, #tpu.memory_space<hbm>>
      %dma_wait3A_178 = tpu.memref_squeeze %dma_wait3A_177 : memref<1x640x64xf32, #tpu.memory_space<hbm>> -> memref<640x64xf32, #tpu.memory_space<hbm>>
      tpu.wait_dma2 semaphore(%run_scoped3A : memref<!tpu.dma_semaphore, #tpu.memory_space<semaphore_mem>>) src(%dma_wait3A_178 : memref<640x64xf32, #tpu.memory_space<hbm>>) dst(%dma_wait3A_175 : memref<640x64xf32, #tpu.memory_space<vmem_shared>>)
      tpu.yield
    }) : () -> ()
    %lt3A_5 = arith.constant 15 : i32
    %lt3A_6 = arith.cmpi slt, %arg1, %lt3A_5 : i32
    %convert_element_type3A = arith.extui %lt3A_6 : i1 to i32
    %cond3A = arith.constant 0 : i32
    %cond3A_7 = arith.constant 1 : i32
    %cond3A_8 = arith.constant 0 : i32
    %cond3A_9 = arith.cmpi ne, %convert_element_type3A, %cond3A_8 : i32
    scf.if %cond3A_9 {
      %mul3A_169 = arith.constant 160 : i32
      %mul3A_170 = arith.muli %arg1, %mul3A_169 : i32
      "tpu.region"() ({
        %run_scoped3A = tpu.sem_alloc : memref<!tpu.dma_semaphore, #tpu.memory_space<semaphore_mem>>
        %dma_start3A_173 = arith.constant 0 : i32
        %dma_start3A_174 = arith.constant 0 : i32
        %dma_start3A_175 = tpu.memref_slice %arg3[%cond3A, %dma_start3A_173, %dma_start3A_174] : memref<2x2500x128xi32, #tpu.memory_space<hbm>> -> memref<1x2500x128xi32, #tpu.memory_space<hbm>>
        %dma_start3A_176 = tpu.memref_squeeze %dma_start3A_175 : memref<1x2500x128xi32, #tpu.memory_space<hbm>> -> memref<2500x128xi32, #tpu.memory_space<hbm>>
        %dma_start3A_177 = arith.constant 0 : i32
        %dma_start3A_178 = tpu.memref_slice %dma_start3A_176[%mul3A_170, %dma_start3A_177] : memref<2500x128xi32, #tpu.memory_space<hbm>> -> memref<160x128xi32, #tpu.memory_space<hbm>>
        %dma_start3A_179 = arith.constant 0 : i32
        %dma_start3A_180 = arith.constant 0 : i32
        %dma_start3A_181 = tpu.memref_slice %arg3[%cond3A, %dma_start3A_179, %dma_start3A_180] : memref<2x2500x128xi32, #tpu.memory_space<hbm>> -> memref<1x2500x128xi32, #tpu.memory_space<hbm>>
        %dma_start3A_182 = tpu.memref_squeeze %dma_start3A_181 : memref<1x2500x128xi32, #tpu.memory_space<hbm>> -> memref<2500x128xi32, #tpu.memory_space<hbm>>
        %dma_start3A_183 = arith.constant 0 : i32
        %dma_start3A_184 = tpu.memref_slice %dma_start3A_182[%mul3A_170, %dma_start3A_183] : memref<2500x128xi32, #tpu.memory_space<hbm>> -> memref<160x128xi32, #tpu.memory_space<hbm>>
        tpu.enqueue_dma source(%dma_start3A_184 : memref<160x128xi32, #tpu.memory_space<hbm>>) target(%arg5 : memref<160x128xi32, #tpu.memory_space<vmem>>) target_semaphore(%run_scoped3A : memref<!tpu.dma_semaphore, #tpu.memory_space<semaphore_mem>>)
        %dma_wait3A_185 = arith.constant 0 : i32
        %dma_wait3A_186 = arith.constant 0 : i32
        %dma_wait3A_187 = tpu.memref_slice %arg3[%cond3A, %dma_wait3A_185, %dma_wait3A_186] : memref<2x2500x128xi32, #tpu.memory_space<hbm>> -> memref<1x2500x128xi32, #tpu.memory_space<hbm>>
        %dma_wait3A_188 = tpu.memref_squeeze %dma_wait3A_187 : memref<1x2500x128xi32, #tpu.memory_space<hbm>> -> memref<2500x128xi32, #tpu.memory_space<hbm>>
        %dma_wait3A_189 = arith.constant 0 : i32
        %dma_wait3A_190 = tpu.memref_slice %dma_wait3A_188[%mul3A_170, %dma_wait3A_189] : memref<2500x128xi32, #tpu.memory_space<hbm>> -> memref<160x128xi32, #tpu.memory_space<hbm>>
        %dma_wait3A_191 = arith.constant 0 : i32
        %dma_wait3A_192 = arith.constant 0 : i32
        %dma_wait3A_193 = tpu.memref_slice %arg3[%cond3A, %dma_wait3A_191, %dma_wait3A_192] : memref<2x2500x128xi32, #tpu.memory_space<hbm>> -> memref<1x2500x128xi32, #tpu.memory_space<hbm>>
        %dma_wait3A_194 = tpu.memref_squeeze %dma_wait3A_193 : memref<1x2500x128xi32, #tpu.memory_space<hbm>> -> memref<2500x128xi32, #tpu.memory_space<hbm>>
        %dma_wait3A_195 = arith.constant 0 : i32
        %dma_wait3A_196 = tpu.memref_slice %dma_wait3A_194[%mul3A_170, %dma_wait3A_195] : memref<2500x128xi32, #tpu.memory_space<hbm>> -> memref<160x128xi32, #tpu.memory_space<hbm>>
        tpu.wait_dma2 semaphore(%run_scoped3A : memref<!tpu.dma_semaphore, #tpu.memory_space<semaphore_mem>>) src(%dma_wait3A_196 : memref<160x128xi32, #tpu.memory_space<hbm>>) dst(%arg5 : memref<160x128xi32, #tpu.memory_space<vmem>>)
        tpu.yield
      }) : () -> ()
      %mul3A_171 = arith.constant 160 : i32
      %mul3A_172 = arith.muli %arg1, %mul3A_171 : i32
      "tpu.region"() ({
        %run_scoped3A = tpu.sem_alloc : memref<!tpu.dma_semaphore, #tpu.memory_space<semaphore_mem>>
        %dma_start3A_173 = arith.constant 0 : i32
        %dma_start3A_174 = arith.constant 0 : i32
        %dma_start3A_175 = tpu.memref_slice %arg3[%cond3A_7, %dma_start3A_173, %dma_start3A_174] : memref<2x2500x128xi32, #tpu.memory_space<hbm>> -> memref<1x2500x128xi32, #tpu.memory_space<hbm>>
        %dma_start3A_176 = tpu.memref_squeeze %dma_start3A_175 : memref<1x2500x128xi32, #tpu.memory_space<hbm>> -> memref<2500x128xi32, #tpu.memory_space<hbm>>
        %dma_start3A_177 = arith.constant 0 : i32
        %dma_start3A_178 = tpu.memref_slice %dma_start3A_176[%mul3A_172, %dma_start3A_177] : memref<2500x128xi32, #tpu.memory_space<hbm>> -> memref<160x128xi32, #tpu.memory_space<hbm>>
        %dma_start3A_179 = arith.constant 0 : i32
        %dma_start3A_180 = arith.constant 0 : i32
        %dma_start3A_181 = tpu.memref_slice %arg3[%cond3A_7, %dma_start3A_179, %dma_start3A_180] : memref<2x2500x128xi32, #tpu.memory_space<hbm>> -> memref<1x2500x128xi32, #tpu.memory_space<hbm>>
        %dma_start3A_182 = tpu.memref_squeeze %dma_start3A_181 : memref<1x2500x128xi32, #tpu.memory_space<hbm>> -> memref<2500x128xi32, #tpu.memory_space<hbm>>
        %dma_start3A_183 = arith.constant 0 : i32
        %dma_start3A_184 = tpu.memref_slice %dma_start3A_182[%mul3A_172, %dma_start3A_183] : memref<2500x128xi32, #tpu.memory_space<hbm>> -> memref<160x128xi32, #tpu.memory_space<hbm>>
        tpu.enqueue_dma source(%dma_start3A_184 : memref<160x128xi32, #tpu.memory_space<hbm>>) target(%arg6 : memref<160x128xi32, #tpu.memory_space<vmem>>) target_semaphore(%run_scoped3A : memref<!tpu.dma_semaphore, #tpu.memory_space<semaphore_mem>>)
        %dma_wait3A_185 = arith.constant 0 : i32
        %dma_wait3A_186 = arith.constant 0 : i32
        %dma_wait3A_187 = tpu.memref_slice %arg3[%cond3A_7, %dma_wait3A_185, %dma_wait3A_186] : memref<2x2500x128xi32, #tpu.memory_space<hbm>> -> memref<1x2500x128xi32, #tpu.memory_space<hbm>>
        %dma_wait3A_188 = tpu.memref_squeeze %dma_wait3A_187 : memref<1x2500x128xi32, #tpu.memory_space<hbm>> -> memref<2500x128xi32, #tpu.memory_space<hbm>>
        %dma_wait3A_189 = arith.constant 0 : i32
        %dma_wait3A_190 = tpu.memref_slice %dma_wait3A_188[%mul3A_172, %dma_wait3A_189] : memref<2500x128xi32, #tpu.memory_space<hbm>> -> memref<160x128xi32, #tpu.memory_space<hbm>>
        %dma_wait3A_191 = arith.constant 0 : i32
        %dma_wait3A_192 = arith.constant 0 : i32
        %dma_wait3A_193 = tpu.memref_slice %arg3[%cond3A_7, %dma_wait3A_191, %dma_wait3A_192] : memref<2x2500x128xi32, #tpu.memory_space<hbm>> -> memref<1x2500x128xi32, #tpu.memory_space<hbm>>
        %dma_wait3A_194 = tpu.memref_squeeze %dma_wait3A_193 : memref<1x2500x128xi32, #tpu.memory_space<hbm>> -> memref<2500x128xi32, #tpu.memory_space<hbm>>
        %dma_wait3A_195 = arith.constant 0 : i32
        %dma_wait3A_196 = tpu.memref_slice %dma_wait3A_194[%mul3A_172, %dma_wait3A_195] : memref<2500x128xi32, #tpu.memory_space<hbm>> -> memref<160x128xi32, #tpu.memory_space<hbm>>
        tpu.wait_dma2 semaphore(%run_scoped3A : memref<!tpu.dma_semaphore, #tpu.memory_space<semaphore_mem>>) src(%dma_wait3A_196 : memref<160x128xi32, #tpu.memory_space<hbm>>) dst(%arg6 : memref<160x128xi32, #tpu.memory_space<vmem>>)
        tpu.yield
      }) : () -> ()
    } else {
    }
    %eq3A = arith.constant 15 : i32
    %eq3A_10 = arith.cmpi eq, %arg1, %eq3A : i32
    %convert_element_type3A_11 = arith.extui %eq3A_10 : i1 to i32
    %cond3A_12 = arith.constant 0 : i32
    %cond3A_13 = arith.constant 1 : i32
    %cond3A_14 = arith.constant 0 : i32
    %cond3A_15 = arith.cmpi ne, %convert_element_type3A_11, %cond3A_14 : i32
    scf.if %cond3A_15 {
      "tpu.region"() ({
        %run_scoped3A = tpu.sem_alloc : memref<!tpu.dma_semaphore, #tpu.memory_space<semaphore_mem>>
        %dma_start3A_169 = arith.constant 0 : i32
        %dma_start3A_170 = arith.constant 0 : i32
        %dma_start3A_171 = tpu.memref_slice %arg5[%dma_start3A_169, %dma_start3A_170] : memref<160x128xi32, #tpu.memory_space<vmem>> -> memref<100x128xi32, #tpu.memory_space<vmem>>
        %dma_start3A_172 = arith.constant 0 : i32
        %dma_start3A_173 = arith.constant 0 : i32
        %dma_start3A_174 = tpu.memref_slice %arg3[%cond3A_12, %dma_start3A_172, %dma_start3A_173] : memref<2x2500x128xi32, #tpu.memory_space<hbm>> -> memref<1x2500x128xi32, #tpu.memory_space<hbm>>
        %dma_start3A_175 = tpu.memref_squeeze %dma_start3A_174 : memref<1x2500x128xi32, #tpu.memory_space<hbm>> -> memref<2500x128xi32, #tpu.memory_space<hbm>>
        %dma_start3A_176 = arith.constant 2400 : i32
        %dma_start3A_177 = arith.constant 0 : i32
        %dma_start3A_178 = tpu.memref_slice %dma_start3A_175[%dma_start3A_176, %dma_start3A_177] : memref<2500x128xi32, #tpu.memory_space<hbm>> -> memref<100x128xi32, #tpu.memory_space<hbm>>
        %dma_start3A_179 = arith.constant 0 : i32
        %dma_start3A_180 = arith.constant 0 : i32
        %dma_start3A_181 = tpu.memref_slice %arg5[%dma_start3A_179, %dma_start3A_180] : memref<160x128xi32, #tpu.memory_space<vmem>> -> memref<100x128xi32, #tpu.memory_space<vmem>>
        %dma_start3A_182 = arith.constant 0 : i32
        %dma_start3A_183 = arith.constant 0 : i32
        %dma_start3A_184 = tpu.memref_slice %arg3[%cond3A_12, %dma_start3A_182, %dma_start3A_183] : memref<2x2500x128xi32, #tpu.memory_space<hbm>> -> memref<1x2500x128xi32, #tpu.memory_space<hbm>>
        %dma_start3A_185 = tpu.memref_squeeze %dma_start3A_184 : memref<1x2500x128xi32, #tpu.memory_space<hbm>> -> memref<2500x128xi32, #tpu.memory_space<hbm>>
        %dma_start3A_186 = arith.constant 2400 : i32
        %dma_start3A_187 = arith.constant 0 : i32
        %dma_start3A_188 = tpu.memref_slice %dma_start3A_185[%dma_start3A_186, %dma_start3A_187] : memref<2500x128xi32, #tpu.memory_space<hbm>> -> memref<100x128xi32, #tpu.memory_space<hbm>>
        tpu.enqueue_dma source(%dma_start3A_188 : memref<100x128xi32, #tpu.memory_space<hbm>>) target(%dma_start3A_181 : memref<100x128xi32, #tpu.memory_space<vmem>>) target_semaphore(%run_scoped3A : memref<!tpu.dma_semaphore, #tpu.memory_space<semaphore_mem>>)
        %dma_wait3A_189 = arith.constant 0 : i32
        %dma_wait3A_190 = arith.constant 0 : i32
        %dma_wait3A_191 = tpu.memref_slice %arg5[%dma_wait3A_189, %dma_wait3A_190] : memref<160x128xi32, #tpu.memory_space<vmem>> -> memref<100x128xi32, #tpu.memory_space<vmem>>
        %dma_wait3A_192 = arith.constant 0 : i32
        %dma_wait3A_193 = arith.constant 0 : i32
        %dma_wait3A_194 = tpu.memref_slice %arg3[%cond3A_12, %dma_wait3A_192, %dma_wait3A_193] : memref<2x2500x128xi32, #tpu.memory_space<hbm>> -> memref<1x2500x128xi32, #tpu.memory_space<hbm>>
        %dma_wait3A_195 = tpu.memref_squeeze %dma_wait3A_194 : memref<1x2500x128xi32, #tpu.memory_space<hbm>> -> memref<2500x128xi32, #tpu.memory_space<hbm>>
        %dma_wait3A_196 = arith.constant 2400 : i32
        %dma_wait3A_197 = arith.constant 0 : i32
        %dma_wait3A_198 = tpu.memref_slice %dma_wait3A_195[%dma_wait3A_196, %dma_wait3A_197] : memref<2500x128xi32, #tpu.memory_space<hbm>> -> memref<100x128xi32, #tpu.memory_space<hbm>>
        %dma_wait3A_199 = arith.constant 0 : i32
        %dma_wait3A_200 = arith.constant 0 : i32
        %dma_wait3A_201 = tpu.memref_slice %arg5[%dma_wait3A_199, %dma_wait3A_200] : memref<160x128xi32, #tpu.memory_space<vmem>> -> memref<100x128xi32, #tpu.memory_space<vmem>>
        %dma_wait3A_202 = arith.constant 0 : i32
        %dma_wait3A_203 = arith.constant 0 : i32
        %dma_wait3A_204 = tpu.memref_slice %arg3[%cond3A_12, %dma_wait3A_202, %dma_wait3A_203] : memref<2x2500x128xi32, #tpu.memory_space<hbm>> -> memref<1x2500x128xi32, #tpu.memory_space<hbm>>
        %dma_wait3A_205 = tpu.memref_squeeze %dma_wait3A_204 : memref<1x2500x128xi32, #tpu.memory_space<hbm>> -> memref<2500x128xi32, #tpu.memory_space<hbm>>
        %dma_wait3A_206 = arith.constant 2400 : i32
        %dma_wait3A_207 = arith.constant 0 : i32
        %dma_wait3A_208 = tpu.memref_slice %dma_wait3A_205[%dma_wait3A_206, %dma_wait3A_207] : memref<2500x128xi32, #tpu.memory_space<hbm>> -> memref<100x128xi32, #tpu.memory_space<hbm>>
        tpu.wait_dma2 semaphore(%run_scoped3A : memref<!tpu.dma_semaphore, #tpu.memory_space<semaphore_mem>>) src(%dma_wait3A_208 : memref<100x128xi32, #tpu.memory_space<hbm>>) dst(%dma_wait3A_201 : memref<100x128xi32, #tpu.memory_space<vmem>>)
        tpu.yield
      }) : () -> ()
      "tpu.region"() ({
        %run_scoped3A = tpu.sem_alloc : memref<!tpu.dma_semaphore, #tpu.memory_space<semaphore_mem>>
        %dma_start3A_169 = arith.constant 0 : i32
        %dma_start3A_170 = arith.constant 0 : i32
        %dma_start3A_171 = tpu.memref_slice %arg6[%dma_start3A_169, %dma_start3A_170] : memref<160x128xi32, #tpu.memory_space<vmem>> -> memref<100x128xi32, #tpu.memory_space<vmem>>
        %dma_start3A_172 = arith.constant 0 : i32
        %dma_start3A_173 = arith.constant 0 : i32
        %dma_start3A_174 = tpu.memref_slice %arg3[%cond3A_13, %dma_start3A_172, %dma_start3A_173] : memref<2x2500x128xi32, #tpu.memory_space<hbm>> -> memref<1x2500x128xi32, #tpu.memory_space<hbm>>
        %dma_start3A_175 = tpu.memref_squeeze %dma_start3A_174 : memref<1x2500x128xi32, #tpu.memory_space<hbm>> -> memref<2500x128xi32, #tpu.memory_space<hbm>>
        %dma_start3A_176 = arith.constant 2400 : i32
        %dma_start3A_177 = arith.constant 0 : i32
        %dma_start3A_178 = tpu.memref_slice %dma_start3A_175[%dma_start3A_176, %dma_start3A_177] : memref<2500x128xi32, #tpu.memory_space<hbm>> -> memref<100x128xi32, #tpu.memory_space<hbm>>
        %dma_start3A_179 = arith.constant 0 : i32
        %dma_start3A_180 = arith.constant 0 : i32
        %dma_start3A_181 = tpu.memref_slice %arg6[%dma_start3A_179, %dma_start3A_180] : memref<160x128xi32, #tpu.memory_space<vmem>> -> memref<100x128xi32, #tpu.memory_space<vmem>>
        %dma_start3A_182 = arith.constant 0 : i32
        %dma_start3A_183 = arith.constant 0 : i32
        %dma_start3A_184 = tpu.memref_slice %arg3[%cond3A_13, %dma_start3A_182, %dma_start3A_183] : memref<2x2500x128xi32, #tpu.memory_space<hbm>> -> memref<1x2500x128xi32, #tpu.memory_space<hbm>>
        %dma_start3A_185 = tpu.memref_squeeze %dma_start3A_184 : memref<1x2500x128xi32, #tpu.memory_space<hbm>> -> memref<2500x128xi32, #tpu.memory_space<hbm>>
        %dma_start3A_186 = arith.constant 2400 : i32
        %dma_start3A_187 = arith.constant 0 : i32
        %dma_start3A_188 = tpu.memref_slice %dma_start3A_185[%dma_start3A_186, %dma_start3A_187] : memref<2500x128xi32, #tpu.memory_space<hbm>> -> memref<100x128xi32, #tpu.memory_space<hbm>>
        tpu.enqueue_dma source(%dma_start3A_188 : memref<100x128xi32, #tpu.memory_space<hbm>>) target(%dma_start3A_181 : memref<100x128xi32, #tpu.memory_space<vmem>>) target_semaphore(%run_scoped3A : memref<!tpu.dma_semaphore, #tpu.memory_space<semaphore_mem>>)
        %dma_wait3A_189 = arith.constant 0 : i32
        %dma_wait3A_190 = arith.constant 0 : i32
        %dma_wait3A_191 = tpu.memref_slice %arg6[%dma_wait3A_189, %dma_wait3A_190] : memref<160x128xi32, #tpu.memory_space<vmem>> -> memref<100x128xi32, #tpu.memory_space<vmem>>
        %dma_wait3A_192 = arith.constant 0 : i32
        %dma_wait3A_193 = arith.constant 0 : i32
        %dma_wait3A_194 = tpu.memref_slice %arg3[%cond3A_13, %dma_wait3A_192, %dma_wait3A_193] : memref<2x2500x128xi32, #tpu.memory_space<hbm>> -> memref<1x2500x128xi32, #tpu.memory_space<hbm>>
        %dma_wait3A_195 = tpu.memref_squeeze %dma_wait3A_194 : memref<1x2500x128xi32, #tpu.memory_space<hbm>> -> memref<2500x128xi32, #tpu.memory_space<hbm>>
        %dma_wait3A_196 = arith.constant 2400 : i32
        %dma_wait3A_197 = arith.constant 0 : i32
        %dma_wait3A_198 = tpu.memref_slice %dma_wait3A_195[%dma_wait3A_196, %dma_wait3A_197] : memref<2500x128xi32, #tpu.memory_space<hbm>> -> memref<100x128xi32, #tpu.memory_space<hbm>>
        %dma_wait3A_199 = arith.constant 0 : i32
        %dma_wait3A_200 = arith.constant 0 : i32
        %dma_wait3A_201 = tpu.memref_slice %arg6[%dma_wait3A_199, %dma_wait3A_200] : memref<160x128xi32, #tpu.memory_space<vmem>> -> memref<100x128xi32, #tpu.memory_space<vmem>>
        %dma_wait3A_202 = arith.constant 0 : i32
        %dma_wait3A_203 = arith.constant 0 : i32
        %dma_wait3A_204 = tpu.memref_slice %arg3[%cond3A_13, %dma_wait3A_202, %dma_wait3A_203] : memref<2x2500x128xi32, #tpu.memory_space<hbm>> -> memref<1x2500x128xi32, #tpu.memory_space<hbm>>
        %dma_wait3A_205 = tpu.memref_squeeze %dma_wait3A_204 : memref<1x2500x128xi32, #tpu.memory_space<hbm>> -> memref<2500x128xi32, #tpu.memory_space<hbm>>
        %dma_wait3A_206 = arith.constant 2400 : i32
        %dma_wait3A_207 = arith.constant 0 : i32
        %dma_wait3A_208 = tpu.memref_slice %dma_wait3A_205[%dma_wait3A_206, %dma_wait3A_207] : memref<2500x128xi32, #tpu.memory_space<hbm>> -> memref<100x128xi32, #tpu.memory_space<hbm>>
        tpu.wait_dma2 semaphore(%run_scoped3A : memref<!tpu.dma_semaphore, #tpu.memory_space<semaphore_mem>>) src(%dma_wait3A_208 : memref<100x128xi32, #tpu.memory_space<hbm>>) dst(%dma_wait3A_201 : memref<100x128xi32, #tpu.memory_space<vmem>>)
        tpu.yield
      }) : () -> ()
    } else {
    }
    %barrier3A = arith.constant 0 : index
    tpu.barrier barrier_id(%barrier3A)
    %dma_start3A = arith.constant 0 : i32
    %dma_start3A_16 = arith.constant 0 : i32
    %dma_start3A_17 = arith.constant 0 : i32
    %dma_start3A_18 = arith.constant 0 : i32
    %dma_start3A_19 = tpu.memref_slice %arg7[%dma_start3A_16, %dma_start3A_17, %dma_start3A_18] : memref<5x128x64xf32, #tpu.memory_space<vmem>> -> memref<1x128x64xf32, #tpu.memory_space<vmem>>
    %dma_start3A_20 = tpu.memref_squeeze %dma_start3A_19 : memref<1x128x64xf32, #tpu.memory_space<vmem>> -> memref<128x64xf32, #tpu.memory_space<vmem>>
    %dma_start3A_21 = arith.constant 0 : i32
    %dma_start3A_22 = tpu.memref_slice %arg5[%dma_start3A, %dma_start3A_21] : memref<160x128xi32, #tpu.memory_space<vmem>> -> memref<1x128xi32, #tpu.memory_space<vmem>>
    %dma_start3A_23 = tpu.memref_squeeze %dma_start3A_22 : memref<1x128xi32, #tpu.memory_space<vmem>> -> memref<128xi32, #tpu.memory_space<vmem>>
    %dma_start3A_24 = arith.constant 0 : i32
    %dma_start3A_25 = arith.constant 0 : i32
    %dma_start3A_26 = tpu.memref_slice %arg2[%arg0, %dma_start3A_24, %dma_start3A_25] : memref<2x10240x64xf32, #tpu.memory_space<hbm>> -> memref<1x10240x64xf32, #tpu.memory_space<hbm>>
    %dma_start3A_27 = tpu.memref_squeeze %dma_start3A_26 : memref<1x10240x64xf32, #tpu.memory_space<hbm>> -> memref<10240x64xf32, #tpu.memory_space<hbm>>
    %dma_start3A_28 = arith.constant 0 : i32
    %dma_start3A_29 = arith.constant 0 : i32
    %dma_start3A_30 = tpu.memref_slice %dma_start3A_27[%dma_start3A_28, %dma_start3A_29] : memref<10240x64xf32, #tpu.memory_space<hbm>> -> memref<10240x64xf32, #tpu.memory_space<hbm>>
    tpu.enqueue_indirect_dma source(%dma_start3A_30 : memref<10240x64xf32, #tpu.memory_space<hbm>>) target(%dma_start3A_20 : memref<128x64xf32, #tpu.memory_space<vmem>>) offsets(%dma_start3A_23 : memref<128xi32, #tpu.memory_space<vmem>>) semaphore(%arg9 : memref<!tpu.dma_semaphore, #tpu.memory_space<semaphore_mem>>)
    %dma_start3A_31 = arith.constant 1 : i32
    %dma_start3A_32 = arith.constant 1 : i32
    %dma_start3A_33 = arith.constant 0 : i32
    %dma_start3A_34 = arith.constant 0 : i32
    %dma_start3A_35 = tpu.memref_slice %arg7[%dma_start3A_32, %dma_start3A_33, %dma_start3A_34] : memref<5x128x64xf32, #tpu.memory_space<vmem>> -> memref<1x128x64xf32, #tpu.memory_space<vmem>>
    %dma_start3A_36 = tpu.memref_squeeze %dma_start3A_35 : memref<1x128x64xf32, #tpu.memory_space<vmem>> -> memref<128x64xf32, #tpu.memory_space<vmem>>
    %dma_start3A_37 = arith.constant 0 : i32
    %dma_start3A_38 = tpu.memref_slice %arg5[%dma_start3A_31, %dma_start3A_37] : memref<160x128xi32, #tpu.memory_space<vmem>> -> memref<1x128xi32, #tpu.memory_space<vmem>>
    %dma_start3A_39 = tpu.memref_squeeze %dma_start3A_38 : memref<1x128xi32, #tpu.memory_space<vmem>> -> memref<128xi32, #tpu.memory_space<vmem>>
    %dma_start3A_40 = arith.constant 0 : i32
    %dma_start3A_41 = arith.constant 0 : i32
    %dma_start3A_42 = tpu.memref_slice %arg2[%arg0, %dma_start3A_40, %dma_start3A_41] : memref<2x10240x64xf32, #tpu.memory_space<hbm>> -> memref<1x10240x64xf32, #tpu.memory_space<hbm>>
    %dma_start3A_43 = tpu.memref_squeeze %dma_start3A_42 : memref<1x10240x64xf32, #tpu.memory_space<hbm>> -> memref<10240x64xf32, #tpu.memory_space<hbm>>
    %dma_start3A_44 = arith.constant 0 : i32
    %dma_start3A_45 = arith.constant 0 : i32
    %dma_start3A_46 = tpu.memref_slice %dma_start3A_43[%dma_start3A_44, %dma_start3A_45] : memref<10240x64xf32, #tpu.memory_space<hbm>> -> memref<10240x64xf32, #tpu.memory_space<hbm>>
    tpu.enqueue_indirect_dma source(%dma_start3A_46 : memref<10240x64xf32, #tpu.memory_space<hbm>>) target(%dma_start3A_36 : memref<128x64xf32, #tpu.memory_space<vmem>>) offsets(%dma_start3A_39 : memref<128xi32, #tpu.memory_space<vmem>>) semaphore(%arg10 : memref<!tpu.dma_semaphore, #tpu.memory_space<semaphore_mem>>)
    %dma_start3A_47 = arith.constant 2 : i32
    %dma_start3A_48 = arith.constant 2 : i32
    %dma_start3A_49 = arith.constant 0 : i32
    %dma_start3A_50 = arith.constant 0 : i32
    %dma_start3A_51 = tpu.memref_slice %arg7[%dma_start3A_48, %dma_start3A_49, %dma_start3A_50] : memref<5x128x64xf32, #tpu.memory_space<vmem>> -> memref<1x128x64xf32, #tpu.memory_space<vmem>>
    %dma_start3A_52 = tpu.memref_squeeze %dma_start3A_51 : memref<1x128x64xf32, #tpu.memory_space<vmem>> -> memref<128x64xf32, #tpu.memory_space<vmem>>
    %dma_start3A_53 = arith.constant 0 : i32
    %dma_start3A_54 = tpu.memref_slice %arg5[%dma_start3A_47, %dma_start3A_53] : memref<160x128xi32, #tpu.memory_space<vmem>> -> memref<1x128xi32, #tpu.memory_space<vmem>>
    %dma_start3A_55 = tpu.memref_squeeze %dma_start3A_54 : memref<1x128xi32, #tpu.memory_space<vmem>> -> memref<128xi32, #tpu.memory_space<vmem>>
    %dma_start3A_56 = arith.constant 0 : i32
    %dma_start3A_57 = arith.constant 0 : i32
    %dma_start3A_58 = tpu.memref_slice %arg2[%arg0, %dma_start3A_56, %dma_start3A_57] : memref<2x10240x64xf32, #tpu.memory_space<hbm>> -> memref<1x10240x64xf32, #tpu.memory_space<hbm>>
    %dma_start3A_59 = tpu.memref_squeeze %dma_start3A_58 : memref<1x10240x64xf32, #tpu.memory_space<hbm>> -> memref<10240x64xf32, #tpu.memory_space<hbm>>
    %dma_start3A_60 = arith.constant 0 : i32
    %dma_start3A_61 = arith.constant 0 : i32
    %dma_start3A_62 = tpu.memref_slice %dma_start3A_59[%dma_start3A_60, %dma_start3A_61] : memref<10240x64xf32, #tpu.memory_space<hbm>> -> memref<10240x64xf32, #tpu.memory_space<hbm>>
    tpu.enqueue_indirect_dma source(%dma_start3A_62 : memref<10240x64xf32, #tpu.memory_space<hbm>>) target(%dma_start3A_52 : memref<128x64xf32, #tpu.memory_space<vmem>>) offsets(%dma_start3A_55 : memref<128xi32, #tpu.memory_space<vmem>>) semaphore(%arg11 : memref<!tpu.dma_semaphore, #tpu.memory_space<semaphore_mem>>)
    %dma_start3A_63 = arith.constant 3 : i32
    %dma_start3A_64 = arith.constant 3 : i32
    %dma_start3A_65 = arith.constant 0 : i32
    %dma_start3A_66 = arith.constant 0 : i32
    %dma_start3A_67 = tpu.memref_slice %arg7[%dma_start3A_64, %dma_start3A_65, %dma_start3A_66] : memref<5x128x64xf32, #tpu.memory_space<vmem>> -> memref<1x128x64xf32, #tpu.memory_space<vmem>>
    %dma_start3A_68 = tpu.memref_squeeze %dma_start3A_67 : memref<1x128x64xf32, #tpu.memory_space<vmem>> -> memref<128x64xf32, #tpu.memory_space<vmem>>
    %dma_start3A_69 = arith.constant 0 : i32
    %dma_start3A_70 = tpu.memref_slice %arg5[%dma_start3A_63, %dma_start3A_69] : memref<160x128xi32, #tpu.memory_space<vmem>> -> memref<1x128xi32, #tpu.memory_space<vmem>>
    %dma_start3A_71 = tpu.memref_squeeze %dma_start3A_70 : memref<1x128xi32, #tpu.memory_space<vmem>> -> memref<128xi32, #tpu.memory_space<vmem>>
    %dma_start3A_72 = arith.constant 0 : i32
    %dma_start3A_73 = arith.constant 0 : i32
    %dma_start3A_74 = tpu.memref_slice %arg2[%arg0, %dma_start3A_72, %dma_start3A_73] : memref<2x10240x64xf32, #tpu.memory_space<hbm>> -> memref<1x10240x64xf32, #tpu.memory_space<hbm>>
    %dma_start3A_75 = tpu.memref_squeeze %dma_start3A_74 : memref<1x10240x64xf32, #tpu.memory_space<hbm>> -> memref<10240x64xf32, #tpu.memory_space<hbm>>
    %dma_start3A_76 = arith.constant 0 : i32
    %dma_start3A_77 = arith.constant 0 : i32
    %dma_start3A_78 = tpu.memref_slice %dma_start3A_75[%dma_start3A_76, %dma_start3A_77] : memref<10240x64xf32, #tpu.memory_space<hbm>> -> memref<10240x64xf32, #tpu.memory_space<hbm>>
    tpu.enqueue_indirect_dma source(%dma_start3A_78 : memref<10240x64xf32, #tpu.memory_space<hbm>>) target(%dma_start3A_68 : memref<128x64xf32, #tpu.memory_space<vmem>>) offsets(%dma_start3A_71 : memref<128xi32, #tpu.memory_space<vmem>>) semaphore(%arg12 : memref<!tpu.dma_semaphore, #tpu.memory_space<semaphore_mem>>)
    %dma_start3A_79 = arith.constant 4 : i32
    %dma_start3A_80 = arith.constant 4 : i32
    %dma_start3A_81 = arith.constant 0 : i32
    %dma_start3A_82 = arith.constant 0 : i32
    %dma_start3A_83 = tpu.memref_slice %arg7[%dma_start3A_80, %dma_start3A_81, %dma_start3A_82] : memref<5x128x64xf32, #tpu.memory_space<vmem>> -> memref<1x128x64xf32, #tpu.memory_space<vmem>>
    %dma_start3A_84 = tpu.memref_squeeze %dma_start3A_83 : memref<1x128x64xf32, #tpu.memory_space<vmem>> -> memref<128x64xf32, #tpu.memory_space<vmem>>
    %dma_start3A_85 = arith.constant 0 : i32
    %dma_start3A_86 = tpu.memref_slice %arg5[%dma_start3A_79, %dma_start3A_85] : memref<160x128xi32, #tpu.memory_space<vmem>> -> memref<1x128xi32, #tpu.memory_space<vmem>>
    %dma_start3A_87 = tpu.memref_squeeze %dma_start3A_86 : memref<1x128xi32, #tpu.memory_space<vmem>> -> memref<128xi32, #tpu.memory_space<vmem>>
    %dma_start3A_88 = arith.constant 0 : i32
    %dma_start3A_89 = arith.constant 0 : i32
    %dma_start3A_90 = tpu.memref_slice %arg2[%arg0, %dma_start3A_88, %dma_start3A_89] : memref<2x10240x64xf32, #tpu.memory_space<hbm>> -> memref<1x10240x64xf32, #tpu.memory_space<hbm>>
    %dma_start3A_91 = tpu.memref_squeeze %dma_start3A_90 : memref<1x10240x64xf32, #tpu.memory_space<hbm>> -> memref<10240x64xf32, #tpu.memory_space<hbm>>
    %dma_start3A_92 = arith.constant 0 : i32
    %dma_start3A_93 = arith.constant 0 : i32
    %dma_start3A_94 = tpu.memref_slice %dma_start3A_91[%dma_start3A_92, %dma_start3A_93] : memref<10240x64xf32, #tpu.memory_space<hbm>> -> memref<10240x64xf32, #tpu.memory_space<hbm>>
    tpu.enqueue_indirect_dma source(%dma_start3A_94 : memref<10240x64xf32, #tpu.memory_space<hbm>>) target(%dma_start3A_84 : memref<128x64xf32, #tpu.memory_space<vmem>>) offsets(%dma_start3A_87 : memref<128xi32, #tpu.memory_space<vmem>>) semaphore(%arg13 : memref<!tpu.dma_semaphore, #tpu.memory_space<semaphore_mem>>)
    %while3A = arith.constant 0 : i32
    %while3A_95 = arith.constant 0 : i32
    %while3A_96 = arith.subi %select_n3A, %while3A_95 : i32
    %while3A_97 = arith.addi %while3A_95, %while3A_96 : i32
    %while3A_98 = arith.constant 1 : i32
    %while3A_99 = arith.divsi %while3A_96, %while3A_98 : i32
    %while3A_100 = arith.muli %while3A_99, %while3A_98 : i32
    %while3A_101 = arith.addi %while3A_95, %while3A_100 : i32
    %while3A_102 = arith.constant 1 : i32
    scf.for %while3A_169 = %while3A_95 to %while3A_101 step %while3A_102  : i32 {
      %mul3A_170 = arith.constant 5 : i32
      %mul3A_171 = arith.muli %while3A_169, %mul3A_170 : i32
      %add3A = arith.constant 0 : i32
      %add3A_172 = arith.addi %mul3A_171, %add3A : i32
      %dma_wait3A_173 = arith.constant 0 : i32
      %dma_wait3A_174 = arith.constant 0 : i32
      %dma_wait3A_175 = arith.constant 0 : i32
      %dma_wait3A_176 = tpu.memref_slice %arg7[%dma_wait3A_173, %dma_wait3A_174, %dma_wait3A_175] : memref<5x128x64xf32, #tpu.memory_space<vmem>> -> memref<1x128x64xf32, #tpu.memory_space<vmem>>
      %dma_wait3A_177 = tpu.memref_squeeze %dma_wait3A_176 : memref<1x128x64xf32, #tpu.memory_space<vmem>> -> memref<128x64xf32, #tpu.memory_space<vmem>>
      %dma_wait3A_178 = arith.constant 0 : i32
      %dma_wait3A_179 = tpu.memref_slice %arg5[%add3A_172, %dma_wait3A_178] : memref<160x128xi32, #tpu.memory_space<vmem>> -> memref<1x128xi32, #tpu.memory_space<vmem>>
      %dma_wait3A_180 = tpu.memref_squeeze %dma_wait3A_179 : memref<1x128xi32, #tpu.memory_space<vmem>> -> memref<128xi32, #tpu.memory_space<vmem>>
      %dma_wait3A_181 = arith.constant 0 : i32
      %dma_wait3A_182 = arith.constant 0 : i32
      %dma_wait3A_183 = tpu.memref_slice %arg2[%arg0, %dma_wait3A_181, %dma_wait3A_182] : memref<2x10240x64xf32, #tpu.memory_space<hbm>> -> memref<1x10240x64xf32, #tpu.memory_space<hbm>>
      %dma_wait3A_184 = tpu.memref_squeeze %dma_wait3A_183 : memref<1x10240x64xf32, #tpu.memory_space<hbm>> -> memref<10240x64xf32, #tpu.memory_space<hbm>>
      %dma_wait3A_185 = arith.constant 0 : i32
      %dma_wait3A_186 = arith.constant 0 : i32
      %dma_wait3A_187 = tpu.memref_slice %dma_wait3A_184[%dma_wait3A_185, %dma_wait3A_186] : memref<10240x64xf32, #tpu.memory_space<hbm>> -> memref<10240x64xf32, #tpu.memory_space<hbm>>
      tpu.wait_indirect_dma semaphore(%arg9 : memref<!tpu.dma_semaphore, #tpu.memory_space<semaphore_mem>>) src(%dma_wait3A_187 : memref<10240x64xf32, #tpu.memory_space<hbm>>) dst(%dma_wait3A_177 : memref<128x64xf32, #tpu.memory_space<vmem>>)
      %add3A_188 = arith.constant 0 : i32
      %add3A_189 = arith.addi %mul3A_171, %add3A_188 : i32
      %dma_start3A_190 = arith.constant 0 : i32
      %dma_start3A_191 = arith.constant 0 : i32
      %dma_start3A_192 = arith.constant 0 : i32
      %dma_start3A_193 = tpu.memref_slice %arg7[%dma_start3A_190, %dma_start3A_191, %dma_start3A_192] : memref<5x128x64xf32, #tpu.memory_space<vmem>> -> memref<1x128x64xf32, #tpu.memory_space<vmem>>
      %dma_start3A_194 = tpu.memref_squeeze %dma_start3A_193 : memref<1x128x64xf32, #tpu.memory_space<vmem>> -> memref<128x64xf32, #tpu.memory_space<vmem>>
      %dma_start3A_195 = arith.constant 0 : i32
      %dma_start3A_196 = tpu.memref_slice %arg6[%add3A_189, %dma_start3A_195] : memref<160x128xi32, #tpu.memory_space<vmem>> -> memref<1x128xi32, #tpu.memory_space<vmem>>
      %dma_start3A_197 = tpu.memref_squeeze %dma_start3A_196 : memref<1x128xi32, #tpu.memory_space<vmem>> -> memref<128xi32, #tpu.memory_space<vmem>>
      %dma_start3A_198 = arith.constant 0 : i32
      %dma_start3A_199 = arith.constant 0 : i32
      %dma_start3A_200 = tpu.memref_slice %arg8[%dma_start3A_198, %dma_start3A_199] : memref<10240x64xf32, #tpu.memory_space<vmem_shared>> -> memref<10240x64xf32, #tpu.memory_space<vmem_shared>>
      tpu.enqueue_indirect_dma source(%dma_start3A_194 : memref<128x64xf32, #tpu.memory_space<vmem>>) target(%dma_start3A_200 : memref<10240x64xf32, #tpu.memory_space<vmem_shared>>) offsets(%dma_start3A_197 : memref<128xi32, #tpu.memory_space<vmem>>) semaphore(%arg14 : memref<!tpu.dma_semaphore, #tpu.memory_space<semaphore_mem>>) {add = true}
      %add3A_201 = arith.constant 1 : i32
      %add3A_202 = arith.addi %mul3A_171, %add3A_201 : i32
      %dma_wait3A_203 = arith.constant 1 : i32
      %dma_wait3A_204 = arith.constant 0 : i32
      %dma_wait3A_205 = arith.constant 0 : i32
      %dma_wait3A_206 = tpu.memref_slice %arg7[%dma_wait3A_203, %dma_wait3A_204, %dma_wait3A_205] : memref<5x128x64xf32, #tpu.memory_space<vmem>> -> memref<1x128x64xf32, #tpu.memory_space<vmem>>
      %dma_wait3A_207 = tpu.memref_squeeze %dma_wait3A_206 : memref<1x128x64xf32, #tpu.memory_space<vmem>> -> memref<128x64xf32, #tpu.memory_space<vmem>>
      %dma_wait3A_208 = arith.constant 0 : i32
      %dma_wait3A_209 = tpu.memref_slice %arg5[%add3A_202, %dma_wait3A_208] : memref<160x128xi32, #tpu.memory_space<vmem>> -> memref<1x128xi32, #tpu.memory_space<vmem>>
      %dma_wait3A_210 = tpu.memref_squeeze %dma_wait3A_209 : memref<1x128xi32, #tpu.memory_space<vmem>> -> memref<128xi32, #tpu.memory_space<vmem>>
      %dma_wait3A_211 = arith.constant 0 : i32
      %dma_wait3A_212 = arith.constant 0 : i32
      %dma_wait3A_213 = tpu.memref_slice %arg2[%arg0, %dma_wait3A_211, %dma_wait3A_212] : memref<2x10240x64xf32, #tpu.memory_space<hbm>> -> memref<1x10240x64xf32, #tpu.memory_space<hbm>>
      %dma_wait3A_214 = tpu.memref_squeeze %dma_wait3A_213 : memref<1x10240x64xf32, #tpu.memory_space<hbm>> -> memref<10240x64xf32, #tpu.memory_space<hbm>>
      %dma_wait3A_215 = arith.constant 0 : i32
      %dma_wait3A_216 = arith.constant 0 : i32
      %dma_wait3A_217 = tpu.memref_slice %dma_wait3A_214[%dma_wait3A_215, %dma_wait3A_216] : memref<10240x64xf32, #tpu.memory_space<hbm>> -> memref<10240x64xf32, #tpu.memory_space<hbm>>
      tpu.wait_indirect_dma semaphore(%arg10 : memref<!tpu.dma_semaphore, #tpu.memory_space<semaphore_mem>>) src(%dma_wait3A_217 : memref<10240x64xf32, #tpu.memory_space<hbm>>) dst(%dma_wait3A_207 : memref<128x64xf32, #tpu.memory_space<vmem>>)
      %add3A_218 = arith.constant 1 : i32
      %add3A_219 = arith.addi %mul3A_171, %add3A_218 : i32
      %dma_start3A_220 = arith.constant 1 : i32
      %dma_start3A_221 = arith.constant 0 : i32
      %dma_start3A_222 = arith.constant 0 : i32
      %dma_start3A_223 = tpu.memref_slice %arg7[%dma_start3A_220, %dma_start3A_221, %dma_start3A_222] : memref<5x128x64xf32, #tpu.memory_space<vmem>> -> memref<1x128x64xf32, #tpu.memory_space<vmem>>
      %dma_start3A_224 = tpu.memref_squeeze %dma_start3A_223 : memref<1x128x64xf32, #tpu.memory_space<vmem>> -> memref<128x64xf32, #tpu.memory_space<vmem>>
      %dma_start3A_225 = arith.constant 0 : i32
      %dma_start3A_226 = tpu.memref_slice %arg6[%add3A_219, %dma_start3A_225] : memref<160x128xi32, #tpu.memory_space<vmem>> -> memref<1x128xi32, #tpu.memory_space<vmem>>
      %dma_start3A_227 = tpu.memref_squeeze %dma_start3A_226 : memref<1x128xi32, #tpu.memory_space<vmem>> -> memref<128xi32, #tpu.memory_space<vmem>>
      %dma_start3A_228 = arith.constant 0 : i32
      %dma_start3A_229 = arith.constant 0 : i32
      %dma_start3A_230 = tpu.memref_slice %arg8[%dma_start3A_228, %dma_start3A_229] : memref<10240x64xf32, #tpu.memory_space<vmem_shared>> -> memref<10240x64xf32, #tpu.memory_space<vmem_shared>>
      tpu.enqueue_indirect_dma source(%dma_start3A_224 : memref<128x64xf32, #tpu.memory_space<vmem>>) target(%dma_start3A_230 : memref<10240x64xf32, #tpu.memory_space<vmem_shared>>) offsets(%dma_start3A_227 : memref<128xi32, #tpu.memory_space<vmem>>) semaphore(%arg15 : memref<!tpu.dma_semaphore, #tpu.memory_space<semaphore_mem>>) {add = true}
      %add3A_231 = arith.constant 2 : i32
      %add3A_232 = arith.addi %mul3A_171, %add3A_231 : i32
      %dma_wait3A_233 = arith.constant 2 : i32
      %dma_wait3A_234 = arith.constant 0 : i32
      %dma_wait3A_235 = arith.constant 0 : i32
      %dma_wait3A_236 = tpu.memref_slice %arg7[%dma_wait3A_233, %dma_wait3A_234, %dma_wait3A_235] : memref<5x128x64xf32, #tpu.memory_space<vmem>> -> memref<1x128x64xf32, #tpu.memory_space<vmem>>
      %dma_wait3A_237 = tpu.memref_squeeze %dma_wait3A_236 : memref<1x128x64xf32, #tpu.memory_space<vmem>> -> memref<128x64xf32, #tpu.memory_space<vmem>>
      %dma_wait3A_238 = arith.constant 0 : i32
      %dma_wait3A_239 = tpu.memref_slice %arg5[%add3A_232, %dma_wait3A_238] : memref<160x128xi32, #tpu.memory_space<vmem>> -> memref<1x128xi32, #tpu.memory_space<vmem>>
      %dma_wait3A_240 = tpu.memref_squeeze %dma_wait3A_239 : memref<1x128xi32, #tpu.memory_space<vmem>> -> memref<128xi32, #tpu.memory_space<vmem>>
      %dma_wait3A_241 = arith.constant 0 : i32
      %dma_wait3A_242 = arith.constant 0 : i32
      %dma_wait3A_243 = tpu.memref_slice %arg2[%arg0, %dma_wait3A_241, %dma_wait3A_242] : memref<2x10240x64xf32, #tpu.memory_space<hbm>> -> memref<1x10240x64xf32, #tpu.memory_space<hbm>>
      %dma_wait3A_244 = tpu.memref_squeeze %dma_wait3A_243 : memref<1x10240x64xf32, #tpu.memory_space<hbm>> -> memref<10240x64xf32, #tpu.memory_space<hbm>>
      %dma_wait3A_245 = arith.constant 0 : i32
      %dma_wait3A_246 = arith.constant 0 : i32
      %dma_wait3A_247 = tpu.memref_slice %dma_wait3A_244[%dma_wait3A_245, %dma_wait3A_246] : memref<10240x64xf32, #tpu.memory_space<hbm>> -> memref<10240x64xf32, #tpu.memory_space<hbm>>
      tpu.wait_indirect_dma semaphore(%arg11 : memref<!tpu.dma_semaphore, #tpu.memory_space<semaphore_mem>>) src(%dma_wait3A_247 : memref<10240x64xf32, #tpu.memory_space<hbm>>) dst(%dma_wait3A_237 : memref<128x64xf32, #tpu.memory_space<vmem>>)
      %add3A_248 = arith.constant 2 : i32
      %add3A_249 = arith.addi %mul3A_171, %add3A_248 : i32
      %dma_start3A_250 = arith.constant 2 : i32
      %dma_start3A_251 = arith.constant 0 : i32
      %dma_start3A_252 = arith.constant 0 : i32
      %dma_start3A_253 = tpu.memref_slice %arg7[%dma_start3A_250, %dma_start3A_251, %dma_start3A_252] : memref<5x128x64xf32, #tpu.memory_space<vmem>> -> memref<1x128x64xf32, #tpu.memory_space<vmem>>
      %dma_start3A_254 = tpu.memref_squeeze %dma_start3A_253 : memref<1x128x64xf32, #tpu.memory_space<vmem>> -> memref<128x64xf32, #tpu.memory_space<vmem>>
      %dma_start3A_255 = arith.constant 0 : i32
      %dma_start3A_256 = tpu.memref_slice %arg6[%add3A_249, %dma_start3A_255] : memref<160x128xi32, #tpu.memory_space<vmem>> -> memref<1x128xi32, #tpu.memory_space<vmem>>
      %dma_start3A_257 = tpu.memref_squeeze %dma_start3A_256 : memref<1x128xi32, #tpu.memory_space<vmem>> -> memref<128xi32, #tpu.memory_space<vmem>>
      %dma_start3A_258 = arith.constant 0 : i32
      %dma_start3A_259 = arith.constant 0 : i32
      %dma_start3A_260 = tpu.memref_slice %arg8[%dma_start3A_258, %dma_start3A_259] : memref<10240x64xf32, #tpu.memory_space<vmem_shared>> -> memref<10240x64xf32, #tpu.memory_space<vmem_shared>>
      tpu.enqueue_indirect_dma source(%dma_start3A_254 : memref<128x64xf32, #tpu.memory_space<vmem>>) target(%dma_start3A_260 : memref<10240x64xf32, #tpu.memory_space<vmem_shared>>) offsets(%dma_start3A_257 : memref<128xi32, #tpu.memory_space<vmem>>) semaphore(%arg16 : memref<!tpu.dma_semaphore, #tpu.memory_space<semaphore_mem>>) {add = true}
      %add3A_261 = arith.constant 3 : i32
      %add3A_262 = arith.addi %mul3A_171, %add3A_261 : i32
      %dma_wait3A_263 = arith.constant 3 : i32
      %dma_wait3A_264 = arith.constant 0 : i32
      %dma_wait3A_265 = arith.constant 0 : i32
      %dma_wait3A_266 = tpu.memref_slice %arg7[%dma_wait3A_263, %dma_wait3A_264, %dma_wait3A_265] : memref<5x128x64xf32, #tpu.memory_space<vmem>> -> memref<1x128x64xf32, #tpu.memory_space<vmem>>
      %dma_wait3A_267 = tpu.memref_squeeze %dma_wait3A_266 : memref<1x128x64xf32, #tpu.memory_space<vmem>> -> memref<128x64xf32, #tpu.memory_space<vmem>>
      %dma_wait3A_268 = arith.constant 0 : i32
      %dma_wait3A_269 = tpu.memref_slice %arg5[%add3A_262, %dma_wait3A_268] : memref<160x128xi32, #tpu.memory_space<vmem>> -> memref<1x128xi32, #tpu.memory_space<vmem>>
      %dma_wait3A_270 = tpu.memref_squeeze %dma_wait3A_269 : memref<1x128xi32, #tpu.memory_space<vmem>> -> memref<128xi32, #tpu.memory_space<vmem>>
      %dma_wait3A_271 = arith.constant 0 : i32
      %dma_wait3A_272 = arith.constant 0 : i32
      %dma_wait3A_273 = tpu.memref_slice %arg2[%arg0, %dma_wait3A_271, %dma_wait3A_272] : memref<2x10240x64xf32, #tpu.memory_space<hbm>> -> memref<1x10240x64xf32, #tpu.memory_space<hbm>>
      %dma_wait3A_274 = tpu.memref_squeeze %dma_wait3A_273 : memref<1x10240x64xf32, #tpu.memory_space<hbm>> -> memref<10240x64xf32, #tpu.memory_space<hbm>>
      %dma_wait3A_275 = arith.constant 0 : i32
      %dma_wait3A_276 = arith.constant 0 : i32
      %dma_wait3A_277 = tpu.memref_slice %dma_wait3A_274[%dma_wait3A_275, %dma_wait3A_276] : memref<10240x64xf32, #tpu.memory_space<hbm>> -> memref<10240x64xf32, #tpu.memory_space<hbm>>
      tpu.wait_indirect_dma semaphore(%arg12 : memref<!tpu.dma_semaphore, #tpu.memory_space<semaphore_mem>>) src(%dma_wait3A_277 : memref<10240x64xf32, #tpu.memory_space<hbm>>) dst(%dma_wait3A_267 : memref<128x64xf32, #tpu.memory_space<vmem>>)
      %add3A_278 = arith.constant 3 : i32
      %add3A_279 = arith.addi %mul3A_171, %add3A_278 : i32
      %dma_start3A_280 = arith.constant 3 : i32
      %dma_start3A_281 = arith.constant 0 : i32
      %dma_start3A_282 = arith.constant 0 : i32
      %dma_start3A_283 = tpu.memref_slice %arg7[%dma_start3A_280, %dma_start3A_281, %dma_start3A_282] : memref<5x128x64xf32, #tpu.memory_space<vmem>> -> memref<1x128x64xf32, #tpu.memory_space<vmem>>
      %dma_start3A_284 = tpu.memref_squeeze %dma_start3A_283 : memref<1x128x64xf32, #tpu.memory_space<vmem>> -> memref<128x64xf32, #tpu.memory_space<vmem>>
      %dma_start3A_285 = arith.constant 0 : i32
      %dma_start3A_286 = tpu.memref_slice %arg6[%add3A_279, %dma_start3A_285] : memref<160x128xi32, #tpu.memory_space<vmem>> -> memref<1x128xi32, #tpu.memory_space<vmem>>
      %dma_start3A_287 = tpu.memref_squeeze %dma_start3A_286 : memref<1x128xi32, #tpu.memory_space<vmem>> -> memref<128xi32, #tpu.memory_space<vmem>>
      %dma_start3A_288 = arith.constant 0 : i32
      %dma_start3A_289 = arith.constant 0 : i32
      %dma_start3A_290 = tpu.memref_slice %arg8[%dma_start3A_288, %dma_start3A_289] : memref<10240x64xf32, #tpu.memory_space<vmem_shared>> -> memref<10240x64xf32, #tpu.memory_space<vmem_shared>>
      tpu.enqueue_indirect_dma source(%dma_start3A_284 : memref<128x64xf32, #tpu.memory_space<vmem>>) target(%dma_start3A_290 : memref<10240x64xf32, #tpu.memory_space<vmem_shared>>) offsets(%dma_start3A_287 : memref<128xi32, #tpu.memory_space<vmem>>) semaphore(%arg17 : memref<!tpu.dma_semaphore, #tpu.memory_space<semaphore_mem>>) {add = true}
      %add3A_291 = arith.constant 4 : i32
      %add3A_292 = arith.addi %mul3A_171, %add3A_291 : i32
      %dma_wait3A_293 = arith.constant 4 : i32
      %dma_wait3A_294 = arith.constant 0 : i32
      %dma_wait3A_295 = arith.constant 0 : i32
      %dma_wait3A_296 = tpu.memref_slice %arg7[%dma_wait3A_293, %dma_wait3A_294, %dma_wait3A_295] : memref<5x128x64xf32, #tpu.memory_space<vmem>> -> memref<1x128x64xf32, #tpu.memory_space<vmem>>
      %dma_wait3A_297 = tpu.memref_squeeze %dma_wait3A_296 : memref<1x128x64xf32, #tpu.memory_space<vmem>> -> memref<128x64xf32, #tpu.memory_space<vmem>>
      %dma_wait3A_298 = arith.constant 0 : i32
      %dma_wait3A_299 = tpu.memref_slice %arg5[%add3A_292, %dma_wait3A_298] : memref<160x128xi32, #tpu.memory_space<vmem>> -> memref<1x128xi32, #tpu.memory_space<vmem>>
      %dma_wait3A_300 = tpu.memref_squeeze %dma_wait3A_299 : memref<1x128xi32, #tpu.memory_space<vmem>> -> memref<128xi32, #tpu.memory_space<vmem>>
      %dma_wait3A_301 = arith.constant 0 : i32
      %dma_wait3A_302 = arith.constant 0 : i32
      %dma_wait3A_303 = tpu.memref_slice %arg2[%arg0, %dma_wait3A_301, %dma_wait3A_302] : memref<2x10240x64xf32, #tpu.memory_space<hbm>> -> memref<1x10240x64xf32, #tpu.memory_space<hbm>>
      %dma_wait3A_304 = tpu.memref_squeeze %dma_wait3A_303 : memref<1x10240x64xf32, #tpu.memory_space<hbm>> -> memref<10240x64xf32, #tpu.memory_space<hbm>>
      %dma_wait3A_305 = arith.constant 0 : i32
      %dma_wait3A_306 = arith.constant 0 : i32
      %dma_wait3A_307 = tpu.memref_slice %dma_wait3A_304[%dma_wait3A_305, %dma_wait3A_306] : memref<10240x64xf32, #tpu.memory_space<hbm>> -> memref<10240x64xf32, #tpu.memory_space<hbm>>
      tpu.wait_indirect_dma semaphore(%arg13 : memref<!tpu.dma_semaphore, #tpu.memory_space<semaphore_mem>>) src(%dma_wait3A_307 : memref<10240x64xf32, #tpu.memory_space<hbm>>) dst(%dma_wait3A_297 : memref<128x64xf32, #tpu.memory_space<vmem>>)
      %add3A_308 = arith.constant 4 : i32
      %add3A_309 = arith.addi %mul3A_171, %add3A_308 : i32
      %dma_start3A_310 = arith.constant 4 : i32
      %dma_start3A_311 = arith.constant 0 : i32
      %dma_start3A_312 = arith.constant 0 : i32
      %dma_start3A_313 = tpu.memref_slice %arg7[%dma_start3A_310, %dma_start3A_311, %dma_start3A_312] : memref<5x128x64xf32, #tpu.memory_space<vmem>> -> memref<1x128x64xf32, #tpu.memory_space<vmem>>
      %dma_start3A_314 = tpu.memref_squeeze %dma_start3A_313 : memref<1x128x64xf32, #tpu.memory_space<vmem>> -> memref<128x64xf32, #tpu.memory_space<vmem>>
      %dma_start3A_315 = arith.constant 0 : i32
      %dma_start3A_316 = tpu.memref_slice %arg6[%add3A_309, %dma_start3A_315] : memref<160x128xi32, #tpu.memory_space<vmem>> -> memref<1x128xi32, #tpu.memory_space<vmem>>
      %dma_start3A_317 = tpu.memref_squeeze %dma_start3A_316 : memref<1x128xi32, #tpu.memory_space<vmem>> -> memref<128xi32, #tpu.memory_space<vmem>>
      %dma_start3A_318 = arith.constant 0 : i32
      %dma_start3A_319 = arith.constant 0 : i32
      %dma_start3A_320 = tpu.memref_slice %arg8[%dma_start3A_318, %dma_start3A_319] : memref<10240x64xf32, #tpu.memory_space<vmem_shared>> -> memref<10240x64xf32, #tpu.memory_space<vmem_shared>>
      tpu.enqueue_indirect_dma source(%dma_start3A_314 : memref<128x64xf32, #tpu.memory_space<vmem>>) target(%dma_start3A_320 : memref<10240x64xf32, #tpu.memory_space<vmem_shared>>) offsets(%dma_start3A_317 : memref<128xi32, #tpu.memory_space<vmem>>) semaphore(%arg18 : memref<!tpu.dma_semaphore, #tpu.memory_space<semaphore_mem>>) {add = true}
      %sub3A = arith.constant 1 : i32
      %sub3A_321 = arith.subi %select_n3A, %sub3A : i32
      %lt3A_322 = arith.cmpi slt, %while3A_169, %sub3A_321 : i32
      %convert_element_type3A_323 = arith.extui %lt3A_322 : i1 to i32
      %cond3A_324 = arith.constant 0 : i32
      %cond3A_325 = arith.cmpi ne, %convert_element_type3A_323, %cond3A_324 : i32
      scf.if %cond3A_325 {
        %dma_wait3A_326 = arith.constant 0 : i32
        %dma_wait3A_327 = arith.constant 0 : i32
        %dma_wait3A_328 = arith.constant 0 : i32
        %dma_wait3A_329 = arith.constant 0 : i32
        %dma_wait3A_330 = tpu.memref_slice %arg7[%dma_wait3A_326, %dma_wait3A_328, %dma_wait3A_329] : memref<5x128x64xf32, #tpu.memory_space<vmem>> -> memref<1x128x64xf32, #tpu.memory_space<vmem>>
        %dma_wait3A_331 = tpu.memref_squeeze %dma_wait3A_330 : memref<1x128x64xf32, #tpu.memory_space<vmem>> -> memref<128x64xf32, #tpu.memory_space<vmem>>
        %dma_wait3A_332 = arith.constant 0 : i32
        %dma_wait3A_333 = tpu.memref_slice %arg6[%dma_wait3A_327, %dma_wait3A_332] : memref<160x128xi32, #tpu.memory_space<vmem>> -> memref<1x128xi32, #tpu.memory_space<vmem>>
        %dma_wait3A_334 = tpu.memref_squeeze %dma_wait3A_333 : memref<1x128xi32, #tpu.memory_space<vmem>> -> memref<128xi32, #tpu.memory_space<vmem>>
        %dma_wait3A_335 = arith.constant 0 : i32
        %dma_wait3A_336 = arith.constant 0 : i32
        %dma_wait3A_337 = tpu.memref_slice %arg8[%dma_wait3A_335, %dma_wait3A_336] : memref<10240x64xf32, #tpu.memory_space<vmem_shared>> -> memref<10240x64xf32, #tpu.memory_space<vmem_shared>>
        tpu.wait_indirect_dma semaphore(%arg14 : memref<!tpu.dma_semaphore, #tpu.memory_space<semaphore_mem>>) src(%dma_wait3A_331 : memref<128x64xf32, #tpu.memory_space<vmem>>) dst(%dma_wait3A_337 : memref<10240x64xf32, #tpu.memory_space<vmem_shared>>)
        %add3A_338 = arith.constant 5 : i32
        %add3A_339 = arith.addi %mul3A_171, %add3A_338 : i32
        %add3A_340 = arith.constant 0 : i32
        %add3A_341 = arith.addi %add3A_339, %add3A_340 : i32
        %dma_start3A_342 = arith.constant 0 : i32
        %dma_start3A_343 = arith.constant 0 : i32
        %dma_start3A_344 = arith.constant 0 : i32
        %dma_start3A_345 = tpu.memref_slice %arg7[%dma_start3A_342, %dma_start3A_343, %dma_start3A_344] : memref<5x128x64xf32, #tpu.memory_space<vmem>> -> memref<1x128x64xf32, #tpu.memory_space<vmem>>
        %dma_start3A_346 = tpu.memref_squeeze %dma_start3A_345 : memref<1x128x64xf32, #tpu.memory_space<vmem>> -> memref<128x64xf32, #tpu.memory_space<vmem>>
        %dma_start3A_347 = arith.constant 0 : i32
        %dma_start3A_348 = tpu.memref_slice %arg5[%add3A_341, %dma_start3A_347] : memref<160x128xi32, #tpu.memory_space<vmem>> -> memref<1x128xi32, #tpu.memory_space<vmem>>
        %dma_start3A_349 = tpu.memref_squeeze %dma_start3A_348 : memref<1x128xi32, #tpu.memory_space<vmem>> -> memref<128xi32, #tpu.memory_space<vmem>>
        %dma_start3A_350 = arith.constant 0 : i32
        %dma_start3A_351 = arith.constant 0 : i32
        %dma_start3A_352 = tpu.memref_slice %arg2[%arg0, %dma_start3A_350, %dma_start3A_351] : memref<2x10240x64xf32, #tpu.memory_space<hbm>> -> memref<1x10240x64xf32, #tpu.memory_space<hbm>>
        %dma_start3A_353 = tpu.memref_squeeze %dma_start3A_352 : memref<1x10240x64xf32, #tpu.memory_space<hbm>> -> memref<10240x64xf32, #tpu.memory_space<hbm>>
        %dma_start3A_354 = arith.constant 0 : i32
        %dma_start3A_355 = arith.constant 0 : i32
        %dma_start3A_356 = tpu.memref_slice %dma_start3A_353[%dma_start3A_354, %dma_start3A_355] : memref<10240x64xf32, #tpu.memory_space<hbm>> -> memref<10240x64xf32, #tpu.memory_space<hbm>>
        tpu.enqueue_indirect_dma source(%dma_start3A_356 : memref<10240x64xf32, #tpu.memory_space<hbm>>) target(%dma_start3A_346 : memref<128x64xf32, #tpu.memory_space<vmem>>) offsets(%dma_start3A_349 : memref<128xi32, #tpu.memory_space<vmem>>) semaphore(%arg9 : memref<!tpu.dma_semaphore, #tpu.memory_space<semaphore_mem>>)
        %dma_wait3A_357 = arith.constant 1 : i32
        %dma_wait3A_358 = arith.constant 0 : i32
        %dma_wait3A_359 = arith.constant 0 : i32
        %dma_wait3A_360 = arith.constant 0 : i32
        %dma_wait3A_361 = tpu.memref_slice %arg7[%dma_wait3A_357, %dma_wait3A_359, %dma_wait3A_360] : memref<5x128x64xf32, #tpu.memory_space<vmem>> -> memref<1x128x64xf32, #tpu.memory_space<vmem>>
        %dma_wait3A_362 = tpu.memref_squeeze %dma_wait3A_361 : memref<1x128x64xf32, #tpu.memory_space<vmem>> -> memref<128x64xf32, #tpu.memory_space<vmem>>
        %dma_wait3A_363 = arith.constant 0 : i32
        %dma_wait3A_364 = tpu.memref_slice %arg6[%dma_wait3A_358, %dma_wait3A_363] : memref<160x128xi32, #tpu.memory_space<vmem>> -> memref<1x128xi32, #tpu.memory_space<vmem>>
        %dma_wait3A_365 = tpu.memref_squeeze %dma_wait3A_364 : memref<1x128xi32, #tpu.memory_space<vmem>> -> memref<128xi32, #tpu.memory_space<vmem>>
        %dma_wait3A_366 = arith.constant 0 : i32
        %dma_wait3A_367 = arith.constant 0 : i32
        %dma_wait3A_368 = tpu.memref_slice %arg8[%dma_wait3A_366, %dma_wait3A_367] : memref<10240x64xf32, #tpu.memory_space<vmem_shared>> -> memref<10240x64xf32, #tpu.memory_space<vmem_shared>>
        tpu.wait_indirect_dma semaphore(%arg15 : memref<!tpu.dma_semaphore, #tpu.memory_space<semaphore_mem>>) src(%dma_wait3A_362 : memref<128x64xf32, #tpu.memory_space<vmem>>) dst(%dma_wait3A_368 : memref<10240x64xf32, #tpu.memory_space<vmem_shared>>)
        %add3A_369 = arith.constant 5 : i32
        %add3A_370 = arith.addi %mul3A_171, %add3A_369 : i32
        %add3A_371 = arith.constant 1 : i32
        %add3A_372 = arith.addi %add3A_370, %add3A_371 : i32
        %dma_start3A_373 = arith.constant 1 : i32
        %dma_start3A_374 = arith.constant 0 : i32
        %dma_start3A_375 = arith.constant 0 : i32
        %dma_start3A_376 = tpu.memref_slice %arg7[%dma_start3A_373, %dma_start3A_374, %dma_start3A_375] : memref<5x128x64xf32, #tpu.memory_space<vmem>> -> memref<1x128x64xf32, #tpu.memory_space<vmem>>
        %dma_start3A_377 = tpu.memref_squeeze %dma_start3A_376 : memref<1x128x64xf32, #tpu.memory_space<vmem>> -> memref<128x64xf32, #tpu.memory_space<vmem>>
        %dma_start3A_378 = arith.constant 0 : i32
        %dma_start3A_379 = tpu.memref_slice %arg5[%add3A_372, %dma_start3A_378] : memref<160x128xi32, #tpu.memory_space<vmem>> -> memref<1x128xi32, #tpu.memory_space<vmem>>
        %dma_start3A_380 = tpu.memref_squeeze %dma_start3A_379 : memref<1x128xi32, #tpu.memory_space<vmem>> -> memref<128xi32, #tpu.memory_space<vmem>>
        %dma_start3A_381 = arith.constant 0 : i32
        %dma_start3A_382 = arith.constant 0 : i32
        %dma_start3A_383 = tpu.memref_slice %arg2[%arg0, %dma_start3A_381, %dma_start3A_382] : memref<2x10240x64xf32, #tpu.memory_space<hbm>> -> memref<1x10240x64xf32, #tpu.memory_space<hbm>>
        %dma_start3A_384 = tpu.memref_squeeze %dma_start3A_383 : memref<1x10240x64xf32, #tpu.memory_space<hbm>> -> memref<10240x64xf32, #tpu.memory_space<hbm>>
        %dma_start3A_385 = arith.constant 0 : i32
        %dma_start3A_386 = arith.constant 0 : i32
        %dma_start3A_387 = tpu.memref_slice %dma_start3A_384[%dma_start3A_385, %dma_start3A_386] : memref<10240x64xf32, #tpu.memory_space<hbm>> -> memref<10240x64xf32, #tpu.memory_space<hbm>>
        tpu.enqueue_indirect_dma source(%dma_start3A_387 : memref<10240x64xf32, #tpu.memory_space<hbm>>) target(%dma_start3A_377 : memref<128x64xf32, #tpu.memory_space<vmem>>) offsets(%dma_start3A_380 : memref<128xi32, #tpu.memory_space<vmem>>) semaphore(%arg10 : memref<!tpu.dma_semaphore, #tpu.memory_space<semaphore_mem>>)
        %dma_wait3A_388 = arith.constant 2 : i32
        %dma_wait3A_389 = arith.constant 0 : i32
        %dma_wait3A_390 = arith.constant 0 : i32
        %dma_wait3A_391 = arith.constant 0 : i32
        %dma_wait3A_392 = tpu.memref_slice %arg7[%dma_wait3A_388, %dma_wait3A_390, %dma_wait3A_391] : memref<5x128x64xf32, #tpu.memory_space<vmem>> -> memref<1x128x64xf32, #tpu.memory_space<vmem>>
        %dma_wait3A_393 = tpu.memref_squeeze %dma_wait3A_392 : memref<1x128x64xf32, #tpu.memory_space<vmem>> -> memref<128x64xf32, #tpu.memory_space<vmem>>
        %dma_wait3A_394 = arith.constant 0 : i32
        %dma_wait3A_395 = tpu.memref_slice %arg6[%dma_wait3A_389, %dma_wait3A_394] : memref<160x128xi32, #tpu.memory_space<vmem>> -> memref<1x128xi32, #tpu.memory_space<vmem>>
        %dma_wait3A_396 = tpu.memref_squeeze %dma_wait3A_395 : memref<1x128xi32, #tpu.memory_space<vmem>> -> memref<128xi32, #tpu.memory_space<vmem>>
        %dma_wait3A_397 = arith.constant 0 : i32
        %dma_wait3A_398 = arith.constant 0 : i32
        %dma_wait3A_399 = tpu.memref_slice %arg8[%dma_wait3A_397, %dma_wait3A_398] : memref<10240x64xf32, #tpu.memory_space<vmem_shared>> -> memref<10240x64xf32, #tpu.memory_space<vmem_shared>>
        tpu.wait_indirect_dma semaphore(%arg16 : memref<!tpu.dma_semaphore, #tpu.memory_space<semaphore_mem>>) src(%dma_wait3A_393 : memref<128x64xf32, #tpu.memory_space<vmem>>) dst(%dma_wait3A_399 : memref<10240x64xf32, #tpu.memory_space<vmem_shared>>)
        %add3A_400 = arith.constant 5 : i32
        %add3A_401 = arith.addi %mul3A_171, %add3A_400 : i32
        %add3A_402 = arith.constant 2 : i32
        %add3A_403 = arith.addi %add3A_401, %add3A_402 : i32
        %dma_start3A_404 = arith.constant 2 : i32
        %dma_start3A_405 = arith.constant 0 : i32
        %dma_start3A_406 = arith.constant 0 : i32
        %dma_start3A_407 = tpu.memref_slice %arg7[%dma_start3A_404, %dma_start3A_405, %dma_start3A_406] : memref<5x128x64xf32, #tpu.memory_space<vmem>> -> memref<1x128x64xf32, #tpu.memory_space<vmem>>
        %dma_start3A_408 = tpu.memref_squeeze %dma_start3A_407 : memref<1x128x64xf32, #tpu.memory_space<vmem>> -> memref<128x64xf32, #tpu.memory_space<vmem>>
        %dma_start3A_409 = arith.constant 0 : i32
        %dma_start3A_410 = tpu.memref_slice %arg5[%add3A_403, %dma_start3A_409] : memref<160x128xi32, #tpu.memory_space<vmem>> -> memref<1x128xi32, #tpu.memory_space<vmem>>
        %dma_start3A_411 = tpu.memref_squeeze %dma_start3A_410 : memref<1x128xi32, #tpu.memory_space<vmem>> -> memref<128xi32, #tpu.memory_space<vmem>>
        %dma_start3A_412 = arith.constant 0 : i32
        %dma_start3A_413 = arith.constant 0 : i32
        %dma_start3A_414 = tpu.memref_slice %arg2[%arg0, %dma_start3A_412, %dma_start3A_413] : memref<2x10240x64xf32, #tpu.memory_space<hbm>> -> memref<1x10240x64xf32, #tpu.memory_space<hbm>>
        %dma_start3A_415 = tpu.memref_squeeze %dma_start3A_414 : memref<1x10240x64xf32, #tpu.memory_space<hbm>> -> memref<10240x64xf32, #tpu.memory_space<hbm>>
        %dma_start3A_416 = arith.constant 0 : i32
        %dma_start3A_417 = arith.constant 0 : i32
        %dma_start3A_418 = tpu.memref_slice %dma_start3A_415[%dma_start3A_416, %dma_start3A_417] : memref<10240x64xf32, #tpu.memory_space<hbm>> -> memref<10240x64xf32, #tpu.memory_space<hbm>>
        tpu.enqueue_indirect_dma source(%dma_start3A_418 : memref<10240x64xf32, #tpu.memory_space<hbm>>) target(%dma_start3A_408 : memref<128x64xf32, #tpu.memory_space<vmem>>) offsets(%dma_start3A_411 : memref<128xi32, #tpu.memory_space<vmem>>) semaphore(%arg11 : memref<!tpu.dma_semaphore, #tpu.memory_space<semaphore_mem>>)
        %dma_wait3A_419 = arith.constant 3 : i32
        %dma_wait3A_420 = arith.constant 0 : i32
        %dma_wait3A_421 = arith.constant 0 : i32
        %dma_wait3A_422 = arith.constant 0 : i32
        %dma_wait3A_423 = tpu.memref_slice %arg7[%dma_wait3A_419, %dma_wait3A_421, %dma_wait3A_422] : memref<5x128x64xf32, #tpu.memory_space<vmem>> -> memref<1x128x64xf32, #tpu.memory_space<vmem>>
        %dma_wait3A_424 = tpu.memref_squeeze %dma_wait3A_423 : memref<1x128x64xf32, #tpu.memory_space<vmem>> -> memref<128x64xf32, #tpu.memory_space<vmem>>
        %dma_wait3A_425 = arith.constant 0 : i32
        %dma_wait3A_426 = tpu.memref_slice %arg6[%dma_wait3A_420, %dma_wait3A_425] : memref<160x128xi32, #tpu.memory_space<vmem>> -> memref<1x128xi32, #tpu.memory_space<vmem>>
        %dma_wait3A_427 = tpu.memref_squeeze %dma_wait3A_426 : memref<1x128xi32, #tpu.memory_space<vmem>> -> memref<128xi32, #tpu.memory_space<vmem>>
        %dma_wait3A_428 = arith.constant 0 : i32
        %dma_wait3A_429 = arith.constant 0 : i32
        %dma_wait3A_430 = tpu.memref_slice %arg8[%dma_wait3A_428, %dma_wait3A_429] : memref<10240x64xf32, #tpu.memory_space<vmem_shared>> -> memref<10240x64xf32, #tpu.memory_space<vmem_shared>>
        tpu.wait_indirect_dma semaphore(%arg17 : memref<!tpu.dma_semaphore, #tpu.memory_space<semaphore_mem>>) src(%dma_wait3A_424 : memref<128x64xf32, #tpu.memory_space<vmem>>) dst(%dma_wait3A_430 : memref<10240x64xf32, #tpu.memory_space<vmem_shared>>)
        %add3A_431 = arith.constant 5 : i32
        %add3A_432 = arith.addi %mul3A_171, %add3A_431 : i32
        %add3A_433 = arith.constant 3 : i32
        %add3A_434 = arith.addi %add3A_432, %add3A_433 : i32
        %dma_start3A_435 = arith.constant 3 : i32
        %dma_start3A_436 = arith.constant 0 : i32
        %dma_start3A_437 = arith.constant 0 : i32
        %dma_start3A_438 = tpu.memref_slice %arg7[%dma_start3A_435, %dma_start3A_436, %dma_start3A_437] : memref<5x128x64xf32, #tpu.memory_space<vmem>> -> memref<1x128x64xf32, #tpu.memory_space<vmem>>
        %dma_start3A_439 = tpu.memref_squeeze %dma_start3A_438 : memref<1x128x64xf32, #tpu.memory_space<vmem>> -> memref<128x64xf32, #tpu.memory_space<vmem>>
        %dma_start3A_440 = arith.constant 0 : i32
        %dma_start3A_441 = tpu.memref_slice %arg5[%add3A_434, %dma_start3A_440] : memref<160x128xi32, #tpu.memory_space<vmem>> -> memref<1x128xi32, #tpu.memory_space<vmem>>
        %dma_start3A_442 = tpu.memref_squeeze %dma_start3A_441 : memref<1x128xi32, #tpu.memory_space<vmem>> -> memref<128xi32, #tpu.memory_space<vmem>>
        %dma_start3A_443 = arith.constant 0 : i32
        %dma_start3A_444 = arith.constant 0 : i32
        %dma_start3A_445 = tpu.memref_slice %arg2[%arg0, %dma_start3A_443, %dma_start3A_444] : memref<2x10240x64xf32, #tpu.memory_space<hbm>> -> memref<1x10240x64xf32, #tpu.memory_space<hbm>>
        %dma_start3A_446 = tpu.memref_squeeze %dma_start3A_445 : memref<1x10240x64xf32, #tpu.memory_space<hbm>> -> memref<10240x64xf32, #tpu.memory_space<hbm>>
        %dma_start3A_447 = arith.constant 0 : i32
        %dma_start3A_448 = arith.constant 0 : i32
        %dma_start3A_449 = tpu.memref_slice %dma_start3A_446[%dma_start3A_447, %dma_start3A_448] : memref<10240x64xf32, #tpu.memory_space<hbm>> -> memref<10240x64xf32, #tpu.memory_space<hbm>>
        tpu.enqueue_indirect_dma source(%dma_start3A_449 : memref<10240x64xf32, #tpu.memory_space<hbm>>) target(%dma_start3A_439 : memref<128x64xf32, #tpu.memory_space<vmem>>) offsets(%dma_start3A_442 : memref<128xi32, #tpu.memory_space<vmem>>) semaphore(%arg12 : memref<!tpu.dma_semaphore, #tpu.memory_space<semaphore_mem>>)
        %dma_wait3A_450 = arith.constant 4 : i32
        %dma_wait3A_451 = arith.constant 0 : i32
        %dma_wait3A_452 = arith.constant 0 : i32
        %dma_wait3A_453 = arith.constant 0 : i32
        %dma_wait3A_454 = tpu.memref_slice %arg7[%dma_wait3A_450, %dma_wait3A_452, %dma_wait3A_453] : memref<5x128x64xf32, #tpu.memory_space<vmem>> -> memref<1x128x64xf32, #tpu.memory_space<vmem>>
        %dma_wait3A_455 = tpu.memref_squeeze %dma_wait3A_454 : memref<1x128x64xf32, #tpu.memory_space<vmem>> -> memref<128x64xf32, #tpu.memory_space<vmem>>
        %dma_wait3A_456 = arith.constant 0 : i32
        %dma_wait3A_457 = tpu.memref_slice %arg6[%dma_wait3A_451, %dma_wait3A_456] : memref<160x128xi32, #tpu.memory_space<vmem>> -> memref<1x128xi32, #tpu.memory_space<vmem>>
        %dma_wait3A_458 = tpu.memref_squeeze %dma_wait3A_457 : memref<1x128xi32, #tpu.memory_space<vmem>> -> memref<128xi32, #tpu.memory_space<vmem>>
        %dma_wait3A_459 = arith.constant 0 : i32
        %dma_wait3A_460 = arith.constant 0 : i32
        %dma_wait3A_461 = tpu.memref_slice %arg8[%dma_wait3A_459, %dma_wait3A_460] : memref<10240x64xf32, #tpu.memory_space<vmem_shared>> -> memref<10240x64xf32, #tpu.memory_space<vmem_shared>>
        tpu.wait_indirect_dma semaphore(%arg18 : memref<!tpu.dma_semaphore, #tpu.memory_space<semaphore_mem>>) src(%dma_wait3A_455 : memref<128x64xf32, #tpu.memory_space<vmem>>) dst(%dma_wait3A_461 : memref<10240x64xf32, #tpu.memory_space<vmem_shared>>)
        %add3A_462 = arith.constant 5 : i32
        %add3A_463 = arith.addi %mul3A_171, %add3A_462 : i32
        %add3A_464 = arith.constant 4 : i32
        %add3A_465 = arith.addi %add3A_463, %add3A_464 : i32
        %dma_start3A_466 = arith.constant 4 : i32
        %dma_start3A_467 = arith.constant 0 : i32
        %dma_start3A_468 = arith.constant 0 : i32
        %dma_start3A_469 = tpu.memref_slice %arg7[%dma_start3A_466, %dma_start3A_467, %dma_start3A_468] : memref<5x128x64xf32, #tpu.memory_space<vmem>> -> memref<1x128x64xf32, #tpu.memory_space<vmem>>
        %dma_start3A_470 = tpu.memref_squeeze %dma_start3A_469 : memref<1x128x64xf32, #tpu.memory_space<vmem>> -> memref<128x64xf32, #tpu.memory_space<vmem>>
        %dma_start3A_471 = arith.constant 0 : i32
        %dma_start3A_472 = tpu.memref_slice %arg5[%add3A_465, %dma_start3A_471] : memref<160x128xi32, #tpu.memory_space<vmem>> -> memref<1x128xi32, #tpu.memory_space<vmem>>
        %dma_start3A_473 = tpu.memref_squeeze %dma_start3A_472 : memref<1x128xi32, #tpu.memory_space<vmem>> -> memref<128xi32, #tpu.memory_space<vmem>>
        %dma_start3A_474 = arith.constant 0 : i32
        %dma_start3A_475 = arith.constant 0 : i32
        %dma_start3A_476 = tpu.memref_slice %arg2[%arg0, %dma_start3A_474, %dma_start3A_475] : memref<2x10240x64xf32, #tpu.memory_space<hbm>> -> memref<1x10240x64xf32, #tpu.memory_space<hbm>>
        %dma_start3A_477 = tpu.memref_squeeze %dma_start3A_476 : memref<1x10240x64xf32, #tpu.memory_space<hbm>> -> memref<10240x64xf32, #tpu.memory_space<hbm>>
        %dma_start3A_478 = arith.constant 0 : i32
        %dma_start3A_479 = arith.constant 0 : i32
        %dma_start3A_480 = tpu.memref_slice %dma_start3A_477[%dma_start3A_478, %dma_start3A_479] : memref<10240x64xf32, #tpu.memory_space<hbm>> -> memref<10240x64xf32, #tpu.memory_space<hbm>>
        tpu.enqueue_indirect_dma source(%dma_start3A_480 : memref<10240x64xf32, #tpu.memory_space<hbm>>) target(%dma_start3A_470 : memref<128x64xf32, #tpu.memory_space<vmem>>) offsets(%dma_start3A_473 : memref<128xi32, #tpu.memory_space<vmem>>) semaphore(%arg13 : memref<!tpu.dma_semaphore, #tpu.memory_space<semaphore_mem>>)
      } else {
      }
    }
    %while3A_103 = arith.constant 1 : i32
    scf.for %while3A_169 = %while3A_101 to %while3A_97 step %while3A_103  : i32 {
      %mul3A_170 = arith.constant 5 : i32
      %mul3A_171 = arith.muli %while3A_169, %mul3A_170 : i32
      %add3A = arith.constant 0 : i32
      %add3A_172 = arith.addi %mul3A_171, %add3A : i32
      %dma_wait3A_173 = arith.constant 0 : i32
      %dma_wait3A_174 = arith.constant 0 : i32
      %dma_wait3A_175 = arith.constant 0 : i32
      %dma_wait3A_176 = tpu.memref_slice %arg7[%dma_wait3A_173, %dma_wait3A_174, %dma_wait3A_175] : memref<5x128x64xf32, #tpu.memory_space<vmem>> -> memref<1x128x64xf32, #tpu.memory_space<vmem>>
      %dma_wait3A_177 = tpu.memref_squeeze %dma_wait3A_176 : memref<1x128x64xf32, #tpu.memory_space<vmem>> -> memref<128x64xf32, #tpu.memory_space<vmem>>
      %dma_wait3A_178 = arith.constant 0 : i32
      %dma_wait3A_179 = tpu.memref_slice %arg5[%add3A_172, %dma_wait3A_178] : memref<160x128xi32, #tpu.memory_space<vmem>> -> memref<1x128xi32, #tpu.memory_space<vmem>>
      %dma_wait3A_180 = tpu.memref_squeeze %dma_wait3A_179 : memref<1x128xi32, #tpu.memory_space<vmem>> -> memref<128xi32, #tpu.memory_space<vmem>>
      %dma_wait3A_181 = arith.constant 0 : i32
      %dma_wait3A_182 = arith.constant 0 : i32
      %dma_wait3A_183 = tpu.memref_slice %arg2[%arg0, %dma_wait3A_181, %dma_wait3A_182] : memref<2x10240x64xf32, #tpu.memory_space<hbm>> -> memref<1x10240x64xf32, #tpu.memory_space<hbm>>
      %dma_wait3A_184 = tpu.memref_squeeze %dma_wait3A_183 : memref<1x10240x64xf32, #tpu.memory_space<hbm>> -> memref<10240x64xf32, #tpu.memory_space<hbm>>
      %dma_wait3A_185 = arith.constant 0 : i32
      %dma_wait3A_186 = arith.constant 0 : i32
      %dma_wait3A_187 = tpu.memref_slice %dma_wait3A_184[%dma_wait3A_185, %dma_wait3A_186] : memref<10240x64xf32, #tpu.memory_space<hbm>> -> memref<10240x64xf32, #tpu.memory_space<hbm>>
      tpu.wait_indirect_dma semaphore(%arg9 : memref<!tpu.dma_semaphore, #tpu.memory_space<semaphore_mem>>) src(%dma_wait3A_187 : memref<10240x64xf32, #tpu.memory_space<hbm>>) dst(%dma_wait3A_177 : memref<128x64xf32, #tpu.memory_space<vmem>>)
      %add3A_188 = arith.constant 0 : i32
      %add3A_189 = arith.addi %mul3A_171, %add3A_188 : i32
      %dma_start3A_190 = arith.constant 0 : i32
      %dma_start3A_191 = arith.constant 0 : i32
      %dma_start3A_192 = arith.constant 0 : i32
      %dma_start3A_193 = tpu.memref_slice %arg7[%dma_start3A_190, %dma_start3A_191, %dma_start3A_192] : memref<5x128x64xf32, #tpu.memory_space<vmem>> -> memref<1x128x64xf32, #tpu.memory_space<vmem>>
      %dma_start3A_194 = tpu.memref_squeeze %dma_start3A_193 : memref<1x128x64xf32, #tpu.memory_space<vmem>> -> memref<128x64xf32, #tpu.memory_space<vmem>>
      %dma_start3A_195 = arith.constant 0 : i32
      %dma_start3A_196 = tpu.memref_slice %arg6[%add3A_189, %dma_start3A_195] : memref<160x128xi32, #tpu.memory_space<vmem>> -> memref<1x128xi32, #tpu.memory_space<vmem>>
      %dma_start3A_197 = tpu.memref_squeeze %dma_start3A_196 : memref<1x128xi32, #tpu.memory_space<vmem>> -> memref<128xi32, #tpu.memory_space<vmem>>
      %dma_start3A_198 = arith.constant 0 : i32
      %dma_start3A_199 = arith.constant 0 : i32
      %dma_start3A_200 = tpu.memref_slice %arg8[%dma_start3A_198, %dma_start3A_199] : memref<10240x64xf32, #tpu.memory_space<vmem_shared>> -> memref<10240x64xf32, #tpu.memory_space<vmem_shared>>
      tpu.enqueue_indirect_dma source(%dma_start3A_194 : memref<128x64xf32, #tpu.memory_space<vmem>>) target(%dma_start3A_200 : memref<10240x64xf32, #tpu.memory_space<vmem_shared>>) offsets(%dma_start3A_197 : memref<128xi32, #tpu.memory_space<vmem>>) semaphore(%arg14 : memref<!tpu.dma_semaphore, #tpu.memory_space<semaphore_mem>>) {add = true}
      %add3A_201 = arith.constant 1 : i32
      %add3A_202 = arith.addi %mul3A_171, %add3A_201 : i32
      %dma_wait3A_203 = arith.constant 1 : i32
      %dma_wait3A_204 = arith.constant 0 : i32
      %dma_wait3A_205 = arith.constant 0 : i32
      %dma_wait3A_206 = tpu.memref_slice %arg7[%dma_wait3A_203, %dma_wait3A_204, %dma_wait3A_205] : memref<5x128x64xf32, #tpu.memory_space<vmem>> -> memref<1x128x64xf32, #tpu.memory_space<vmem>>
      %dma_wait3A_207 = tpu.memref_squeeze %dma_wait3A_206 : memref<1x128x64xf32, #tpu.memory_space<vmem>> -> memref<128x64xf32, #tpu.memory_space<vmem>>
      %dma_wait3A_208 = arith.constant 0 : i32
      %dma_wait3A_209 = tpu.memref_slice %arg5[%add3A_202, %dma_wait3A_208] : memref<160x128xi32, #tpu.memory_space<vmem>> -> memref<1x128xi32, #tpu.memory_space<vmem>>
      %dma_wait3A_210 = tpu.memref_squeeze %dma_wait3A_209 : memref<1x128xi32, #tpu.memory_space<vmem>> -> memref<128xi32, #tpu.memory_space<vmem>>
      %dma_wait3A_211 = arith.constant 0 : i32
      %dma_wait3A_212 = arith.constant 0 : i32
      %dma_wait3A_213 = tpu.memref_slice %arg2[%arg0, %dma_wait3A_211, %dma_wait3A_212] : memref<2x10240x64xf32, #tpu.memory_space<hbm>> -> memref<1x10240x64xf32, #tpu.memory_space<hbm>>
      %dma_wait3A_214 = tpu.memref_squeeze %dma_wait3A_213 : memref<1x10240x64xf32, #tpu.memory_space<hbm>> -> memref<10240x64xf32, #tpu.memory_space<hbm>>
      %dma_wait3A_215 = arith.constant 0 : i32
      %dma_wait3A_216 = arith.constant 0 : i32
      %dma_wait3A_217 = tpu.memref_slice %dma_wait3A_214[%dma_wait3A_215, %dma_wait3A_216] : memref<10240x64xf32, #tpu.memory_space<hbm>> -> memref<10240x64xf32, #tpu.memory_space<hbm>>
      tpu.wait_indirect_dma semaphore(%arg10 : memref<!tpu.dma_semaphore, #tpu.memory_space<semaphore_mem>>) src(%dma_wait3A_217 : memref<10240x64xf32, #tpu.memory_space<hbm>>) dst(%dma_wait3A_207 : memref<128x64xf32, #tpu.memory_space<vmem>>)
      %add3A_218 = arith.constant 1 : i32
      %add3A_219 = arith.addi %mul3A_171, %add3A_218 : i32
      %dma_start3A_220 = arith.constant 1 : i32
      %dma_start3A_221 = arith.constant 0 : i32
      %dma_start3A_222 = arith.constant 0 : i32
      %dma_start3A_223 = tpu.memref_slice %arg7[%dma_start3A_220, %dma_start3A_221, %dma_start3A_222] : memref<5x128x64xf32, #tpu.memory_space<vmem>> -> memref<1x128x64xf32, #tpu.memory_space<vmem>>
      %dma_start3A_224 = tpu.memref_squeeze %dma_start3A_223 : memref<1x128x64xf32, #tpu.memory_space<vmem>> -> memref<128x64xf32, #tpu.memory_space<vmem>>
      %dma_start3A_225 = arith.constant 0 : i32
      %dma_start3A_226 = tpu.memref_slice %arg6[%add3A_219, %dma_start3A_225] : memref<160x128xi32, #tpu.memory_space<vmem>> -> memref<1x128xi32, #tpu.memory_space<vmem>>
      %dma_start3A_227 = tpu.memref_squeeze %dma_start3A_226 : memref<1x128xi32, #tpu.memory_space<vmem>> -> memref<128xi32, #tpu.memory_space<vmem>>
      %dma_start3A_228 = arith.constant 0 : i32
      %dma_start3A_229 = arith.constant 0 : i32
      %dma_start3A_230 = tpu.memref_slice %arg8[%dma_start3A_228, %dma_start3A_229] : memref<10240x64xf32, #tpu.memory_space<vmem_shared>> -> memref<10240x64xf32, #tpu.memory_space<vmem_shared>>
      tpu.enqueue_indirect_dma source(%dma_start3A_224 : memref<128x64xf32, #tpu.memory_space<vmem>>) target(%dma_start3A_230 : memref<10240x64xf32, #tpu.memory_space<vmem_shared>>) offsets(%dma_start3A_227 : memref<128xi32, #tpu.memory_space<vmem>>) semaphore(%arg15 : memref<!tpu.dma_semaphore, #tpu.memory_space<semaphore_mem>>) {add = true}
      %add3A_231 = arith.constant 2 : i32
      %add3A_232 = arith.addi %mul3A_171, %add3A_231 : i32
      %dma_wait3A_233 = arith.constant 2 : i32
      %dma_wait3A_234 = arith.constant 0 : i32
      %dma_wait3A_235 = arith.constant 0 : i32
      %dma_wait3A_236 = tpu.memref_slice %arg7[%dma_wait3A_233, %dma_wait3A_234, %dma_wait3A_235] : memref<5x128x64xf32, #tpu.memory_space<vmem>> -> memref<1x128x64xf32, #tpu.memory_space<vmem>>
      %dma_wait3A_237 = tpu.memref_squeeze %dma_wait3A_236 : memref<1x128x64xf32, #tpu.memory_space<vmem>> -> memref<128x64xf32, #tpu.memory_space<vmem>>
      %dma_wait3A_238 = arith.constant 0 : i32
      %dma_wait3A_239 = tpu.memref_slice %arg5[%add3A_232, %dma_wait3A_238] : memref<160x128xi32, #tpu.memory_space<vmem>> -> memref<1x128xi32, #tpu.memory_space<vmem>>
      %dma_wait3A_240 = tpu.memref_squeeze %dma_wait3A_239 : memref<1x128xi32, #tpu.memory_space<vmem>> -> memref<128xi32, #tpu.memory_space<vmem>>
      %dma_wait3A_241 = arith.constant 0 : i32
      %dma_wait3A_242 = arith.constant 0 : i32
      %dma_wait3A_243 = tpu.memref_slice %arg2[%arg0, %dma_wait3A_241, %dma_wait3A_242] : memref<2x10240x64xf32, #tpu.memory_space<hbm>> -> memref<1x10240x64xf32, #tpu.memory_space<hbm>>
      %dma_wait3A_244 = tpu.memref_squeeze %dma_wait3A_243 : memref<1x10240x64xf32, #tpu.memory_space<hbm>> -> memref<10240x64xf32, #tpu.memory_space<hbm>>
      %dma_wait3A_245 = arith.constant 0 : i32
      %dma_wait3A_246 = arith.constant 0 : i32
      %dma_wait3A_247 = tpu.memref_slice %dma_wait3A_244[%dma_wait3A_245, %dma_wait3A_246] : memref<10240x64xf32, #tpu.memory_space<hbm>> -> memref<10240x64xf32, #tpu.memory_space<hbm>>
      tpu.wait_indirect_dma semaphore(%arg11 : memref<!tpu.dma_semaphore, #tpu.memory_space<semaphore_mem>>) src(%dma_wait3A_247 : memref<10240x64xf32, #tpu.memory_space<hbm>>) dst(%dma_wait3A_237 : memref<128x64xf32, #tpu.memory_space<vmem>>)
      %add3A_248 = arith.constant 2 : i32
      %add3A_249 = arith.addi %mul3A_171, %add3A_248 : i32
      %dma_start3A_250 = arith.constant 2 : i32
      %dma_start3A_251 = arith.constant 0 : i32
      %dma_start3A_252 = arith.constant 0 : i32
      %dma_start3A_253 = tpu.memref_slice %arg7[%dma_start3A_250, %dma_start3A_251, %dma_start3A_252] : memref<5x128x64xf32, #tpu.memory_space<vmem>> -> memref<1x128x64xf32, #tpu.memory_space<vmem>>
      %dma_start3A_254 = tpu.memref_squeeze %dma_start3A_253 : memref<1x128x64xf32, #tpu.memory_space<vmem>> -> memref<128x64xf32, #tpu.memory_space<vmem>>
      %dma_start3A_255 = arith.constant 0 : i32
      %dma_start3A_256 = tpu.memref_slice %arg6[%add3A_249, %dma_start3A_255] : memref<160x128xi32, #tpu.memory_space<vmem>> -> memref<1x128xi32, #tpu.memory_space<vmem>>
      %dma_start3A_257 = tpu.memref_squeeze %dma_start3A_256 : memref<1x128xi32, #tpu.memory_space<vmem>> -> memref<128xi32, #tpu.memory_space<vmem>>
      %dma_start3A_258 = arith.constant 0 : i32
      %dma_start3A_259 = arith.constant 0 : i32
      %dma_start3A_260 = tpu.memref_slice %arg8[%dma_start3A_258, %dma_start3A_259] : memref<10240x64xf32, #tpu.memory_space<vmem_shared>> -> memref<10240x64xf32, #tpu.memory_space<vmem_shared>>
      tpu.enqueue_indirect_dma source(%dma_start3A_254 : memref<128x64xf32, #tpu.memory_space<vmem>>) target(%dma_start3A_260 : memref<10240x64xf32, #tpu.memory_space<vmem_shared>>) offsets(%dma_start3A_257 : memref<128xi32, #tpu.memory_space<vmem>>) semaphore(%arg16 : memref<!tpu.dma_semaphore, #tpu.memory_space<semaphore_mem>>) {add = true}
      %add3A_261 = arith.constant 3 : i32
      %add3A_262 = arith.addi %mul3A_171, %add3A_261 : i32
      %dma_wait3A_263 = arith.constant 3 : i32
      %dma_wait3A_264 = arith.constant 0 : i32
      %dma_wait3A_265 = arith.constant 0 : i32
      %dma_wait3A_266 = tpu.memref_slice %arg7[%dma_wait3A_263, %dma_wait3A_264, %dma_wait3A_265] : memref<5x128x64xf32, #tpu.memory_space<vmem>> -> memref<1x128x64xf32, #tpu.memory_space<vmem>>
      %dma_wait3A_267 = tpu.memref_squeeze %dma_wait3A_266 : memref<1x128x64xf32, #tpu.memory_space<vmem>> -> memref<128x64xf32, #tpu.memory_space<vmem>>
      %dma_wait3A_268 = arith.constant 0 : i32
      %dma_wait3A_269 = tpu.memref_slice %arg5[%add3A_262, %dma_wait3A_268] : memref<160x128xi32, #tpu.memory_space<vmem>> -> memref<1x128xi32, #tpu.memory_space<vmem>>
      %dma_wait3A_270 = tpu.memref_squeeze %dma_wait3A_269 : memref<1x128xi32, #tpu.memory_space<vmem>> -> memref<128xi32, #tpu.memory_space<vmem>>
      %dma_wait3A_271 = arith.constant 0 : i32
      %dma_wait3A_272 = arith.constant 0 : i32
      %dma_wait3A_273 = tpu.memref_slice %arg2[%arg0, %dma_wait3A_271, %dma_wait3A_272] : memref<2x10240x64xf32, #tpu.memory_space<hbm>> -> memref<1x10240x64xf32, #tpu.memory_space<hbm>>
      %dma_wait3A_274 = tpu.memref_squeeze %dma_wait3A_273 : memref<1x10240x64xf32, #tpu.memory_space<hbm>> -> memref<10240x64xf32, #tpu.memory_space<hbm>>
      %dma_wait3A_275 = arith.constant 0 : i32
      %dma_wait3A_276 = arith.constant 0 : i32
      %dma_wait3A_277 = tpu.memref_slice %dma_wait3A_274[%dma_wait3A_275, %dma_wait3A_276] : memref<10240x64xf32, #tpu.memory_space<hbm>> -> memref<10240x64xf32, #tpu.memory_space<hbm>>
      tpu.wait_indirect_dma semaphore(%arg12 : memref<!tpu.dma_semaphore, #tpu.memory_space<semaphore_mem>>) src(%dma_wait3A_277 : memref<10240x64xf32, #tpu.memory_space<hbm>>) dst(%dma_wait3A_267 : memref<128x64xf32, #tpu.memory_space<vmem>>)
      %add3A_278 = arith.constant 3 : i32
      %add3A_279 = arith.addi %mul3A_171, %add3A_278 : i32
      %dma_start3A_280 = arith.constant 3 : i32
      %dma_start3A_281 = arith.constant 0 : i32
      %dma_start3A_282 = arith.constant 0 : i32
      %dma_start3A_283 = tpu.memref_slice %arg7[%dma_start3A_280, %dma_start3A_281, %dma_start3A_282] : memref<5x128x64xf32, #tpu.memory_space<vmem>> -> memref<1x128x64xf32, #tpu.memory_space<vmem>>
      %dma_start3A_284 = tpu.memref_squeeze %dma_start3A_283 : memref<1x128x64xf32, #tpu.memory_space<vmem>> -> memref<128x64xf32, #tpu.memory_space<vmem>>
      %dma_start3A_285 = arith.constant 0 : i32
      %dma_start3A_286 = tpu.memref_slice %arg6[%add3A_279, %dma_start3A_285] : memref<160x128xi32, #tpu.memory_space<vmem>> -> memref<1x128xi32, #tpu.memory_space<vmem>>
      %dma_start3A_287 = tpu.memref_squeeze %dma_start3A_286 : memref<1x128xi32, #tpu.memory_space<vmem>> -> memref<128xi32, #tpu.memory_space<vmem>>
      %dma_start3A_288 = arith.constant 0 : i32
      %dma_start3A_289 = arith.constant 0 : i32
      %dma_start3A_290 = tpu.memref_slice %arg8[%dma_start3A_288, %dma_start3A_289] : memref<10240x64xf32, #tpu.memory_space<vmem_shared>> -> memref<10240x64xf32, #tpu.memory_space<vmem_shared>>
      tpu.enqueue_indirect_dma source(%dma_start3A_284 : memref<128x64xf32, #tpu.memory_space<vmem>>) target(%dma_start3A_290 : memref<10240x64xf32, #tpu.memory_space<vmem_shared>>) offsets(%dma_start3A_287 : memref<128xi32, #tpu.memory_space<vmem>>) semaphore(%arg17 : memref<!tpu.dma_semaphore, #tpu.memory_space<semaphore_mem>>) {add = true}
      %add3A_291 = arith.constant 4 : i32
      %add3A_292 = arith.addi %mul3A_171, %add3A_291 : i32
      %dma_wait3A_293 = arith.constant 4 : i32
      %dma_wait3A_294 = arith.constant 0 : i32
      %dma_wait3A_295 = arith.constant 0 : i32
      %dma_wait3A_296 = tpu.memref_slice %arg7[%dma_wait3A_293, %dma_wait3A_294, %dma_wait3A_295] : memref<5x128x64xf32, #tpu.memory_space<vmem>> -> memref<1x128x64xf32, #tpu.memory_space<vmem>>
      %dma_wait3A_297 = tpu.memref_squeeze %dma_wait3A_296 : memref<1x128x64xf32, #tpu.memory_space<vmem>> -> memref<128x64xf32, #tpu.memory_space<vmem>>
      %dma_wait3A_298 = arith.constant 0 : i32
      %dma_wait3A_299 = tpu.memref_slice %arg5[%add3A_292, %dma_wait3A_298] : memref<160x128xi32, #tpu.memory_space<vmem>> -> memref<1x128xi32, #tpu.memory_space<vmem>>
      %dma_wait3A_300 = tpu.memref_squeeze %dma_wait3A_299 : memref<1x128xi32, #tpu.memory_space<vmem>> -> memref<128xi32, #tpu.memory_space<vmem>>
      %dma_wait3A_301 = arith.constant 0 : i32
      %dma_wait3A_302 = arith.constant 0 : i32
      %dma_wait3A_303 = tpu.memref_slice %arg2[%arg0, %dma_wait3A_301, %dma_wait3A_302] : memref<2x10240x64xf32, #tpu.memory_space<hbm>> -> memref<1x10240x64xf32, #tpu.memory_space<hbm>>
      %dma_wait3A_304 = tpu.memref_squeeze %dma_wait3A_303 : memref<1x10240x64xf32, #tpu.memory_space<hbm>> -> memref<10240x64xf32, #tpu.memory_space<hbm>>
      %dma_wait3A_305 = arith.constant 0 : i32
      %dma_wait3A_306 = arith.constant 0 : i32
      %dma_wait3A_307 = tpu.memref_slice %dma_wait3A_304[%dma_wait3A_305, %dma_wait3A_306] : memref<10240x64xf32, #tpu.memory_space<hbm>> -> memref<10240x64xf32, #tpu.memory_space<hbm>>
      tpu.wait_indirect_dma semaphore(%arg13 : memref<!tpu.dma_semaphore, #tpu.memory_space<semaphore_mem>>) src(%dma_wait3A_307 : memref<10240x64xf32, #tpu.memory_space<hbm>>) dst(%dma_wait3A_297 : memref<128x64xf32, #tpu.memory_space<vmem>>)
      %add3A_308 = arith.constant 4 : i32
      %add3A_309 = arith.addi %mul3A_171, %add3A_308 : i32
      %dma_start3A_310 = arith.constant 4 : i32
      %dma_start3A_311 = arith.constant 0 : i32
      %dma_start3A_312 = arith.constant 0 : i32
      %dma_start3A_313 = tpu.memref_slice %arg7[%dma_start3A_310, %dma_start3A_311, %dma_start3A_312] : memref<5x128x64xf32, #tpu.memory_space<vmem>> -> memref<1x128x64xf32, #tpu.memory_space<vmem>>
      %dma_start3A_314 = tpu.memref_squeeze %dma_start3A_313 : memref<1x128x64xf32, #tpu.memory_space<vmem>> -> memref<128x64xf32, #tpu.memory_space<vmem>>
      %dma_start3A_315 = arith.constant 0 : i32
      %dma_start3A_316 = tpu.memref_slice %arg6[%add3A_309, %dma_start3A_315] : memref<160x128xi32, #tpu.memory_space<vmem>> -> memref<1x128xi32, #tpu.memory_space<vmem>>
      %dma_start3A_317 = tpu.memref_squeeze %dma_start3A_316 : memref<1x128xi32, #tpu.memory_space<vmem>> -> memref<128xi32, #tpu.memory_space<vmem>>
      %dma_start3A_318 = arith.constant 0 : i32
      %dma_start3A_319 = arith.constant 0 : i32
      %dma_start3A_320 = tpu.memref_slice %arg8[%dma_start3A_318, %dma_start3A_319] : memref<10240x64xf32, #tpu.memory_space<vmem_shared>> -> memref<10240x64xf32, #tpu.memory_space<vmem_shared>>
      tpu.enqueue_indirect_dma source(%dma_start3A_314 : memref<128x64xf32, #tpu.memory_space<vmem>>) target(%dma_start3A_320 : memref<10240x64xf32, #tpu.memory_space<vmem_shared>>) offsets(%dma_start3A_317 : memref<128xi32, #tpu.memory_space<vmem>>) semaphore(%arg18 : memref<!tpu.dma_semaphore, #tpu.memory_space<semaphore_mem>>) {add = true}
      %sub3A = arith.constant 1 : i32
      %sub3A_321 = arith.subi %select_n3A, %sub3A : i32
      %lt3A_322 = arith.cmpi slt, %while3A_169, %sub3A_321 : i32
      %convert_element_type3A_323 = arith.extui %lt3A_322 : i1 to i32
      %cond3A_324 = arith.constant 0 : i32
      %cond3A_325 = arith.cmpi ne, %convert_element_type3A_323, %cond3A_324 : i32
      scf.if %cond3A_325 {
        %dma_wait3A_326 = arith.constant 0 : i32
        %dma_wait3A_327 = arith.constant 0 : i32
        %dma_wait3A_328 = arith.constant 0 : i32
        %dma_wait3A_329 = arith.constant 0 : i32
        %dma_wait3A_330 = tpu.memref_slice %arg7[%dma_wait3A_326, %dma_wait3A_328, %dma_wait3A_329] : memref<5x128x64xf32, #tpu.memory_space<vmem>> -> memref<1x128x64xf32, #tpu.memory_space<vmem>>
        %dma_wait3A_331 = tpu.memref_squeeze %dma_wait3A_330 : memref<1x128x64xf32, #tpu.memory_space<vmem>> -> memref<128x64xf32, #tpu.memory_space<vmem>>
        %dma_wait3A_332 = arith.constant 0 : i32
        %dma_wait3A_333 = tpu.memref_slice %arg6[%dma_wait3A_327, %dma_wait3A_332] : memref<160x128xi32, #tpu.memory_space<vmem>> -> memref<1x128xi32, #tpu.memory_space<vmem>>
        %dma_wait3A_334 = tpu.memref_squeeze %dma_wait3A_333 : memref<1x128xi32, #tpu.memory_space<vmem>> -> memref<128xi32, #tpu.memory_space<vmem>>
        %dma_wait3A_335 = arith.constant 0 : i32
        %dma_wait3A_336 = arith.constant 0 : i32
        %dma_wait3A_337 = tpu.memref_slice %arg8[%dma_wait3A_335, %dma_wait3A_336] : memref<10240x64xf32, #tpu.memory_space<vmem_shared>> -> memref<10240x64xf32, #tpu.memory_space<vmem_shared>>
        tpu.wait_indirect_dma semaphore(%arg14 : memref<!tpu.dma_semaphore, #tpu.memory_space<semaphore_mem>>) src(%dma_wait3A_331 : memref<128x64xf32, #tpu.memory_space<vmem>>) dst(%dma_wait3A_337 : memref<10240x64xf32, #tpu.memory_space<vmem_shared>>)
        %add3A_338 = arith.constant 5 : i32
        %add3A_339 = arith.addi %mul3A_171, %add3A_338 : i32
        %add3A_340 = arith.constant 0 : i32
        %add3A_341 = arith.addi %add3A_339, %add3A_340 : i32
        %dma_start3A_342 = arith.constant 0 : i32
        %dma_start3A_343 = arith.constant 0 : i32
        %dma_start3A_344 = arith.constant 0 : i32
        %dma_start3A_345 = tpu.memref_slice %arg7[%dma_start3A_342, %dma_start3A_343, %dma_start3A_344] : memref<5x128x64xf32, #tpu.memory_space<vmem>> -> memref<1x128x64xf32, #tpu.memory_space<vmem>>
        %dma_start3A_346 = tpu.memref_squeeze %dma_start3A_345 : memref<1x128x64xf32, #tpu.memory_space<vmem>> -> memref<128x64xf32, #tpu.memory_space<vmem>>
        %dma_start3A_347 = arith.constant 0 : i32
        %dma_start3A_348 = tpu.memref_slice %arg5[%add3A_341, %dma_start3A_347] : memref<160x128xi32, #tpu.memory_space<vmem>> -> memref<1x128xi32, #tpu.memory_space<vmem>>
        %dma_start3A_349 = tpu.memref_squeeze %dma_start3A_348 : memref<1x128xi32, #tpu.memory_space<vmem>> -> memref<128xi32, #tpu.memory_space<vmem>>
        %dma_start3A_350 = arith.constant 0 : i32
        %dma_start3A_351 = arith.constant 0 : i32
        %dma_start3A_352 = tpu.memref_slice %arg2[%arg0, %dma_start3A_350, %dma_start3A_351] : memref<2x10240x64xf32, #tpu.memory_space<hbm>> -> memref<1x10240x64xf32, #tpu.memory_space<hbm>>
        %dma_start3A_353 = tpu.memref_squeeze %dma_start3A_352 : memref<1x10240x64xf32, #tpu.memory_space<hbm>> -> memref<10240x64xf32, #tpu.memory_space<hbm>>
        %dma_start3A_354 = arith.constant 0 : i32
        %dma_start3A_355 = arith.constant 0 : i32
        %dma_start3A_356 = tpu.memref_slice %dma_start3A_353[%dma_start3A_354, %dma_start3A_355] : memref<10240x64xf32, #tpu.memory_space<hbm>> -> memref<10240x64xf32, #tpu.memory_space<hbm>>
        tpu.enqueue_indirect_dma source(%dma_start3A_356 : memref<10240x64xf32, #tpu.memory_space<hbm>>) target(%dma_start3A_346 : memref<128x64xf32, #tpu.memory_space<vmem>>) offsets(%dma_start3A_349 : memref<128xi32, #tpu.memory_space<vmem>>) semaphore(%arg9 : memref<!tpu.dma_semaphore, #tpu.memory_space<semaphore_mem>>)
        %dma_wait3A_357 = arith.constant 1 : i32
        %dma_wait3A_358 = arith.constant 0 : i32
        %dma_wait3A_359 = arith.constant 0 : i32
        %dma_wait3A_360 = arith.constant 0 : i32
        %dma_wait3A_361 = tpu.memref_slice %arg7[%dma_wait3A_357, %dma_wait3A_359, %dma_wait3A_360] : memref<5x128x64xf32, #tpu.memory_space<vmem>> -> memref<1x128x64xf32, #tpu.memory_space<vmem>>
        %dma_wait3A_362 = tpu.memref_squeeze %dma_wait3A_361 : memref<1x128x64xf32, #tpu.memory_space<vmem>> -> memref<128x64xf32, #tpu.memory_space<vmem>>
        %dma_wait3A_363 = arith.constant 0 : i32
        %dma_wait3A_364 = tpu.memref_slice %arg6[%dma_wait3A_358, %dma_wait3A_363] : memref<160x128xi32, #tpu.memory_space<vmem>> -> memref<1x128xi32, #tpu.memory_space<vmem>>
        %dma_wait3A_365 = tpu.memref_squeeze %dma_wait3A_364 : memref<1x128xi32, #tpu.memory_space<vmem>> -> memref<128xi32, #tpu.memory_space<vmem>>
        %dma_wait3A_366 = arith.constant 0 : i32
        %dma_wait3A_367 = arith.constant 0 : i32
        %dma_wait3A_368 = tpu.memref_slice %arg8[%dma_wait3A_366, %dma_wait3A_367] : memref<10240x64xf32, #tpu.memory_space<vmem_shared>> -> memref<10240x64xf32, #tpu.memory_space<vmem_shared>>
        tpu.wait_indirect_dma semaphore(%arg15 : memref<!tpu.dma_semaphore, #tpu.memory_space<semaphore_mem>>) src(%dma_wait3A_362 : memref<128x64xf32, #tpu.memory_space<vmem>>) dst(%dma_wait3A_368 : memref<10240x64xf32, #tpu.memory_space<vmem_shared>>)
        %add3A_369 = arith.constant 5 : i32
        %add3A_370 = arith.addi %mul3A_171, %add3A_369 : i32
        %add3A_371 = arith.constant 1 : i32
        %add3A_372 = arith.addi %add3A_370, %add3A_371 : i32
        %dma_start3A_373 = arith.constant 1 : i32
        %dma_start3A_374 = arith.constant 0 : i32
        %dma_start3A_375 = arith.constant 0 : i32
        %dma_start3A_376 = tpu.memref_slice %arg7[%dma_start3A_373, %dma_start3A_374, %dma_start3A_375] : memref<5x128x64xf32, #tpu.memory_space<vmem>> -> memref<1x128x64xf32, #tpu.memory_space<vmem>>
        %dma_start3A_377 = tpu.memref_squeeze %dma_start3A_376 : memref<1x128x64xf32, #tpu.memory_space<vmem>> -> memref<128x64xf32, #tpu.memory_space<vmem>>
        %dma_start3A_378 = arith.constant 0 : i32
        %dma_start3A_379 = tpu.memref_slice %arg5[%add3A_372, %dma_start3A_378] : memref<160x128xi32, #tpu.memory_space<vmem>> -> memref<1x128xi32, #tpu.memory_space<vmem>>
        %dma_start3A_380 = tpu.memref_squeeze %dma_start3A_379 : memref<1x128xi32, #tpu.memory_space<vmem>> -> memref<128xi32, #tpu.memory_space<vmem>>
        %dma_start3A_381 = arith.constant 0 : i32
        %dma_start3A_382 = arith.constant 0 : i32
        %dma_start3A_383 = tpu.memref_slice %arg2[%arg0, %dma_start3A_381, %dma_start3A_382] : memref<2x10240x64xf32, #tpu.memory_space<hbm>> -> memref<1x10240x64xf32, #tpu.memory_space<hbm>>
        %dma_start3A_384 = tpu.memref_squeeze %dma_start3A_383 : memref<1x10240x64xf32, #tpu.memory_space<hbm>> -> memref<10240x64xf32, #tpu.memory_space<hbm>>
        %dma_start3A_385 = arith.constant 0 : i32
        %dma_start3A_386 = arith.constant 0 : i32
        %dma_start3A_387 = tpu.memref_slice %dma_start3A_384[%dma_start3A_385, %dma_start3A_386] : memref<10240x64xf32, #tpu.memory_space<hbm>> -> memref<10240x64xf32, #tpu.memory_space<hbm>>
        tpu.enqueue_indirect_dma source(%dma_start3A_387 : memref<10240x64xf32, #tpu.memory_space<hbm>>) target(%dma_start3A_377 : memref<128x64xf32, #tpu.memory_space<vmem>>) offsets(%dma_start3A_380 : memref<128xi32, #tpu.memory_space<vmem>>) semaphore(%arg10 : memref<!tpu.dma_semaphore, #tpu.memory_space<semaphore_mem>>)
        %dma_wait3A_388 = arith.constant 2 : i32
        %dma_wait3A_389 = arith.constant 0 : i32
        %dma_wait3A_390 = arith.constant 0 : i32
        %dma_wait3A_391 = arith.constant 0 : i32
        %dma_wait3A_392 = tpu.memref_slice %arg7[%dma_wait3A_388, %dma_wait3A_390, %dma_wait3A_391] : memref<5x128x64xf32, #tpu.memory_space<vmem>> -> memref<1x128x64xf32, #tpu.memory_space<vmem>>
        %dma_wait3A_393 = tpu.memref_squeeze %dma_wait3A_392 : memref<1x128x64xf32, #tpu.memory_space<vmem>> -> memref<128x64xf32, #tpu.memory_space<vmem>>
        %dma_wait3A_394 = arith.constant 0 : i32
        %dma_wait3A_395 = tpu.memref_slice %arg6[%dma_wait3A_389, %dma_wait3A_394] : memref<160x128xi32, #tpu.memory_space<vmem>> -> memref<1x128xi32, #tpu.memory_space<vmem>>
        %dma_wait3A_396 = tpu.memref_squeeze %dma_wait3A_395 : memref<1x128xi32, #tpu.memory_space<vmem>> -> memref<128xi32, #tpu.memory_space<vmem>>
        %dma_wait3A_397 = arith.constant 0 : i32
        %dma_wait3A_398 = arith.constant 0 : i32
        %dma_wait3A_399 = tpu.memref_slice %arg8[%dma_wait3A_397, %dma_wait3A_398] : memref<10240x64xf32, #tpu.memory_space<vmem_shared>> -> memref<10240x64xf32, #tpu.memory_space<vmem_shared>>
        tpu.wait_indirect_dma semaphore(%arg16 : memref<!tpu.dma_semaphore, #tpu.memory_space<semaphore_mem>>) src(%dma_wait3A_393 : memref<128x64xf32, #tpu.memory_space<vmem>>) dst(%dma_wait3A_399 : memref<10240x64xf32, #tpu.memory_space<vmem_shared>>)
        %add3A_400 = arith.constant 5 : i32
        %add3A_401 = arith.addi %mul3A_171, %add3A_400 : i32
        %add3A_402 = arith.constant 2 : i32
        %add3A_403 = arith.addi %add3A_401, %add3A_402 : i32
        %dma_start3A_404 = arith.constant 2 : i32
        %dma_start3A_405 = arith.constant 0 : i32
        %dma_start3A_406 = arith.constant 0 : i32
        %dma_start3A_407 = tpu.memref_slice %arg7[%dma_start3A_404, %dma_start3A_405, %dma_start3A_406] : memref<5x128x64xf32, #tpu.memory_space<vmem>> -> memref<1x128x64xf32, #tpu.memory_space<vmem>>
        %dma_start3A_408 = tpu.memref_squeeze %dma_start3A_407 : memref<1x128x64xf32, #tpu.memory_space<vmem>> -> memref<128x64xf32, #tpu.memory_space<vmem>>
        %dma_start3A_409 = arith.constant 0 : i32
        %dma_start3A_410 = tpu.memref_slice %arg5[%add3A_403, %dma_start3A_409] : memref<160x128xi32, #tpu.memory_space<vmem>> -> memref<1x128xi32, #tpu.memory_space<vmem>>
        %dma_start3A_411 = tpu.memref_squeeze %dma_start3A_410 : memref<1x128xi32, #tpu.memory_space<vmem>> -> memref<128xi32, #tpu.memory_space<vmem>>
        %dma_start3A_412 = arith.constant 0 : i32
        %dma_start3A_413 = arith.constant 0 : i32
        %dma_start3A_414 = tpu.memref_slice %arg2[%arg0, %dma_start3A_412, %dma_start3A_413] : memref<2x10240x64xf32, #tpu.memory_space<hbm>> -> memref<1x10240x64xf32, #tpu.memory_space<hbm>>
        %dma_start3A_415 = tpu.memref_squeeze %dma_start3A_414 : memref<1x10240x64xf32, #tpu.memory_space<hbm>> -> memref<10240x64xf32, #tpu.memory_space<hbm>>
        %dma_start3A_416 = arith.constant 0 : i32
        %dma_start3A_417 = arith.constant 0 : i32
        %dma_start3A_418 = tpu.memref_slice %dma_start3A_415[%dma_start3A_416, %dma_start3A_417] : memref<10240x64xf32, #tpu.memory_space<hbm>> -> memref<10240x64xf32, #tpu.memory_space<hbm>>
        tpu.enqueue_indirect_dma source(%dma_start3A_418 : memref<10240x64xf32, #tpu.memory_space<hbm>>) target(%dma_start3A_408 : memref<128x64xf32, #tpu.memory_space<vmem>>) offsets(%dma_start3A_411 : memref<128xi32, #tpu.memory_space<vmem>>) semaphore(%arg11 : memref<!tpu.dma_semaphore, #tpu.memory_space<semaphore_mem>>)
        %dma_wait3A_419 = arith.constant 3 : i32
        %dma_wait3A_420 = arith.constant 0 : i32
        %dma_wait3A_421 = arith.constant 0 : i32
        %dma_wait3A_422 = arith.constant 0 : i32
        %dma_wait3A_423 = tpu.memref_slice %arg7[%dma_wait3A_419, %dma_wait3A_421, %dma_wait3A_422] : memref<5x128x64xf32, #tpu.memory_space<vmem>> -> memref<1x128x64xf32, #tpu.memory_space<vmem>>
        %dma_wait3A_424 = tpu.memref_squeeze %dma_wait3A_423 : memref<1x128x64xf32, #tpu.memory_space<vmem>> -> memref<128x64xf32, #tpu.memory_space<vmem>>
        %dma_wait3A_425 = arith.constant 0 : i32
        %dma_wait3A_426 = tpu.memref_slice %arg6[%dma_wait3A_420, %dma_wait3A_425] : memref<160x128xi32, #tpu.memory_space<vmem>> -> memref<1x128xi32, #tpu.memory_space<vmem>>
        %dma_wait3A_427 = tpu.memref_squeeze %dma_wait3A_426 : memref<1x128xi32, #tpu.memory_space<vmem>> -> memref<128xi32, #tpu.memory_space<vmem>>
        %dma_wait3A_428 = arith.constant 0 : i32
        %dma_wait3A_429 = arith.constant 0 : i32
        %dma_wait3A_430 = tpu.memref_slice %arg8[%dma_wait3A_428, %dma_wait3A_429] : memref<10240x64xf32, #tpu.memory_space<vmem_shared>> -> memref<10240x64xf32, #tpu.memory_space<vmem_shared>>
        tpu.wait_indirect_dma semaphore(%arg17 : memref<!tpu.dma_semaphore, #tpu.memory_space<semaphore_mem>>) src(%dma_wait3A_424 : memref<128x64xf32, #tpu.memory_space<vmem>>) dst(%dma_wait3A_430 : memref<10240x64xf32, #tpu.memory_space<vmem_shared>>)
        %add3A_431 = arith.constant 5 : i32
        %add3A_432 = arith.addi %mul3A_171, %add3A_431 : i32
        %add3A_433 = arith.constant 3 : i32
        %add3A_434 = arith.addi %add3A_432, %add3A_433 : i32
        %dma_start3A_435 = arith.constant 3 : i32
        %dma_start3A_436 = arith.constant 0 : i32
        %dma_start3A_437 = arith.constant 0 : i32
        %dma_start3A_438 = tpu.memref_slice %arg7[%dma_start3A_435, %dma_start3A_436, %dma_start3A_437] : memref<5x128x64xf32, #tpu.memory_space<vmem>> -> memref<1x128x64xf32, #tpu.memory_space<vmem>>
        %dma_start3A_439 = tpu.memref_squeeze %dma_start3A_438 : memref<1x128x64xf32, #tpu.memory_space<vmem>> -> memref<128x64xf32, #tpu.memory_space<vmem>>
        %dma_start3A_440 = arith.constant 0 : i32
        %dma_start3A_441 = tpu.memref_slice %arg5[%add3A_434, %dma_start3A_440] : memref<160x128xi32, #tpu.memory_space<vmem>> -> memref<1x128xi32, #tpu.memory_space<vmem>>
        %dma_start3A_442 = tpu.memref_squeeze %dma_start3A_441 : memref<1x128xi32, #tpu.memory_space<vmem>> -> memref<128xi32, #tpu.memory_space<vmem>>
        %dma_start3A_443 = arith.constant 0 : i32
        %dma_start3A_444 = arith.constant 0 : i32
        %dma_start3A_445 = tpu.memref_slice %arg2[%arg0, %dma_start3A_443, %dma_start3A_444] : memref<2x10240x64xf32, #tpu.memory_space<hbm>> -> memref<1x10240x64xf32, #tpu.memory_space<hbm>>
        %dma_start3A_446 = tpu.memref_squeeze %dma_start3A_445 : memref<1x10240x64xf32, #tpu.memory_space<hbm>> -> memref<10240x64xf32, #tpu.memory_space<hbm>>
        %dma_start3A_447 = arith.constant 0 : i32
        %dma_start3A_448 = arith.constant 0 : i32
        %dma_start3A_449 = tpu.memref_slice %dma_start3A_446[%dma_start3A_447, %dma_start3A_448] : memref<10240x64xf32, #tpu.memory_space<hbm>> -> memref<10240x64xf32, #tpu.memory_space<hbm>>
        tpu.enqueue_indirect_dma source(%dma_start3A_449 : memref<10240x64xf32, #tpu.memory_space<hbm>>) target(%dma_start3A_439 : memref<128x64xf32, #tpu.memory_space<vmem>>) offsets(%dma_start3A_442 : memref<128xi32, #tpu.memory_space<vmem>>) semaphore(%arg12 : memref<!tpu.dma_semaphore, #tpu.memory_space<semaphore_mem>>)
        %dma_wait3A_450 = arith.constant 4 : i32
        %dma_wait3A_451 = arith.constant 0 : i32
        %dma_wait3A_452 = arith.constant 0 : i32
        %dma_wait3A_453 = arith.constant 0 : i32
        %dma_wait3A_454 = tpu.memref_slice %arg7[%dma_wait3A_450, %dma_wait3A_452, %dma_wait3A_453] : memref<5x128x64xf32, #tpu.memory_space<vmem>> -> memref<1x128x64xf32, #tpu.memory_space<vmem>>
        %dma_wait3A_455 = tpu.memref_squeeze %dma_wait3A_454 : memref<1x128x64xf32, #tpu.memory_space<vmem>> -> memref<128x64xf32, #tpu.memory_space<vmem>>
        %dma_wait3A_456 = arith.constant 0 : i32
        %dma_wait3A_457 = tpu.memref_slice %arg6[%dma_wait3A_451, %dma_wait3A_456] : memref<160x128xi32, #tpu.memory_space<vmem>> -> memref<1x128xi32, #tpu.memory_space<vmem>>
        %dma_wait3A_458 = tpu.memref_squeeze %dma_wait3A_457 : memref<1x128xi32, #tpu.memory_space<vmem>> -> memref<128xi32, #tpu.memory_space<vmem>>
        %dma_wait3A_459 = arith.constant 0 : i32
        %dma_wait3A_460 = arith.constant 0 : i32
        %dma_wait3A_461 = tpu.memref_slice %arg8[%dma_wait3A_459, %dma_wait3A_460] : memref<10240x64xf32, #tpu.memory_space<vmem_shared>> -> memref<10240x64xf32, #tpu.memory_space<vmem_shared>>
        tpu.wait_indirect_dma semaphore(%arg18 : memref<!tpu.dma_semaphore, #tpu.memory_space<semaphore_mem>>) src(%dma_wait3A_455 : memref<128x64xf32, #tpu.memory_space<vmem>>) dst(%dma_wait3A_461 : memref<10240x64xf32, #tpu.memory_space<vmem_shared>>)
        %add3A_462 = arith.constant 5 : i32
        %add3A_463 = arith.addi %mul3A_171, %add3A_462 : i32
        %add3A_464 = arith.constant 4 : i32
        %add3A_465 = arith.addi %add3A_463, %add3A_464 : i32
        %dma_start3A_466 = arith.constant 4 : i32
        %dma_start3A_467 = arith.constant 0 : i32
        %dma_start3A_468 = arith.constant 0 : i32
        %dma_start3A_469 = tpu.memref_slice %arg7[%dma_start3A_466, %dma_start3A_467, %dma_start3A_468] : memref<5x128x64xf32, #tpu.memory_space<vmem>> -> memref<1x128x64xf32, #tpu.memory_space<vmem>>
        %dma_start3A_470 = tpu.memref_squeeze %dma_start3A_469 : memref<1x128x64xf32, #tpu.memory_space<vmem>> -> memref<128x64xf32, #tpu.memory_space<vmem>>
        %dma_start3A_471 = arith.constant 0 : i32
        %dma_start3A_472 = tpu.memref_slice %arg5[%add3A_465, %dma_start3A_471] : memref<160x128xi32, #tpu.memory_space<vmem>> -> memref<1x128xi32, #tpu.memory_space<vmem>>
        %dma_start3A_473 = tpu.memref_squeeze %dma_start3A_472 : memref<1x128xi32, #tpu.memory_space<vmem>> -> memref<128xi32, #tpu.memory_space<vmem>>
        %dma_start3A_474 = arith.constant 0 : i32
        %dma_start3A_475 = arith.constant 0 : i32
        %dma_start3A_476 = tpu.memref_slice %arg2[%arg0, %dma_start3A_474, %dma_start3A_475] : memref<2x10240x64xf32, #tpu.memory_space<hbm>> -> memref<1x10240x64xf32, #tpu.memory_space<hbm>>
        %dma_start3A_477 = tpu.memref_squeeze %dma_start3A_476 : memref<1x10240x64xf32, #tpu.memory_space<hbm>> -> memref<10240x64xf32, #tpu.memory_space<hbm>>
        %dma_start3A_478 = arith.constant 0 : i32
        %dma_start3A_479 = arith.constant 0 : i32
        %dma_start3A_480 = tpu.memref_slice %dma_start3A_477[%dma_start3A_478, %dma_start3A_479] : memref<10240x64xf32, #tpu.memory_space<hbm>> -> memref<10240x64xf32, #tpu.memory_space<hbm>>
        tpu.enqueue_indirect_dma source(%dma_start3A_480 : memref<10240x64xf32, #tpu.memory_space<hbm>>) target(%dma_start3A_470 : memref<128x64xf32, #tpu.memory_space<vmem>>) offsets(%dma_start3A_473 : memref<128xi32, #tpu.memory_space<vmem>>) semaphore(%arg13 : memref<!tpu.dma_semaphore, #tpu.memory_space<semaphore_mem>>)
      } else {
      }
    }
    %dma_wait3A = arith.constant 0 : i32
    %dma_wait3A_104 = arith.constant 0 : i32
    %dma_wait3A_105 = arith.constant 0 : i32
    %dma_wait3A_106 = arith.constant 0 : i32
    %dma_wait3A_107 = tpu.memref_slice %arg7[%dma_wait3A, %dma_wait3A_105, %dma_wait3A_106] : memref<5x128x64xf32, #tpu.memory_space<vmem>> -> memref<1x128x64xf32, #tpu.memory_space<vmem>>
    %dma_wait3A_108 = tpu.memref_squeeze %dma_wait3A_107 : memref<1x128x64xf32, #tpu.memory_space<vmem>> -> memref<128x64xf32, #tpu.memory_space<vmem>>
    %dma_wait3A_109 = arith.constant 0 : i32
    %dma_wait3A_110 = tpu.memref_slice %arg6[%dma_wait3A_104, %dma_wait3A_109] : memref<160x128xi32, #tpu.memory_space<vmem>> -> memref<1x128xi32, #tpu.memory_space<vmem>>
    %dma_wait3A_111 = tpu.memref_squeeze %dma_wait3A_110 : memref<1x128xi32, #tpu.memory_space<vmem>> -> memref<128xi32, #tpu.memory_space<vmem>>
    %dma_wait3A_112 = arith.constant 0 : i32
    %dma_wait3A_113 = arith.constant 0 : i32
    %dma_wait3A_114 = tpu.memref_slice %arg8[%dma_wait3A_112, %dma_wait3A_113] : memref<10240x64xf32, #tpu.memory_space<vmem_shared>> -> memref<10240x64xf32, #tpu.memory_space<vmem_shared>>
    tpu.wait_indirect_dma semaphore(%arg14 : memref<!tpu.dma_semaphore, #tpu.memory_space<semaphore_mem>>) src(%dma_wait3A_108 : memref<128x64xf32, #tpu.memory_space<vmem>>) dst(%dma_wait3A_114 : memref<10240x64xf32, #tpu.memory_space<vmem_shared>>)
    %dma_wait3A_115 = arith.constant 1 : i32
    %dma_wait3A_116 = arith.constant 0 : i32
    %dma_wait3A_117 = arith.constant 0 : i32
    %dma_wait3A_118 = arith.constant 0 : i32
    %dma_wait3A_119 = tpu.memref_slice %arg7[%dma_wait3A_115, %dma_wait3A_117, %dma_wait3A_118] : memref<5x128x64xf32, #tpu.memory_space<vmem>> -> memref<1x128x64xf32, #tpu.memory_space<vmem>>
    %dma_wait3A_120 = tpu.memref_squeeze %dma_wait3A_119 : memref<1x128x64xf32, #tpu.memory_space<vmem>> -> memref<128x64xf32, #tpu.memory_space<vmem>>
    %dma_wait3A_121 = arith.constant 0 : i32
    %dma_wait3A_122 = tpu.memref_slice %arg6[%dma_wait3A_116, %dma_wait3A_121] : memref<160x128xi32, #tpu.memory_space<vmem>> -> memref<1x128xi32, #tpu.memory_space<vmem>>
    %dma_wait3A_123 = tpu.memref_squeeze %dma_wait3A_122 : memref<1x128xi32, #tpu.memory_space<vmem>> -> memref<128xi32, #tpu.memory_space<vmem>>
    %dma_wait3A_124 = arith.constant 0 : i32
    %dma_wait3A_125 = arith.constant 0 : i32
    %dma_wait3A_126 = tpu.memref_slice %arg8[%dma_wait3A_124, %dma_wait3A_125] : memref<10240x64xf32, #tpu.memory_space<vmem_shared>> -> memref<10240x64xf32, #tpu.memory_space<vmem_shared>>
    tpu.wait_indirect_dma semaphore(%arg15 : memref<!tpu.dma_semaphore, #tpu.memory_space<semaphore_mem>>) src(%dma_wait3A_120 : memref<128x64xf32, #tpu.memory_space<vmem>>) dst(%dma_wait3A_126 : memref<10240x64xf32, #tpu.memory_space<vmem_shared>>)
    %dma_wait3A_127 = arith.constant 2 : i32
    %dma_wait3A_128 = arith.constant 0 : i32
    %dma_wait3A_129 = arith.constant 0 : i32
    %dma_wait3A_130 = arith.constant 0 : i32
    %dma_wait3A_131 = tpu.memref_slice %arg7[%dma_wait3A_127, %dma_wait3A_129, %dma_wait3A_130] : memref<5x128x64xf32, #tpu.memory_space<vmem>> -> memref<1x128x64xf32, #tpu.memory_space<vmem>>
    %dma_wait3A_132 = tpu.memref_squeeze %dma_wait3A_131 : memref<1x128x64xf32, #tpu.memory_space<vmem>> -> memref<128x64xf32, #tpu.memory_space<vmem>>
    %dma_wait3A_133 = arith.constant 0 : i32
    %dma_wait3A_134 = tpu.memref_slice %arg6[%dma_wait3A_128, %dma_wait3A_133] : memref<160x128xi32, #tpu.memory_space<vmem>> -> memref<1x128xi32, #tpu.memory_space<vmem>>
    %dma_wait3A_135 = tpu.memref_squeeze %dma_wait3A_134 : memref<1x128xi32, #tpu.memory_space<vmem>> -> memref<128xi32, #tpu.memory_space<vmem>>
    %dma_wait3A_136 = arith.constant 0 : i32
    %dma_wait3A_137 = arith.constant 0 : i32
    %dma_wait3A_138 = tpu.memref_slice %arg8[%dma_wait3A_136, %dma_wait3A_137] : memref<10240x64xf32, #tpu.memory_space<vmem_shared>> -> memref<10240x64xf32, #tpu.memory_space<vmem_shared>>
    tpu.wait_indirect_dma semaphore(%arg16 : memref<!tpu.dma_semaphore, #tpu.memory_space<semaphore_mem>>) src(%dma_wait3A_132 : memref<128x64xf32, #tpu.memory_space<vmem>>) dst(%dma_wait3A_138 : memref<10240x64xf32, #tpu.memory_space<vmem_shared>>)
    %dma_wait3A_139 = arith.constant 3 : i32
    %dma_wait3A_140 = arith.constant 0 : i32
    %dma_wait3A_141 = arith.constant 0 : i32
    %dma_wait3A_142 = arith.constant 0 : i32
    %dma_wait3A_143 = tpu.memref_slice %arg7[%dma_wait3A_139, %dma_wait3A_141, %dma_wait3A_142] : memref<5x128x64xf32, #tpu.memory_space<vmem>> -> memref<1x128x64xf32, #tpu.memory_space<vmem>>
    %dma_wait3A_144 = tpu.memref_squeeze %dma_wait3A_143 : memref<1x128x64xf32, #tpu.memory_space<vmem>> -> memref<128x64xf32, #tpu.memory_space<vmem>>
    %dma_wait3A_145 = arith.constant 0 : i32
    %dma_wait3A_146 = tpu.memref_slice %arg6[%dma_wait3A_140, %dma_wait3A_145] : memref<160x128xi32, #tpu.memory_space<vmem>> -> memref<1x128xi32, #tpu.memory_space<vmem>>
    %dma_wait3A_147 = tpu.memref_squeeze %dma_wait3A_146 : memref<1x128xi32, #tpu.memory_space<vmem>> -> memref<128xi32, #tpu.memory_space<vmem>>
    %dma_wait3A_148 = arith.constant 0 : i32
    %dma_wait3A_149 = arith.constant 0 : i32
    %dma_wait3A_150 = tpu.memref_slice %arg8[%dma_wait3A_148, %dma_wait3A_149] : memref<10240x64xf32, #tpu.memory_space<vmem_shared>> -> memref<10240x64xf32, #tpu.memory_space<vmem_shared>>
    tpu.wait_indirect_dma semaphore(%arg17 : memref<!tpu.dma_semaphore, #tpu.memory_space<semaphore_mem>>) src(%dma_wait3A_144 : memref<128x64xf32, #tpu.memory_space<vmem>>) dst(%dma_wait3A_150 : memref<10240x64xf32, #tpu.memory_space<vmem_shared>>)
    %dma_wait3A_151 = arith.constant 4 : i32
    %dma_wait3A_152 = arith.constant 0 : i32
    %dma_wait3A_153 = arith.constant 0 : i32
    %dma_wait3A_154 = arith.constant 0 : i32
    %dma_wait3A_155 = tpu.memref_slice %arg7[%dma_wait3A_151, %dma_wait3A_153, %dma_wait3A_154] : memref<5x128x64xf32, #tpu.memory_space<vmem>> -> memref<1x128x64xf32, #tpu.memory_space<vmem>>
    %dma_wait3A_156 = tpu.memref_squeeze %dma_wait3A_155 : memref<1x128x64xf32, #tpu.memory_space<vmem>> -> memref<128x64xf32, #tpu.memory_space<vmem>>
    %dma_wait3A_157 = arith.constant 0 : i32
    %dma_wait3A_158 = tpu.memref_slice %arg6[%dma_wait3A_152, %dma_wait3A_157] : memref<160x128xi32, #tpu.memory_space<vmem>> -> memref<1x128xi32, #tpu.memory_space<vmem>>
    %dma_wait3A_159 = tpu.memref_squeeze %dma_wait3A_158 : memref<1x128xi32, #tpu.memory_space<vmem>> -> memref<128xi32, #tpu.memory_space<vmem>>
    %dma_wait3A_160 = arith.constant 0 : i32
    %dma_wait3A_161 = arith.constant 0 : i32
    %dma_wait3A_162 = tpu.memref_slice %arg8[%dma_wait3A_160, %dma_wait3A_161] : memref<10240x64xf32, #tpu.memory_space<vmem_shared>> -> memref<10240x64xf32, #tpu.memory_space<vmem_shared>>
    tpu.wait_indirect_dma semaphore(%arg18 : memref<!tpu.dma_semaphore, #tpu.memory_space<semaphore_mem>>) src(%dma_wait3A_156 : memref<128x64xf32, #tpu.memory_space<vmem>>) dst(%dma_wait3A_162 : memref<10240x64xf32, #tpu.memory_space<vmem_shared>>)
    %barrier3A_163 = arith.constant 0 : index
    tpu.barrier barrier_id(%barrier3A_163)
    %barrier3A_164 = arith.constant 0 : index
    tpu.barrier barrier_id(%barrier3A_164)
    %mul3A_165 = arith.constant 640 : i32
    %mul3A_166 = arith.muli %arg1, %mul3A_165 : i32
    %mul3A_167 = arith.constant 640 : i32
    %mul3A_168 = arith.muli %arg1, %mul3A_167 : i32
    "tpu.region"() ({
      %run_scoped3A = tpu.sem_alloc : memref<!tpu.dma_semaphore, #tpu.memory_space<semaphore_mem>>
      %dma_start3A_169 = arith.constant 0 : i32
      %dma_start3A_170 = tpu.memref_slice %arg4[%arg0, %mul3A_168, %dma_start3A_169] : memref<2x10240x64xf32, #tpu.memory_space<hbm>> -> memref<1x640x64xf32, #tpu.memory_space<hbm>>
      %dma_start3A_171 = tpu.memref_squeeze %dma_start3A_170 : memref<1x640x64xf32, #tpu.memory_space<hbm>> -> memref<640x64xf32, #tpu.memory_space<hbm>>
      %dma_start3A_172 = arith.constant 0 : i32
      %dma_start3A_173 = tpu.memref_slice %arg8[%mul3A_166, %dma_start3A_172] : memref<10240x64xf32, #tpu.memory_space<vmem_shared>> -> memref<640x64xf32, #tpu.memory_space<vmem_shared>>
      tpu.enqueue_dma source(%dma_start3A_173 : memref<640x64xf32, #tpu.memory_space<vmem_shared>>) target(%dma_start3A_171 : memref<640x64xf32, #tpu.memory_space<hbm>>) target_semaphore(%run_scoped3A : memref<!tpu.dma_semaphore, #tpu.memory_space<semaphore_mem>>)
      %dma_wait3A_174 = arith.constant 0 : i32
      %dma_wait3A_175 = tpu.memref_slice %arg4[%arg0, %mul3A_168, %dma_wait3A_174] : memref<2x10240x64xf32, #tpu.memory_space<hbm>> -> memref<1x640x64xf32, #tpu.memory_space<hbm>>
      %dma_wait3A_176 = tpu.memref_squeeze %dma_wait3A_175 : memref<1x640x64xf32, #tpu.memory_space<hbm>> -> memref<640x64xf32, #tpu.memory_space<hbm>>
      %dma_wait3A_177 = arith.constant 0 : i32
      %dma_wait3A_178 = tpu.memref_slice %arg8[%mul3A_166, %dma_wait3A_177] : memref<10240x64xf32, #tpu.memory_space<vmem_shared>> -> memref<640x64xf32, #tpu.memory_space<vmem_shared>>
      tpu.wait_dma2 semaphore(%run_scoped3A : memref<!tpu.dma_semaphore, #tpu.memory_space<semaphore_mem>>) src(%dma_wait3A_178 : memref<640x64xf32, #tpu.memory_space<vmem_shared>>) dst(%dma_wait3A_176 : memref<640x64xf32, #tpu.memory_space<hbm>>)
      tpu.yield
    }) : () -> ()
    return
  }
}

#map = affine_map<(d0, d1) -> (0, 0, 0)>
#map1 = affine_map<(d0, d1) -> (0)>
module attributes {stable_mosaic.version = 14 : i64} {
  func.func @_deg_kernel(%arg0: i32, %arg1: i32, %arg2: memref<2x2500x128xi32, #tpu.memory_space<hbm>>, %arg3: memref<10240xf32, #tpu.memory_space<hbm>>, %arg4: memref<10240xf32, #tpu.memory_space<hbm>>, %arg5: memref<10240xf32, #tpu.memory_space<hbm>>, %arg6: memref<80x128xi32, #tpu.memory_space<vmem>>, %arg7: memref<128xf32, #tpu.memory_space<vmem>>, %arg8: memref<10240xf32, #tpu.memory_space<vmem_shared>>, %arg9: memref<!tpu.dma_semaphore, #tpu.memory_space<semaphore_mem>>) attributes {dimension_semantics = [#tpu.dimension_semantics<core_parallel>, #tpu.dimension_semantics<subcore_parallel>], iteration_bounds = array<i64: 2, 16>, scalar_prefetch = 0 : i64, scratch_operands = 4 : i64, tpu.core_type = #tpu.core_type<sc_vector_subcore>, window_params = [{transform_indices = #map}, {transform_indices = #map1}, {transform_indices = #map1}, {transform_indices = #map1}]} {
    %mul3A = arith.constant 2 : i32
    %mul3A_0 = arith.muli %arg1, %mul3A : i32
    %add3A = arith.addi %mul3A_0, %arg0 : i32
    %lt3A = arith.constant 31 : i32
    %lt3A_1 = arith.cmpi slt, %add3A, %lt3A : i32
    %jit3A = arith.constant 80 : i32
    %jit3A_2 = arith.constant 20 : i32
    %select_n3A = arith.select %lt3A_1, %jit3A, %jit3A_2 : i32
    %mul3A_3 = arith.constant 640 : i32
    %mul3A_4 = arith.muli %arg1, %mul3A_3 : i32
    %mul3A_5 = arith.constant 640 : i32
    %mul3A_6 = arith.muli %arg1, %mul3A_5 : i32
    "tpu.region"() ({
      %run_scoped3A = tpu.sem_alloc : memref<!tpu.dma_semaphore, #tpu.memory_space<semaphore_mem>>
      %dma_start3A = tpu.memref_slice %arg8[%mul3A_6] : memref<10240xf32, #tpu.memory_space<vmem_shared>> -> memref<640xf32, #tpu.memory_space<vmem_shared>>
      %dma_start3A_94 = tpu.memref_slice %arg3[%mul3A_4] : memref<10240xf32, #tpu.memory_space<hbm>> -> memref<640xf32, #tpu.memory_space<hbm>>
      tpu.enqueue_dma source(%dma_start3A_94 : memref<640xf32, #tpu.memory_space<hbm>>) target(%dma_start3A : memref<640xf32, #tpu.memory_space<vmem_shared>>) target_semaphore(%run_scoped3A : memref<!tpu.dma_semaphore, #tpu.memory_space<semaphore_mem>>)
      %dma_wait3A = tpu.memref_slice %arg8[%mul3A_6] : memref<10240xf32, #tpu.memory_space<vmem_shared>> -> memref<640xf32, #tpu.memory_space<vmem_shared>>
      %dma_wait3A_95 = tpu.memref_slice %arg3[%mul3A_4] : memref<10240xf32, #tpu.memory_space<hbm>> -> memref<640xf32, #tpu.memory_space<hbm>>
      tpu.wait_dma2 semaphore(%run_scoped3A : memref<!tpu.dma_semaphore, #tpu.memory_space<semaphore_mem>>) src(%dma_wait3A_95 : memref<640xf32, #tpu.memory_space<hbm>>) dst(%dma_wait3A : memref<640xf32, #tpu.memory_space<vmem_shared>>)
      tpu.yield
    }) : () -> ()
    %broadcast_in_dim3A = arith.constant 1.000000e+00 : f32
    %broadcast_in_dim3A_7 = vector.broadcast %broadcast_in_dim3A : f32 to vector<16xf32>
    %swap3A = arith.constant 0 : index
    %swap3A_8 = tpu.vector_load %arg7[%swap3A] {strides = array<i32>} : memref<128xf32, #tpu.memory_space<vmem>>, vector<16xf32>,
    %swap3A_9 = vector.shape_cast %swap3A_8 : vector<16xf32> to vector<16xf32>
    %swap3A_10 = vector.shape_cast %broadcast_in_dim3A_7 : vector<16xf32> to vector<16xf32>
    tpu.vector_store %arg7[%swap3A], %swap3A_10 {strides = array<i32>} : memref<128xf32, #tpu.memory_space<vmem>>, vector<16xf32>,
    %broadcast_in_dim3A_11 = arith.constant 1.000000e+00 : f32
    %broadcast_in_dim3A_12 = vector.broadcast %broadcast_in_dim3A_11 : f32 to vector<16xf32>
    %swap3A_13 = arith.constant 16 : index
    %swap3A_14 = tpu.vector_load %arg7[%swap3A_13] {strides = array<i32>} : memref<128xf32, #tpu.memory_space<vmem>>, vector<16xf32>,
    %swap3A_15 = vector.shape_cast %swap3A_14 : vector<16xf32> to vector<16xf32>
    %swap3A_16 = vector.shape_cast %broadcast_in_dim3A_12 : vector<16xf32> to vector<16xf32>
    tpu.vector_store %arg7[%swap3A_13], %swap3A_16 {strides = array<i32>} : memref<128xf32, #tpu.memory_space<vmem>>, vector<16xf32>,
    %broadcast_in_dim3A_17 = arith.constant 1.000000e+00 : f32
    %broadcast_in_dim3A_18 = vector.broadcast %broadcast_in_dim3A_17 : f32 to vector<16xf32>
    %swap3A_19 = arith.constant 32 : index
    %swap3A_20 = tpu.vector_load %arg7[%swap3A_19] {strides = array<i32>} : memref<128xf32, #tpu.memory_space<vmem>>, vector<16xf32>,
    %swap3A_21 = vector.shape_cast %swap3A_20 : vector<16xf32> to vector<16xf32>
    %swap3A_22 = vector.shape_cast %broadcast_in_dim3A_18 : vector<16xf32> to vector<16xf32>
    tpu.vector_store %arg7[%swap3A_19], %swap3A_22 {strides = array<i32>} : memref<128xf32, #tpu.memory_space<vmem>>, vector<16xf32>,
    %broadcast_in_dim3A_23 = arith.constant 1.000000e+00 : f32
    %broadcast_in_dim3A_24 = vector.broadcast %broadcast_in_dim3A_23 : f32 to vector<16xf32>
    %swap3A_25 = arith.constant 48 : index
    %swap3A_26 = tpu.vector_load %arg7[%swap3A_25] {strides = array<i32>} : memref<128xf32, #tpu.memory_space<vmem>>, vector<16xf32>,
    %swap3A_27 = vector.shape_cast %swap3A_26 : vector<16xf32> to vector<16xf32>
    %swap3A_28 = vector.shape_cast %broadcast_in_dim3A_24 : vector<16xf32> to vector<16xf32>
    tpu.vector_store %arg7[%swap3A_25], %swap3A_28 {strides = array<i32>} : memref<128xf32, #tpu.memory_space<vmem>>, vector<16xf32>,
    %broadcast_in_dim3A_29 = arith.constant 1.000000e+00 : f32
    %broadcast_in_dim3A_30 = vector.broadcast %broadcast_in_dim3A_29 : f32 to vector<16xf32>
    %swap3A_31 = arith.constant 64 : index
    %swap3A_32 = tpu.vector_load %arg7[%swap3A_31] {strides = array<i32>} : memref<128xf32, #tpu.memory_space<vmem>>, vector<16xf32>,
    %swap3A_33 = vector.shape_cast %swap3A_32 : vector<16xf32> to vector<16xf32>
    %swap3A_34 = vector.shape_cast %broadcast_in_dim3A_30 : vector<16xf32> to vector<16xf32>
    tpu.vector_store %arg7[%swap3A_31], %swap3A_34 {strides = array<i32>} : memref<128xf32, #tpu.memory_space<vmem>>, vector<16xf32>,
    %broadcast_in_dim3A_35 = arith.constant 1.000000e+00 : f32
    %broadcast_in_dim3A_36 = vector.broadcast %broadcast_in_dim3A_35 : f32 to vector<16xf32>
    %swap3A_37 = arith.constant 80 : index
    %swap3A_38 = tpu.vector_load %arg7[%swap3A_37] {strides = array<i32>} : memref<128xf32, #tpu.memory_space<vmem>>, vector<16xf32>,
    %swap3A_39 = vector.shape_cast %swap3A_38 : vector<16xf32> to vector<16xf32>
    %swap3A_40 = vector.shape_cast %broadcast_in_dim3A_36 : vector<16xf32> to vector<16xf32>
    tpu.vector_store %arg7[%swap3A_37], %swap3A_40 {strides = array<i32>} : memref<128xf32, #tpu.memory_space<vmem>>, vector<16xf32>,
    %broadcast_in_dim3A_41 = arith.constant 1.000000e+00 : f32
    %broadcast_in_dim3A_42 = vector.broadcast %broadcast_in_dim3A_41 : f32 to vector<16xf32>
    %swap3A_43 = arith.constant 96 : index
    %swap3A_44 = tpu.vector_load %arg7[%swap3A_43] {strides = array<i32>} : memref<128xf32, #tpu.memory_space<vmem>>, vector<16xf32>,
    %swap3A_45 = vector.shape_cast %swap3A_44 : vector<16xf32> to vector<16xf32>
    %swap3A_46 = vector.shape_cast %broadcast_in_dim3A_42 : vector<16xf32> to vector<16xf32>
    tpu.vector_store %arg7[%swap3A_43], %swap3A_46 {strides = array<i32>} : memref<128xf32, #tpu.memory_space<vmem>>, vector<16xf32>,
    %broadcast_in_dim3A_47 = arith.constant 1.000000e+00 : f32
    %broadcast_in_dim3A_48 = vector.broadcast %broadcast_in_dim3A_47 : f32 to vector<16xf32>
    %swap3A_49 = arith.constant 112 : index
    %swap3A_50 = tpu.vector_load %arg7[%swap3A_49] {strides = array<i32>} : memref<128xf32, #tpu.memory_space<vmem>>, vector<16xf32>,
    %swap3A_51 = vector.shape_cast %swap3A_50 : vector<16xf32> to vector<16xf32>
    %swap3A_52 = vector.shape_cast %broadcast_in_dim3A_48 : vector<16xf32> to vector<16xf32>
    tpu.vector_store %arg7[%swap3A_49], %swap3A_52 {strides = array<i32>} : memref<128xf32, #tpu.memory_space<vmem>>, vector<16xf32>,
    %lt3A_53 = arith.constant 31 : i32
    %lt3A_54 = arith.cmpi slt, %add3A, %lt3A_53 : i32
    %convert_element_type3A = arith.extui %lt3A_54 : i1 to i32
    %cond3A = arith.constant 1 : i32
    %cond3A_55 = arith.constant 0 : i32
    %cond3A_56 = arith.cmpi ne, %convert_element_type3A, %cond3A_55 : i32
    scf.if %cond3A_56 {
      %mul3A_94 = arith.constant 80 : i32
      %mul3A_95 = arith.muli %add3A, %mul3A_94 : i32
      "tpu.region"() ({
        %run_scoped3A = tpu.sem_alloc : memref<!tpu.dma_semaphore, #tpu.memory_space<semaphore_mem>>
        %dma_start3A = arith.constant 0 : i32
        %dma_start3A_96 = arith.constant 0 : i32
        %dma_start3A_97 = tpu.memref_slice %arg2[%cond3A, %dma_start3A, %dma_start3A_96] : memref<2x2500x128xi32, #tpu.memory_space<hbm>> -> memref<1x2500x128xi32, #tpu.memory_space<hbm>>
        %dma_start3A_98 = tpu.memref_squeeze %dma_start3A_97 : memref<1x2500x128xi32, #tpu.memory_space<hbm>> -> memref<2500x128xi32, #tpu.memory_space<hbm>>
        %dma_start3A_99 = arith.constant 0 : i32
        %dma_start3A_100 = tpu.memref_slice %dma_start3A_98[%mul3A_95, %dma_start3A_99] : memref<2500x128xi32, #tpu.memory_space<hbm>> -> memref<80x128xi32, #tpu.memory_space<hbm>>
        %dma_start3A_101 = arith.constant 0 : i32
        %dma_start3A_102 = arith.constant 0 : i32
        %dma_start3A_103 = tpu.memref_slice %arg2[%cond3A, %dma_start3A_101, %dma_start3A_102] : memref<2x2500x128xi32, #tpu.memory_space<hbm>> -> memref<1x2500x128xi32, #tpu.memory_space<hbm>>
        %dma_start3A_104 = tpu.memref_squeeze %dma_start3A_103 : memref<1x2500x128xi32, #tpu.memory_space<hbm>> -> memref<2500x128xi32, #tpu.memory_space<hbm>>
        %dma_start3A_105 = arith.constant 0 : i32
        %dma_start3A_106 = tpu.memref_slice %dma_start3A_104[%mul3A_95, %dma_start3A_105] : memref<2500x128xi32, #tpu.memory_space<hbm>> -> memref<80x128xi32, #tpu.memory_space<hbm>>
        tpu.enqueue_dma source(%dma_start3A_106 : memref<80x128xi32, #tpu.memory_space<hbm>>) target(%arg6 : memref<80x128xi32, #tpu.memory_space<vmem>>) target_semaphore(%run_scoped3A : memref<!tpu.dma_semaphore, #tpu.memory_space<semaphore_mem>>)
        %dma_wait3A = arith.constant 0 : i32
        %dma_wait3A_107 = arith.constant 0 : i32
        %dma_wait3A_108 = tpu.memref_slice %arg2[%cond3A, %dma_wait3A, %dma_wait3A_107] : memref<2x2500x128xi32, #tpu.memory_space<hbm>> -> memref<1x2500x128xi32, #tpu.memory_space<hbm>>
        %dma_wait3A_109 = tpu.memref_squeeze %dma_wait3A_108 : memref<1x2500x128xi32, #tpu.memory_space<hbm>> -> memref<2500x128xi32, #tpu.memory_space<hbm>>
        %dma_wait3A_110 = arith.constant 0 : i32
        %dma_wait3A_111 = tpu.memref_slice %dma_wait3A_109[%mul3A_95, %dma_wait3A_110] : memref<2500x128xi32, #tpu.memory_space<hbm>> -> memref<80x128xi32, #tpu.memory_space<hbm>>
        %dma_wait3A_112 = arith.constant 0 : i32
        %dma_wait3A_113 = arith.constant 0 : i32
        %dma_wait3A_114 = tpu.memref_slice %arg2[%cond3A, %dma_wait3A_112, %dma_wait3A_113] : memref<2x2500x128xi32, #tpu.memory_space<hbm>> -> memref<1x2500x128xi32, #tpu.memory_space<hbm>>
        %dma_wait3A_115 = tpu.memref_squeeze %dma_wait3A_114 : memref<1x2500x128xi32, #tpu.memory_space<hbm>> -> memref<2500x128xi32, #tpu.memory_space<hbm>>
        %dma_wait3A_116 = arith.constant 0 : i32
        %dma_wait3A_117 = tpu.memref_slice %dma_wait3A_115[%mul3A_95, %dma_wait3A_116] : memref<2500x128xi32, #tpu.memory_space<hbm>> -> memref<80x128xi32, #tpu.memory_space<hbm>>
        tpu.wait_dma2 semaphore(%run_scoped3A : memref<!tpu.dma_semaphore, #tpu.memory_space<semaphore_mem>>) src(%dma_wait3A_117 : memref<80x128xi32, #tpu.memory_space<hbm>>) dst(%arg6 : memref<80x128xi32, #tpu.memory_space<vmem>>)
        tpu.yield
      }) : () -> ()
    } else {
    }
    %eq3A = arith.constant 31 : i32
    %eq3A_57 = arith.cmpi eq, %add3A, %eq3A : i32
    %convert_element_type3A_58 = arith.extui %eq3A_57 : i1 to i32
    %cond3A_59 = arith.constant 1 : i32
    %cond3A_60 = arith.constant 0 : i32
    %cond3A_61 = arith.cmpi ne, %convert_element_type3A_58, %cond3A_60 : i32
    scf.if %cond3A_61 {
      "tpu.region"() ({
        %run_scoped3A = tpu.sem_alloc : memref<!tpu.dma_semaphore, #tpu.memory_space<semaphore_mem>>
        %dma_start3A = arith.constant 0 : i32
        %dma_start3A_94 = arith.constant 0 : i32
        %dma_start3A_95 = tpu.memref_slice %arg6[%dma_start3A, %dma_start3A_94] : memref<80x128xi32, #tpu.memory_space<vmem>> -> memref<20x128xi32, #tpu.memory_space<vmem>>
        %dma_start3A_96 = arith.constant 0 : i32
        %dma_start3A_97 = arith.constant 0 : i32
        %dma_start3A_98 = tpu.memref_slice %arg2[%cond3A_59, %dma_start3A_96, %dma_start3A_97] : memref<2x2500x128xi32, #tpu.memory_space<hbm>> -> memref<1x2500x128xi32, #tpu.memory_space<hbm>>
        %dma_start3A_99 = tpu.memref_squeeze %dma_start3A_98 : memref<1x2500x128xi32, #tpu.memory_space<hbm>> -> memref<2500x128xi32, #tpu.memory_space<hbm>>
        %dma_start3A_100 = arith.constant 2480 : i32
        %dma_start3A_101 = arith.constant 0 : i32
        %dma_start3A_102 = tpu.memref_slice %dma_start3A_99[%dma_start3A_100, %dma_start3A_101] : memref<2500x128xi32, #tpu.memory_space<hbm>> -> memref<20x128xi32, #tpu.memory_space<hbm>>
        %dma_start3A_103 = arith.constant 0 : i32
        %dma_start3A_104 = arith.constant 0 : i32
        %dma_start3A_105 = tpu.memref_slice %arg6[%dma_start3A_103, %dma_start3A_104] : memref<80x128xi32, #tpu.memory_space<vmem>> -> memref<20x128xi32, #tpu.memory_space<vmem>>
        %dma_start3A_106 = arith.constant 0 : i32
        %dma_start3A_107 = arith.constant 0 : i32
        %dma_start3A_108 = tpu.memref_slice %arg2[%cond3A_59, %dma_start3A_106, %dma_start3A_107] : memref<2x2500x128xi32, #tpu.memory_space<hbm>> -> memref<1x2500x128xi32, #tpu.memory_space<hbm>>
        %dma_start3A_109 = tpu.memref_squeeze %dma_start3A_108 : memref<1x2500x128xi32, #tpu.memory_space<hbm>> -> memref<2500x128xi32, #tpu.memory_space<hbm>>
        %dma_start3A_110 = arith.constant 2480 : i32
        %dma_start3A_111 = arith.constant 0 : i32
        %dma_start3A_112 = tpu.memref_slice %dma_start3A_109[%dma_start3A_110, %dma_start3A_111] : memref<2500x128xi32, #tpu.memory_space<hbm>> -> memref<20x128xi32, #tpu.memory_space<hbm>>
        tpu.enqueue_dma source(%dma_start3A_112 : memref<20x128xi32, #tpu.memory_space<hbm>>) target(%dma_start3A_105 : memref<20x128xi32, #tpu.memory_space<vmem>>) target_semaphore(%run_scoped3A : memref<!tpu.dma_semaphore, #tpu.memory_space<semaphore_mem>>)
        %dma_wait3A = arith.constant 0 : i32
        %dma_wait3A_113 = arith.constant 0 : i32
        %dma_wait3A_114 = tpu.memref_slice %arg6[%dma_wait3A, %dma_wait3A_113] : memref<80x128xi32, #tpu.memory_space<vmem>> -> memref<20x128xi32, #tpu.memory_space<vmem>>
        %dma_wait3A_115 = arith.constant 0 : i32
        %dma_wait3A_116 = arith.constant 0 : i32
        %dma_wait3A_117 = tpu.memref_slice %arg2[%cond3A_59, %dma_wait3A_115, %dma_wait3A_116] : memref<2x2500x128xi32, #tpu.memory_space<hbm>> -> memref<1x2500x128xi32, #tpu.memory_space<hbm>>
        %dma_wait3A_118 = tpu.memref_squeeze %dma_wait3A_117 : memref<1x2500x128xi32, #tpu.memory_space<hbm>> -> memref<2500x128xi32, #tpu.memory_space<hbm>>
        %dma_wait3A_119 = arith.constant 2480 : i32
        %dma_wait3A_120 = arith.constant 0 : i32
        %dma_wait3A_121 = tpu.memref_slice %dma_wait3A_118[%dma_wait3A_119, %dma_wait3A_120] : memref<2500x128xi32, #tpu.memory_space<hbm>> -> memref<20x128xi32, #tpu.memory_space<hbm>>
        %dma_wait3A_122 = arith.constant 0 : i32
        %dma_wait3A_123 = arith.constant 0 : i32
        %dma_wait3A_124 = tpu.memref_slice %arg6[%dma_wait3A_122, %dma_wait3A_123] : memref<80x128xi32, #tpu.memory_space<vmem>> -> memref<20x128xi32, #tpu.memory_space<vmem>>
        %dma_wait3A_125 = arith.constant 0 : i32
        %dma_wait3A_126 = arith.constant 0 : i32
        %dma_wait3A_127 = tpu.memref_slice %arg2[%cond3A_59, %dma_wait3A_125, %dma_wait3A_126] : memref<2x2500x128xi32, #tpu.memory_space<hbm>> -> memref<1x2500x128xi32, #tpu.memory_space<hbm>>
        %dma_wait3A_128 = tpu.memref_squeeze %dma_wait3A_127 : memref<1x2500x128xi32, #tpu.memory_space<hbm>> -> memref<2500x128xi32, #tpu.memory_space<hbm>>
        %dma_wait3A_129 = arith.constant 2480 : i32
        %dma_wait3A_130 = arith.constant 0 : i32
        %dma_wait3A_131 = tpu.memref_slice %dma_wait3A_128[%dma_wait3A_129, %dma_wait3A_130] : memref<2500x128xi32, #tpu.memory_space<hbm>> -> memref<20x128xi32, #tpu.memory_space<hbm>>
        tpu.wait_dma2 semaphore(%run_scoped3A : memref<!tpu.dma_semaphore, #tpu.memory_space<semaphore_mem>>) src(%dma_wait3A_131 : memref<20x128xi32, #tpu.memory_space<hbm>>) dst(%dma_wait3A_124 : memref<20x128xi32, #tpu.memory_space<vmem>>)
        tpu.yield
      }) : () -> ()
    } else {
    }
    %barrier3A = arith.constant 0 : index
    tpu.barrier barrier_id(%barrier3A)
    %while3A = arith.constant 0 : i32
    %while3A_62 = arith.constant 0 : i32
    %while3A_63 = arith.subi %select_n3A, %while3A_62 : i32
    %while3A_64 = arith.addi %while3A_62, %while3A_63 : i32
    %while3A_65 = arith.constant 1 : i32
    %while3A_66 = arith.divsi %while3A_63, %while3A_65 : i32
    %while3A_67 = arith.muli %while3A_66, %while3A_65 : i32
    %while3A_68 = arith.addi %while3A_62, %while3A_67 : i32
    %while3A_69 = arith.constant 1 : i32
    scf.for %while3A_94 = %while3A_62 to %while3A_68 step %while3A_69  : i32 {
      %dma_start3A = arith.constant 0 : i32
      %dma_start3A_95 = tpu.memref_slice %arg6[%while3A_94, %dma_start3A] : memref<80x128xi32, #tpu.memory_space<vmem>> -> memref<1x128xi32, #tpu.memory_space<vmem>>
      %dma_start3A_96 = tpu.memref_squeeze %dma_start3A_95 : memref<1x128xi32, #tpu.memory_space<vmem>> -> memref<128xi32, #tpu.memory_space<vmem>>
      %dma_start3A_97 = arith.constant 0 : i32
      %dma_start3A_98 = tpu.memref_slice %arg8[%dma_start3A_97] : memref<10240xf32, #tpu.memory_space<vmem_shared>> -> memref<10240xf32, #tpu.memory_space<vmem_shared>>
      tpu.enqueue_indirect_dma source(%arg7 : memref<128xf32, #tpu.memory_space<vmem>>) target(%dma_start3A_98 : memref<10240xf32, #tpu.memory_space<vmem_shared>>) offsets(%dma_start3A_96 : memref<128xi32, #tpu.memory_space<vmem>>) semaphore(%arg9 : memref<!tpu.dma_semaphore, #tpu.memory_space<semaphore_mem>>) {add = true}
      %ge3A = arith.constant 8 : i32
      %ge3A_99 = arith.cmpi sge, %while3A_94, %ge3A : i32
      %convert_element_type3A_100 = arith.extui %ge3A_99 : i1 to i32
      %cond3A_101 = arith.constant 0 : i32
      %cond3A_102 = arith.cmpi ne, %convert_element_type3A_100, %cond3A_101 : i32
      scf.if %cond3A_102 {
        %dma_wait3A = arith.constant 0 : i32
        %dma_wait3A_103 = arith.constant 0 : i32
        %dma_wait3A_104 = tpu.memref_slice %arg6[%dma_wait3A, %dma_wait3A_103] : memref<80x128xi32, #tpu.memory_space<vmem>> -> memref<1x128xi32, #tpu.memory_space<vmem>>
        %dma_wait3A_105 = tpu.memref_squeeze %dma_wait3A_104 : memref<1x128xi32, #tpu.memory_space<vmem>> -> memref<128xi32, #tpu.memory_space<vmem>>
        %dma_wait3A_106 = arith.constant 0 : i32
        %dma_wait3A_107 = tpu.memref_slice %arg8[%dma_wait3A_106] : memref<10240xf32, #tpu.memory_space<vmem_shared>> -> memref<10240xf32, #tpu.memory_space<vmem_shared>>
        tpu.wait_indirect_dma semaphore(%arg9 : memref<!tpu.dma_semaphore, #tpu.memory_space<semaphore_mem>>) src(%arg7 : memref<128xf32, #tpu.memory_space<vmem>>) dst(%dma_wait3A_107 : memref<10240xf32, #tpu.memory_space<vmem_shared>>)
      } else {
      }
    }
    %while3A_70 = arith.constant 1 : i32
    scf.for %while3A_94 = %while3A_68 to %while3A_64 step %while3A_70  : i32 {
      %dma_start3A = arith.constant 0 : i32
      %dma_start3A_95 = tpu.memref_slice %arg6[%while3A_94, %dma_start3A] : memref<80x128xi32, #tpu.memory_space<vmem>> -> memref<1x128xi32, #tpu.memory_space<vmem>>
      %dma_start3A_96 = tpu.memref_squeeze %dma_start3A_95 : memref<1x128xi32, #tpu.memory_space<vmem>> -> memref<128xi32, #tpu.memory_space<vmem>>
      %dma_start3A_97 = arith.constant 0 : i32
      %dma_start3A_98 = tpu.memref_slice %arg8[%dma_start3A_97] : memref<10240xf32, #tpu.memory_space<vmem_shared>> -> memref<10240xf32, #tpu.memory_space<vmem_shared>>
      tpu.enqueue_indirect_dma source(%arg7 : memref<128xf32, #tpu.memory_space<vmem>>) target(%dma_start3A_98 : memref<10240xf32, #tpu.memory_space<vmem_shared>>) offsets(%dma_start3A_96 : memref<128xi32, #tpu.memory_space<vmem>>) semaphore(%arg9 : memref<!tpu.dma_semaphore, #tpu.memory_space<semaphore_mem>>) {add = true}
      %ge3A = arith.constant 8 : i32
      %ge3A_99 = arith.cmpi sge, %while3A_94, %ge3A : i32
      %convert_element_type3A_100 = arith.extui %ge3A_99 : i1 to i32
      %cond3A_101 = arith.constant 0 : i32
      %cond3A_102 = arith.cmpi ne, %convert_element_type3A_100, %cond3A_101 : i32
      scf.if %cond3A_102 {
        %dma_wait3A = arith.constant 0 : i32
        %dma_wait3A_103 = arith.constant 0 : i32
        %dma_wait3A_104 = tpu.memref_slice %arg6[%dma_wait3A, %dma_wait3A_103] : memref<80x128xi32, #tpu.memory_space<vmem>> -> memref<1x128xi32, #tpu.memory_space<vmem>>
        %dma_wait3A_105 = tpu.memref_squeeze %dma_wait3A_104 : memref<1x128xi32, #tpu.memory_space<vmem>> -> memref<128xi32, #tpu.memory_space<vmem>>
        %dma_wait3A_106 = arith.constant 0 : i32
        %dma_wait3A_107 = tpu.memref_slice %arg8[%dma_wait3A_106] : memref<10240xf32, #tpu.memory_space<vmem_shared>> -> memref<10240xf32, #tpu.memory_space<vmem_shared>>
        tpu.wait_indirect_dma semaphore(%arg9 : memref<!tpu.dma_semaphore, #tpu.memory_space<semaphore_mem>>) src(%arg7 : memref<128xf32, #tpu.memory_space<vmem>>) dst(%dma_wait3A_107 : memref<10240xf32, #tpu.memory_space<vmem_shared>>)
      } else {
      }
    }
    %min3A = arith.constant 8 : i32
    %min3A_71 = arith.minsi %select_n3A, %min3A : i32
    %while3A_72 = arith.constant 0 : i32
    %while3A_73 = arith.constant 0 : i32
    %while3A_74 = arith.subi %min3A_71, %while3A_73 : i32
    %while3A_75 = arith.addi %while3A_73, %while3A_74 : i32
    %while3A_76 = arith.constant 1 : i32
    %while3A_77 = arith.divsi %while3A_74, %while3A_76 : i32
    %while3A_78 = arith.muli %while3A_77, %while3A_76 : i32
    %while3A_79 = arith.addi %while3A_73, %while3A_78 : i32
    %while3A_80 = arith.constant 1 : i32
    scf.for %while3A_94 = %while3A_73 to %while3A_79 step %while3A_80  : i32 {
      %dma_wait3A = arith.constant 0 : i32
      %dma_wait3A_95 = arith.constant 0 : i32
      %dma_wait3A_96 = tpu.memref_slice %arg6[%dma_wait3A, %dma_wait3A_95] : memref<80x128xi32, #tpu.memory_space<vmem>> -> memref<1x128xi32, #tpu.memory_space<vmem>>
      %dma_wait3A_97 = tpu.memref_squeeze %dma_wait3A_96 : memref<1x128xi32, #tpu.memory_space<vmem>> -> memref<128xi32, #tpu.memory_space<vmem>>
      %dma_wait3A_98 = arith.constant 0 : i32
      %dma_wait3A_99 = tpu.memref_slice %arg8[%dma_wait3A_98] : memref<10240xf32, #tpu.memory_space<vmem_shared>> -> memref<10240xf32, #tpu.memory_space<vmem_shared>>
      tpu.wait_indirect_dma semaphore(%arg9 : memref<!tpu.dma_semaphore, #tpu.memory_space<semaphore_mem>>) src(%arg7 : memref<128xf32, #tpu.memory_space<vmem>>) dst(%dma_wait3A_99 : memref<10240xf32, #tpu.memory_space<vmem_shared>>)
    }
    %while3A_81 = arith.constant 1 : i32
    scf.for %while3A_94 = %while3A_79 to %while3A_75 step %while3A_81  : i32 {
      %dma_wait3A = arith.constant 0 : i32
      %dma_wait3A_95 = arith.constant 0 : i32
      %dma_wait3A_96 = tpu.memref_slice %arg6[%dma_wait3A, %dma_wait3A_95] : memref<80x128xi32, #tpu.memory_space<vmem>> -> memref<1x128xi32, #tpu.memory_space<vmem>>
      %dma_wait3A_97 = tpu.memref_squeeze %dma_wait3A_96 : memref<1x128xi32, #tpu.memory_space<vmem>> -> memref<128xi32, #tpu.memory_space<vmem>>
      %dma_wait3A_98 = arith.constant 0 : i32
      %dma_wait3A_99 = tpu.memref_slice %arg8[%dma_wait3A_98] : memref<10240xf32, #tpu.memory_space<vmem_shared>> -> memref<10240xf32, #tpu.memory_space<vmem_shared>>
      tpu.wait_indirect_dma semaphore(%arg9 : memref<!tpu.dma_semaphore, #tpu.memory_space<semaphore_mem>>) src(%arg7 : memref<128xf32, #tpu.memory_space<vmem>>) dst(%dma_wait3A_99 : memref<10240xf32, #tpu.memory_space<vmem_shared>>)
    }
    %barrier3A_82 = arith.constant 0 : index
    tpu.barrier barrier_id(%barrier3A_82)
    %barrier3A_83 = arith.constant 0 : index
    tpu.barrier barrier_id(%barrier3A_83)
    %eq3A_84 = arith.constant 0 : i32
    %eq3A_85 = arith.cmpi eq, %arg0, %eq3A_84 : i32
    %convert_element_type3A_86 = arith.extui %eq3A_85 : i1 to i32
    %cond3A_87 = arith.constant 0 : i32
    %cond3A_88 = arith.cmpi ne, %convert_element_type3A_86, %cond3A_87 : i32
    scf.if %cond3A_88 {
      %mul3A_94 = arith.constant 640 : i32
      %mul3A_95 = arith.muli %arg1, %mul3A_94 : i32
      %mul3A_96 = arith.constant 640 : i32
      %mul3A_97 = arith.muli %arg1, %mul3A_96 : i32
      "tpu.region"() ({
        %run_scoped3A = tpu.sem_alloc : memref<!tpu.dma_semaphore, #tpu.memory_space<semaphore_mem>>
        %dma_start3A = tpu.memref_slice %arg4[%mul3A_97] : memref<10240xf32, #tpu.memory_space<hbm>> -> memref<640xf32, #tpu.memory_space<hbm>>
        %dma_start3A_98 = tpu.memref_slice %arg8[%mul3A_95] : memref<10240xf32, #tpu.memory_space<vmem_shared>> -> memref<640xf32, #tpu.memory_space<vmem_shared>>
        tpu.enqueue_dma source(%dma_start3A_98 : memref<640xf32, #tpu.memory_space<vmem_shared>>) target(%dma_start3A : memref<640xf32, #tpu.memory_space<hbm>>) target_semaphore(%run_scoped3A : memref<!tpu.dma_semaphore, #tpu.memory_space<semaphore_mem>>)
        %dma_wait3A = tpu.memref_slice %arg4[%mul3A_97] : memref<10240xf32, #tpu.memory_space<hbm>> -> memref<640xf32, #tpu.memory_space<hbm>>
        %dma_wait3A_99 = tpu.memref_slice %arg8[%mul3A_95] : memref<10240xf32, #tpu.memory_space<vmem_shared>> -> memref<640xf32, #tpu.memory_space<vmem_shared>>
        tpu.wait_dma2 semaphore(%run_scoped3A : memref<!tpu.dma_semaphore, #tpu.memory_space<semaphore_mem>>) src(%dma_wait3A_99 : memref<640xf32, #tpu.memory_space<vmem_shared>>) dst(%dma_wait3A : memref<640xf32, #tpu.memory_space<hbm>>)
        tpu.yield
      }) : () -> ()
    } else {
    }
    %eq3A_89 = arith.constant 1 : i32
    %eq3A_90 = arith.cmpi eq, %arg0, %eq3A_89 : i32
    %convert_element_type3A_91 = arith.extui %eq3A_90 : i1 to i32
    %cond3A_92 = arith.constant 0 : i32
    %cond3A_93 = arith.cmpi ne, %convert_element_type3A_91, %cond3A_92 : i32
    scf.if %cond3A_93 {
      %mul3A_94 = arith.constant 640 : i32
      %mul3A_95 = arith.muli %arg1, %mul3A_94 : i32
      %mul3A_96 = arith.constant 640 : i32
      %mul3A_97 = arith.muli %arg1, %mul3A_96 : i32
      "tpu.region"() ({
        %run_scoped3A = tpu.sem_alloc : memref<!tpu.dma_semaphore, #tpu.memory_space<semaphore_mem>>
        %dma_start3A = tpu.memref_slice %arg5[%mul3A_97] : memref<10240xf32, #tpu.memory_space<hbm>> -> memref<640xf32, #tpu.memory_space<hbm>>
        %dma_start3A_98 = tpu.memref_slice %arg8[%mul3A_95] : memref<10240xf32, #tpu.memory_space<vmem_shared>> -> memref<640xf32, #tpu.memory_space<vmem_shared>>
        tpu.enqueue_dma source(%dma_start3A_98 : memref<640xf32, #tpu.memory_space<vmem_shared>>) target(%dma_start3A : memref<640xf32, #tpu.memory_space<hbm>>) target_semaphore(%run_scoped3A : memref<!tpu.dma_semaphore, #tpu.memory_space<semaphore_mem>>)
        %dma_wait3A = tpu.memref_slice %arg5[%mul3A_97] : memref<10240xf32, #tpu.memory_space<hbm>> -> memref<640xf32, #tpu.memory_space<hbm>>
        %dma_wait3A_99 = tpu.memref_slice %arg8[%mul3A_95] : memref<10240xf32, #tpu.memory_space<vmem_shared>> -> memref<640xf32, #tpu.memory_space<vmem_shared>>
        tpu.wait_dma2 semaphore(%run_scoped3A : memref<!tpu.dma_semaphore, #tpu.memory_space<semaphore_mem>>) src(%dma_wait3A_99 : memref<640xf32, #tpu.memory_space<vmem_shared>>) dst(%dma_wait3A : memref<640xf32, #tpu.memory_space<hbm>>)
        tpu.yield
      }) : () -> ()
    } else {
    }
    return
  }
}

#map = affine_map<(d0, d1) -> (0, 0)>
#map1 = affine_map<(d0, d1) -> (0, 0, 0)>
module attributes {stable_mosaic.version = 14 : i64} {
  func.func @_spmm2_kernel(%arg0: i32, %arg1: i32, %arg2: memref<10240x16xf32, #tpu.memory_space<hbm>>, %arg3: memref<2x2500x128xi32, #tpu.memory_space<hbm>>, %arg4: memref<2x10240x16xf32, #tpu.memory_space<hbm>>, %arg5: memref<80x128xi32, #tpu.memory_space<vmem>>, %arg6: memref<80x128xi32, #tpu.memory_space<vmem>>, %arg7: memref<4x128x16xf32, #tpu.memory_space<vmem>>, %arg8: memref<10240x16xf32, #tpu.memory_space<vmem_shared>>, %arg9: memref<10240x16xf32, #tpu.memory_space<vmem_shared>>, %arg10: memref<!tpu.dma_semaphore, #tpu.memory_space<semaphore_mem>>, %arg11: memref<!tpu.dma_semaphore, #tpu.memory_space<semaphore_mem>>, %arg12: memref<!tpu.dma_semaphore, #tpu.memory_space<semaphore_mem>>, %arg13: memref<!tpu.dma_semaphore, #tpu.memory_space<semaphore_mem>>, %arg14: memref<!tpu.dma_semaphore, #tpu.memory_space<semaphore_mem>>, %arg15: memref<!tpu.dma_semaphore, #tpu.memory_space<semaphore_mem>>, %arg16: memref<!tpu.dma_semaphore, #tpu.memory_space<semaphore_mem>>, %arg17: memref<!tpu.dma_semaphore, #tpu.memory_space<semaphore_mem>>) attributes {dimension_semantics = [#tpu.dimension_semantics<core_parallel>, #tpu.dimension_semantics<subcore_parallel>], iteration_bounds = array<i64: 2, 16>, scalar_prefetch = 0 : i64, scratch_operands = 13 : i64, tpu.core_type = #tpu.core_type<sc_vector_subcore>, window_params = [{transform_indices = #map}, {transform_indices = #map1}, {transform_indices = #map1}]} {
    %mul3A = arith.constant 2 : i32
    %mul3A_0 = arith.muli %arg1, %mul3A : i32
    %add3A = arith.addi %mul3A_0, %arg0 : i32
    %lt3A = arith.constant 31 : i32
    %lt3A_1 = arith.cmpi slt, %add3A, %lt3A : i32
    %jit3A = arith.constant 20 : i32
    %jit3A_2 = arith.constant 5 : i32
    %select_n3A = arith.select %lt3A_1, %jit3A, %jit3A_2 : i32
    %mul3A_3 = arith.constant 640 : i32
    %mul3A_4 = arith.muli %arg1, %mul3A_3 : i32
    %mul3A_5 = arith.constant 640 : i32
    %mul3A_6 = arith.muli %arg1, %mul3A_5 : i32
    "tpu.region"() ({
      %run_scoped3A = tpu.sem_alloc : memref<!tpu.dma_semaphore, #tpu.memory_space<semaphore_mem>>
      %dma_start3A_131 = arith.constant 0 : i32
      %dma_start3A_132 = tpu.memref_slice %arg8[%mul3A_6, %dma_start3A_131] : memref<10240x16xf32, #tpu.memory_space<vmem_shared>> -> memref<640x16xf32, #tpu.memory_space<vmem_shared>>
      %dma_start3A_133 = arith.constant 0 : i32
      %dma_start3A_134 = tpu.memref_slice %arg2[%mul3A_4, %dma_start3A_133] : memref<10240x16xf32, #tpu.memory_space<hbm>> -> memref<640x16xf32, #tpu.memory_space<hbm>>
      tpu.enqueue_dma source(%dma_start3A_134 : memref<640x16xf32, #tpu.memory_space<hbm>>) target(%dma_start3A_132 : memref<640x16xf32, #tpu.memory_space<vmem_shared>>) target_semaphore(%run_scoped3A : memref<!tpu.dma_semaphore, #tpu.memory_space<semaphore_mem>>)
      %dma_wait3A_135 = arith.constant 0 : i32
      %dma_wait3A_136 = tpu.memref_slice %arg8[%mul3A_6, %dma_wait3A_135] : memref<10240x16xf32, #tpu.memory_space<vmem_shared>> -> memref<640x16xf32, #tpu.memory_space<vmem_shared>>
      %dma_wait3A_137 = arith.constant 0 : i32
      %dma_wait3A_138 = tpu.memref_slice %arg2[%mul3A_4, %dma_wait3A_137] : memref<10240x16xf32, #tpu.memory_space<hbm>> -> memref<640x16xf32, #tpu.memory_space<hbm>>
      tpu.wait_dma2 semaphore(%run_scoped3A : memref<!tpu.dma_semaphore, #tpu.memory_space<semaphore_mem>>) src(%dma_wait3A_138 : memref<640x16xf32, #tpu.memory_space<hbm>>) dst(%dma_wait3A_136 : memref<640x16xf32, #tpu.memory_space<vmem_shared>>)
      tpu.yield
    }) : () -> ()
    %mul3A_7 = arith.constant 640 : i32
    %mul3A_8 = arith.muli %arg1, %mul3A_7 : i32
    %mul3A_9 = arith.constant 640 : i32
    %mul3A_10 = arith.muli %arg1, %mul3A_9 : i32
    "tpu.region"() ({
      %run_scoped3A = tpu.sem_alloc : memref<!tpu.dma_semaphore, #tpu.memory_space<semaphore_mem>>
      %dma_start3A_131 = arith.constant 0 : i32
      %dma_start3A_132 = tpu.memref_slice %arg9[%mul3A_10, %dma_start3A_131] : memref<10240x16xf32, #tpu.memory_space<vmem_shared>> -> memref<640x16xf32, #tpu.memory_space<vmem_shared>>
      %dma_start3A_133 = arith.constant 0 : i32
      %dma_start3A_134 = tpu.memref_slice %arg2[%mul3A_8, %dma_start3A_133] : memref<10240x16xf32, #tpu.memory_space<hbm>> -> memref<640x16xf32, #tpu.memory_space<hbm>>
      tpu.enqueue_dma source(%dma_start3A_134 : memref<640x16xf32, #tpu.memory_space<hbm>>) target(%dma_start3A_132 : memref<640x16xf32, #tpu.memory_space<vmem_shared>>) target_semaphore(%run_scoped3A : memref<!tpu.dma_semaphore, #tpu.memory_space<semaphore_mem>>)
      %dma_wait3A_135 = arith.constant 0 : i32
      %dma_wait3A_136 = tpu.memref_slice %arg9[%mul3A_10, %dma_wait3A_135] : memref<10240x16xf32, #tpu.memory_space<vmem_shared>> -> memref<640x16xf32, #tpu.memory_space<vmem_shared>>
      %dma_wait3A_137 = arith.constant 0 : i32
      %dma_wait3A_138 = tpu.memref_slice %arg2[%mul3A_8, %dma_wait3A_137] : memref<10240x16xf32, #tpu.memory_space<hbm>> -> memref<640x16xf32, #tpu.memory_space<hbm>>
      tpu.wait_dma2 semaphore(%run_scoped3A : memref<!tpu.dma_semaphore, #tpu.memory_space<semaphore_mem>>) src(%dma_wait3A_138 : memref<640x16xf32, #tpu.memory_space<hbm>>) dst(%dma_wait3A_136 : memref<640x16xf32, #tpu.memory_space<vmem_shared>>)
      tpu.yield
    }) : () -> ()
    %lt3A_11 = arith.constant 31 : i32
    %lt3A_12 = arith.cmpi slt, %add3A, %lt3A_11 : i32
    %convert_element_type3A = arith.extui %lt3A_12 : i1 to i32
    %cond3A = arith.constant 0 : i32
    %cond3A_13 = arith.constant 1 : i32
    %cond3A_14 = arith.constant 0 : i32
    %cond3A_15 = arith.cmpi ne, %convert_element_type3A, %cond3A_14 : i32
    scf.if %cond3A_15 {
      %mul3A_131 = arith.constant 80 : i32
      %mul3A_132 = arith.muli %add3A, %mul3A_131 : i32
      "tpu.region"() ({
        %run_scoped3A = tpu.sem_alloc : memref<!tpu.dma_semaphore, #tpu.memory_space<semaphore_mem>>
        %dma_start3A_135 = arith.constant 0 : i32
        %dma_start3A_136 = arith.constant 0 : i32
        %dma_start3A_137 = tpu.memref_slice %arg3[%cond3A, %dma_start3A_135, %dma_start3A_136] : memref<2x2500x128xi32, #tpu.memory_space<hbm>> -> memref<1x2500x128xi32, #tpu.memory_space<hbm>>
        %dma_start3A_138 = tpu.memref_squeeze %dma_start3A_137 : memref<1x2500x128xi32, #tpu.memory_space<hbm>> -> memref<2500x128xi32, #tpu.memory_space<hbm>>
        %dma_start3A_139 = arith.constant 0 : i32
        %dma_start3A_140 = tpu.memref_slice %dma_start3A_138[%mul3A_132, %dma_start3A_139] : memref<2500x128xi32, #tpu.memory_space<hbm>> -> memref<80x128xi32, #tpu.memory_space<hbm>>
        %dma_start3A_141 = arith.constant 0 : i32
        %dma_start3A_142 = arith.constant 0 : i32
        %dma_start3A_143 = tpu.memref_slice %arg3[%cond3A, %dma_start3A_141, %dma_start3A_142] : memref<2x2500x128xi32, #tpu.memory_space<hbm>> -> memref<1x2500x128xi32, #tpu.memory_space<hbm>>
        %dma_start3A_144 = tpu.memref_squeeze %dma_start3A_143 : memref<1x2500x128xi32, #tpu.memory_space<hbm>> -> memref<2500x128xi32, #tpu.memory_space<hbm>>
        %dma_start3A_145 = arith.constant 0 : i32
        %dma_start3A_146 = tpu.memref_slice %dma_start3A_144[%mul3A_132, %dma_start3A_145] : memref<2500x128xi32, #tpu.memory_space<hbm>> -> memref<80x128xi32, #tpu.memory_space<hbm>>
        tpu.enqueue_dma source(%dma_start3A_146 : memref<80x128xi32, #tpu.memory_space<hbm>>) target(%arg5 : memref<80x128xi32, #tpu.memory_space<vmem>>) target_semaphore(%run_scoped3A : memref<!tpu.dma_semaphore, #tpu.memory_space<semaphore_mem>>)
        %dma_wait3A_147 = arith.constant 0 : i32
        %dma_wait3A_148 = arith.constant 0 : i32
        %dma_wait3A_149 = tpu.memref_slice %arg3[%cond3A, %dma_wait3A_147, %dma_wait3A_148] : memref<2x2500x128xi32, #tpu.memory_space<hbm>> -> memref<1x2500x128xi32, #tpu.memory_space<hbm>>
        %dma_wait3A_150 = tpu.memref_squeeze %dma_wait3A_149 : memref<1x2500x128xi32, #tpu.memory_space<hbm>> -> memref<2500x128xi32, #tpu.memory_space<hbm>>
        %dma_wait3A_151 = arith.constant 0 : i32
        %dma_wait3A_152 = tpu.memref_slice %dma_wait3A_150[%mul3A_132, %dma_wait3A_151] : memref<2500x128xi32, #tpu.memory_space<hbm>> -> memref<80x128xi32, #tpu.memory_space<hbm>>
        %dma_wait3A_153 = arith.constant 0 : i32
        %dma_wait3A_154 = arith.constant 0 : i32
        %dma_wait3A_155 = tpu.memref_slice %arg3[%cond3A, %dma_wait3A_153, %dma_wait3A_154] : memref<2x2500x128xi32, #tpu.memory_space<hbm>> -> memref<1x2500x128xi32, #tpu.memory_space<hbm>>
        %dma_wait3A_156 = tpu.memref_squeeze %dma_wait3A_155 : memref<1x2500x128xi32, #tpu.memory_space<hbm>> -> memref<2500x128xi32, #tpu.memory_space<hbm>>
        %dma_wait3A_157 = arith.constant 0 : i32
        %dma_wait3A_158 = tpu.memref_slice %dma_wait3A_156[%mul3A_132, %dma_wait3A_157] : memref<2500x128xi32, #tpu.memory_space<hbm>> -> memref<80x128xi32, #tpu.memory_space<hbm>>
        tpu.wait_dma2 semaphore(%run_scoped3A : memref<!tpu.dma_semaphore, #tpu.memory_space<semaphore_mem>>) src(%dma_wait3A_158 : memref<80x128xi32, #tpu.memory_space<hbm>>) dst(%arg5 : memref<80x128xi32, #tpu.memory_space<vmem>>)
        tpu.yield
      }) : () -> ()
      %mul3A_133 = arith.constant 80 : i32
      %mul3A_134 = arith.muli %add3A, %mul3A_133 : i32
      "tpu.region"() ({
        %run_scoped3A = tpu.sem_alloc : memref<!tpu.dma_semaphore, #tpu.memory_space<semaphore_mem>>
        %dma_start3A_135 = arith.constant 0 : i32
        %dma_start3A_136 = arith.constant 0 : i32
        %dma_start3A_137 = tpu.memref_slice %arg3[%cond3A_13, %dma_start3A_135, %dma_start3A_136] : memref<2x2500x128xi32, #tpu.memory_space<hbm>> -> memref<1x2500x128xi32, #tpu.memory_space<hbm>>
        %dma_start3A_138 = tpu.memref_squeeze %dma_start3A_137 : memref<1x2500x128xi32, #tpu.memory_space<hbm>> -> memref<2500x128xi32, #tpu.memory_space<hbm>>
        %dma_start3A_139 = arith.constant 0 : i32
        %dma_start3A_140 = tpu.memref_slice %dma_start3A_138[%mul3A_134, %dma_start3A_139] : memref<2500x128xi32, #tpu.memory_space<hbm>> -> memref<80x128xi32, #tpu.memory_space<hbm>>
        %dma_start3A_141 = arith.constant 0 : i32
        %dma_start3A_142 = arith.constant 0 : i32
        %dma_start3A_143 = tpu.memref_slice %arg3[%cond3A_13, %dma_start3A_141, %dma_start3A_142] : memref<2x2500x128xi32, #tpu.memory_space<hbm>> -> memref<1x2500x128xi32, #tpu.memory_space<hbm>>
        %dma_start3A_144 = tpu.memref_squeeze %dma_start3A_143 : memref<1x2500x128xi32, #tpu.memory_space<hbm>> -> memref<2500x128xi32, #tpu.memory_space<hbm>>
        %dma_start3A_145 = arith.constant 0 : i32
        %dma_start3A_146 = tpu.memref_slice %dma_start3A_144[%mul3A_134, %dma_start3A_145] : memref<2500x128xi32, #tpu.memory_space<hbm>> -> memref<80x128xi32, #tpu.memory_space<hbm>>
        tpu.enqueue_dma source(%dma_start3A_146 : memref<80x128xi32, #tpu.memory_space<hbm>>) target(%arg6 : memref<80x128xi32, #tpu.memory_space<vmem>>) target_semaphore(%run_scoped3A : memref<!tpu.dma_semaphore, #tpu.memory_space<semaphore_mem>>)
        %dma_wait3A_147 = arith.constant 0 : i32
        %dma_wait3A_148 = arith.constant 0 : i32
        %dma_wait3A_149 = tpu.memref_slice %arg3[%cond3A_13, %dma_wait3A_147, %dma_wait3A_148] : memref<2x2500x128xi32, #tpu.memory_space<hbm>> -> memref<1x2500x128xi32, #tpu.memory_space<hbm>>
        %dma_wait3A_150 = tpu.memref_squeeze %dma_wait3A_149 : memref<1x2500x128xi32, #tpu.memory_space<hbm>> -> memref<2500x128xi32, #tpu.memory_space<hbm>>
        %dma_wait3A_151 = arith.constant 0 : i32
        %dma_wait3A_152 = tpu.memref_slice %dma_wait3A_150[%mul3A_134, %dma_wait3A_151] : memref<2500x128xi32, #tpu.memory_space<hbm>> -> memref<80x128xi32, #tpu.memory_space<hbm>>
        %dma_wait3A_153 = arith.constant 0 : i32
        %dma_wait3A_154 = arith.constant 0 : i32
        %dma_wait3A_155 = tpu.memref_slice %arg3[%cond3A_13, %dma_wait3A_153, %dma_wait3A_154] : memref<2x2500x128xi32, #tpu.memory_space<hbm>> -> memref<1x2500x128xi32, #tpu.memory_space<hbm>>
        %dma_wait3A_156 = tpu.memref_squeeze %dma_wait3A_155 : memref<1x2500x128xi32, #tpu.memory_space<hbm>> -> memref<2500x128xi32, #tpu.memory_space<hbm>>
        %dma_wait3A_157 = arith.constant 0 : i32
        %dma_wait3A_158 = tpu.memref_slice %dma_wait3A_156[%mul3A_134, %dma_wait3A_157] : memref<2500x128xi32, #tpu.memory_space<hbm>> -> memref<80x128xi32, #tpu.memory_space<hbm>>
        tpu.wait_dma2 semaphore(%run_scoped3A : memref<!tpu.dma_semaphore, #tpu.memory_space<semaphore_mem>>) src(%dma_wait3A_158 : memref<80x128xi32, #tpu.memory_space<hbm>>) dst(%arg6 : memref<80x128xi32, #tpu.memory_space<vmem>>)
        tpu.yield
      }) : () -> ()
    } else {
    }
    %eq3A = arith.constant 31 : i32
    %eq3A_16 = arith.cmpi eq, %add3A, %eq3A : i32
    %convert_element_type3A_17 = arith.extui %eq3A_16 : i1 to i32
    %cond3A_18 = arith.constant 0 : i32
    %cond3A_19 = arith.constant 1 : i32
    %cond3A_20 = arith.constant 0 : i32
    %cond3A_21 = arith.cmpi ne, %convert_element_type3A_17, %cond3A_20 : i32
    scf.if %cond3A_21 {
      "tpu.region"() ({
        %run_scoped3A = tpu.sem_alloc : memref<!tpu.dma_semaphore, #tpu.memory_space<semaphore_mem>>
        %dma_start3A_131 = arith.constant 0 : i32
        %dma_start3A_132 = arith.constant 0 : i32
        %dma_start3A_133 = tpu.memref_slice %arg5[%dma_start3A_131, %dma_start3A_132] : memref<80x128xi32, #tpu.memory_space<vmem>> -> memref<20x128xi32, #tpu.memory_space<vmem>>
        %dma_start3A_134 = arith.constant 0 : i32
        %dma_start3A_135 = arith.constant 0 : i32
        %dma_start3A_136 = tpu.memref_slice %arg3[%cond3A_18, %dma_start3A_134, %dma_start3A_135] : memref<2x2500x128xi32, #tpu.memory_space<hbm>> -> memref<1x2500x128xi32, #tpu.memory_space<hbm>>
        %dma_start3A_137 = tpu.memref_squeeze %dma_start3A_136 : memref<1x2500x128xi32, #tpu.memory_space<hbm>> -> memref<2500x128xi32, #tpu.memory_space<hbm>>
        %dma_start3A_138 = arith.constant 2480 : i32
        %dma_start3A_139 = arith.constant 0 : i32
        %dma_start3A_140 = tpu.memref_slice %dma_start3A_137[%dma_start3A_138, %dma_start3A_139] : memref<2500x128xi32, #tpu.memory_space<hbm>> -> memref<20x128xi32, #tpu.memory_space<hbm>>
        %dma_start3A_141 = arith.constant 0 : i32
        %dma_start3A_142 = arith.constant 0 : i32
        %dma_start3A_143 = tpu.memref_slice %arg5[%dma_start3A_141, %dma_start3A_142] : memref<80x128xi32, #tpu.memory_space<vmem>> -> memref<20x128xi32, #tpu.memory_space<vmem>>
        %dma_start3A_144 = arith.constant 0 : i32
        %dma_start3A_145 = arith.constant 0 : i32
        %dma_start3A_146 = tpu.memref_slice %arg3[%cond3A_18, %dma_start3A_144, %dma_start3A_145] : memref<2x2500x128xi32, #tpu.memory_space<hbm>> -> memref<1x2500x128xi32, #tpu.memory_space<hbm>>
        %dma_start3A_147 = tpu.memref_squeeze %dma_start3A_146 : memref<1x2500x128xi32, #tpu.memory_space<hbm>> -> memref<2500x128xi32, #tpu.memory_space<hbm>>
        %dma_start3A_148 = arith.constant 2480 : i32
        %dma_start3A_149 = arith.constant 0 : i32
        %dma_start3A_150 = tpu.memref_slice %dma_start3A_147[%dma_start3A_148, %dma_start3A_149] : memref<2500x128xi32, #tpu.memory_space<hbm>> -> memref<20x128xi32, #tpu.memory_space<hbm>>
        tpu.enqueue_dma source(%dma_start3A_150 : memref<20x128xi32, #tpu.memory_space<hbm>>) target(%dma_start3A_143 : memref<20x128xi32, #tpu.memory_space<vmem>>) target_semaphore(%run_scoped3A : memref<!tpu.dma_semaphore, #tpu.memory_space<semaphore_mem>>)
        %dma_wait3A_151 = arith.constant 0 : i32
        %dma_wait3A_152 = arith.constant 0 : i32
        %dma_wait3A_153 = tpu.memref_slice %arg5[%dma_wait3A_151, %dma_wait3A_152] : memref<80x128xi32, #tpu.memory_space<vmem>> -> memref<20x128xi32, #tpu.memory_space<vmem>>
        %dma_wait3A_154 = arith.constant 0 : i32
        %dma_wait3A_155 = arith.constant 0 : i32
        %dma_wait3A_156 = tpu.memref_slice %arg3[%cond3A_18, %dma_wait3A_154, %dma_wait3A_155] : memref<2x2500x128xi32, #tpu.memory_space<hbm>> -> memref<1x2500x128xi32, #tpu.memory_space<hbm>>
        %dma_wait3A_157 = tpu.memref_squeeze %dma_wait3A_156 : memref<1x2500x128xi32, #tpu.memory_space<hbm>> -> memref<2500x128xi32, #tpu.memory_space<hbm>>
        %dma_wait3A_158 = arith.constant 2480 : i32
        %dma_wait3A_159 = arith.constant 0 : i32
        %dma_wait3A_160 = tpu.memref_slice %dma_wait3A_157[%dma_wait3A_158, %dma_wait3A_159] : memref<2500x128xi32, #tpu.memory_space<hbm>> -> memref<20x128xi32, #tpu.memory_space<hbm>>
        %dma_wait3A_161 = arith.constant 0 : i32
        %dma_wait3A_162 = arith.constant 0 : i32
        %dma_wait3A_163 = tpu.memref_slice %arg5[%dma_wait3A_161, %dma_wait3A_162] : memref<80x128xi32, #tpu.memory_space<vmem>> -> memref<20x128xi32, #tpu.memory_space<vmem>>
        %dma_wait3A_164 = arith.constant 0 : i32
        %dma_wait3A_165 = arith.constant 0 : i32
        %dma_wait3A_166 = tpu.memref_slice %arg3[%cond3A_18, %dma_wait3A_164, %dma_wait3A_165] : memref<2x2500x128xi32, #tpu.memory_space<hbm>> -> memref<1x2500x128xi32, #tpu.memory_space<hbm>>
        %dma_wait3A_167 = tpu.memref_squeeze %dma_wait3A_166 : memref<1x2500x128xi32, #tpu.memory_space<hbm>> -> memref<2500x128xi32, #tpu.memory_space<hbm>>
        %dma_wait3A_168 = arith.constant 2480 : i32
        %dma_wait3A_169 = arith.constant 0 : i32
        %dma_wait3A_170 = tpu.memref_slice %dma_wait3A_167[%dma_wait3A_168, %dma_wait3A_169] : memref<2500x128xi32, #tpu.memory_space<hbm>> -> memref<20x128xi32, #tpu.memory_space<hbm>>
        tpu.wait_dma2 semaphore(%run_scoped3A : memref<!tpu.dma_semaphore, #tpu.memory_space<semaphore_mem>>) src(%dma_wait3A_170 : memref<20x128xi32, #tpu.memory_space<hbm>>) dst(%dma_wait3A_163 : memref<20x128xi32, #tpu.memory_space<vmem>>)
        tpu.yield
      }) : () -> ()
      "tpu.region"() ({
        %run_scoped3A = tpu.sem_alloc : memref<!tpu.dma_semaphore, #tpu.memory_space<semaphore_mem>>
        %dma_start3A_131 = arith.constant 0 : i32
        %dma_start3A_132 = arith.constant 0 : i32
        %dma_start3A_133 = tpu.memref_slice %arg6[%dma_start3A_131, %dma_start3A_132] : memref<80x128xi32, #tpu.memory_space<vmem>> -> memref<20x128xi32, #tpu.memory_space<vmem>>
        %dma_start3A_134 = arith.constant 0 : i32
        %dma_start3A_135 = arith.constant 0 : i32
        %dma_start3A_136 = tpu.memref_slice %arg3[%cond3A_19, %dma_start3A_134, %dma_start3A_135] : memref<2x2500x128xi32, #tpu.memory_space<hbm>> -> memref<1x2500x128xi32, #tpu.memory_space<hbm>>
        %dma_start3A_137 = tpu.memref_squeeze %dma_start3A_136 : memref<1x2500x128xi32, #tpu.memory_space<hbm>> -> memref<2500x128xi32, #tpu.memory_space<hbm>>
        %dma_start3A_138 = arith.constant 2480 : i32
        %dma_start3A_139 = arith.constant 0 : i32
        %dma_start3A_140 = tpu.memref_slice %dma_start3A_137[%dma_start3A_138, %dma_start3A_139] : memref<2500x128xi32, #tpu.memory_space<hbm>> -> memref<20x128xi32, #tpu.memory_space<hbm>>
        %dma_start3A_141 = arith.constant 0 : i32
        %dma_start3A_142 = arith.constant 0 : i32
        %dma_start3A_143 = tpu.memref_slice %arg6[%dma_start3A_141, %dma_start3A_142] : memref<80x128xi32, #tpu.memory_space<vmem>> -> memref<20x128xi32, #tpu.memory_space<vmem>>
        %dma_start3A_144 = arith.constant 0 : i32
        %dma_start3A_145 = arith.constant 0 : i32
        %dma_start3A_146 = tpu.memref_slice %arg3[%cond3A_19, %dma_start3A_144, %dma_start3A_145] : memref<2x2500x128xi32, #tpu.memory_space<hbm>> -> memref<1x2500x128xi32, #tpu.memory_space<hbm>>
        %dma_start3A_147 = tpu.memref_squeeze %dma_start3A_146 : memref<1x2500x128xi32, #tpu.memory_space<hbm>> -> memref<2500x128xi32, #tpu.memory_space<hbm>>
        %dma_start3A_148 = arith.constant 2480 : i32
        %dma_start3A_149 = arith.constant 0 : i32
        %dma_start3A_150 = tpu.memref_slice %dma_start3A_147[%dma_start3A_148, %dma_start3A_149] : memref<2500x128xi32, #tpu.memory_space<hbm>> -> memref<20x128xi32, #tpu.memory_space<hbm>>
        tpu.enqueue_dma source(%dma_start3A_150 : memref<20x128xi32, #tpu.memory_space<hbm>>) target(%dma_start3A_143 : memref<20x128xi32, #tpu.memory_space<vmem>>) target_semaphore(%run_scoped3A : memref<!tpu.dma_semaphore, #tpu.memory_space<semaphore_mem>>)
        %dma_wait3A_151 = arith.constant 0 : i32
        %dma_wait3A_152 = arith.constant 0 : i32
        %dma_wait3A_153 = tpu.memref_slice %arg6[%dma_wait3A_151, %dma_wait3A_152] : memref<80x128xi32, #tpu.memory_space<vmem>> -> memref<20x128xi32, #tpu.memory_space<vmem>>
        %dma_wait3A_154 = arith.constant 0 : i32
        %dma_wait3A_155 = arith.constant 0 : i32
        %dma_wait3A_156 = tpu.memref_slice %arg3[%cond3A_19, %dma_wait3A_154, %dma_wait3A_155] : memref<2x2500x128xi32, #tpu.memory_space<hbm>> -> memref<1x2500x128xi32, #tpu.memory_space<hbm>>
        %dma_wait3A_157 = tpu.memref_squeeze %dma_wait3A_156 : memref<1x2500x128xi32, #tpu.memory_space<hbm>> -> memref<2500x128xi32, #tpu.memory_space<hbm>>
        %dma_wait3A_158 = arith.constant 2480 : i32
        %dma_wait3A_159 = arith.constant 0 : i32
        %dma_wait3A_160 = tpu.memref_slice %dma_wait3A_157[%dma_wait3A_158, %dma_wait3A_159] : memref<2500x128xi32, #tpu.memory_space<hbm>> -> memref<20x128xi32, #tpu.memory_space<hbm>>
        %dma_wait3A_161 = arith.constant 0 : i32
        %dma_wait3A_162 = arith.constant 0 : i32
        %dma_wait3A_163 = tpu.memref_slice %arg6[%dma_wait3A_161, %dma_wait3A_162] : memref<80x128xi32, #tpu.memory_space<vmem>> -> memref<20x128xi32, #tpu.memory_space<vmem>>
        %dma_wait3A_164 = arith.constant 0 : i32
        %dma_wait3A_165 = arith.constant 0 : i32
        %dma_wait3A_166 = tpu.memref_slice %arg3[%cond3A_19, %dma_wait3A_164, %dma_wait3A_165] : memref<2x2500x128xi32, #tpu.memory_space<hbm>> -> memref<1x2500x128xi32, #tpu.memory_space<hbm>>
        %dma_wait3A_167 = tpu.memref_squeeze %dma_wait3A_166 : memref<1x2500x128xi32, #tpu.memory_space<hbm>> -> memref<2500x128xi32, #tpu.memory_space<hbm>>
        %dma_wait3A_168 = arith.constant 2480 : i32
        %dma_wait3A_169 = arith.constant 0 : i32
        %dma_wait3A_170 = tpu.memref_slice %dma_wait3A_167[%dma_wait3A_168, %dma_wait3A_169] : memref<2500x128xi32, #tpu.memory_space<hbm>> -> memref<20x128xi32, #tpu.memory_space<hbm>>
        tpu.wait_dma2 semaphore(%run_scoped3A : memref<!tpu.dma_semaphore, #tpu.memory_space<semaphore_mem>>) src(%dma_wait3A_170 : memref<20x128xi32, #tpu.memory_space<hbm>>) dst(%dma_wait3A_163 : memref<20x128xi32, #tpu.memory_space<vmem>>)
        tpu.yield
      }) : () -> ()
    } else {
    }
    %barrier3A = arith.constant 0 : index
    tpu.barrier barrier_id(%barrier3A)
    %dma_start3A = arith.constant 0 : i32
    %dma_start3A_22 = arith.constant 0 : i32
    %dma_start3A_23 = arith.constant 0 : i32
    %dma_start3A_24 = arith.constant 0 : i32
    %dma_start3A_25 = tpu.memref_slice %arg7[%dma_start3A_22, %dma_start3A_23, %dma_start3A_24] : memref<4x128x16xf32, #tpu.memory_space<vmem>> -> memref<1x128x16xf32, #tpu.memory_space<vmem>>
    %dma_start3A_26 = tpu.memref_squeeze %dma_start3A_25 : memref<1x128x16xf32, #tpu.memory_space<vmem>> -> memref<128x16xf32, #tpu.memory_space<vmem>>
    %dma_start3A_27 = arith.constant 0 : i32
    %dma_start3A_28 = tpu.memref_slice %arg5[%dma_start3A, %dma_start3A_27] : memref<80x128xi32, #tpu.memory_space<vmem>> -> memref<1x128xi32, #tpu.memory_space<vmem>>
    %dma_start3A_29 = tpu.memref_squeeze %dma_start3A_28 : memref<1x128xi32, #tpu.memory_space<vmem>> -> memref<128xi32, #tpu.memory_space<vmem>>
    %dma_start3A_30 = arith.constant 0 : i32
    %dma_start3A_31 = arith.constant 0 : i32
    %dma_start3A_32 = tpu.memref_slice %arg8[%dma_start3A_30, %dma_start3A_31] : memref<10240x16xf32, #tpu.memory_space<vmem_shared>> -> memref<10240x16xf32, #tpu.memory_space<vmem_shared>>
    tpu.enqueue_indirect_dma source(%dma_start3A_32 : memref<10240x16xf32, #tpu.memory_space<vmem_shared>>) target(%dma_start3A_26 : memref<128x16xf32, #tpu.memory_space<vmem>>) offsets(%dma_start3A_29 : memref<128xi32, #tpu.memory_space<vmem>>) semaphore(%arg10 : memref<!tpu.dma_semaphore, #tpu.memory_space<semaphore_mem>>)
    %dma_start3A_33 = arith.constant 1 : i32
    %dma_start3A_34 = arith.constant 1 : i32
    %dma_start3A_35 = arith.constant 0 : i32
    %dma_start3A_36 = arith.constant 0 : i32
    %dma_start3A_37 = tpu.memref_slice %arg7[%dma_start3A_34, %dma_start3A_35, %dma_start3A_36] : memref<4x128x16xf32, #tpu.memory_space<vmem>> -> memref<1x128x16xf32, #tpu.memory_space<vmem>>
    %dma_start3A_38 = tpu.memref_squeeze %dma_start3A_37 : memref<1x128x16xf32, #tpu.memory_space<vmem>> -> memref<128x16xf32, #tpu.memory_space<vmem>>
    %dma_start3A_39 = arith.constant 0 : i32
    %dma_start3A_40 = tpu.memref_slice %arg5[%dma_start3A_33, %dma_start3A_39] : memref<80x128xi32, #tpu.memory_space<vmem>> -> memref<1x128xi32, #tpu.memory_space<vmem>>
    %dma_start3A_41 = tpu.memref_squeeze %dma_start3A_40 : memref<1x128xi32, #tpu.memory_space<vmem>> -> memref<128xi32, #tpu.memory_space<vmem>>
    %dma_start3A_42 = arith.constant 0 : i32
    %dma_start3A_43 = arith.constant 0 : i32
    %dma_start3A_44 = tpu.memref_slice %arg8[%dma_start3A_42, %dma_start3A_43] : memref<10240x16xf32, #tpu.memory_space<vmem_shared>> -> memref<10240x16xf32, #tpu.memory_space<vmem_shared>>
    tpu.enqueue_indirect_dma source(%dma_start3A_44 : memref<10240x16xf32, #tpu.memory_space<vmem_shared>>) target(%dma_start3A_38 : memref<128x16xf32, #tpu.memory_space<vmem>>) offsets(%dma_start3A_41 : memref<128xi32, #tpu.memory_space<vmem>>) semaphore(%arg11 : memref<!tpu.dma_semaphore, #tpu.memory_space<semaphore_mem>>)
    %dma_start3A_45 = arith.constant 2 : i32
    %dma_start3A_46 = arith.constant 2 : i32
    %dma_start3A_47 = arith.constant 0 : i32
    %dma_start3A_48 = arith.constant 0 : i32
    %dma_start3A_49 = tpu.memref_slice %arg7[%dma_start3A_46, %dma_start3A_47, %dma_start3A_48] : memref<4x128x16xf32, #tpu.memory_space<vmem>> -> memref<1x128x16xf32, #tpu.memory_space<vmem>>
    %dma_start3A_50 = tpu.memref_squeeze %dma_start3A_49 : memref<1x128x16xf32, #tpu.memory_space<vmem>> -> memref<128x16xf32, #tpu.memory_space<vmem>>
    %dma_start3A_51 = arith.constant 0 : i32
    %dma_start3A_52 = tpu.memref_slice %arg5[%dma_start3A_45, %dma_start3A_51] : memref<80x128xi32, #tpu.memory_space<vmem>> -> memref<1x128xi32, #tpu.memory_space<vmem>>
    %dma_start3A_53 = tpu.memref_squeeze %dma_start3A_52 : memref<1x128xi32, #tpu.memory_space<vmem>> -> memref<128xi32, #tpu.memory_space<vmem>>
    %dma_start3A_54 = arith.constant 0 : i32
    %dma_start3A_55 = arith.constant 0 : i32
    %dma_start3A_56 = tpu.memref_slice %arg8[%dma_start3A_54, %dma_start3A_55] : memref<10240x16xf32, #tpu.memory_space<vmem_shared>> -> memref<10240x16xf32, #tpu.memory_space<vmem_shared>>
    tpu.enqueue_indirect_dma source(%dma_start3A_56 : memref<10240x16xf32, #tpu.memory_space<vmem_shared>>) target(%dma_start3A_50 : memref<128x16xf32, #tpu.memory_space<vmem>>) offsets(%dma_start3A_53 : memref<128xi32, #tpu.memory_space<vmem>>) semaphore(%arg12 : memref<!tpu.dma_semaphore, #tpu.memory_space<semaphore_mem>>)
    %dma_start3A_57 = arith.constant 3 : i32
    %dma_start3A_58 = arith.constant 3 : i32
    %dma_start3A_59 = arith.constant 0 : i32
    %dma_start3A_60 = arith.constant 0 : i32
    %dma_start3A_61 = tpu.memref_slice %arg7[%dma_start3A_58, %dma_start3A_59, %dma_start3A_60] : memref<4x128x16xf32, #tpu.memory_space<vmem>> -> memref<1x128x16xf32, #tpu.memory_space<vmem>>
    %dma_start3A_62 = tpu.memref_squeeze %dma_start3A_61 : memref<1x128x16xf32, #tpu.memory_space<vmem>> -> memref<128x16xf32, #tpu.memory_space<vmem>>
    %dma_start3A_63 = arith.constant 0 : i32
    %dma_start3A_64 = tpu.memref_slice %arg5[%dma_start3A_57, %dma_start3A_63] : memref<80x128xi32, #tpu.memory_space<vmem>> -> memref<1x128xi32, #tpu.memory_space<vmem>>
    %dma_start3A_65 = tpu.memref_squeeze %dma_start3A_64 : memref<1x128xi32, #tpu.memory_space<vmem>> -> memref<128xi32, #tpu.memory_space<vmem>>
    %dma_start3A_66 = arith.constant 0 : i32
    %dma_start3A_67 = arith.constant 0 : i32
    %dma_start3A_68 = tpu.memref_slice %arg8[%dma_start3A_66, %dma_start3A_67] : memref<10240x16xf32, #tpu.memory_space<vmem_shared>> -> memref<10240x16xf32, #tpu.memory_space<vmem_shared>>
    tpu.enqueue_indirect_dma source(%dma_start3A_68 : memref<10240x16xf32, #tpu.memory_space<vmem_shared>>) target(%dma_start3A_62 : memref<128x16xf32, #tpu.memory_space<vmem>>) offsets(%dma_start3A_65 : memref<128xi32, #tpu.memory_space<vmem>>) semaphore(%arg13 : memref<!tpu.dma_semaphore, #tpu.memory_space<semaphore_mem>>)
    %while3A = arith.constant 0 : i32
    %while3A_69 = arith.constant 0 : i32
    %while3A_70 = arith.subi %select_n3A, %while3A_69 : i32
    %while3A_71 = arith.addi %while3A_69, %while3A_70 : i32
    %while3A_72 = arith.constant 1 : i32
    %while3A_73 = arith.divsi %while3A_70, %while3A_72 : i32
    %while3A_74 = arith.muli %while3A_73, %while3A_72 : i32
    %while3A_75 = arith.addi %while3A_69, %while3A_74 : i32
    %while3A_76 = arith.constant 1 : i32
    scf.for %while3A_131 = %while3A_69 to %while3A_75 step %while3A_76  : i32 {
      %mul3A_132 = arith.constant 4 : i32
      %mul3A_133 = arith.muli %while3A_131, %mul3A_132 : i32
      %add3A_134 = arith.constant 0 : i32
      %add3A_135 = arith.addi %mul3A_133, %add3A_134 : i32
      %dma_wait3A_136 = arith.constant 0 : i32
      %dma_wait3A_137 = arith.constant 0 : i32
      %dma_wait3A_138 = arith.constant 0 : i32
      %dma_wait3A_139 = tpu.memref_slice %arg7[%dma_wait3A_136, %dma_wait3A_137, %dma_wait3A_138] : memref<4x128x16xf32, #tpu.memory_space<vmem>> -> memref<1x128x16xf32, #tpu.memory_space<vmem>>
      %dma_wait3A_140 = tpu.memref_squeeze %dma_wait3A_139 : memref<1x128x16xf32, #tpu.memory_space<vmem>> -> memref<128x16xf32, #tpu.memory_space<vmem>>
      %dma_wait3A_141 = arith.constant 0 : i32
      %dma_wait3A_142 = tpu.memref_slice %arg5[%add3A_135, %dma_wait3A_141] : memref<80x128xi32, #tpu.memory_space<vmem>> -> memref<1x128xi32, #tpu.memory_space<vmem>>
      %dma_wait3A_143 = tpu.memref_squeeze %dma_wait3A_142 : memref<1x128xi32, #tpu.memory_space<vmem>> -> memref<128xi32, #tpu.memory_space<vmem>>
      %dma_wait3A_144 = arith.constant 0 : i32
      %dma_wait3A_145 = arith.constant 0 : i32
      %dma_wait3A_146 = tpu.memref_slice %arg8[%dma_wait3A_144, %dma_wait3A_145] : memref<10240x16xf32, #tpu.memory_space<vmem_shared>> -> memref<10240x16xf32, #tpu.memory_space<vmem_shared>>
      tpu.wait_indirect_dma semaphore(%arg10 : memref<!tpu.dma_semaphore, #tpu.memory_space<semaphore_mem>>) src(%dma_wait3A_146 : memref<10240x16xf32, #tpu.memory_space<vmem_shared>>) dst(%dma_wait3A_140 : memref<128x16xf32, #tpu.memory_space<vmem>>)
      %add3A_147 = arith.constant 0 : i32
      %add3A_148 = arith.addi %mul3A_133, %add3A_147 : i32
      %dma_start3A_149 = arith.constant 0 : i32
      %dma_start3A_150 = arith.constant 0 : i32
      %dma_start3A_151 = arith.constant 0 : i32
      %dma_start3A_152 = tpu.memref_slice %arg7[%dma_start3A_149, %dma_start3A_150, %dma_start3A_151] : memref<4x128x16xf32, #tpu.memory_space<vmem>> -> memref<1x128x16xf32, #tpu.memory_space<vmem>>
      %dma_start3A_153 = tpu.memref_squeeze %dma_start3A_152 : memref<1x128x16xf32, #tpu.memory_space<vmem>> -> memref<128x16xf32, #tpu.memory_space<vmem>>
      %dma_start3A_154 = arith.constant 0 : i32
      %dma_start3A_155 = tpu.memref_slice %arg6[%add3A_148, %dma_start3A_154] : memref<80x128xi32, #tpu.memory_space<vmem>> -> memref<1x128xi32, #tpu.memory_space<vmem>>
      %dma_start3A_156 = tpu.memref_squeeze %dma_start3A_155 : memref<1x128xi32, #tpu.memory_space<vmem>> -> memref<128xi32, #tpu.memory_space<vmem>>
      %dma_start3A_157 = arith.constant 0 : i32
      %dma_start3A_158 = arith.constant 0 : i32
      %dma_start3A_159 = tpu.memref_slice %arg9[%dma_start3A_157, %dma_start3A_158] : memref<10240x16xf32, #tpu.memory_space<vmem_shared>> -> memref<10240x16xf32, #tpu.memory_space<vmem_shared>>
      tpu.enqueue_indirect_dma source(%dma_start3A_153 : memref<128x16xf32, #tpu.memory_space<vmem>>) target(%dma_start3A_159 : memref<10240x16xf32, #tpu.memory_space<vmem_shared>>) offsets(%dma_start3A_156 : memref<128xi32, #tpu.memory_space<vmem>>) semaphore(%arg14 : memref<!tpu.dma_semaphore, #tpu.memory_space<semaphore_mem>>) {add = true}
      %add3A_160 = arith.constant 1 : i32
      %add3A_161 = arith.addi %mul3A_133, %add3A_160 : i32
      %dma_wait3A_162 = arith.constant 1 : i32
      %dma_wait3A_163 = arith.constant 0 : i32
      %dma_wait3A_164 = arith.constant 0 : i32
      %dma_wait3A_165 = tpu.memref_slice %arg7[%dma_wait3A_162, %dma_wait3A_163, %dma_wait3A_164] : memref<4x128x16xf32, #tpu.memory_space<vmem>> -> memref<1x128x16xf32, #tpu.memory_space<vmem>>
      %dma_wait3A_166 = tpu.memref_squeeze %dma_wait3A_165 : memref<1x128x16xf32, #tpu.memory_space<vmem>> -> memref<128x16xf32, #tpu.memory_space<vmem>>
      %dma_wait3A_167 = arith.constant 0 : i32
      %dma_wait3A_168 = tpu.memref_slice %arg5[%add3A_161, %dma_wait3A_167] : memref<80x128xi32, #tpu.memory_space<vmem>> -> memref<1x128xi32, #tpu.memory_space<vmem>>
      %dma_wait3A_169 = tpu.memref_squeeze %dma_wait3A_168 : memref<1x128xi32, #tpu.memory_space<vmem>> -> memref<128xi32, #tpu.memory_space<vmem>>
      %dma_wait3A_170 = arith.constant 0 : i32
      %dma_wait3A_171 = arith.constant 0 : i32
      %dma_wait3A_172 = tpu.memref_slice %arg8[%dma_wait3A_170, %dma_wait3A_171] : memref<10240x16xf32, #tpu.memory_space<vmem_shared>> -> memref<10240x16xf32, #tpu.memory_space<vmem_shared>>
      tpu.wait_indirect_dma semaphore(%arg11 : memref<!tpu.dma_semaphore, #tpu.memory_space<semaphore_mem>>) src(%dma_wait3A_172 : memref<10240x16xf32, #tpu.memory_space<vmem_shared>>) dst(%dma_wait3A_166 : memref<128x16xf32, #tpu.memory_space<vmem>>)
      %add3A_173 = arith.constant 1 : i32
      %add3A_174 = arith.addi %mul3A_133, %add3A_173 : i32
      %dma_start3A_175 = arith.constant 1 : i32
      %dma_start3A_176 = arith.constant 0 : i32
      %dma_start3A_177 = arith.constant 0 : i32
      %dma_start3A_178 = tpu.memref_slice %arg7[%dma_start3A_175, %dma_start3A_176, %dma_start3A_177] : memref<4x128x16xf32, #tpu.memory_space<vmem>> -> memref<1x128x16xf32, #tpu.memory_space<vmem>>
      %dma_start3A_179 = tpu.memref_squeeze %dma_start3A_178 : memref<1x128x16xf32, #tpu.memory_space<vmem>> -> memref<128x16xf32, #tpu.memory_space<vmem>>
      %dma_start3A_180 = arith.constant 0 : i32
      %dma_start3A_181 = tpu.memref_slice %arg6[%add3A_174, %dma_start3A_180] : memref<80x128xi32, #tpu.memory_space<vmem>> -> memref<1x128xi32, #tpu.memory_space<vmem>>
      %dma_start3A_182 = tpu.memref_squeeze %dma_start3A_181 : memref<1x128xi32, #tpu.memory_space<vmem>> -> memref<128xi32, #tpu.memory_space<vmem>>
      %dma_start3A_183 = arith.constant 0 : i32
      %dma_start3A_184 = arith.constant 0 : i32
      %dma_start3A_185 = tpu.memref_slice %arg9[%dma_start3A_183, %dma_start3A_184] : memref<10240x16xf32, #tpu.memory_space<vmem_shared>> -> memref<10240x16xf32, #tpu.memory_space<vmem_shared>>
      tpu.enqueue_indirect_dma source(%dma_start3A_179 : memref<128x16xf32, #tpu.memory_space<vmem>>) target(%dma_start3A_185 : memref<10240x16xf32, #tpu.memory_space<vmem_shared>>) offsets(%dma_start3A_182 : memref<128xi32, #tpu.memory_space<vmem>>) semaphore(%arg15 : memref<!tpu.dma_semaphore, #tpu.memory_space<semaphore_mem>>) {add = true}
      %add3A_186 = arith.constant 2 : i32
      %add3A_187 = arith.addi %mul3A_133, %add3A_186 : i32
      %dma_wait3A_188 = arith.constant 2 : i32
      %dma_wait3A_189 = arith.constant 0 : i32
      %dma_wait3A_190 = arith.constant 0 : i32
      %dma_wait3A_191 = tpu.memref_slice %arg7[%dma_wait3A_188, %dma_wait3A_189, %dma_wait3A_190] : memref<4x128x16xf32, #tpu.memory_space<vmem>> -> memref<1x128x16xf32, #tpu.memory_space<vmem>>
      %dma_wait3A_192 = tpu.memref_squeeze %dma_wait3A_191 : memref<1x128x16xf32, #tpu.memory_space<vmem>> -> memref<128x16xf32, #tpu.memory_space<vmem>>
      %dma_wait3A_193 = arith.constant 0 : i32
      %dma_wait3A_194 = tpu.memref_slice %arg5[%add3A_187, %dma_wait3A_193] : memref<80x128xi32, #tpu.memory_space<vmem>> -> memref<1x128xi32, #tpu.memory_space<vmem>>
      %dma_wait3A_195 = tpu.memref_squeeze %dma_wait3A_194 : memref<1x128xi32, #tpu.memory_space<vmem>> -> memref<128xi32, #tpu.memory_space<vmem>>
      %dma_wait3A_196 = arith.constant 0 : i32
      %dma_wait3A_197 = arith.constant 0 : i32
      %dma_wait3A_198 = tpu.memref_slice %arg8[%dma_wait3A_196, %dma_wait3A_197] : memref<10240x16xf32, #tpu.memory_space<vmem_shared>> -> memref<10240x16xf32, #tpu.memory_space<vmem_shared>>
      tpu.wait_indirect_dma semaphore(%arg12 : memref<!tpu.dma_semaphore, #tpu.memory_space<semaphore_mem>>) src(%dma_wait3A_198 : memref<10240x16xf32, #tpu.memory_space<vmem_shared>>) dst(%dma_wait3A_192 : memref<128x16xf32, #tpu.memory_space<vmem>>)
      %add3A_199 = arith.constant 2 : i32
      %add3A_200 = arith.addi %mul3A_133, %add3A_199 : i32
      %dma_start3A_201 = arith.constant 2 : i32
      %dma_start3A_202 = arith.constant 0 : i32
      %dma_start3A_203 = arith.constant 0 : i32
      %dma_start3A_204 = tpu.memref_slice %arg7[%dma_start3A_201, %dma_start3A_202, %dma_start3A_203] : memref<4x128x16xf32, #tpu.memory_space<vmem>> -> memref<1x128x16xf32, #tpu.memory_space<vmem>>
      %dma_start3A_205 = tpu.memref_squeeze %dma_start3A_204 : memref<1x128x16xf32, #tpu.memory_space<vmem>> -> memref<128x16xf32, #tpu.memory_space<vmem>>
      %dma_start3A_206 = arith.constant 0 : i32
      %dma_start3A_207 = tpu.memref_slice %arg6[%add3A_200, %dma_start3A_206] : memref<80x128xi32, #tpu.memory_space<vmem>> -> memref<1x128xi32, #tpu.memory_space<vmem>>
      %dma_start3A_208 = tpu.memref_squeeze %dma_start3A_207 : memref<1x128xi32, #tpu.memory_space<vmem>> -> memref<128xi32, #tpu.memory_space<vmem>>
      %dma_start3A_209 = arith.constant 0 : i32
      %dma_start3A_210 = arith.constant 0 : i32
      %dma_start3A_211 = tpu.memref_slice %arg9[%dma_start3A_209, %dma_start3A_210] : memref<10240x16xf32, #tpu.memory_space<vmem_shared>> -> memref<10240x16xf32, #tpu.memory_space<vmem_shared>>
      tpu.enqueue_indirect_dma source(%dma_start3A_205 : memref<128x16xf32, #tpu.memory_space<vmem>>) target(%dma_start3A_211 : memref<10240x16xf32, #tpu.memory_space<vmem_shared>>) offsets(%dma_start3A_208 : memref<128xi32, #tpu.memory_space<vmem>>) semaphore(%arg16 : memref<!tpu.dma_semaphore, #tpu.memory_space<semaphore_mem>>) {add = true}
      %add3A_212 = arith.constant 3 : i32
      %add3A_213 = arith.addi %mul3A_133, %add3A_212 : i32
      %dma_wait3A_214 = arith.constant 3 : i32
      %dma_wait3A_215 = arith.constant 0 : i32
      %dma_wait3A_216 = arith.constant 0 : i32
      %dma_wait3A_217 = tpu.memref_slice %arg7[%dma_wait3A_214, %dma_wait3A_215, %dma_wait3A_216] : memref<4x128x16xf32, #tpu.memory_space<vmem>> -> memref<1x128x16xf32, #tpu.memory_space<vmem>>
      %dma_wait3A_218 = tpu.memref_squeeze %dma_wait3A_217 : memref<1x128x16xf32, #tpu.memory_space<vmem>> -> memref<128x16xf32, #tpu.memory_space<vmem>>
      %dma_wait3A_219 = arith.constant 0 : i32
      %dma_wait3A_220 = tpu.memref_slice %arg5[%add3A_213, %dma_wait3A_219] : memref<80x128xi32, #tpu.memory_space<vmem>> -> memref<1x128xi32, #tpu.memory_space<vmem>>
      %dma_wait3A_221 = tpu.memref_squeeze %dma_wait3A_220 : memref<1x128xi32, #tpu.memory_space<vmem>> -> memref<128xi32, #tpu.memory_space<vmem>>
      %dma_wait3A_222 = arith.constant 0 : i32
      %dma_wait3A_223 = arith.constant 0 : i32
      %dma_wait3A_224 = tpu.memref_slice %arg8[%dma_wait3A_222, %dma_wait3A_223] : memref<10240x16xf32, #tpu.memory_space<vmem_shared>> -> memref<10240x16xf32, #tpu.memory_space<vmem_shared>>
      tpu.wait_indirect_dma semaphore(%arg13 : memref<!tpu.dma_semaphore, #tpu.memory_space<semaphore_mem>>) src(%dma_wait3A_224 : memref<10240x16xf32, #tpu.memory_space<vmem_shared>>) dst(%dma_wait3A_218 : memref<128x16xf32, #tpu.memory_space<vmem>>)
      %add3A_225 = arith.constant 3 : i32
      %add3A_226 = arith.addi %mul3A_133, %add3A_225 : i32
      %dma_start3A_227 = arith.constant 3 : i32
      %dma_start3A_228 = arith.constant 0 : i32
      %dma_start3A_229 = arith.constant 0 : i32
      %dma_start3A_230 = tpu.memref_slice %arg7[%dma_start3A_227, %dma_start3A_228, %dma_start3A_229] : memref<4x128x16xf32, #tpu.memory_space<vmem>> -> memref<1x128x16xf32, #tpu.memory_space<vmem>>
      %dma_start3A_231 = tpu.memref_squeeze %dma_start3A_230 : memref<1x128x16xf32, #tpu.memory_space<vmem>> -> memref<128x16xf32, #tpu.memory_space<vmem>>
      %dma_start3A_232 = arith.constant 0 : i32
      %dma_start3A_233 = tpu.memref_slice %arg6[%add3A_226, %dma_start3A_232] : memref<80x128xi32, #tpu.memory_space<vmem>> -> memref<1x128xi32, #tpu.memory_space<vmem>>
      %dma_start3A_234 = tpu.memref_squeeze %dma_start3A_233 : memref<1x128xi32, #tpu.memory_space<vmem>> -> memref<128xi32, #tpu.memory_space<vmem>>
      %dma_start3A_235 = arith.constant 0 : i32
      %dma_start3A_236 = arith.constant 0 : i32
      %dma_start3A_237 = tpu.memref_slice %arg9[%dma_start3A_235, %dma_start3A_236] : memref<10240x16xf32, #tpu.memory_space<vmem_shared>> -> memref<10240x16xf32, #tpu.memory_space<vmem_shared>>
      tpu.enqueue_indirect_dma source(%dma_start3A_231 : memref<128x16xf32, #tpu.memory_space<vmem>>) target(%dma_start3A_237 : memref<10240x16xf32, #tpu.memory_space<vmem_shared>>) offsets(%dma_start3A_234 : memref<128xi32, #tpu.memory_space<vmem>>) semaphore(%arg17 : memref<!tpu.dma_semaphore, #tpu.memory_space<semaphore_mem>>) {add = true}
      %sub3A = arith.constant 1 : i32
      %sub3A_238 = arith.subi %select_n3A, %sub3A : i32
      %lt3A_239 = arith.cmpi slt, %while3A_131, %sub3A_238 : i32
      %convert_element_type3A_240 = arith.extui %lt3A_239 : i1 to i32
      %cond3A_241 = arith.constant 0 : i32
      %cond3A_242 = arith.cmpi ne, %convert_element_type3A_240, %cond3A_241 : i32
      scf.if %cond3A_242 {
        %dma_wait3A_243 = arith.constant 0 : i32
        %dma_wait3A_244 = arith.constant 0 : i32
        %dma_wait3A_245 = arith.constant 0 : i32
        %dma_wait3A_246 = arith.constant 0 : i32
        %dma_wait3A_247 = tpu.memref_slice %arg7[%dma_wait3A_243, %dma_wait3A_245, %dma_wait3A_246] : memref<4x128x16xf32, #tpu.memory_space<vmem>> -> memref<1x128x16xf32, #tpu.memory_space<vmem>>
        %dma_wait3A_248 = tpu.memref_squeeze %dma_wait3A_247 : memref<1x128x16xf32, #tpu.memory_space<vmem>> -> memref<128x16xf32, #tpu.memory_space<vmem>>
        %dma_wait3A_249 = arith.constant 0 : i32
        %dma_wait3A_250 = tpu.memref_slice %arg6[%dma_wait3A_244, %dma_wait3A_249] : memref<80x128xi32, #tpu.memory_space<vmem>> -> memref<1x128xi32, #tpu.memory_space<vmem>>
        %dma_wait3A_251 = tpu.memref_squeeze %dma_wait3A_250 : memref<1x128xi32, #tpu.memory_space<vmem>> -> memref<128xi32, #tpu.memory_space<vmem>>
        %dma_wait3A_252 = arith.constant 0 : i32
        %dma_wait3A_253 = arith.constant 0 : i32
        %dma_wait3A_254 = tpu.memref_slice %arg9[%dma_wait3A_252, %dma_wait3A_253] : memref<10240x16xf32, #tpu.memory_space<vmem_shared>> -> memref<10240x16xf32, #tpu.memory_space<vmem_shared>>
        tpu.wait_indirect_dma semaphore(%arg14 : memref<!tpu.dma_semaphore, #tpu.memory_space<semaphore_mem>>) src(%dma_wait3A_248 : memref<128x16xf32, #tpu.memory_space<vmem>>) dst(%dma_wait3A_254 : memref<10240x16xf32, #tpu.memory_space<vmem_shared>>)
        %add3A_255 = arith.constant 4 : i32
        %add3A_256 = arith.addi %mul3A_133, %add3A_255 : i32
        %add3A_257 = arith.constant 0 : i32
        %add3A_258 = arith.addi %add3A_256, %add3A_257 : i32
        %dma_start3A_259 = arith.constant 0 : i32
        %dma_start3A_260 = arith.constant 0 : i32
        %dma_start3A_261 = arith.constant 0 : i32
        %dma_start3A_262 = tpu.memref_slice %arg7[%dma_start3A_259, %dma_start3A_260, %dma_start3A_261] : memref<4x128x16xf32, #tpu.memory_space<vmem>> -> memref<1x128x16xf32, #tpu.memory_space<vmem>>
        %dma_start3A_263 = tpu.memref_squeeze %dma_start3A_262 : memref<1x128x16xf32, #tpu.memory_space<vmem>> -> memref<128x16xf32, #tpu.memory_space<vmem>>
        %dma_start3A_264 = arith.constant 0 : i32
        %dma_start3A_265 = tpu.memref_slice %arg5[%add3A_258, %dma_start3A_264] : memref<80x128xi32, #tpu.memory_space<vmem>> -> memref<1x128xi32, #tpu.memory_space<vmem>>
        %dma_start3A_266 = tpu.memref_squeeze %dma_start3A_265 : memref<1x128xi32, #tpu.memory_space<vmem>> -> memref<128xi32, #tpu.memory_space<vmem>>
        %dma_start3A_267 = arith.constant 0 : i32
        %dma_start3A_268 = arith.constant 0 : i32
        %dma_start3A_269 = tpu.memref_slice %arg8[%dma_start3A_267, %dma_start3A_268] : memref<10240x16xf32, #tpu.memory_space<vmem_shared>> -> memref<10240x16xf32, #tpu.memory_space<vmem_shared>>
        tpu.enqueue_indirect_dma source(%dma_start3A_269 : memref<10240x16xf32, #tpu.memory_space<vmem_shared>>) target(%dma_start3A_263 : memref<128x16xf32, #tpu.memory_space<vmem>>) offsets(%dma_start3A_266 : memref<128xi32, #tpu.memory_space<vmem>>) semaphore(%arg10 : memref<!tpu.dma_semaphore, #tpu.memory_space<semaphore_mem>>)
        %dma_wait3A_270 = arith.constant 1 : i32
        %dma_wait3A_271 = arith.constant 0 : i32
        %dma_wait3A_272 = arith.constant 0 : i32
        %dma_wait3A_273 = arith.constant 0 : i32
        %dma_wait3A_274 = tpu.memref_slice %arg7[%dma_wait3A_270, %dma_wait3A_272, %dma_wait3A_273] : memref<4x128x16xf32, #tpu.memory_space<vmem>> -> memref<1x128x16xf32, #tpu.memory_space<vmem>>
        %dma_wait3A_275 = tpu.memref_squeeze %dma_wait3A_274 : memref<1x128x16xf32, #tpu.memory_space<vmem>> -> memref<128x16xf32, #tpu.memory_space<vmem>>
        %dma_wait3A_276 = arith.constant 0 : i32
        %dma_wait3A_277 = tpu.memref_slice %arg6[%dma_wait3A_271, %dma_wait3A_276] : memref<80x128xi32, #tpu.memory_space<vmem>> -> memref<1x128xi32, #tpu.memory_space<vmem>>
        %dma_wait3A_278 = tpu.memref_squeeze %dma_wait3A_277 : memref<1x128xi32, #tpu.memory_space<vmem>> -> memref<128xi32, #tpu.memory_space<vmem>>
        %dma_wait3A_279 = arith.constant 0 : i32
        %dma_wait3A_280 = arith.constant 0 : i32
        %dma_wait3A_281 = tpu.memref_slice %arg9[%dma_wait3A_279, %dma_wait3A_280] : memref<10240x16xf32, #tpu.memory_space<vmem_shared>> -> memref<10240x16xf32, #tpu.memory_space<vmem_shared>>
        tpu.wait_indirect_dma semaphore(%arg15 : memref<!tpu.dma_semaphore, #tpu.memory_space<semaphore_mem>>) src(%dma_wait3A_275 : memref<128x16xf32, #tpu.memory_space<vmem>>) dst(%dma_wait3A_281 : memref<10240x16xf32, #tpu.memory_space<vmem_shared>>)
        %add3A_282 = arith.constant 4 : i32
        %add3A_283 = arith.addi %mul3A_133, %add3A_282 : i32
        %add3A_284 = arith.constant 1 : i32
        %add3A_285 = arith.addi %add3A_283, %add3A_284 : i32
        %dma_start3A_286 = arith.constant 1 : i32
        %dma_start3A_287 = arith.constant 0 : i32
        %dma_start3A_288 = arith.constant 0 : i32
        %dma_start3A_289 = tpu.memref_slice %arg7[%dma_start3A_286, %dma_start3A_287, %dma_start3A_288] : memref<4x128x16xf32, #tpu.memory_space<vmem>> -> memref<1x128x16xf32, #tpu.memory_space<vmem>>
        %dma_start3A_290 = tpu.memref_squeeze %dma_start3A_289 : memref<1x128x16xf32, #tpu.memory_space<vmem>> -> memref<128x16xf32, #tpu.memory_space<vmem>>
        %dma_start3A_291 = arith.constant 0 : i32
        %dma_start3A_292 = tpu.memref_slice %arg5[%add3A_285, %dma_start3A_291] : memref<80x128xi32, #tpu.memory_space<vmem>> -> memref<1x128xi32, #tpu.memory_space<vmem>>
        %dma_start3A_293 = tpu.memref_squeeze %dma_start3A_292 : memref<1x128xi32, #tpu.memory_space<vmem>> -> memref<128xi32, #tpu.memory_space<vmem>>
        %dma_start3A_294 = arith.constant 0 : i32
        %dma_start3A_295 = arith.constant 0 : i32
        %dma_start3A_296 = tpu.memref_slice %arg8[%dma_start3A_294, %dma_start3A_295] : memref<10240x16xf32, #tpu.memory_space<vmem_shared>> -> memref<10240x16xf32, #tpu.memory_space<vmem_shared>>
        tpu.enqueue_indirect_dma source(%dma_start3A_296 : memref<10240x16xf32, #tpu.memory_space<vmem_shared>>) target(%dma_start3A_290 : memref<128x16xf32, #tpu.memory_space<vmem>>) offsets(%dma_start3A_293 : memref<128xi32, #tpu.memory_space<vmem>>) semaphore(%arg11 : memref<!tpu.dma_semaphore, #tpu.memory_space<semaphore_mem>>)
        %dma_wait3A_297 = arith.constant 2 : i32
        %dma_wait3A_298 = arith.constant 0 : i32
        %dma_wait3A_299 = arith.constant 0 : i32
        %dma_wait3A_300 = arith.constant 0 : i32
        %dma_wait3A_301 = tpu.memref_slice %arg7[%dma_wait3A_297, %dma_wait3A_299, %dma_wait3A_300] : memref<4x128x16xf32, #tpu.memory_space<vmem>> -> memref<1x128x16xf32, #tpu.memory_space<vmem>>
        %dma_wait3A_302 = tpu.memref_squeeze %dma_wait3A_301 : memref<1x128x16xf32, #tpu.memory_space<vmem>> -> memref<128x16xf32, #tpu.memory_space<vmem>>
        %dma_wait3A_303 = arith.constant 0 : i32
        %dma_wait3A_304 = tpu.memref_slice %arg6[%dma_wait3A_298, %dma_wait3A_303] : memref<80x128xi32, #tpu.memory_space<vmem>> -> memref<1x128xi32, #tpu.memory_space<vmem>>
        %dma_wait3A_305 = tpu.memref_squeeze %dma_wait3A_304 : memref<1x128xi32, #tpu.memory_space<vmem>> -> memref<128xi32, #tpu.memory_space<vmem>>
        %dma_wait3A_306 = arith.constant 0 : i32
        %dma_wait3A_307 = arith.constant 0 : i32
        %dma_wait3A_308 = tpu.memref_slice %arg9[%dma_wait3A_306, %dma_wait3A_307] : memref<10240x16xf32, #tpu.memory_space<vmem_shared>> -> memref<10240x16xf32, #tpu.memory_space<vmem_shared>>
        tpu.wait_indirect_dma semaphore(%arg16 : memref<!tpu.dma_semaphore, #tpu.memory_space<semaphore_mem>>) src(%dma_wait3A_302 : memref<128x16xf32, #tpu.memory_space<vmem>>) dst(%dma_wait3A_308 : memref<10240x16xf32, #tpu.memory_space<vmem_shared>>)
        %add3A_309 = arith.constant 4 : i32
        %add3A_310 = arith.addi %mul3A_133, %add3A_309 : i32
        %add3A_311 = arith.constant 2 : i32
        %add3A_312 = arith.addi %add3A_310, %add3A_311 : i32
        %dma_start3A_313 = arith.constant 2 : i32
        %dma_start3A_314 = arith.constant 0 : i32
        %dma_start3A_315 = arith.constant 0 : i32
        %dma_start3A_316 = tpu.memref_slice %arg7[%dma_start3A_313, %dma_start3A_314, %dma_start3A_315] : memref<4x128x16xf32, #tpu.memory_space<vmem>> -> memref<1x128x16xf32, #tpu.memory_space<vmem>>
        %dma_start3A_317 = tpu.memref_squeeze %dma_start3A_316 : memref<1x128x16xf32, #tpu.memory_space<vmem>> -> memref<128x16xf32, #tpu.memory_space<vmem>>
        %dma_start3A_318 = arith.constant 0 : i32
        %dma_start3A_319 = tpu.memref_slice %arg5[%add3A_312, %dma_start3A_318] : memref<80x128xi32, #tpu.memory_space<vmem>> -> memref<1x128xi32, #tpu.memory_space<vmem>>
        %dma_start3A_320 = tpu.memref_squeeze %dma_start3A_319 : memref<1x128xi32, #tpu.memory_space<vmem>> -> memref<128xi32, #tpu.memory_space<vmem>>
        %dma_start3A_321 = arith.constant 0 : i32
        %dma_start3A_322 = arith.constant 0 : i32
        %dma_start3A_323 = tpu.memref_slice %arg8[%dma_start3A_321, %dma_start3A_322] : memref<10240x16xf32, #tpu.memory_space<vmem_shared>> -> memref<10240x16xf32, #tpu.memory_space<vmem_shared>>
        tpu.enqueue_indirect_dma source(%dma_start3A_323 : memref<10240x16xf32, #tpu.memory_space<vmem_shared>>) target(%dma_start3A_317 : memref<128x16xf32, #tpu.memory_space<vmem>>) offsets(%dma_start3A_320 : memref<128xi32, #tpu.memory_space<vmem>>) semaphore(%arg12 : memref<!tpu.dma_semaphore, #tpu.memory_space<semaphore_mem>>)
        %dma_wait3A_324 = arith.constant 3 : i32
        %dma_wait3A_325 = arith.constant 0 : i32
        %dma_wait3A_326 = arith.constant 0 : i32
        %dma_wait3A_327 = arith.constant 0 : i32
        %dma_wait3A_328 = tpu.memref_slice %arg7[%dma_wait3A_324, %dma_wait3A_326, %dma_wait3A_327] : memref<4x128x16xf32, #tpu.memory_space<vmem>> -> memref<1x128x16xf32, #tpu.memory_space<vmem>>
        %dma_wait3A_329 = tpu.memref_squeeze %dma_wait3A_328 : memref<1x128x16xf32, #tpu.memory_space<vmem>> -> memref<128x16xf32, #tpu.memory_space<vmem>>
        %dma_wait3A_330 = arith.constant 0 : i32
        %dma_wait3A_331 = tpu.memref_slice %arg6[%dma_wait3A_325, %dma_wait3A_330] : memref<80x128xi32, #tpu.memory_space<vmem>> -> memref<1x128xi32, #tpu.memory_space<vmem>>
        %dma_wait3A_332 = tpu.memref_squeeze %dma_wait3A_331 : memref<1x128xi32, #tpu.memory_space<vmem>> -> memref<128xi32, #tpu.memory_space<vmem>>
        %dma_wait3A_333 = arith.constant 0 : i32
        %dma_wait3A_334 = arith.constant 0 : i32
        %dma_wait3A_335 = tpu.memref_slice %arg9[%dma_wait3A_333, %dma_wait3A_334] : memref<10240x16xf32, #tpu.memory_space<vmem_shared>> -> memref<10240x16xf32, #tpu.memory_space<vmem_shared>>
        tpu.wait_indirect_dma semaphore(%arg17 : memref<!tpu.dma_semaphore, #tpu.memory_space<semaphore_mem>>) src(%dma_wait3A_329 : memref<128x16xf32, #tpu.memory_space<vmem>>) dst(%dma_wait3A_335 : memref<10240x16xf32, #tpu.memory_space<vmem_shared>>)
        %add3A_336 = arith.constant 4 : i32
        %add3A_337 = arith.addi %mul3A_133, %add3A_336 : i32
        %add3A_338 = arith.constant 3 : i32
        %add3A_339 = arith.addi %add3A_337, %add3A_338 : i32
        %dma_start3A_340 = arith.constant 3 : i32
        %dma_start3A_341 = arith.constant 0 : i32
        %dma_start3A_342 = arith.constant 0 : i32
        %dma_start3A_343 = tpu.memref_slice %arg7[%dma_start3A_340, %dma_start3A_341, %dma_start3A_342] : memref<4x128x16xf32, #tpu.memory_space<vmem>> -> memref<1x128x16xf32, #tpu.memory_space<vmem>>
        %dma_start3A_344 = tpu.memref_squeeze %dma_start3A_343 : memref<1x128x16xf32, #tpu.memory_space<vmem>> -> memref<128x16xf32, #tpu.memory_space<vmem>>
        %dma_start3A_345 = arith.constant 0 : i32
        %dma_start3A_346 = tpu.memref_slice %arg5[%add3A_339, %dma_start3A_345] : memref<80x128xi32, #tpu.memory_space<vmem>> -> memref<1x128xi32, #tpu.memory_space<vmem>>
        %dma_start3A_347 = tpu.memref_squeeze %dma_start3A_346 : memref<1x128xi32, #tpu.memory_space<vmem>> -> memref<128xi32, #tpu.memory_space<vmem>>
        %dma_start3A_348 = arith.constant 0 : i32
        %dma_start3A_349 = arith.constant 0 : i32
        %dma_start3A_350 = tpu.memref_slice %arg8[%dma_start3A_348, %dma_start3A_349] : memref<10240x16xf32, #tpu.memory_space<vmem_shared>> -> memref<10240x16xf32, #tpu.memory_space<vmem_shared>>
        tpu.enqueue_indirect_dma source(%dma_start3A_350 : memref<10240x16xf32, #tpu.memory_space<vmem_shared>>) target(%dma_start3A_344 : memref<128x16xf32, #tpu.memory_space<vmem>>) offsets(%dma_start3A_347 : memref<128xi32, #tpu.memory_space<vmem>>) semaphore(%arg13 : memref<!tpu.dma_semaphore, #tpu.memory_space<semaphore_mem>>)
      } else {
      }
    }
    %while3A_77 = arith.constant 1 : i32
    scf.for %while3A_131 = %while3A_75 to %while3A_71 step %while3A_77  : i32 {
      %mul3A_132 = arith.constant 4 : i32
      %mul3A_133 = arith.muli %while3A_131, %mul3A_132 : i32
      %add3A_134 = arith.constant 0 : i32
      %add3A_135 = arith.addi %mul3A_133, %add3A_134 : i32
      %dma_wait3A_136 = arith.constant 0 : i32
      %dma_wait3A_137 = arith.constant 0 : i32
      %dma_wait3A_138 = arith.constant 0 : i32
      %dma_wait3A_139 = tpu.memref_slice %arg7[%dma_wait3A_136, %dma_wait3A_137, %dma_wait3A_138] : memref<4x128x16xf32, #tpu.memory_space<vmem>> -> memref<1x128x16xf32, #tpu.memory_space<vmem>>
      %dma_wait3A_140 = tpu.memref_squeeze %dma_wait3A_139 : memref<1x128x16xf32, #tpu.memory_space<vmem>> -> memref<128x16xf32, #tpu.memory_space<vmem>>
      %dma_wait3A_141 = arith.constant 0 : i32
      %dma_wait3A_142 = tpu.memref_slice %arg5[%add3A_135, %dma_wait3A_141] : memref<80x128xi32, #tpu.memory_space<vmem>> -> memref<1x128xi32, #tpu.memory_space<vmem>>
      %dma_wait3A_143 = tpu.memref_squeeze %dma_wait3A_142 : memref<1x128xi32, #tpu.memory_space<vmem>> -> memref<128xi32, #tpu.memory_space<vmem>>
      %dma_wait3A_144 = arith.constant 0 : i32
      %dma_wait3A_145 = arith.constant 0 : i32
      %dma_wait3A_146 = tpu.memref_slice %arg8[%dma_wait3A_144, %dma_wait3A_145] : memref<10240x16xf32, #tpu.memory_space<vmem_shared>> -> memref<10240x16xf32, #tpu.memory_space<vmem_shared>>
      tpu.wait_indirect_dma semaphore(%arg10 : memref<!tpu.dma_semaphore, #tpu.memory_space<semaphore_mem>>) src(%dma_wait3A_146 : memref<10240x16xf32, #tpu.memory_space<vmem_shared>>) dst(%dma_wait3A_140 : memref<128x16xf32, #tpu.memory_space<vmem>>)
      %add3A_147 = arith.constant 0 : i32
      %add3A_148 = arith.addi %mul3A_133, %add3A_147 : i32
      %dma_start3A_149 = arith.constant 0 : i32
      %dma_start3A_150 = arith.constant 0 : i32
      %dma_start3A_151 = arith.constant 0 : i32
      %dma_start3A_152 = tpu.memref_slice %arg7[%dma_start3A_149, %dma_start3A_150, %dma_start3A_151] : memref<4x128x16xf32, #tpu.memory_space<vmem>> -> memref<1x128x16xf32, #tpu.memory_space<vmem>>
      %dma_start3A_153 = tpu.memref_squeeze %dma_start3A_152 : memref<1x128x16xf32, #tpu.memory_space<vmem>> -> memref<128x16xf32, #tpu.memory_space<vmem>>
      %dma_start3A_154 = arith.constant 0 : i32
      %dma_start3A_155 = tpu.memref_slice %arg6[%add3A_148, %dma_start3A_154] : memref<80x128xi32, #tpu.memory_space<vmem>> -> memref<1x128xi32, #tpu.memory_space<vmem>>
      %dma_start3A_156 = tpu.memref_squeeze %dma_start3A_155 : memref<1x128xi32, #tpu.memory_space<vmem>> -> memref<128xi32, #tpu.memory_space<vmem>>
      %dma_start3A_157 = arith.constant 0 : i32
      %dma_start3A_158 = arith.constant 0 : i32
      %dma_start3A_159 = tpu.memref_slice %arg9[%dma_start3A_157, %dma_start3A_158] : memref<10240x16xf32, #tpu.memory_space<vmem_shared>> -> memref<10240x16xf32, #tpu.memory_space<vmem_shared>>
      tpu.enqueue_indirect_dma source(%dma_start3A_153 : memref<128x16xf32, #tpu.memory_space<vmem>>) target(%dma_start3A_159 : memref<10240x16xf32, #tpu.memory_space<vmem_shared>>) offsets(%dma_start3A_156 : memref<128xi32, #tpu.memory_space<vmem>>) semaphore(%arg14 : memref<!tpu.dma_semaphore, #tpu.memory_space<semaphore_mem>>) {add = true}
      %add3A_160 = arith.constant 1 : i32
      %add3A_161 = arith.addi %mul3A_133, %add3A_160 : i32
      %dma_wait3A_162 = arith.constant 1 : i32
      %dma_wait3A_163 = arith.constant 0 : i32
      %dma_wait3A_164 = arith.constant 0 : i32
      %dma_wait3A_165 = tpu.memref_slice %arg7[%dma_wait3A_162, %dma_wait3A_163, %dma_wait3A_164] : memref<4x128x16xf32, #tpu.memory_space<vmem>> -> memref<1x128x16xf32, #tpu.memory_space<vmem>>
      %dma_wait3A_166 = tpu.memref_squeeze %dma_wait3A_165 : memref<1x128x16xf32, #tpu.memory_space<vmem>> -> memref<128x16xf32, #tpu.memory_space<vmem>>
      %dma_wait3A_167 = arith.constant 0 : i32
      %dma_wait3A_168 = tpu.memref_slice %arg5[%add3A_161, %dma_wait3A_167] : memref<80x128xi32, #tpu.memory_space<vmem>> -> memref<1x128xi32, #tpu.memory_space<vmem>>
      %dma_wait3A_169 = tpu.memref_squeeze %dma_wait3A_168 : memref<1x128xi32, #tpu.memory_space<vmem>> -> memref<128xi32, #tpu.memory_space<vmem>>
      %dma_wait3A_170 = arith.constant 0 : i32
      %dma_wait3A_171 = arith.constant 0 : i32
      %dma_wait3A_172 = tpu.memref_slice %arg8[%dma_wait3A_170, %dma_wait3A_171] : memref<10240x16xf32, #tpu.memory_space<vmem_shared>> -> memref<10240x16xf32, #tpu.memory_space<vmem_shared>>
      tpu.wait_indirect_dma semaphore(%arg11 : memref<!tpu.dma_semaphore, #tpu.memory_space<semaphore_mem>>) src(%dma_wait3A_172 : memref<10240x16xf32, #tpu.memory_space<vmem_shared>>) dst(%dma_wait3A_166 : memref<128x16xf32, #tpu.memory_space<vmem>>)
      %add3A_173 = arith.constant 1 : i32
      %add3A_174 = arith.addi %mul3A_133, %add3A_173 : i32
      %dma_start3A_175 = arith.constant 1 : i32
      %dma_start3A_176 = arith.constant 0 : i32
      %dma_start3A_177 = arith.constant 0 : i32
      %dma_start3A_178 = tpu.memref_slice %arg7[%dma_start3A_175, %dma_start3A_176, %dma_start3A_177] : memref<4x128x16xf32, #tpu.memory_space<vmem>> -> memref<1x128x16xf32, #tpu.memory_space<vmem>>
      %dma_start3A_179 = tpu.memref_squeeze %dma_start3A_178 : memref<1x128x16xf32, #tpu.memory_space<vmem>> -> memref<128x16xf32, #tpu.memory_space<vmem>>
      %dma_start3A_180 = arith.constant 0 : i32
      %dma_start3A_181 = tpu.memref_slice %arg6[%add3A_174, %dma_start3A_180] : memref<80x128xi32, #tpu.memory_space<vmem>> -> memref<1x128xi32, #tpu.memory_space<vmem>>
      %dma_start3A_182 = tpu.memref_squeeze %dma_start3A_181 : memref<1x128xi32, #tpu.memory_space<vmem>> -> memref<128xi32, #tpu.memory_space<vmem>>
      %dma_start3A_183 = arith.constant 0 : i32
      %dma_start3A_184 = arith.constant 0 : i32
      %dma_start3A_185 = tpu.memref_slice %arg9[%dma_start3A_183, %dma_start3A_184] : memref<10240x16xf32, #tpu.memory_space<vmem_shared>> -> memref<10240x16xf32, #tpu.memory_space<vmem_shared>>
      tpu.enqueue_indirect_dma source(%dma_start3A_179 : memref<128x16xf32, #tpu.memory_space<vmem>>) target(%dma_start3A_185 : memref<10240x16xf32, #tpu.memory_space<vmem_shared>>) offsets(%dma_start3A_182 : memref<128xi32, #tpu.memory_space<vmem>>) semaphore(%arg15 : memref<!tpu.dma_semaphore, #tpu.memory_space<semaphore_mem>>) {add = true}
      %add3A_186 = arith.constant 2 : i32
      %add3A_187 = arith.addi %mul3A_133, %add3A_186 : i32
      %dma_wait3A_188 = arith.constant 2 : i32
      %dma_wait3A_189 = arith.constant 0 : i32
      %dma_wait3A_190 = arith.constant 0 : i32
      %dma_wait3A_191 = tpu.memref_slice %arg7[%dma_wait3A_188, %dma_wait3A_189, %dma_wait3A_190] : memref<4x128x16xf32, #tpu.memory_space<vmem>> -> memref<1x128x16xf32, #tpu.memory_space<vmem>>
      %dma_wait3A_192 = tpu.memref_squeeze %dma_wait3A_191 : memref<1x128x16xf32, #tpu.memory_space<vmem>> -> memref<128x16xf32, #tpu.memory_space<vmem>>
      %dma_wait3A_193 = arith.constant 0 : i32
      %dma_wait3A_194 = tpu.memref_slice %arg5[%add3A_187, %dma_wait3A_193] : memref<80x128xi32, #tpu.memory_space<vmem>> -> memref<1x128xi32, #tpu.memory_space<vmem>>
      %dma_wait3A_195 = tpu.memref_squeeze %dma_wait3A_194 : memref<1x128xi32, #tpu.memory_space<vmem>> -> memref<128xi32, #tpu.memory_space<vmem>>
      %dma_wait3A_196 = arith.constant 0 : i32
      %dma_wait3A_197 = arith.constant 0 : i32
      %dma_wait3A_198 = tpu.memref_slice %arg8[%dma_wait3A_196, %dma_wait3A_197] : memref<10240x16xf32, #tpu.memory_space<vmem_shared>> -> memref<10240x16xf32, #tpu.memory_space<vmem_shared>>
      tpu.wait_indirect_dma semaphore(%arg12 : memref<!tpu.dma_semaphore, #tpu.memory_space<semaphore_mem>>) src(%dma_wait3A_198 : memref<10240x16xf32, #tpu.memory_space<vmem_shared>>) dst(%dma_wait3A_192 : memref<128x16xf32, #tpu.memory_space<vmem>>)
      %add3A_199 = arith.constant 2 : i32
      %add3A_200 = arith.addi %mul3A_133, %add3A_199 : i32
      %dma_start3A_201 = arith.constant 2 : i32
      %dma_start3A_202 = arith.constant 0 : i32
      %dma_start3A_203 = arith.constant 0 : i32
      %dma_start3A_204 = tpu.memref_slice %arg7[%dma_start3A_201, %dma_start3A_202, %dma_start3A_203] : memref<4x128x16xf32, #tpu.memory_space<vmem>> -> memref<1x128x16xf32, #tpu.memory_space<vmem>>
      %dma_start3A_205 = tpu.memref_squeeze %dma_start3A_204 : memref<1x128x16xf32, #tpu.memory_space<vmem>> -> memref<128x16xf32, #tpu.memory_space<vmem>>
      %dma_start3A_206 = arith.constant 0 : i32
      %dma_start3A_207 = tpu.memref_slice %arg6[%add3A_200, %dma_start3A_206] : memref<80x128xi32, #tpu.memory_space<vmem>> -> memref<1x128xi32, #tpu.memory_space<vmem>>
      %dma_start3A_208 = tpu.memref_squeeze %dma_start3A_207 : memref<1x128xi32, #tpu.memory_space<vmem>> -> memref<128xi32, #tpu.memory_space<vmem>>
      %dma_start3A_209 = arith.constant 0 : i32
      %dma_start3A_210 = arith.constant 0 : i32
      %dma_start3A_211 = tpu.memref_slice %arg9[%dma_start3A_209, %dma_start3A_210] : memref<10240x16xf32, #tpu.memory_space<vmem_shared>> -> memref<10240x16xf32, #tpu.memory_space<vmem_shared>>
      tpu.enqueue_indirect_dma source(%dma_start3A_205 : memref<128x16xf32, #tpu.memory_space<vmem>>) target(%dma_start3A_211 : memref<10240x16xf32, #tpu.memory_space<vmem_shared>>) offsets(%dma_start3A_208 : memref<128xi32, #tpu.memory_space<vmem>>) semaphore(%arg16 : memref<!tpu.dma_semaphore, #tpu.memory_space<semaphore_mem>>) {add = true}
      %add3A_212 = arith.constant 3 : i32
      %add3A_213 = arith.addi %mul3A_133, %add3A_212 : i32
      %dma_wait3A_214 = arith.constant 3 : i32
      %dma_wait3A_215 = arith.constant 0 : i32
      %dma_wait3A_216 = arith.constant 0 : i32
      %dma_wait3A_217 = tpu.memref_slice %arg7[%dma_wait3A_214, %dma_wait3A_215, %dma_wait3A_216] : memref<4x128x16xf32, #tpu.memory_space<vmem>> -> memref<1x128x16xf32, #tpu.memory_space<vmem>>
      %dma_wait3A_218 = tpu.memref_squeeze %dma_wait3A_217 : memref<1x128x16xf32, #tpu.memory_space<vmem>> -> memref<128x16xf32, #tpu.memory_space<vmem>>
      %dma_wait3A_219 = arith.constant 0 : i32
      %dma_wait3A_220 = tpu.memref_slice %arg5[%add3A_213, %dma_wait3A_219] : memref<80x128xi32, #tpu.memory_space<vmem>> -> memref<1x128xi32, #tpu.memory_space<vmem>>
      %dma_wait3A_221 = tpu.memref_squeeze %dma_wait3A_220 : memref<1x128xi32, #tpu.memory_space<vmem>> -> memref<128xi32, #tpu.memory_space<vmem>>
      %dma_wait3A_222 = arith.constant 0 : i32
      %dma_wait3A_223 = arith.constant 0 : i32
      %dma_wait3A_224 = tpu.memref_slice %arg8[%dma_wait3A_222, %dma_wait3A_223] : memref<10240x16xf32, #tpu.memory_space<vmem_shared>> -> memref<10240x16xf32, #tpu.memory_space<vmem_shared>>
      tpu.wait_indirect_dma semaphore(%arg13 : memref<!tpu.dma_semaphore, #tpu.memory_space<semaphore_mem>>) src(%dma_wait3A_224 : memref<10240x16xf32, #tpu.memory_space<vmem_shared>>) dst(%dma_wait3A_218 : memref<128x16xf32, #tpu.memory_space<vmem>>)
      %add3A_225 = arith.constant 3 : i32
      %add3A_226 = arith.addi %mul3A_133, %add3A_225 : i32
      %dma_start3A_227 = arith.constant 3 : i32
      %dma_start3A_228 = arith.constant 0 : i32
      %dma_start3A_229 = arith.constant 0 : i32
      %dma_start3A_230 = tpu.memref_slice %arg7[%dma_start3A_227, %dma_start3A_228, %dma_start3A_229] : memref<4x128x16xf32, #tpu.memory_space<vmem>> -> memref<1x128x16xf32, #tpu.memory_space<vmem>>
      %dma_start3A_231 = tpu.memref_squeeze %dma_start3A_230 : memref<1x128x16xf32, #tpu.memory_space<vmem>> -> memref<128x16xf32, #tpu.memory_space<vmem>>
      %dma_start3A_232 = arith.constant 0 : i32
      %dma_start3A_233 = tpu.memref_slice %arg6[%add3A_226, %dma_start3A_232] : memref<80x128xi32, #tpu.memory_space<vmem>> -> memref<1x128xi32, #tpu.memory_space<vmem>>
      %dma_start3A_234 = tpu.memref_squeeze %dma_start3A_233 : memref<1x128xi32, #tpu.memory_space<vmem>> -> memref<128xi32, #tpu.memory_space<vmem>>
      %dma_start3A_235 = arith.constant 0 : i32
      %dma_start3A_236 = arith.constant 0 : i32
      %dma_start3A_237 = tpu.memref_slice %arg9[%dma_start3A_235, %dma_start3A_236] : memref<10240x16xf32, #tpu.memory_space<vmem_shared>> -> memref<10240x16xf32, #tpu.memory_space<vmem_shared>>
      tpu.enqueue_indirect_dma source(%dma_start3A_231 : memref<128x16xf32, #tpu.memory_space<vmem>>) target(%dma_start3A_237 : memref<10240x16xf32, #tpu.memory_space<vmem_shared>>) offsets(%dma_start3A_234 : memref<128xi32, #tpu.memory_space<vmem>>) semaphore(%arg17 : memref<!tpu.dma_semaphore, #tpu.memory_space<semaphore_mem>>) {add = true}
      %sub3A = arith.constant 1 : i32
      %sub3A_238 = arith.subi %select_n3A, %sub3A : i32
      %lt3A_239 = arith.cmpi slt, %while3A_131, %sub3A_238 : i32
      %convert_element_type3A_240 = arith.extui %lt3A_239 : i1 to i32
      %cond3A_241 = arith.constant 0 : i32
      %cond3A_242 = arith.cmpi ne, %convert_element_type3A_240, %cond3A_241 : i32
      scf.if %cond3A_242 {
        %dma_wait3A_243 = arith.constant 0 : i32
        %dma_wait3A_244 = arith.constant 0 : i32
        %dma_wait3A_245 = arith.constant 0 : i32
        %dma_wait3A_246 = arith.constant 0 : i32
        %dma_wait3A_247 = tpu.memref_slice %arg7[%dma_wait3A_243, %dma_wait3A_245, %dma_wait3A_246] : memref<4x128x16xf32, #tpu.memory_space<vmem>> -> memref<1x128x16xf32, #tpu.memory_space<vmem>>
        %dma_wait3A_248 = tpu.memref_squeeze %dma_wait3A_247 : memref<1x128x16xf32, #tpu.memory_space<vmem>> -> memref<128x16xf32, #tpu.memory_space<vmem>>
        %dma_wait3A_249 = arith.constant 0 : i32
        %dma_wait3A_250 = tpu.memref_slice %arg6[%dma_wait3A_244, %dma_wait3A_249] : memref<80x128xi32, #tpu.memory_space<vmem>> -> memref<1x128xi32, #tpu.memory_space<vmem>>
        %dma_wait3A_251 = tpu.memref_squeeze %dma_wait3A_250 : memref<1x128xi32, #tpu.memory_space<vmem>> -> memref<128xi32, #tpu.memory_space<vmem>>
        %dma_wait3A_252 = arith.constant 0 : i32
        %dma_wait3A_253 = arith.constant 0 : i32
        %dma_wait3A_254 = tpu.memref_slice %arg9[%dma_wait3A_252, %dma_wait3A_253] : memref<10240x16xf32, #tpu.memory_space<vmem_shared>> -> memref<10240x16xf32, #tpu.memory_space<vmem_shared>>
        tpu.wait_indirect_dma semaphore(%arg14 : memref<!tpu.dma_semaphore, #tpu.memory_space<semaphore_mem>>) src(%dma_wait3A_248 : memref<128x16xf32, #tpu.memory_space<vmem>>) dst(%dma_wait3A_254 : memref<10240x16xf32, #tpu.memory_space<vmem_shared>>)
        %add3A_255 = arith.constant 4 : i32
        %add3A_256 = arith.addi %mul3A_133, %add3A_255 : i32
        %add3A_257 = arith.constant 0 : i32
        %add3A_258 = arith.addi %add3A_256, %add3A_257 : i32
        %dma_start3A_259 = arith.constant 0 : i32
        %dma_start3A_260 = arith.constant 0 : i32
        %dma_start3A_261 = arith.constant 0 : i32
        %dma_start3A_262 = tpu.memref_slice %arg7[%dma_start3A_259, %dma_start3A_260, %dma_start3A_261] : memref<4x128x16xf32, #tpu.memory_space<vmem>> -> memref<1x128x16xf32, #tpu.memory_space<vmem>>
        %dma_start3A_263 = tpu.memref_squeeze %dma_start3A_262 : memref<1x128x16xf32, #tpu.memory_space<vmem>> -> memref<128x16xf32, #tpu.memory_space<vmem>>
        %dma_start3A_264 = arith.constant 0 : i32
        %dma_start3A_265 = tpu.memref_slice %arg5[%add3A_258, %dma_start3A_264] : memref<80x128xi32, #tpu.memory_space<vmem>> -> memref<1x128xi32, #tpu.memory_space<vmem>>
        %dma_start3A_266 = tpu.memref_squeeze %dma_start3A_265 : memref<1x128xi32, #tpu.memory_space<vmem>> -> memref<128xi32, #tpu.memory_space<vmem>>
        %dma_start3A_267 = arith.constant 0 : i32
        %dma_start3A_268 = arith.constant 0 : i32
        %dma_start3A_269 = tpu.memref_slice %arg8[%dma_start3A_267, %dma_start3A_268] : memref<10240x16xf32, #tpu.memory_space<vmem_shared>> -> memref<10240x16xf32, #tpu.memory_space<vmem_shared>>
        tpu.enqueue_indirect_dma source(%dma_start3A_269 : memref<10240x16xf32, #tpu.memory_space<vmem_shared>>) target(%dma_start3A_263 : memref<128x16xf32, #tpu.memory_space<vmem>>) offsets(%dma_start3A_266 : memref<128xi32, #tpu.memory_space<vmem>>) semaphore(%arg10 : memref<!tpu.dma_semaphore, #tpu.memory_space<semaphore_mem>>)
        %dma_wait3A_270 = arith.constant 1 : i32
        %dma_wait3A_271 = arith.constant 0 : i32
        %dma_wait3A_272 = arith.constant 0 : i32
        %dma_wait3A_273 = arith.constant 0 : i32
        %dma_wait3A_274 = tpu.memref_slice %arg7[%dma_wait3A_270, %dma_wait3A_272, %dma_wait3A_273] : memref<4x128x16xf32, #tpu.memory_space<vmem>> -> memref<1x128x16xf32, #tpu.memory_space<vmem>>
        %dma_wait3A_275 = tpu.memref_squeeze %dma_wait3A_274 : memref<1x128x16xf32, #tpu.memory_space<vmem>> -> memref<128x16xf32, #tpu.memory_space<vmem>>
        %dma_wait3A_276 = arith.constant 0 : i32
        %dma_wait3A_277 = tpu.memref_slice %arg6[%dma_wait3A_271, %dma_wait3A_276] : memref<80x128xi32, #tpu.memory_space<vmem>> -> memref<1x128xi32, #tpu.memory_space<vmem>>
        %dma_wait3A_278 = tpu.memref_squeeze %dma_wait3A_277 : memref<1x128xi32, #tpu.memory_space<vmem>> -> memref<128xi32, #tpu.memory_space<vmem>>
        %dma_wait3A_279 = arith.constant 0 : i32
        %dma_wait3A_280 = arith.constant 0 : i32
        %dma_wait3A_281 = tpu.memref_slice %arg9[%dma_wait3A_279, %dma_wait3A_280] : memref<10240x16xf32, #tpu.memory_space<vmem_shared>> -> memref<10240x16xf32, #tpu.memory_space<vmem_shared>>
        tpu.wait_indirect_dma semaphore(%arg15 : memref<!tpu.dma_semaphore, #tpu.memory_space<semaphore_mem>>) src(%dma_wait3A_275 : memref<128x16xf32, #tpu.memory_space<vmem>>) dst(%dma_wait3A_281 : memref<10240x16xf32, #tpu.memory_space<vmem_shared>>)
        %add3A_282 = arith.constant 4 : i32
        %add3A_283 = arith.addi %mul3A_133, %add3A_282 : i32
        %add3A_284 = arith.constant 1 : i32
        %add3A_285 = arith.addi %add3A_283, %add3A_284 : i32
        %dma_start3A_286 = arith.constant 1 : i32
        %dma_start3A_287 = arith.constant 0 : i32
        %dma_start3A_288 = arith.constant 0 : i32
        %dma_start3A_289 = tpu.memref_slice %arg7[%dma_start3A_286, %dma_start3A_287, %dma_start3A_288] : memref<4x128x16xf32, #tpu.memory_space<vmem>> -> memref<1x128x16xf32, #tpu.memory_space<vmem>>
        %dma_start3A_290 = tpu.memref_squeeze %dma_start3A_289 : memref<1x128x16xf32, #tpu.memory_space<vmem>> -> memref<128x16xf32, #tpu.memory_space<vmem>>
        %dma_start3A_291 = arith.constant 0 : i32
        %dma_start3A_292 = tpu.memref_slice %arg5[%add3A_285, %dma_start3A_291] : memref<80x128xi32, #tpu.memory_space<vmem>> -> memref<1x128xi32, #tpu.memory_space<vmem>>
        %dma_start3A_293 = tpu.memref_squeeze %dma_start3A_292 : memref<1x128xi32, #tpu.memory_space<vmem>> -> memref<128xi32, #tpu.memory_space<vmem>>
        %dma_start3A_294 = arith.constant 0 : i32
        %dma_start3A_295 = arith.constant 0 : i32
        %dma_start3A_296 = tpu.memref_slice %arg8[%dma_start3A_294, %dma_start3A_295] : memref<10240x16xf32, #tpu.memory_space<vmem_shared>> -> memref<10240x16xf32, #tpu.memory_space<vmem_shared>>
        tpu.enqueue_indirect_dma source(%dma_start3A_296 : memref<10240x16xf32, #tpu.memory_space<vmem_shared>>) target(%dma_start3A_290 : memref<128x16xf32, #tpu.memory_space<vmem>>) offsets(%dma_start3A_293 : memref<128xi32, #tpu.memory_space<vmem>>) semaphore(%arg11 : memref<!tpu.dma_semaphore, #tpu.memory_space<semaphore_mem>>)
        %dma_wait3A_297 = arith.constant 2 : i32
        %dma_wait3A_298 = arith.constant 0 : i32
        %dma_wait3A_299 = arith.constant 0 : i32
        %dma_wait3A_300 = arith.constant 0 : i32
        %dma_wait3A_301 = tpu.memref_slice %arg7[%dma_wait3A_297, %dma_wait3A_299, %dma_wait3A_300] : memref<4x128x16xf32, #tpu.memory_space<vmem>> -> memref<1x128x16xf32, #tpu.memory_space<vmem>>
        %dma_wait3A_302 = tpu.memref_squeeze %dma_wait3A_301 : memref<1x128x16xf32, #tpu.memory_space<vmem>> -> memref<128x16xf32, #tpu.memory_space<vmem>>
        %dma_wait3A_303 = arith.constant 0 : i32
        %dma_wait3A_304 = tpu.memref_slice %arg6[%dma_wait3A_298, %dma_wait3A_303] : memref<80x128xi32, #tpu.memory_space<vmem>> -> memref<1x128xi32, #tpu.memory_space<vmem>>
        %dma_wait3A_305 = tpu.memref_squeeze %dma_wait3A_304 : memref<1x128xi32, #tpu.memory_space<vmem>> -> memref<128xi32, #tpu.memory_space<vmem>>
        %dma_wait3A_306 = arith.constant 0 : i32
        %dma_wait3A_307 = arith.constant 0 : i32
        %dma_wait3A_308 = tpu.memref_slice %arg9[%dma_wait3A_306, %dma_wait3A_307] : memref<10240x16xf32, #tpu.memory_space<vmem_shared>> -> memref<10240x16xf32, #tpu.memory_space<vmem_shared>>
        tpu.wait_indirect_dma semaphore(%arg16 : memref<!tpu.dma_semaphore, #tpu.memory_space<semaphore_mem>>) src(%dma_wait3A_302 : memref<128x16xf32, #tpu.memory_space<vmem>>) dst(%dma_wait3A_308 : memref<10240x16xf32, #tpu.memory_space<vmem_shared>>)
        %add3A_309 = arith.constant 4 : i32
        %add3A_310 = arith.addi %mul3A_133, %add3A_309 : i32
        %add3A_311 = arith.constant 2 : i32
        %add3A_312 = arith.addi %add3A_310, %add3A_311 : i32
        %dma_start3A_313 = arith.constant 2 : i32
        %dma_start3A_314 = arith.constant 0 : i32
        %dma_start3A_315 = arith.constant 0 : i32
        %dma_start3A_316 = tpu.memref_slice %arg7[%dma_start3A_313, %dma_start3A_314, %dma_start3A_315] : memref<4x128x16xf32, #tpu.memory_space<vmem>> -> memref<1x128x16xf32, #tpu.memory_space<vmem>>
        %dma_start3A_317 = tpu.memref_squeeze %dma_start3A_316 : memref<1x128x16xf32, #tpu.memory_space<vmem>> -> memref<128x16xf32, #tpu.memory_space<vmem>>
        %dma_start3A_318 = arith.constant 0 : i32
        %dma_start3A_319 = tpu.memref_slice %arg5[%add3A_312, %dma_start3A_318] : memref<80x128xi32, #tpu.memory_space<vmem>> -> memref<1x128xi32, #tpu.memory_space<vmem>>
        %dma_start3A_320 = tpu.memref_squeeze %dma_start3A_319 : memref<1x128xi32, #tpu.memory_space<vmem>> -> memref<128xi32, #tpu.memory_space<vmem>>
        %dma_start3A_321 = arith.constant 0 : i32
        %dma_start3A_322 = arith.constant 0 : i32
        %dma_start3A_323 = tpu.memref_slice %arg8[%dma_start3A_321, %dma_start3A_322] : memref<10240x16xf32, #tpu.memory_space<vmem_shared>> -> memref<10240x16xf32, #tpu.memory_space<vmem_shared>>
        tpu.enqueue_indirect_dma source(%dma_start3A_323 : memref<10240x16xf32, #tpu.memory_space<vmem_shared>>) target(%dma_start3A_317 : memref<128x16xf32, #tpu.memory_space<vmem>>) offsets(%dma_start3A_320 : memref<128xi32, #tpu.memory_space<vmem>>) semaphore(%arg12 : memref<!tpu.dma_semaphore, #tpu.memory_space<semaphore_mem>>)
        %dma_wait3A_324 = arith.constant 3 : i32
        %dma_wait3A_325 = arith.constant 0 : i32
        %dma_wait3A_326 = arith.constant 0 : i32
        %dma_wait3A_327 = arith.constant 0 : i32
        %dma_wait3A_328 = tpu.memref_slice %arg7[%dma_wait3A_324, %dma_wait3A_326, %dma_wait3A_327] : memref<4x128x16xf32, #tpu.memory_space<vmem>> -> memref<1x128x16xf32, #tpu.memory_space<vmem>>
        %dma_wait3A_329 = tpu.memref_squeeze %dma_wait3A_328 : memref<1x128x16xf32, #tpu.memory_space<vmem>> -> memref<128x16xf32, #tpu.memory_space<vmem>>
        %dma_wait3A_330 = arith.constant 0 : i32
        %dma_wait3A_331 = tpu.memref_slice %arg6[%dma_wait3A_325, %dma_wait3A_330] : memref<80x128xi32, #tpu.memory_space<vmem>> -> memref<1x128xi32, #tpu.memory_space<vmem>>
        %dma_wait3A_332 = tpu.memref_squeeze %dma_wait3A_331 : memref<1x128xi32, #tpu.memory_space<vmem>> -> memref<128xi32, #tpu.memory_space<vmem>>
        %dma_wait3A_333 = arith.constant 0 : i32
        %dma_wait3A_334 = arith.constant 0 : i32
        %dma_wait3A_335 = tpu.memref_slice %arg9[%dma_wait3A_333, %dma_wait3A_334] : memref<10240x16xf32, #tpu.memory_space<vmem_shared>> -> memref<10240x16xf32, #tpu.memory_space<vmem_shared>>
        tpu.wait_indirect_dma semaphore(%arg17 : memref<!tpu.dma_semaphore, #tpu.memory_space<semaphore_mem>>) src(%dma_wait3A_329 : memref<128x16xf32, #tpu.memory_space<vmem>>) dst(%dma_wait3A_335 : memref<10240x16xf32, #tpu.memory_space<vmem_shared>>)
        %add3A_336 = arith.constant 4 : i32
        %add3A_337 = arith.addi %mul3A_133, %add3A_336 : i32
        %add3A_338 = arith.constant 3 : i32
        %add3A_339 = arith.addi %add3A_337, %add3A_338 : i32
        %dma_start3A_340 = arith.constant 3 : i32
        %dma_start3A_341 = arith.constant 0 : i32
        %dma_start3A_342 = arith.constant 0 : i32
        %dma_start3A_343 = tpu.memref_slice %arg7[%dma_start3A_340, %dma_start3A_341, %dma_start3A_342] : memref<4x128x16xf32, #tpu.memory_space<vmem>> -> memref<1x128x16xf32, #tpu.memory_space<vmem>>
        %dma_start3A_344 = tpu.memref_squeeze %dma_start3A_343 : memref<1x128x16xf32, #tpu.memory_space<vmem>> -> memref<128x16xf32, #tpu.memory_space<vmem>>
        %dma_start3A_345 = arith.constant 0 : i32
        %dma_start3A_346 = tpu.memref_slice %arg5[%add3A_339, %dma_start3A_345] : memref<80x128xi32, #tpu.memory_space<vmem>> -> memref<1x128xi32, #tpu.memory_space<vmem>>
        %dma_start3A_347 = tpu.memref_squeeze %dma_start3A_346 : memref<1x128xi32, #tpu.memory_space<vmem>> -> memref<128xi32, #tpu.memory_space<vmem>>
        %dma_start3A_348 = arith.constant 0 : i32
        %dma_start3A_349 = arith.constant 0 : i32
        %dma_start3A_350 = tpu.memref_slice %arg8[%dma_start3A_348, %dma_start3A_349] : memref<10240x16xf32, #tpu.memory_space<vmem_shared>> -> memref<10240x16xf32, #tpu.memory_space<vmem_shared>>
        tpu.enqueue_indirect_dma source(%dma_start3A_350 : memref<10240x16xf32, #tpu.memory_space<vmem_shared>>) target(%dma_start3A_344 : memref<128x16xf32, #tpu.memory_space<vmem>>) offsets(%dma_start3A_347 : memref<128xi32, #tpu.memory_space<vmem>>) semaphore(%arg13 : memref<!tpu.dma_semaphore, #tpu.memory_space<semaphore_mem>>)
      } else {
      }
    }
    %dma_wait3A = arith.constant 0 : i32
    %dma_wait3A_78 = arith.constant 0 : i32
    %dma_wait3A_79 = arith.constant 0 : i32
    %dma_wait3A_80 = arith.constant 0 : i32
    %dma_wait3A_81 = tpu.memref_slice %arg7[%dma_wait3A, %dma_wait3A_79, %dma_wait3A_80] : memref<4x128x16xf32, #tpu.memory_space<vmem>> -> memref<1x128x16xf32, #tpu.memory_space<vmem>>
    %dma_wait3A_82 = tpu.memref_squeeze %dma_wait3A_81 : memref<1x128x16xf32, #tpu.memory_space<vmem>> -> memref<128x16xf32, #tpu.memory_space<vmem>>
    %dma_wait3A_83 = arith.constant 0 : i32
    %dma_wait3A_84 = tpu.memref_slice %arg6[%dma_wait3A_78, %dma_wait3A_83] : memref<80x128xi32, #tpu.memory_space<vmem>> -> memref<1x128xi32, #tpu.memory_space<vmem>>
    %dma_wait3A_85 = tpu.memref_squeeze %dma_wait3A_84 : memref<1x128xi32, #tpu.memory_space<vmem>> -> memref<128xi32, #tpu.memory_space<vmem>>
    %dma_wait3A_86 = arith.constant 0 : i32
    %dma_wait3A_87 = arith.constant 0 : i32
    %dma_wait3A_88 = tpu.memref_slice %arg9[%dma_wait3A_86, %dma_wait3A_87] : memref<10240x16xf32, #tpu.memory_space<vmem_shared>> -> memref<10240x16xf32, #tpu.memory_space<vmem_shared>>
    tpu.wait_indirect_dma semaphore(%arg14 : memref<!tpu.dma_semaphore, #tpu.memory_space<semaphore_mem>>) src(%dma_wait3A_82 : memref<128x16xf32, #tpu.memory_space<vmem>>) dst(%dma_wait3A_88 : memref<10240x16xf32, #tpu.memory_space<vmem_shared>>)
    %dma_wait3A_89 = arith.constant 1 : i32
    %dma_wait3A_90 = arith.constant 0 : i32
    %dma_wait3A_91 = arith.constant 0 : i32
    %dma_wait3A_92 = arith.constant 0 : i32
    %dma_wait3A_93 = tpu.memref_slice %arg7[%dma_wait3A_89, %dma_wait3A_91, %dma_wait3A_92] : memref<4x128x16xf32, #tpu.memory_space<vmem>> -> memref<1x128x16xf32, #tpu.memory_space<vmem>>
    %dma_wait3A_94 = tpu.memref_squeeze %dma_wait3A_93 : memref<1x128x16xf32, #tpu.memory_space<vmem>> -> memref<128x16xf32, #tpu.memory_space<vmem>>
    %dma_wait3A_95 = arith.constant 0 : i32
    %dma_wait3A_96 = tpu.memref_slice %arg6[%dma_wait3A_90, %dma_wait3A_95] : memref<80x128xi32, #tpu.memory_space<vmem>> -> memref<1x128xi32, #tpu.memory_space<vmem>>
    %dma_wait3A_97 = tpu.memref_squeeze %dma_wait3A_96 : memref<1x128xi32, #tpu.memory_space<vmem>> -> memref<128xi32, #tpu.memory_space<vmem>>
    %dma_wait3A_98 = arith.constant 0 : i32
    %dma_wait3A_99 = arith.constant 0 : i32
    %dma_wait3A_100 = tpu.memref_slice %arg9[%dma_wait3A_98, %dma_wait3A_99] : memref<10240x16xf32, #tpu.memory_space<vmem_shared>> -> memref<10240x16xf32, #tpu.memory_space<vmem_shared>>
    tpu.wait_indirect_dma semaphore(%arg15 : memref<!tpu.dma_semaphore, #tpu.memory_space<semaphore_mem>>) src(%dma_wait3A_94 : memref<128x16xf32, #tpu.memory_space<vmem>>) dst(%dma_wait3A_100 : memref<10240x16xf32, #tpu.memory_space<vmem_shared>>)
    %dma_wait3A_101 = arith.constant 2 : i32
    %dma_wait3A_102 = arith.constant 0 : i32
    %dma_wait3A_103 = arith.constant 0 : i32
    %dma_wait3A_104 = arith.constant 0 : i32
    %dma_wait3A_105 = tpu.memref_slice %arg7[%dma_wait3A_101, %dma_wait3A_103, %dma_wait3A_104] : memref<4x128x16xf32, #tpu.memory_space<vmem>> -> memref<1x128x16xf32, #tpu.memory_space<vmem>>
    %dma_wait3A_106 = tpu.memref_squeeze %dma_wait3A_105 : memref<1x128x16xf32, #tpu.memory_space<vmem>> -> memref<128x16xf32, #tpu.memory_space<vmem>>
    %dma_wait3A_107 = arith.constant 0 : i32
    %dma_wait3A_108 = tpu.memref_slice %arg6[%dma_wait3A_102, %dma_wait3A_107] : memref<80x128xi32, #tpu.memory_space<vmem>> -> memref<1x128xi32, #tpu.memory_space<vmem>>
    %dma_wait3A_109 = tpu.memref_squeeze %dma_wait3A_108 : memref<1x128xi32, #tpu.memory_space<vmem>> -> memref<128xi32, #tpu.memory_space<vmem>>
    %dma_wait3A_110 = arith.constant 0 : i32
    %dma_wait3A_111 = arith.constant 0 : i32
    %dma_wait3A_112 = tpu.memref_slice %arg9[%dma_wait3A_110, %dma_wait3A_111] : memref<10240x16xf32, #tpu.memory_space<vmem_shared>> -> memref<10240x16xf32, #tpu.memory_space<vmem_shared>>
    tpu.wait_indirect_dma semaphore(%arg16 : memref<!tpu.dma_semaphore, #tpu.memory_space<semaphore_mem>>) src(%dma_wait3A_106 : memref<128x16xf32, #tpu.memory_space<vmem>>) dst(%dma_wait3A_112 : memref<10240x16xf32, #tpu.memory_space<vmem_shared>>)
    %dma_wait3A_113 = arith.constant 3 : i32
    %dma_wait3A_114 = arith.constant 0 : i32
    %dma_wait3A_115 = arith.constant 0 : i32
    %dma_wait3A_116 = arith.constant 0 : i32
    %dma_wait3A_117 = tpu.memref_slice %arg7[%dma_wait3A_113, %dma_wait3A_115, %dma_wait3A_116] : memref<4x128x16xf32, #tpu.memory_space<vmem>> -> memref<1x128x16xf32, #tpu.memory_space<vmem>>
    %dma_wait3A_118 = tpu.memref_squeeze %dma_wait3A_117 : memref<1x128x16xf32, #tpu.memory_space<vmem>> -> memref<128x16xf32, #tpu.memory_space<vmem>>
    %dma_wait3A_119 = arith.constant 0 : i32
    %dma_wait3A_120 = tpu.memref_slice %arg6[%dma_wait3A_114, %dma_wait3A_119] : memref<80x128xi32, #tpu.memory_space<vmem>> -> memref<1x128xi32, #tpu.memory_space<vmem>>
    %dma_wait3A_121 = tpu.memref_squeeze %dma_wait3A_120 : memref<1x128xi32, #tpu.memory_space<vmem>> -> memref<128xi32, #tpu.memory_space<vmem>>
    %dma_wait3A_122 = arith.constant 0 : i32
    %dma_wait3A_123 = arith.constant 0 : i32
    %dma_wait3A_124 = tpu.memref_slice %arg9[%dma_wait3A_122, %dma_wait3A_123] : memref<10240x16xf32, #tpu.memory_space<vmem_shared>> -> memref<10240x16xf32, #tpu.memory_space<vmem_shared>>
    tpu.wait_indirect_dma semaphore(%arg17 : memref<!tpu.dma_semaphore, #tpu.memory_space<semaphore_mem>>) src(%dma_wait3A_118 : memref<128x16xf32, #tpu.memory_space<vmem>>) dst(%dma_wait3A_124 : memref<10240x16xf32, #tpu.memory_space<vmem_shared>>)
    %barrier3A_125 = arith.constant 0 : index
    tpu.barrier barrier_id(%barrier3A_125)
    %barrier3A_126 = arith.constant 0 : index
    tpu.barrier barrier_id(%barrier3A_126)
    %mul3A_127 = arith.constant 640 : i32
    %mul3A_128 = arith.muli %arg1, %mul3A_127 : i32
    %mul3A_129 = arith.constant 640 : i32
    %mul3A_130 = arith.muli %arg1, %mul3A_129 : i32
    "tpu.region"() ({
      %run_scoped3A = tpu.sem_alloc : memref<!tpu.dma_semaphore, #tpu.memory_space<semaphore_mem>>
      %dma_start3A_131 = arith.constant 0 : i32
      %dma_start3A_132 = tpu.memref_slice %arg4[%arg0, %mul3A_130, %dma_start3A_131] : memref<2x10240x16xf32, #tpu.memory_space<hbm>> -> memref<1x640x16xf32, #tpu.memory_space<hbm>>
      %dma_start3A_133 = tpu.memref_squeeze %dma_start3A_132 : memref<1x640x16xf32, #tpu.memory_space<hbm>> -> memref<640x16xf32, #tpu.memory_space<hbm>>
      %dma_start3A_134 = arith.constant 0 : i32
      %dma_start3A_135 = tpu.memref_slice %arg9[%mul3A_128, %dma_start3A_134] : memref<10240x16xf32, #tpu.memory_space<vmem_shared>> -> memref<640x16xf32, #tpu.memory_space<vmem_shared>>
      tpu.enqueue_dma source(%dma_start3A_135 : memref<640x16xf32, #tpu.memory_space<vmem_shared>>) target(%dma_start3A_133 : memref<640x16xf32, #tpu.memory_space<hbm>>) target_semaphore(%run_scoped3A : memref<!tpu.dma_semaphore, #tpu.memory_space<semaphore_mem>>)
      %dma_wait3A_136 = arith.constant 0 : i32
      %dma_wait3A_137 = tpu.memref_slice %arg4[%arg0, %mul3A_130, %dma_wait3A_136] : memref<2x10240x16xf32, #tpu.memory_space<hbm>> -> memref<1x640x16xf32, #tpu.memory_space<hbm>>
      %dma_wait3A_138 = tpu.memref_squeeze %dma_wait3A_137 : memref<1x640x16xf32, #tpu.memory_space<hbm>> -> memref<640x16xf32, #tpu.memory_space<hbm>>
      %dma_wait3A_139 = arith.constant 0 : i32
      %dma_wait3A_140 = tpu.memref_slice %arg9[%mul3A_128, %dma_wait3A_139] : memref<10240x16xf32, #tpu.memory_space<vmem_shared>> -> memref<640x16xf32, #tpu.memory_space<vmem_shared>>
      tpu.wait_dma2 semaphore(%run_scoped3A : memref<!tpu.dma_semaphore, #tpu.memory_space<semaphore_mem>>) src(%dma_wait3A_140 : memref<640x16xf32, #tpu.memory_space<vmem_shared>>) dst(%dma_wait3A_138 : memref<640x16xf32, #tpu.memory_space<hbm>>)
      tpu.yield
    }) : () -> ()
    return
  }
}

module attributes {stable_mosaic.version = 14 : i64} {
  func.func @_k1_body(%arg0: i32, %arg1: i32, %arg2: memref<5000x128xf32, #tpu.memory_space<vmem>>, %arg3: memref<1x128x64xf32, #tpu.memory_space<vmem>>, %arg4: memref<5000x1xf32, #tpu.memory_space<vmem>>, %arg5: memref<5000x1xf32, #tpu.memory_space<vmem>>, %arg6: memref<1x5000x64xf32, #tpu.memory_space<vmem>>, %arg7: memref<5000x1xf32, #tpu.memory_space<vmem>>) attributes {dimension_semantics = [#tpu.dimension_semantics<arbitrary>, #tpu.dimension_semantics<arbitrary>], iteration_bounds = array<i64: 2, 2>, scalar_prefetch = 0 : i64, scratch_operands = 0 : i64, tpu.core_type = #tpu.core_type<tc>, window_params = [{transform_indices = @transform_0, window_bounds = array<i64: 5000, 128>}, {transform_indices = @transform_1, window_bounds = array<i64: 1, 128, 64>}, {transform_indices = @transform_2, window_bounds = array<i64: 5000, 1>}, {transform_indices = @transform_3, window_bounds = array<i64: 5000, 1>}, {transform_indices = @transform_4, window_bounds = array<i64: 1, 5000, 64>}, {transform_indices = @transform_5, window_bounds = array<i64: 5000, 1>}]} {
    %get3A = arith.constant 0 : index
    %get3A_0 = arith.constant 0 : index
    %get3A_1 = vector.load %arg4[%get3A, %get3A_0] : memref<5000x1xf32, #tpu.memory_space<vmem>>, vector<5000x1xf32>
    %get3A_2 = vector.shape_cast %get3A_1 : vector<5000x1xf32> to vector<5000xf32>
    %get3A_3 = arith.constant 0 : index
    %get3A_4 = arith.constant 0 : index
    %get3A_5 = vector.load %arg5[%get3A_3, %get3A_4] : memref<5000x1xf32, #tpu.memory_space<vmem>>, vector<5000x1xf32>
    %get3A_6 = vector.shape_cast %get3A_5 : vector<5000x1xf32> to vector<5000xf32>
    %add3A = arith.addf %get3A_2, %get3A_6 : vector<5000xf32>
    %add3A_7 = arith.constant 1.000000e+00 : f32
    %add3A_8 = vector.broadcast %add3A_7 : f32 to vector<5000xf32>
    %add3A_9 = arith.addf %add3A, %add3A_8 : vector<5000xf32>
    %rsqrt3A = math.rsqrt %add3A_9 : vector<5000xf32>
    %broadcast_in_dim3A = vector.shape_cast %rsqrt3A : vector<5000xf32> to vector<5000x1xf32>
    %swap3A = arith.constant 0 : index
    %swap3A_10 = arith.constant 0 : index
    %swap3A_11 = vector.load %arg7[%swap3A, %swap3A_10] : memref<5000x1xf32, #tpu.memory_space<vmem>>, vector<5000x1xf32>
    tpu.vector_store %arg7[%swap3A, %swap3A_10], %broadcast_in_dim3A {strides = array<i32>} : memref<5000x1xf32, #tpu.memory_space<vmem>>, vector<5000x1xf32>,
    %get3A_12 = arith.constant 0 : index
    %get3A_13 = arith.constant 0 : index
    %get3A_14 = vector.load %arg2[%get3A_12, %get3A_13] : memref<5000x128xf32, #tpu.memory_space<vmem>>, vector<5000x128xf32>
    %get3A_15 = arith.constant 0 : index
    %get3A_16 = arith.constant 0 : index
    %get3A_17 = arith.constant 0 : index
    %get3A_18 = vector.load %arg3[%get3A_15, %get3A_16, %get3A_17] : memref<1x128x64xf32, #tpu.memory_space<vmem>>, vector<1x128x64xf32>
    %get3A_19 = vector.shape_cast %get3A_18 : vector<1x128x64xf32> to vector<128x64xf32>
    %dot_general3A = arith.constant dense<0.000000e+00> : vector<5000x64xf32>
    %dot_general3A_20 = tpu.matmul %get3A_14, %get3A_19, %dot_general3A {dimension_numbers = #tpu.dot_dimension_numbers<[1], [0], [0], [1], [0, 0, 1, 1], [], []>, transpose_lhs_hint = false} : vector<5000x128xf32>, vector<128x64xf32>, vector<5000x64xf32> -> vector<5000x64xf32>
    %mul3A = vector.broadcast %broadcast_in_dim3A : vector<5000x1xf32> to vector<5000x64xf32>
    %mul3A_21 = arith.mulf %dot_general3A_20, %mul3A : vector<5000x64xf32>
    %swap3A_22 = arith.constant 0 : index
    %swap3A_23 = arith.constant 0 : index
    %swap3A_24 = arith.constant 0 : index
    %swap3A_25 = vector.load %arg6[%swap3A_22, %swap3A_23, %swap3A_24] : memref<1x5000x64xf32, #tpu.memory_space<vmem>>, vector<1x5000x64xf32>
    %swap3A_26 = vector.shape_cast %swap3A_25 : vector<1x5000x64xf32> to vector<5000x64xf32>
    %swap3A_27 = vector.shape_cast %mul3A_21 : vector<5000x64xf32> to vector<1x5000x64xf32>
    tpu.vector_store %arg6[%swap3A_22, %swap3A_23, %swap3A_24], %swap3A_27 {strides = array<i32>} : memref<1x5000x64xf32, #tpu.memory_space<vmem>>, vector<1x5000x64xf32>,
    return
  }
  func.func @transform_0(%arg0: i32, %arg1: i32) -> (i32, i32) {
    %c0_i32 = arith.constant 0 : i32
    %c0_i32_0 = arith.constant 0 : i32
    return %arg0, %c0_i32 : i32, i32
  }
  func.func @transform_1(%arg0: i32, %arg1: i32) -> (i32, i32, i32) {
    %c0_i32 = arith.constant 0 : i32
    %c0_i32_0 = arith.constant 0 : i32
    %c0_i32_1 = arith.constant 0 : i32
    return %arg1, %c0_i32, %c0_i32_0 : i32, i32, i32
  }
  func.func @transform_2(%arg0: i32, %arg1: i32) -> (i32, i32) {
    %c0_i32 = arith.constant 0 : i32
    %c0_i32_0 = arith.constant 0 : i32
    return %arg0, %c0_i32 : i32, i32
  }
  func.func @transform_3(%arg0: i32, %arg1: i32) -> (i32, i32) {
    %c0_i32 = arith.constant 0 : i32
    %c0_i32_0 = arith.constant 0 : i32
    return %arg0, %c0_i32 : i32, i32
  }
  func.func @transform_4(%arg0: i32, %arg1: i32) -> (i32, i32, i32) {
    %c0_i32 = arith.constant 0 : i32
    %c0_i32_0 = arith.constant 0 : i32
    return %arg1, %arg0, %c0_i32 : i32, i32, i32
  }
  func.func @transform_5(%arg0: i32, %arg1: i32) -> (i32, i32) {
    %c0_i32 = arith.constant 0 : i32
    %c0_i32_0 = arith.constant 0 : i32
    return %arg0, %c0_i32 : i32, i32
  }
}

module attributes {stable_mosaic.version = 14 : i64} {
  func.func @_k3_body(%arg0: i32, %arg1: memref<1x5000x64xf32, #tpu.memory_space<vmem>>, %arg2: memref<1x5000x64xf32, #tpu.memory_space<vmem>>, %arg3: memref<5000x1xf32, #tpu.memory_space<vmem>>, %arg4: memref<1x128xf32, #tpu.memory_space<vmem>>, %arg5: memref<128x16xf32, #tpu.memory_space<vmem>>, %arg6: memref<5000x16xf32, #tpu.memory_space<vmem>>) attributes {dimension_semantics = [#tpu.dimension_semantics<arbitrary>], iteration_bounds = array<i64: 2>, scalar_prefetch = 0 : i64, scratch_operands = 0 : i64, tpu.core_type = #tpu.core_type<tc>, window_params = [{transform_indices = @transform_0, window_bounds = array<i64: 1, 5000, 64>}, {transform_indices = @transform_1, window_bounds = array<i64: 1, 5000, 64>}, {transform_indices = @transform_2, window_bounds = array<i64: 5000, 1>}, {pipeline_mode = #tpu.pipeline_mode<synchronous>, transform_indices = @transform_3, window_bounds = array<i64: 1, 128>}, {pipeline_mode = #tpu.pipeline_mode<synchronous>, transform_indices = @transform_4, window_bounds = array<i64: 128, 16>}, {transform_indices = @transform_5, window_bounds = array<i64: 5000, 16>}]} {
    %get3A = arith.constant 0 : index
    %get3A_0 = arith.constant 0 : index
    %get3A_1 = vector.load %arg3[%get3A, %get3A_0] : memref<5000x1xf32, #tpu.memory_space<vmem>>, vector<5000x1xf32>
    %get3A_2 = arith.constant 0 : index
    %get3A_3 = arith.constant 0 : index
    %get3A_4 = arith.constant 0 : index
    %get3A_5 = vector.load %arg1[%get3A_2, %get3A_3, %get3A_4] : memref<1x5000x64xf32, #tpu.memory_space<vmem>>, vector<1x5000x64xf32>
    %get3A_6 = vector.shape_cast %get3A_5 : vector<1x5000x64xf32> to vector<5000x64xf32>
    %get3A_7 = arith.constant 0 : index
    %get3A_8 = arith.constant 0 : index
    %get3A_9 = arith.constant 0 : index
    %get3A_10 = vector.load %arg2[%get3A_7, %get3A_8, %get3A_9] : memref<1x5000x64xf32, #tpu.memory_space<vmem>>, vector<1x5000x64xf32>
    %get3A_11 = vector.shape_cast %get3A_10 : vector<1x5000x64xf32> to vector<5000x64xf32>
    %concatenate3A = tpu.concatenate %get3A_6, %get3A_11 in 1 : vector<5000x64xf32>, vector<5000x64xf32> -> vector<5000x128xf32>
    %mul3A = vector.broadcast %get3A_1 : vector<5000x1xf32> to vector<5000x128xf32>
    %mul3A_12 = arith.mulf %concatenate3A, %mul3A : vector<5000x128xf32>
    %get3A_13 = arith.constant 0 : index
    %get3A_14 = arith.constant 0 : index
    %get3A_15 = vector.load %arg4[%get3A_13, %get3A_14] : memref<1x128xf32, #tpu.memory_space<vmem>>, vector<1x128xf32>
    %add3A = vector.broadcast %get3A_15 : vector<1x128xf32> to vector<5000x128xf32>
    %add3A_16 = arith.addf %mul3A_12, %add3A : vector<5000x128xf32>
    %max3A = arith.constant 0.000000e+00 : f32
    %max3A_17 = vector.broadcast %max3A : f32 to vector<5000x128xf32>
    %max3A_18 = arith.maximumf %add3A_16, %max3A_17 : vector<5000x128xf32>
    %get3A_19 = arith.constant 0 : index
    %get3A_20 = arith.constant 0 : index
    %get3A_21 = vector.load %arg5[%get3A_19, %get3A_20] : memref<128x16xf32, #tpu.memory_space<vmem>>, vector<128x16xf32>
    %dot_general3A = arith.constant dense<0.000000e+00> : vector<5000x16xf32>
    %dot_general3A_22 = tpu.matmul %max3A_18, %get3A_21, %dot_general3A {dimension_numbers = #tpu.dot_dimension_numbers<[1], [0], [0], [1], [0, 0, 1, 1], [], []>, transpose_lhs_hint = false} : vector<5000x128xf32>, vector<128x16xf32>, vector<5000x16xf32> -> vector<5000x16xf32>
    %mul3A_23 = vector.broadcast %get3A_1 : vector<5000x1xf32> to vector<5000x16xf32>
    %mul3A_24 = arith.mulf %dot_general3A_22, %mul3A_23 : vector<5000x16xf32>
    %swap3A = arith.constant 0 : index
    %swap3A_25 = arith.constant 0 : index
    %swap3A_26 = vector.load %arg6[%swap3A, %swap3A_25] : memref<5000x16xf32, #tpu.memory_space<vmem>>, vector<5000x16xf32>
    tpu.vector_store %arg6[%swap3A, %swap3A_25], %mul3A_24 {strides = array<i32>} : memref<5000x16xf32, #tpu.memory_space<vmem>>, vector<5000x16xf32>,
    return
  }
  func.func @transform_0(%arg0: i32) -> (i32, i32, i32) {
    %c0_i32 = arith.constant 0 : i32
    %c0_i32_0 = arith.constant 0 : i32
    %c0_i32_1 = arith.constant 0 : i32
    return %c0_i32, %arg0, %c0_i32_0 : i32, i32, i32
  }
  func.func @transform_1(%arg0: i32) -> (i32, i32, i32) {
    %c1_i32 = arith.constant 1 : i32
    %c0_i32 = arith.constant 0 : i32
    %c0_i32_0 = arith.constant 0 : i32
    return %c1_i32, %arg0, %c0_i32 : i32, i32, i32
  }
  func.func @transform_2(%arg0: i32) -> (i32, i32) {
    %c0_i32 = arith.constant 0 : i32
    %c0_i32_0 = arith.constant 0 : i32
    return %arg0, %c0_i32 : i32, i32
  }
  func.func @transform_3(%arg0: i32) -> (i32, i32) {
    %c0_i32 = arith.constant 0 : i32
    %c0_i32_0 = arith.constant 0 : i32
    %c0_i32_1 = arith.constant 0 : i32
    return %c0_i32, %c0_i32_0 : i32, i32
  }
  func.func @transform_4(%arg0: i32) -> (i32, i32) {
    %c0_i32 = arith.constant 0 : i32
    %c0_i32_0 = arith.constant 0 : i32
    %c0_i32_1 = arith.constant 0 : i32
    return %c0_i32, %c0_i32_0 : i32, i32
  }
  func.func @transform_5(%arg0: i32) -> (i32, i32) {
    %c0_i32 = arith.constant 0 : i32
    %c0_i32_0 = arith.constant 0 : i32
    return %arg0, %c0_i32 : i32, i32
  }
}

module attributes {stable_mosaic.version = 14 : i64} {
  func.func @_k5_body(%arg0: i32, %arg1: memref<1x5000x16xf32, #tpu.memory_space<vmem>>, %arg2: memref<1x5000x16xf32, #tpu.memory_space<vmem>>, %arg3: memref<5000x16xf32, #tpu.memory_space<vmem>>, %arg4: memref<5000x1xf32, #tpu.memory_space<vmem>>, %arg5: memref<1x16xf32, #tpu.memory_space<vmem>>, %arg6: memref<5000x7xf32, #tpu.memory_space<vmem>>) attributes {dimension_semantics = [#tpu.dimension_semantics<arbitrary>], iteration_bounds = array<i64: 2>, scalar_prefetch = 0 : i64, scratch_operands = 0 : i64, tpu.core_type = #tpu.core_type<tc>, window_params = [{transform_indices = @transform_0, window_bounds = array<i64: 1, 5000, 16>}, {transform_indices = @transform_1, window_bounds = array<i64: 1, 5000, 16>}, {transform_indices = @transform_2, window_bounds = array<i64: 5000, 16>}, {transform_indices = @transform_3, window_bounds = array<i64: 5000, 1>}, {pipeline_mode = #tpu.pipeline_mode<synchronous>, transform_indices = @transform_4, window_bounds = array<i64: 1, 16>}, {transform_indices = @transform_5, window_bounds = array<i64: 5000, 7>}]} {
    %get3A = arith.constant 0 : index
    %get3A_0 = arith.constant 0 : index
    %get3A_1 = arith.constant 0 : index
    %get3A_2 = vector.load %arg1[%get3A, %get3A_0, %get3A_1] : memref<1x5000x16xf32, #tpu.memory_space<vmem>>, vector<1x5000x16xf32>
    %get3A_3 = vector.shape_cast %get3A_2 : vector<1x5000x16xf32> to vector<5000x16xf32>
    %get3A_4 = arith.constant 0 : index
    %get3A_5 = arith.constant 0 : index
    %get3A_6 = arith.constant 0 : index
    %get3A_7 = vector.load %arg2[%get3A_4, %get3A_5, %get3A_6] : memref<1x5000x16xf32, #tpu.memory_space<vmem>>, vector<1x5000x16xf32>
    %get3A_8 = vector.shape_cast %get3A_7 : vector<1x5000x16xf32> to vector<5000x16xf32>
    %add3A = arith.addf %get3A_3, %get3A_8 : vector<5000x16xf32>
    %get3A_9 = arith.constant 0 : index
    %get3A_10 = arith.constant 0 : index
    %get3A_11 = vector.load %arg3[%get3A_9, %get3A_10] : memref<5000x16xf32, #tpu.memory_space<vmem>>, vector<5000x16xf32>
    %sub3A = arith.subf %add3A, %get3A_11 : vector<5000x16xf32>
    %get3A_12 = arith.constant 0 : index
    %get3A_13 = arith.constant 0 : index
    %get3A_14 = vector.load %arg4[%get3A_12, %get3A_13] : memref<5000x1xf32, #tpu.memory_space<vmem>>, vector<5000x1xf32>
    %mul3A = vector.broadcast %get3A_14 : vector<5000x1xf32> to vector<5000x16xf32>
    %mul3A_15 = arith.mulf %sub3A, %mul3A : vector<5000x16xf32>
    %get3A_16 = arith.constant 0 : index
    %get3A_17 = arith.constant 0 : index
    %get3A_18 = vector.load %arg5[%get3A_16, %get3A_17] : memref<1x16xf32, #tpu.memory_space<vmem>>, vector<1x16xf32>
    %add3A_19 = vector.broadcast %get3A_18 : vector<1x16xf32> to vector<5000x16xf32>
    %add3A_20 = arith.addf %mul3A_15, %add3A_19 : vector<5000x16xf32>
    %slice3A = vector.extract_strided_slice %add3A_20 {offsets = [0, 0], sizes = [5000, 7], strides = [1, 1]} : vector<5000x16xf32> to vector<5000x7xf32>
    %swap3A = arith.constant 0 : index
    %swap3A_21 = arith.constant 0 : index
    %swap3A_22 = vector.load %arg6[%swap3A, %swap3A_21] : memref<5000x7xf32, #tpu.memory_space<vmem>>, vector<5000x7xf32>
    tpu.vector_store %arg6[%swap3A, %swap3A_21], %slice3A {strides = array<i32>} : memref<5000x7xf32, #tpu.memory_space<vmem>>, vector<5000x7xf32>,
    return
  }
  func.func @transform_0(%arg0: i32) -> (i32, i32, i32) {
    %c0_i32 = arith.constant 0 : i32
    %c0_i32_0 = arith.constant 0 : i32
    %c0_i32_1 = arith.constant 0 : i32
    return %c0_i32, %arg0, %c0_i32_0 : i32, i32, i32
  }
  func.func @transform_1(%arg0: i32) -> (i32, i32, i32) {
    %c1_i32 = arith.constant 1 : i32
    %c0_i32 = arith.constant 0 : i32
    %c0_i32_0 = arith.constant 0 : i32
    return %c1_i32, %arg0, %c0_i32 : i32, i32, i32
  }
  func.func @transform_2(%arg0: i32) -> (i32, i32) {
    %c0_i32 = arith.constant 0 : i32
    %c0_i32_0 = arith.constant 0 : i32
    return %arg0, %c0_i32 : i32, i32
  }
  func.func @transform_3(%arg0: i32) -> (i32, i32) {
    %c0_i32 = arith.constant 0 : i32
    %c0_i32_0 = arith.constant 0 : i32
    return %arg0, %c0_i32 : i32, i32
  }
  func.func @transform_4(%arg0: i32) -> (i32, i32) {
    %c0_i32 = arith.constant 0 : i32
    %c0_i32_0 = arith.constant 0 : i32
    %c0_i32_1 = arith.constant 0 : i32
    return %c0_i32, %c0_i32_0 : i32, i32
  }
  func.func @transform_5(%arg0: i32) -> (i32, i32) {
    %c0_i32 = arith.constant 0 : i32
    %c0_i32_0 = arith.constant 0 : i32
    return %arg0, %c0_i32 : i32, i32
  }
}

</mosaic_0001>

<sc_bundles>
// kernel: kernel.11.cloned.1.call-start
scs
__scs_entry_jumppad:
0x0: {  	(pc) =	sbr.rel $0x88, $3  }
0x1: {  	(tag) =	ssettag $0x0;
	lr =	simm.s32 $0x1  }
0x2: {  	[smem:$0x3F9B] =	sst lr;
	_ =	strace $0xD0000000  }
0x3: {  	_ = 	snop  }
0x4: {  	_ = 	snop  }
0x5: {  	_ = 	snop  }
0x6: {  	_ = 	snop  }
0x7: {  	_ = 	snop  }
__scs_overlays_trampoline_lowered:
0x8: {  	[smem:$0x3FAA] =	sst s0  }
0x9: {  	[smem:$0x3FAB] =	sst s1  }
0xa: {  	[smem:$0x3FAC] =	sst s2  }
0xb: {  	[smem:$0x3FAD] =	sst s3  }
0xc: {  	[smem:$0x3FAE] =	sst s4  }
0xd: {  	[smem:$0x3FAF] =	sst s5  }
0xe: {  	[smem:$0x3FB0] =	sst s6  }
0xf: {  	[smem:$0x3FB1] =	sst s7  }
0x10: {  	[smem:$0x3FB2] =	sst s8  }
0x11: {  	[smem:$0x3FB3] =	sst s9;
	s0 =	simm.s32 @!p0 $0x0  }
0x12: {  	s1 =	sld [smem:$0x3F99];
	s0 =	simm.s32 @p0 $0x1  }
0x13: {  	[smem:$0x3FB4] =	sst s0;
	s0 =	simm.s32 @!p1 $0x0  }
0x14: {  	s2 =	sld [smem:$0x3F98];
	s0 =	simm.s32 @p1 $0x1  }
0x15: {  	[smem:$0x3FB5] =	sst s0;
	s0 =	simm.s32 @!p2 $0x0  }
0x16: {  	s3 =	sld [smem:$0x3FDB];
	s0 =	simm.s32 @p2 $0x1  }
0x17: {  	s4 =	simm.s32 $0x1BF5;
	[smem:$0x3FB7] =	sst s0  }
0x18: {  	s0 =	sld [smem:$0x3F9A];
	_ =	swait.ge [sflag:s4], $0x0  }
0x19: {  	s7 =	sld [smem:$0x3F9B]  }
0x1a: {  	s8 =	sadd.s32 $0xFFFFE003, lr  }
0x1b: {  	s9 =	sadd.s32 $0xFFFFFEF7, lr;
	s5 =	simm.s32 $0xFFFFFFFF;
	p2 =	slt.u32 s8, $0xFFFFF086  }
0x1c: {  	p1 =	slt.u32 s9, $0xF7A;
	s5 =	simm.s32 @!p2 $0x0  }
0x1d: {  	s5 =	simm.s32 @p1 $0x1;
	p0 =	seq.s32 s7, s2  }
0x1e: {  	s7 =	smul.u32 @!p0 $0xF7A, s2;
	p2 =	seq.s32 @!p0 s5, $0x0  }
0x1f: {  	s9 =	smul.u32 $0xF7A, s1;
	s8 =	simm.s32 @!p0 $0x1BF5;
	p2 =	por !p2, p0  }
0x20: {  	[sflag:s8] =	ssyncset.s32 @!p0 $0xFFFFF086;
	s6 =	sadd.s32 @!p0 s3, s7;
	s7 =	simm.s32 @!p0 $0x108  }
0x21: {  	s3 =	sadd.s32 s3, s9;
	s6 =	sadd.s32 @!p0 $0x88, s6;
	s7 =	simm.s32 @p2 $0x1082  }
0x22: {  	[simem:s7], [sflag:s8] =	dma.local @!p0 [hbm:s6], $0xF7A  }
0x23: {  	s9 =	sor.u32 $0xD0000000, s2;
	s6 =	simm.s32 $0x108;
	_ =	swait.ge @!p0 [sflag:s8], $0x0  }
0x24: {  	s3 =	sadd.s32 $0x88, s3;
	s6 =	simm.s32 @!p1 $0x1082;
	[sflag:s4] =	ssyncset.s32 $0xFFFFF086  }
0x25: {  	[simem:s6], [sflag:s4] =	dma.local [hbm:s3], $0xF7A  }
0x26: {  	[smem:$0x3F9B] =	sst s1;
	(tag) =	ssettag s2;
	_ =	strace s9  }
0x27: {  	s1 =	sld [smem:$0x3FAB]  }
0x28: {  	s2 =	sld [smem:$0x3FAC]  }
0x29: {  	s4 =	sld [smem:$0x3FAE]  }
0x2a: {  	p0 =	seq.s32 s5, $0x0;
	s5 =	sld [smem:$0x3FAF]  }
0x2b: {  	s6 =	sld [smem:$0x3FB0]  }
0x2c: {  	s7 =	sld [smem:$0x3FB1]  }
0x2d: {  	s3 =	simm.s32 $0x108;
	s8 =	sld [smem:$0x3FB2]  }
0x2e: {  	s3 =	simm.s32 @!p0 $0x1082;
	s9 =	sld [smem:$0x3FB3]  }
0x2f: {  	lr =	sadd.s32 s0, s3;
	s0 =	sld [smem:$0x3FAA]  }
0x30: {  	s3 =	sld [smem:$0x3FAD]  }
0x31: {  	[smem:$0x3FB6] =	sst s10  }
0x32: {  	s10 =	sld [smem:$0x3FB4];
	_ =	sdelay $0x3  }
0x33: {  	p0 =	seq.s32 s10, $0x1;
	s10 =	sld [smem:$0x3FB6];
	_ =	sdelay $0x3  }
0x34: {  	[smem:$0x3FB6] =	sst s10  }
0x35: {  	s10 =	sld [smem:$0x3FB5];
	_ =	sdelay $0x3  }
0x36: {  	p1 =	seq.s32 s10, $0x1;
	s10 =	sld [smem:$0x3FB6];
	_ =	sdelay $0x3  }
0x37: {  	[smem:$0x3FB6] =	sst s10  }
0x38: {  	s10 =	sld [smem:$0x3FB7]  }
0x39: {  	_ = 	snop;
	(pc) =	sbr.ind lr, $3  }
0x3a: {  	_ = 	snop  }
0x3b: {  	_ = 	snop  }
0x3c: {  	p2 =	seq.s32 s10, $0x1;
	s10 =	sld [smem:$0x3FB6]  }
0x3d: {  	_ =	shalt  }
0x3e: {  	_ =	shalt  }
0x3f: {  	_ =	shalt  }
0x40: {  	_ =	shalt  }
0x41: {  	_ =	shalt  }
0x42: {  	_ =	shalt  }
0x43: {  	_ =	shalt  }
0x44: {  	_ =	shalt  }
0x45: {  	_ =	shalt  }
0x46: {  	_ =	shalt  }
0x47: {  	_ =	shalt  }
0x48: {  	_ =	shalt  }
0x49: {  	_ =	shalt  }
0x4a: {  	_ =	shalt  }
0x4b: {  	_ =	shalt  }
0x4c: {  	_ =	shalt  }
0x4d: {  	_ =	shalt  }
0x4e: {  	_ =	shalt  }
0x4f: {  	_ =	shalt  }
0x50: {  	_ =	shalt  }
0x51: {  	_ =	shalt  }
0x52: {  	_ =	shalt  }
0x53: {  	_ =	shalt  }
0x54: {  	_ =	shalt  }
0x55: {  	_ =	shalt  }
0x56: {  	_ =	shalt  }
0x57: {  	_ =	shalt  }
0x58: {  	_ =	shalt  }
0x59: {  	_ =	shalt  }
0x5a: {  	_ =	shalt  }
0x5b: {  	_ =	shalt  }
0x5c: {  	_ =	shalt  }
0x5d: {  	_ =	shalt  }
0x5e: {  	_ =	shalt  }
0x5f: {  	_ =	shalt  }
0x60: {  	_ =	shalt  }
0x61: {  	_ =	shalt  }
0x62: {  	_ =	shalt  }
0x63: {  	_ =	shalt  }
0x64: {  	_ =	shalt  }
0x65: {  	_ =	shalt  }
0x66: {  	_ =	shalt  }
0x67: {  	_ =	shalt  }
0x68: {  	_ =	shalt  }
0x69: {  	_ =	shalt  }
0x6a: {  	_ =	shalt  }
0x6b: {  	_ =	shalt  }
0x6c: {  	_ =	shalt  }
0x6d: {  	_ =	shalt  }
0x6e: {  	_ =	shalt  }
0x6f: {  	_ =	shalt  }
0x70: {  	_ =	shalt  }
0x71: {  	_ =	shalt  }
0x72: {  	_ =	shalt  }
0x73: {  	_ =	shalt  }
0x74: {  	_ =	shalt  }
0x75: {  	_ =	shalt  }
0x76: {  	_ =	shalt  }
0x77: {  	_ =	shalt  }
0x78: {  	_ =	shalt  }
0x79: {  	_ =	shalt  }
0x7a: {  	_ =	shalt  }
0x7b: {  	_ =	shalt  }
0x7c: {  	_ =	shalt  }
0x7d: {  	_ =	shalt  }
0x7e: {  	_ =	shalt  }
0x7f: {  	_ =	shalt  }
0x80: {  	_ =	shalt  }
0x81: {  	_ =	shalt  }
0x82: {  	_ =	shalt  }
0x83: {  	_ =	shalt  }
0x84: {  	_ =	shalt  }
0x85: {  	_ =	shalt  }
0x86: {  	_ =	shalt  }
0x87: {  	_ =	shalt  }
.Lfunc_end0:
.L_simem_size_0:
called_computation.1_lowered:
.L_overlay_start_0:
0x88: {  	s2 =	sld [smem:$0x3FD9]  }
0x89: {  	s3 =	sld [smem:$0x3FFE];
	_ =	sdelay $0x1  }
0x8a: {  	s1 =	srdreg.scid  }
0x8b: {  	s0 =	sand.u32 $0x1, s1  }
0x8c: {  	s16 =	sshll.u32 s0, $0xA;
	s2 =	sadd.s32 s3, s2  }
0x8d: {  	s2 =	sadd.s32 s2, s16  }
0x8e: {  	[smem:$0x3FC2] =	sst s2  }
0x8f: {  	_ = 	snop  }
0x90: {  	(tm) =	ssettm $0x1  }
0x91: {  	s17 =	sld [smem:$0x3FFB];
	_ =	sdelay $0x3  }
0x92: {  	_ =	strace s17  }
0x93: {  	s2 =	sld [smem:$0x3FFC];
	_ =	sdelay $0x3  }
0x94: {  	_ =	strace s2  }
0x95: {  	s2 =	sld [smem:$0x3FFD];
	_ =	sdelay $0x3  }
0x96: {  	_ =	strace s2  }
0x97: {  	_ =	strace $0x8FFFFFFF  }
0x98: {  	s18 =	sld [smem:$0x3FDB];
	_ =	sdelay $0x1  }
0x99: {  	s19 =	simm.s32 $_scs_section_size  }
0x9a: {  	s4 =	simm.s32 $_size__tile_overlayer_lowered;
	s5 =	simm.s32 $_tile_overlayer_lowered  }
0x9b: {  	s22 =	simm.s32 $0x1BFF;
	s21 =	sshll.u32 s5, $0x1;
	s2 =	sadd.s32 s19, s18  }
0x9c: {  	s6 =	simm.s32 $0x0;
	s20 =	sshll.u32 s4, $0x1;
	s4 =	sadd.s32 s21, s2  }
0x9d: {  	[timem:s6], [sflag:s22] =	dma.local [hbm:s4], s20  }
0x9e: {  	_ =	swait.ge [sflag:s22], s20  }
0x9f: {  	s3 =	ssub.s32 $0x0, s20;
	[sflag:s22] =	ssyncset.done $0x0  }
0xa0: {  	[sflag:s22] =	ssyncadd.s32 s3;
	_ =	sdelay $0x1  }
0xa1: {  	s23 =	simm.s32 $0x1B8B  }
0xa2: {  	_ =	swait.ge [sflag:s23], $0x1  }
0xa3: {  	[sflag:s23] =	ssyncset.done $0x0  }
0xa4: {  	s25 =	simm.s32 $0x1B8E;
	s24 =	sld [smem:$0x3FFE];
	[sflag:s23] =	ssyncadd.s32 $0xFFFFFFFF  }
0xa5: {  	s26 =	simm.s32 $execute0_lowered;
	[smem:$0x3FD2] =	sst s25  }
0xa6: {  	s4 =	sshll.u32 s26, $0x1;
	_ =	strace $0x80000049;
	[dreg:$0x1] =	wrdreg $0xFFFFFFFF  }
0xa7: {  	s28 =	simm.s32 $_size_execute0_lowered;
	s2 =	sadd.s32 s2, s4;
	[dreg:$0x0] =	wrdreg $0x0  }
0xa8: {  	s4 =	sshll.u32 s28, $0x1;
	[dreg:$0x2] =	wrdreg s2  }
0xa9: {  	[dreg:$0x3] =	wrdreg s4  }
0xaa: {  	[dreg:$0x4] =	wrdreg $0xC0  }
0xab: {  	_ =	task [dreg:s6], $0x5FFFF  }
0xac: {  	[dreg:$0x1] =	wrdreg $0xFFFFFFFF  }
0xad: {  	[dreg:$0x0] =	wrdreg $0x60  }
0xae: {  	[dreg:$0x2] =	wrdreg s24  }
0xaf: {  	[dreg:$0x3] =	wrdreg $0x140000  }
0xb0: {  	[dreg:$0x4] =	wrdreg $0x9  }
0xb1: {  	_ =	task.clear_ibuf [dreg:s6], $0x5FFFF;
	_ =	strace $0x90000049  }
0xb2: {  	s29 =	simm.s32 $0x9;
	_ =	strace $0x8000004B  }
0xb3: {  	_ =	swait.ge [sflag:s29], $0x1  }
0xb4: {  	[sflag:s29] =	ssyncadd.s32 $0xFFFFFFFF  }
0xb5: {  	_ =	strace $0x9000004B  }
0xb6: {  	_ =	sfence  }
0xb7: {  	s30 =	sld [smem:$0x0];
	_ =	sdelay $0x2  }
0xb8: {  	s31 =	sshll.u32 s1, $0xD;
	s1 =	sshrl.u32 s1, $0x2  }
0xb9: {  	s3 =	sand.u32 $0x4000, s31;
	s1 =	sadd.s32 s1, s30  }
0xba: {  	s0 =	sor.u32 s3, s0;
	s1 =	sshll.u32 s1, $0x11  }
0xbb: {  	s0 =	sor.u32 s1, s0  }
0xbc: {  	s0 =	sadd.s32 $0x8F2B, s0  }
0xbd: {  	[sflag:s0] =	ssyncadd.remote.s32 $0x1  }
0xbe: {  	_ =	sfence.sel $0xFFFF  }
0xbf: {  	[dreg:$0x0] =	wrdreg $0xFFFFFFFF;
	(pc) =	sbr.abs _section_cstart, $3  }
0xc0: {  	[dreg:$0x1] =	wrdreg $0xFFFFFFFF  }
0xc1: {  	_ =	task.clear_ibuf [dreg:s6], $0x2FFFF;
	_ =	strace $0x9FFFFFFF  }
0xc2: {  	(tm) =	ssettm $0x7FFFFFFF  }
0xc3: {  	_ =	shalt  }
tec
execute0_lowered:
.L_overlay_start_1:
0x0: {  	(tag) =	ssettag $0x1  }
0x1: {  	s12 =	stileid.u32;
	s1 =	rddreg [dreg:$0x0]  }
0x2: {  	s0 =	srdreg.scid;
	s2 =	rddreg [dreg:$0x1];
	s4 =	simm.s32 $0x0  }
0x3: {  	s13 =	simm.s32 $0xB;
	s16 =	simm.s32 $0x80;
	s17 =	simm.s32 $0xA000  }
0x4: {  	s18 =	simm.s32 $0xC000;
	s20 =	simm.s32 $0xE000;
	s22 =	simm.s32 $0x10000  }
0x5: {  	s28 =	simm.s32 $0x3;
	s29 =	simm.s32 $0x4;
	s30 =	simm.s32 $0x5  }
0x6: {  	s19 =	simm.s32 $0xA;
	s21 =	simm.s32 $0x0;
	s3 =	smul.u32 $0xA000, s12  }
0x7: {  	s0 =	sand.u32 $0x1, s0;
	[smem:$0x7FF] =	sst s4;
	s7 =	smul.u32 $0xA00, s12  }
0x8: {  	s8 =	sadd.s32 $0x65E00, s1;
	p0 =	seq.s32 s12, $0xF;
	s4 =	simm.s32 $0x14  }
0x9: {  	s25 =	sshll.u32 s12, $0x6;
	s15 =	sadd.s32 $0xC040, s1;
	s5 =	smul.u32 $0xA0000, s0  }
0xa: {  	_ =	strace $0x8000004A;
	s0 =	ssub.s32 $0x2, s0;
	s4 =	simm.s32 @!p0 $0x20  }
0xb: {  	s9 =	sadd.s32 s7, s1;
	s11 =	sshrl.u32 s0, $0x1;
	s26 =	sadd.s32 $0xFFFFFFFF, s4  }
0xc: {  	s24 =	sadd.s32 s3, s5;
	s0 =	ssub.s32 s0, s11;
	s3 =	sadd.s32 s3, s2  }
0xd: {  	s9 =	sadd.s32 $0x2400, s9;
	s5 =	sshrl.u32 s5, $0x3;
	[dreg:$0x3] =	wrdreg s26  }
0xe: {  	s26 =	simm.s32 $0x2;
	s6 =	sshrl.u32 s24, $0x3;
	[dreg:$0x5] =	wrdreg s9  }
0xf: {  	s9 =	sadd.s32 s8, s5;
	s0 =	smax.u32 s0, $0x1;
	s12 =	sshrl.u32 s3, $0x3  }
0x10: {  	s10 =	sadd.s32 s6, s1;
	s6 =	sadd.s32 s8, s6;
	[dreg:$0x8] =	wrdreg s0  }
0x11: {  	s24 =	simm.s32 $0x12000;
	s1 =	sadd.s32 $0xBA00, s1;
	[dreg:$0x4] =	wrdreg s6  }
0x12: {  	s3 =	simm.s32 $0x9;
	s0 =	sadd.s32 @p0 $0x9600, s15;
	[dreg:$0x6] =	wrdreg s1  }
0x13: {  	s6 =	sor.u32 $0x1C0B, s25;
	s31 =	sadd.s32 $0x15E00, s10;
	[dreg:$0x9] =	wrdreg s0  }
0x14: {  	s0 =	sadd.s32 @!p0 s7, s15;
	s25 =	simm.s32 $0x1;
	[dreg:$0x7] =	wrdreg s31  }
0x15: {  	s1 =	simm.s32 $0x7;
	[dreg:$0xa] =	wrdreg s0;
	s0 =	simm.s32 $0x8  }
.LBB2_1:
0x16: {  	s5 =	rddreg [dreg:$0x4]  }
0x17: {  	[spmem:s12], [sflag:s6] =	dma.local [hbm:s5], $0x1400  }
0x18: {  	_ =	swait.ge [sflag:s13], $0x1400  }
0x19: {  	[sflag:s13] =	ssyncset.done $0x0  }
0x1a: {  	s5 =	simm.s32 @p0 $0x0;
	s7 =	rddreg [dreg:$0x6];
	[sflag:s13] =	ssyncadd.s32 $0xFFFFEC00  }
0x1b: {  	[tilespmem:s5], [sflag:$0xB] =	stream.linear.gather @p0 [hbm4b:s7+s5], $0x3200, $0x38;
	[tilespmem:$0x1E000] =	vst v63  }
0x1c: {  	s7 =	simm.s32 @p0 $0xB  }
0x1d: {  	_ =	swait.ge @p0 [sflag:s7], $0x3200  }
0x1e: {  	[sflag:s7] =	ssyncset.done @p0 $0x0  }
0x1f: {  	s8 =	simm.s32 @p0 $0x5000;
	s10 =	rddreg [dreg:$0x9];
	[sflag:s7] =	ssyncadd.s32 @p0 $0xFFFFCE00  }
0x20: {  	[tilespmem:s8], [sflag:$0xB] =	stream.linear.gather @p0 [hbm4b:s10+s5], $0x3200, $0x38;
	[tilespmem:$0x1E000] =	vst v63  }
0x21: {  	_ =	swait.ge @p0 [sflag:s7], $0x3200  }
0x22: {  	[sflag:s7] =	ssyncset.done @p0 $0x0  }
0x23: {  	s5 =	simm.s32 @!p0 $0x0;
	[sflag:s7] =	ssyncadd.s32 @p0 $0xFFFFCE00;
	s7 =	rddreg [dreg:$0x5]  }
0x24: {  	[tilespmem:s5], [sflag:$0xB] =	stream.linear.gather @!p0 [hbm4b:s7+s5], $0x5000, $0x38;
	[tilespmem:$0x1E000] =	vst v63  }
0x25: {  	s7 =	simm.s32 @!p0 $0xB  }
0x26: {  	_ =	swait.ge @!p0 [sflag:s7], $0x5000  }
0x27: {  	[sflag:s7] =	ssyncset.done @!p0 $0x0  }
0x28: {  	s8 =	simm.s32 @!p0 $0x5000;
	s10 =	rddreg [dreg:$0xa];
	[sflag:s7] =	ssyncadd.s32 @!p0 $0xFFFFB000  }
0x29: {  	[tilespmem:s8], [sflag:$0xB] =	stream.linear.gather @!p0 [hbm4b:s10+s5], $0x5000, $0x38;
	[tilespmem:$0x1E000] =	vst v63  }
0x2a: {  	_ =	swait.ge @!p0 [sflag:s7], $0x5000  }
0x2b: {  	[sflag:s7] =	ssyncset.done @!p0 $0x0  }
0x2c: {  	[sflag:s7] =	ssyncadd.s32 @!p0 $0xFFFFB000  }
0x2d: {  	s23 =	simm.s32 $0x0;
	[bflag:$0x0] =	sbarrier.arrive $0xFFFF  }
0x2e: {  	[tilespmem:s17], [sflag:$0x1] =	stream.indirect.gather [hbm4b:s9+s16], $0x40, s23, s16, $0xb8;
	[tilespmem:$0x1E000] =	vst v63  }
0x2f: {  	_ = 	snop  }
0x30: {  	[tilespmem:s18], [sflag:$0x2] =	stream.indirect.gather [hbm4b:s9+s16], $0x40, s16, s16, $0xb8;
	[tilespmem:$0x1E000] =	vst v63  }
0x31: {  	s31 =	simm.s32 $0x100  }
0x32: {  	[tilespmem:s20], [sflag:$0x3] =	stream.indirect.gather [hbm4b:s9+s16], $0x40, s31, s16, $0xb8;
	[tilespmem:$0x1E000] =	vst v63  }
0x33: {  	s7 =	simm.s32 $0x180  }
0x34: {  	[tilespmem:s22], [sflag:$0x4] =	stream.indirect.gather [hbm4b:s9+s16], $0x40, s7, s16, $0xb8;
	[tilespmem:$0x1E000] =	vst v63  }
0x35: {  	s8 =	simm.s32 $0x200  }
0x36: {  	[tilespmem:s24], [sflag:$0x5] =	stream.indirect.gather [hbm4b:s9+s16], $0x40, s8, s16, $0xb8;
	[tilespmem:$0x1E000] =	vst v63  }
0x37: {  	_ =	swait.ge [sflag:s25], $0x2000  }
0x38: {  	[sflag:s25] =	ssyncset.done $0x0  }
0x39: {  	s10 =	simm.s32 $0x5000;
	[sflag:s25] =	ssyncadd.s32 $0xFFFFE000  }
0x3a: {  	[spmem:s2] =	stream.indirect.scatter.add.f32 [tilespmem:s17], [sflag:$0x6], $0x40, s10, s16, $0xb8;
	[tilespmem:$0x1E000] =	vst v63  }
0x3b: {  	_ =	swait.ge [sflag:s26], $0x2000  }
0x3c: {  	[sflag:s26] =	ssyncset.done $0x0  }
0x3d: {  	s11 =	simm.s32 $0x5080;
	[sflag:s26] =	ssyncadd.s32 $0xFFFFE000  }
0x3e: {  	[spmem:s2] =	stream.indirect.scatter.add.f32 [tilespmem:s18], [sflag:$0x7], $0x40, s11, s16, $0xb8;
	[tilespmem:$0x1E000] =	vst v63  }
0x3f: {  	_ =	swait.ge [sflag:s28], $0x2000  }
0x40: {  	[sflag:s28] =	ssyncset.done $0x0  }
0x41: {  	s14 =	simm.s32 $0x5100;
	[sflag:s28] =	ssyncadd.s32 $0xFFFFE000  }
0x42: {  	[spmem:s2] =	stream.indirect.scatter.add.f32 [tilespmem:s20], [sflag:$0x8], $0x40, s14, s16, $0xb8;
	[tilespmem:$0x1E000] =	vst v63  }
0x43: {  	_ =	swait.ge [sflag:s29], $0x2000  }
0x44: {  	[sflag:s29] =	ssyncset.done $0x0  }
0x45: {  	s15 =	simm.s32 $0x5180;
	[sflag:s29] =	ssyncadd.s32 $0xFFFFE000  }
0x46: {  	[spmem:s2] =	stream.indirect.scatter.add.f32 [tilespmem:s22], [sflag:$0x9], $0x40, s15, s16, $0xb8;
	[tilespmem:$0x1E000] =	vst v63  }
0x47: {  	_ =	swait.ge [sflag:s30], $0x2000  }
0x48: {  	[sflag:s30] =	ssyncset.done $0x0;
	s23 =	rddreg [dreg:$0x3]  }
0x49: {  	s31 =	simm.s32 $0x5200;
	[sflag:s30] =	ssyncadd.s32 $0xFFFFE000;
	p1 =	sle.s32 s23, $0x0  }
0x4a: {  	[spmem:s2] =	stream.indirect.scatter.add.f32 [tilespmem:s24], [sflag:$0xA], $0x40, s31, s16, $0xb8;
	[tilespmem:$0x1E000] =	vst v63  }
0x4b: {  	s5 =	simm.s32 @!p1 $0x6  }
0x4c: {  	_ =	swait.ge @!p1 [sflag:s5], $0x2000  }
0x4d: {  	s8 =	simm.s32 @!p1 $0x280;
	s10 =	simm.s32 @!p1 $0x7;
	[sflag:s5] =	ssyncset.done @!p1 $0x0  }
0x4e: {  	s7 =	simm.s32 @!p1 $0x80;
	[sflag:s5] =	ssyncadd.s32 @!p1 $0xFFFFE000;
	s5 =	simm.s32 @!p1 $0xA000  }
0x4f: {  	[tilespmem:s5], [sflag:$0x1] =	stream.indirect.gather @!p1 [hbm4b:s9+s7], $0x40, s8, s7, $0xb8;
	[tilespmem:$0x1E000] =	vst v63  }
0x50: {  	_ =	swait.ge @!p1 [sflag:s10], $0x2000  }
0x51: {  	s5 =	simm.s32 @!p1 $0x300;
	[sflag:s10] =	ssyncset.done @!p1 $0x0  }
0x52: {  	s8 =	simm.s32 @!p1 $0xC000;
	[sflag:s10] =	ssyncadd.s32 @!p1 $0xFFFFE000;
	s10 =	simm.s32 @!p1 $0x8  }
0x53: {  	[tilespmem:s8], [sflag:$0x2] =	stream.indirect.gather @!p1 [hbm4b:s9+s7], $0x40, s5, s7, $0xb8;
	[tilespmem:$0x1E000] =	vst v63  }
0x54: {  	_ =	swait.ge @!p1 [sflag:s10], $0x2000  }
0x55: {  	s5 =	simm.s32 @!p1 $0x380;
	[sflag:s10] =	ssyncset.done @!p1 $0x0  }
0x56: {  	s8 =	simm.s32 @!p1 $0xE000;
	[sflag:s10] =	ssyncadd.s32 @!p1 $0xFFFFE000;
	s10 =	simm.s32 @!p1 $0x9  }
0x57: {  	[tilespmem:s8], [sflag:$0x3] =	stream.indirect.gather @!p1 [hbm4b:s9+s7], $0x40, s5, s7, $0xb8;
	[tilespmem:$0x1E000] =	vst v63  }
0x58: {  	p2 =	sne.s32 s4, $0x1;
	_ =	swait.ge @!p1 [sflag:s10], $0x2000  }
0x59: {  	s11 =	simm.s32 @!p1 $0xA;
	s5 =	simm.s32 @!p1 $0x400;
	[sflag:s10] =	ssyncset.done @!p1 $0x0  }
.Ltmp0:
0x5a: {  	s8 =	simm.s32 @!p1 $0x10000;
	[sflag:s10] =	ssyncadd.s32 @!p1 $0xFFFFE000;
	(pc) =	sbr.rel @!p2 .LBB2_3-.Ltmp0, $4  }
0x5b: {  	[tilespmem:s8], [sflag:$0x4] =	stream.indirect.gather @!p1 [hbm4b:s9+s7], $0x40, s5, s7, $0xb8;
	[tilespmem:$0x1E000] =	vst v63  }
0x5c: {  	_ =	swait.ge @!p1 [sflag:s11], $0x2000  }
0x5d: {  	s23 =	simm.s32 $0x1;
	s10 =	simm.s32 @!p1 $0x12000;
	[sflag:s11] =	ssyncset.done @!p1 $0x0  }
0x5e: {  	s8 =	simm.s32 @!p1 $0x480;
	s5 =	simm.s32 $0xA00;
	[sflag:s11] =	ssyncadd.s32 @!p1 $0xFFFFE000  }
.LBB2_2:
0x5f: {  	[tilespmem:s10], [sflag:$0x5] =	stream.indirect.gather @!p1 [hbm4b:s9+s7], $0x40, s8, s7, $0xb8;
	[tilespmem:$0x1E000] =	vst v63  }
0x60: {  	_ =	swait.ge [sflag:s25], $0x2000  }
0x61: {  	s8 =	sshra.s32 s5, $0x2;
	[sflag:s25] =	ssyncset.done $0x0  }
0x62: {  	s31 =	sadd.s32 $0x5000, s8;
	[sflag:s25] =	ssyncadd.s32 $0xFFFFE000  }
0x63: {  	[spmem:s2] =	stream.indirect.scatter.add.f32 [tilespmem:s17], [sflag:$0x6], $0x40, s31, s16, $0xb8;
	[tilespmem:$0x1E000] =	vst v63  }
0x64: {  	_ =	swait.ge [sflag:s26], $0x2000  }
0x65: {  	[sflag:s26] =	ssyncset.done $0x0  }
0x66: {  	s11 =	sadd.s32 $0x5080, s8;
	[sflag:s26] =	ssyncadd.s32 $0xFFFFE000  }
0x67: {  	[spmem:s2] =	stream.indirect.scatter.add.f32 [tilespmem:s18], [sflag:$0x7], $0x40, s11, s16, $0xb8;
	[tilespmem:$0x1E000] =	vst v63  }
0x68: {  	_ =	swait.ge [sflag:s28], $0x2000  }
0x69: {  	[sflag:s28] =	ssyncset.done $0x0  }
0x6a: {  	s14 =	sadd.s32 $0x5100, s8;
	[sflag:s28] =	ssyncadd.s32 $0xFFFFE000  }
0x6b: {  	[spmem:s2] =	stream.indirect.scatter.add.f32 [tilespmem:s20], [sflag:$0x8], $0x40, s14, s16, $0xb8;
	[tilespmem:$0x1E000] =	vst v63  }
0x6c: {  	_ =	swait.ge [sflag:s29], $0x2000  }
0x6d: {  	[sflag:s29] =	ssyncset.done $0x0  }
0x6e: {  	s15 =	sadd.s32 $0x5180, s8;
	[sflag:s29] =	ssyncadd.s32 $0xFFFFE000  }
0x6f: {  	[spmem:s2] =	stream.indirect.scatter.add.f32 [tilespmem:s22], [sflag:$0x9], $0x40, s15, s16, $0xb8;
	[tilespmem:$0x1E000] =	vst v63  }
0x70: {  	_ =	swait.ge [sflag:s30], $0x2000  }
0x71: {  	s7 =	smov.u32 s23;
	[sflag:s30] =	ssyncset.done $0x0;
	s31 =	rddreg [dreg:$0x3]  }
0x72: {  	s8 =	sadd.s32 $0x5200, s8;
	[sflag:s30] =	ssyncadd.s32 $0xFFFFE000;
	p1 =	sge.s32 s7, s31  }
0x73: {  	[spmem:s2] =	stream.indirect.scatter.add.f32 [tilespmem:s24], [sflag:$0xA], $0x40, s8, s16, $0xb8;
	[tilespmem:$0x1E000] =	vst v63  }
0x74: {  	s7 =	simm.s32 @!p1 $0x6  }
0x75: {  	s8 =	sshra.s32 @!p1 s5, $0x2;
	_ =	swait.ge @!p1 [sflag:s7], $0x2000  }
0x76: {  	s14 =	simm.s32 @!p1 $0x7;
	s31 =	simm.s32 @!p1 $0xA000;
	[sflag:s7] =	ssyncset.done @!p1 $0x0  }
0x77: {  	s10 =	sadd.s32 @!p1 $0x280, s8;
	[sflag:s7] =	ssyncadd.s32 @!p1 $0xFFFFE000;
	s7 =	simm.s32 @!p1 $0x80  }
0x78: {  	[tilespmem:s31], [sflag:$0x1] =	stream.indirect.gather @!p1 [hbm4b:s9+s7], $0x40, s10, s7, $0xb8;
	[tilespmem:$0x1E000] =	vst v63  }
0x79: {  	_ =	swait.ge @!p1 [sflag:s14], $0x2000  }
0x7a: {  	s11 =	sadd.s32 @!p1 $0x300, s8;
	[sflag:s14] =	ssyncset.done @!p1 $0x0  }
0x7b: {  	s31 =	simm.s32 @!p1 $0x8;
	[sflag:s14] =	ssyncadd.s32 @!p1 $0xFFFFE000;
	s14 =	simm.s32 @!p1 $0xC000  }
0x7c: {  	[tilespmem:s14], [sflag:$0x2] =	stream.indirect.gather @!p1 [hbm4b:s9+s7], $0x40, s11, s7, $0xb8;
	[tilespmem:$0x1E000] =	vst v63  }
0x7d: {  	_ =	swait.ge @!p1 [sflag:s31], $0x2000  }
0x7e: {  	s23 =	sadd.s32 $0x1, s23;
	s15 =	sadd.s32 @!p1 $0x380, s8;
	[sflag:s31] =	ssyncset.done @!p1 $0x0  }
0x7f: {  	s11 =	simm.s32 @!p1 $0xE000;
	s14 =	simm.s32 @!p1 $0x9;
	[sflag:s31] =	ssyncadd.s32 @!p1 $0xFFFFE000  }
0x80: {  	[tilespmem:s11], [sflag:$0x3] =	stream.indirect.gather @!p1 [hbm4b:s9+s7], $0x40, s15, s7, $0xb8;
	[tilespmem:$0x1E000] =	vst v63  }
0x81: {  	p2 =	sne.s32 s4, s23;
	_ =	swait.ge @!p1 [sflag:s14], $0x2000  }
0x82: {  	s10 =	sadd.s32 @!p1 $0x400, s8;
	s11 =	simm.s32 @!p1 $0xA;
	[sflag:s14] =	ssyncset.done @!p1 $0x0  }
.Ltmp1:
0x83: {  	[sflag:s14] =	ssyncadd.s32 @!p1 $0xFFFFE000;
	s14 =	simm.s32 @!p1 $0x10000;
	(pc) =	sbr.rel @p2 .LBB2_2-.Ltmp1, $4  }
0x84: {  	[tilespmem:s14], [sflag:$0x4] =	stream.indirect.gather @!p1 [hbm4b:s9+s7], $0x40, s10, s7, $0xb8;
	[tilespmem:$0x1E000] =	vst v63  }
0x85: {  	_ =	swait.ge @!p1 [sflag:s11], $0x2000  }
0x86: {  	s5 =	sadd.s32 $0xA00, s5;
	[sflag:s11] =	ssyncset.done @!p1 $0x0  }
0x87: {  	s8 =	sadd.s32 @!p1 $0x480, s8;
	s10 =	simm.s32 @!p1 $0x12000;
	[sflag:s11] =	ssyncadd.s32 @!p1 $0xFFFFE000  }
.LBB2_3:
0x88: {  	[tilespmem:s10], [sflag:$0x5] =	stream.indirect.gather @!p1 [hbm4b:s9+s7], $0x40, s8, s7, $0xb8;
	[tilespmem:$0x1E000] =	vst v63  }
0x89: {  	s5 =	simm.s32 $0x6  }
0x8a: {  	_ =	swait.ge [sflag:s5], $0x2000  }
0x8b: {  	[sflag:s5] =	ssyncset.done $0x0  }
0x8c: {  	[sflag:s5] =	ssyncadd.s32 $0xFFFFE000  }
0x8d: {  	_ =	swait.ge [sflag:s1], $0x2000  }
0x8e: {  	[sflag:s1] =	ssyncset.done $0x0  }
0x8f: {  	[sflag:s1] =	ssyncadd.s32 $0xFFFFE000  }
0x90: {  	_ =	swait.ge [sflag:s0], $0x2000  }
0x91: {  	[sflag:s0] =	ssyncset.done $0x0  }
0x92: {  	[sflag:s0] =	ssyncadd.s32 $0xFFFFE000  }
0x93: {  	_ =	swait.ge [sflag:s3], $0x2000  }
0x94: {  	[sflag:s3] =	ssyncset.done $0x0  }
0x95: {  	[sflag:s3] =	ssyncadd.s32 $0xFFFFE000  }
0x96: {  	_ =	swait.ge [sflag:s19], $0x2000  }
0x97: {  	[sflag:s19] =	ssyncset.done $0x0  }
0x98: {  	[sflag:s19] =	ssyncadd.s32 $0xFFFFE000  }
0x99: {  	[bflag:$0x0] =	sbarrier.arrive $0xFFFF  }
0x9a: {  	[bflag:$0x0] =	sbarrier.arrive $0xFFFF  }
0x9b: {  	s23 =	rddreg [dreg:$0x7]  }
0x9c: {  	[hbm:s23], [sflag:s6] =	dma.local [spmem:s12], $0x1400  }
0x9d: {  	_ =	swait.ge [sflag:s13], $0x1400  }
0x9e: {  	s21 =	sadd.s32 $0x1, s21;
	s31 =	rddreg [dreg:$0x8]  }
0x9f: {  	p1 =	sne.s32 s21, s31  }
.Ltmp2:
0xa0: {  	_ = 	snop;
	(pc) =	sbr.rel @p1 .LBB2_1-.Ltmp2, $3  }
0xa1: {  	_ =	sdelay $0x1  }
0xa2: {  	[sflag:s13] =	ssyncset.done $0x0  }
0xa3: {  	[sflag:s13] =	ssyncadd.s32 $0xFFFFEC00  }
0xa4: {  	_ =	sfence.sel $0x180000  }
0xa5: {  	[bflag:$0x0] =	sbarrier.arrive $0xFFFF  }
0xa6: {  	_ =	strace $0x9000004A  }
0xa7: {  	s0 =	stileid.u32;
	[bflag:$0x2] =	sbarrier.arrive $0xFFFF  }
0xa8: {  	p0 =	sne.s32 s0, $0x0;
	s0 =	rddreg [dreg:$0x2]  }
0xa9: {  	s0 =	sadd.s32 @!p0 $0x100000, s0  }
0xaa: {  	[sflag:s0] =	ssyncadd.tile.s32 @!p0 $0x1;
	_ =	shalt  }
.Lfunc_end2:
_tile_overlayer_lowered:
.L_overlay_start_2:
0xab: {  	(tag) =	ssettag $0x2  }
0xac: {  	s0 =	rddreg [dreg:$0x0];
	s2 =	stileid.u32  }
0xad: {  	s1 =	rddreg [dreg:$0x1];
	p0 =	sne.s32 s2, $0x0  }
0xae: {  	s3 =	rddreg [dreg:$0x2];
	[bflag:$0x3] =	sbarrier.arrive $0xFFFF;
	s2 =	simm.s32 @!p0 $0x1C0B  }
0xaf: {  	[timem:s3], [sflag:s2] =	dma.local @!p0 [hbm:s0], s1  }
0xb0: {  	s0 =	simm.s32 @!p0 $0xB  }
0xb1: {  	_ =	swait.ge @!p0 [sflag:s0], s1  }
0xb2: {  	s1 =	ssub.s32 @!p0 $0x0, s1;
	[sflag:s0] =	ssyncset.done @!p0 $0x0  }
0xb3: {  	[sflag:s0] =	ssyncadd.s32 @!p0 s1  }
0xb4: {  	[bflag:$0x3] =	sbarrier.arrive $0xFFFF  }
0xb5: {  	_ =	shalt  }

// kernel: kernel.14.cloned.1.call-start
scs
__scs_entry_jumppad:
0x0: {  	(pc) =	sbr.rel $0x88, $3  }
0x1: {  	(tag) =	ssettag $0x0;
	lr =	simm.s32 $0x1  }
0x2: {  	[smem:$0x3F9B] =	sst lr;
	_ =	strace $0xD0000000  }
0x3: {  	_ = 	snop  }
0x4: {  	_ = 	snop  }
0x5: {  	_ = 	snop  }
0x6: {  	_ = 	snop  }
0x7: {  	_ = 	snop  }
__scs_overlays_trampoline_lowered:
0x8: {  	[smem:$0x3FAA] =	sst s0  }
0x9: {  	[smem:$0x3FAB] =	sst s1  }
0xa: {  	[smem:$0x3FAC] =	sst s2  }
0xb: {  	[smem:$0x3FAD] =	sst s3  }
0xc: {  	[smem:$0x3FAE] =	sst s4  }
0xd: {  	[smem:$0x3FAF] =	sst s5  }
0xe: {  	[smem:$0x3FB0] =	sst s6  }
0xf: {  	[smem:$0x3FB1] =	sst s7  }
0x10: {  	[smem:$0x3FB2] =	sst s8  }
0x11: {  	[smem:$0x3FB3] =	sst s9;
	s0 =	simm.s32 @!p0 $0x0  }
0x12: {  	s1 =	sld [smem:$0x3F99];
	s0 =	simm.s32 @p0 $0x1  }
0x13: {  	[smem:$0x3FB4] =	sst s0;
	s0 =	simm.s32 @!p1 $0x0  }
0x14: {  	s2 =	sld [smem:$0x3F98];
	s0 =	simm.s32 @p1 $0x1  }
0x15: {  	[smem:$0x3FB5] =	sst s0;
	s0 =	simm.s32 @!p2 $0x0  }
0x16: {  	s3 =	sld [smem:$0x3FDB];
	s0 =	simm.s32 @p2 $0x1  }
0x17: {  	s4 =	simm.s32 $0x1BF5;
	[smem:$0x3FB7] =	sst s0  }
0x18: {  	s0 =	sld [smem:$0x3F9A];
	_ =	swait.ge [sflag:s4], $0x0  }
0x19: {  	s7 =	sld [smem:$0x3F9B]  }
0x1a: {  	s8 =	sadd.s32 $0xFFFFE003, lr  }
0x1b: {  	s9 =	sadd.s32 $0xFFFFFEF7, lr;
	s5 =	simm.s32 $0xFFFFFFFF;
	p2 =	slt.u32 s8, $0xFFFFF086  }
0x1c: {  	p1 =	slt.u32 s9, $0xF7A;
	s5 =	simm.s32 @!p2 $0x0  }
0x1d: {  	s5 =	simm.s32 @p1 $0x1;
	p0 =	seq.s32 s7, s2  }
0x1e: {  	s7 =	smul.u32 @!p0 $0xF7A, s2;
	p2 =	seq.s32 @!p0 s5, $0x0  }
0x1f: {  	s9 =	smul.u32 $0xF7A, s1;
	s8 =	simm.s32 @!p0 $0x1BF5;
	p2 =	por !p2, p0  }
0x20: {  	[sflag:s8] =	ssyncset.s32 @!p0 $0xFFFFF086;
	s6 =	sadd.s32 @!p0 s3, s7;
	s7 =	simm.s32 @!p0 $0x108  }
0x21: {  	s3 =	sadd.s32 s3, s9;
	s6 =	sadd.s32 @!p0 $0x88, s6;
	s7 =	simm.s32 @p2 $0x1082  }
0x22: {  	[simem:s7], [sflag:s8] =	dma.local @!p0 [hbm:s6], $0xF7A  }
0x23: {  	s9 =	sor.u32 $0xD0000000, s2;
	s6 =	simm.s32 $0x108;
	_ =	swait.ge @!p0 [sflag:s8], $0x0  }
0x24: {  	s3 =	sadd.s32 $0x88, s3;
	s6 =	simm.s32 @!p1 $0x1082;
	[sflag:s4] =	ssyncset.s32 $0xFFFFF086  }
0x25: {  	[simem:s6], [sflag:s4] =	dma.local [hbm:s3], $0xF7A  }
0x26: {  	[smem:$0x3F9B] =	sst s1;
	(tag) =	ssettag s2;
	_ =	strace s9  }
0x27: {  	s1 =	sld [smem:$0x3FAB]  }
0x28: {  	s2 =	sld [smem:$0x3FAC]  }
0x29: {  	s4 =	sld [smem:$0x3FAE]  }
0x2a: {  	p0 =	seq.s32 s5, $0x0;
	s5 =	sld [smem:$0x3FAF]  }
0x2b: {  	s6 =	sld [smem:$0x3FB0]  }
0x2c: {  	s7 =	sld [smem:$0x3FB1]  }
0x2d: {  	s3 =	simm.s32 $0x108;
	s8 =	sld [smem:$0x3FB2]  }
0x2e: {  	s3 =	simm.s32 @!p0 $0x1082;
	s9 =	sld [smem:$0x3FB3]  }
0x2f: {  	lr =	sadd.s32 s0, s3;
	s0 =	sld [smem:$0x3FAA]  }
0x30: {  	s3 =	sld [smem:$0x3FAD]  }
0x31: {  	[smem:$0x3FB6] =	sst s10  }
0x32: {  	s10 =	sld [smem:$0x3FB4];
	_ =	sdelay $0x3  }
0x33: {  	p0 =	seq.s32 s10, $0x1;
	s10 =	sld [smem:$0x3FB6];
	_ =	sdelay $0x3  }
0x34: {  	[smem:$0x3FB6] =	sst s10  }
0x35: {  	s10 =	sld [smem:$0x3FB5];
	_ =	sdelay $0x3  }
0x36: {  	p1 =	seq.s32 s10, $0x1;
	s10 =	sld [smem:$0x3FB6];
	_ =	sdelay $0x3  }
0x37: {  	[smem:$0x3FB6] =	sst s10  }
0x38: {  	s10 =	sld [smem:$0x3FB7]  }
0x39: {  	_ = 	snop;
	(pc) =	sbr.ind lr, $3  }
0x3a: {  	_ = 	snop  }
0x3b: {  	_ = 	snop  }
0x3c: {  	p2 =	seq.s32 s10, $0x1;
	s10 =	sld [smem:$0x3FB6]  }
0x3d: {  	_ =	shalt  }
0x3e: {  	_ =	shalt  }
0x3f: {  	_ =	shalt  }
0x40: {  	_ =	shalt  }
0x41: {  	_ =	shalt  }
0x42: {  	_ =	shalt  }
0x43: {  	_ =	shalt  }
0x44: {  	_ =	shalt  }
0x45: {  	_ =	shalt  }
0x46: {  	_ =	shalt  }
0x47: {  	_ =	shalt  }
0x48: {  	_ =	shalt  }
0x49: {  	_ =	shalt  }
0x4a: {  	_ =	shalt  }
0x4b: {  	_ =	shalt  }
0x4c: {  	_ =	shalt  }
0x4d: {  	_ =	shalt  }
0x4e: {  	_ =	shalt  }
0x4f: {  	_ =	shalt  }
0x50: {  	_ =	shalt  }
0x51: {  	_ =	shalt  }
0x52: {  	_ =	shalt  }
0x53: {  	_ =	shalt  }
0x54: {  	_ =	shalt  }
0x55: {  	_ =	shalt  }
0x56: {  	_ =	shalt  }
0x57: {  	_ =	shalt  }
0x58: {  	_ =	shalt  }
0x59: {  	_ =	shalt  }
0x5a: {  	_ =	shalt  }
0x5b: {  	_ =	shalt  }
0x5c: {  	_ =	shalt  }
0x5d: {  	_ =	shalt  }
0x5e: {  	_ =	shalt  }
0x5f: {  	_ =	shalt  }
0x60: {  	_ =	shalt  }
0x61: {  	_ =	shalt  }
0x62: {  	_ =	shalt  }
0x63: {  	_ =	shalt  }
0x64: {  	_ =	shalt  }
0x65: {  	_ =	shalt  }
0x66: {  	_ =	shalt  }
0x67: {  	_ =	shalt  }
0x68: {  	_ =	shalt  }
0x69: {  	_ =	shalt  }
0x6a: {  	_ =	shalt  }
0x6b: {  	_ =	shalt  }
0x6c: {  	_ =	shalt  }
0x6d: {  	_ =	shalt  }
0x6e: {  	_ =	shalt  }
0x6f: {  	_ =	shalt  }
0x70: {  	_ =	shalt  }
0x71: {  	_ =	shalt  }
0x72: {  	_ =	shalt  }
0x73: {  	_ =	shalt  }
0x74: {  	_ =	shalt  }
0x75: {  	_ =	shalt  }
0x76: {  	_ =	shalt  }
0x77: {  	_ =	shalt  }
0x78: {  	_ =	shalt  }
0x79: {  	_ =	shalt  }
0x7a: {  	_ =	shalt  }
0x7b: {  	_ =	shalt  }
0x7c: {  	_ =	shalt  }
0x7d: {  	_ =	shalt  }
0x7e: {  	_ =	shalt  }
0x7f: {  	_ =	shalt  }
0x80: {  	_ =	shalt  }
0x81: {  	_ =	shalt  }
0x82: {  	_ =	shalt  }
0x83: {  	_ =	shalt  }
0x84: {  	_ =	shalt  }
0x85: {  	_ =	shalt  }
0x86: {  	_ =	shalt  }
0x87: {  	_ =	shalt  }
.Lfunc_end0:
.L_simem_size_0:
called_computation.2_lowered:
.L_overlay_start_0:
0x88: {  	s2 =	sld [smem:$0x3FD9]  }
0x89: {  	s3 =	sld [smem:$0x3FFE];
	_ =	sdelay $0x1  }
0x8a: {  	s1 =	srdreg.scid  }
0x8b: {  	s0 =	sand.u32 $0x1, s1  }
0x8c: {  	s16 =	sshll.u32 s0, $0xA;
	s2 =	sadd.s32 s3, s2  }
0x8d: {  	s2 =	sadd.s32 s2, s16  }
0x8e: {  	[smem:$0x3FC2] =	sst s2  }
0x8f: {  	_ = 	snop  }
0x90: {  	(tm) =	ssettm $0x1  }
0x91: {  	s17 =	sld [smem:$0x3FFB];
	_ =	sdelay $0x3  }
0x92: {  	_ =	strace s17  }
0x93: {  	s2 =	sld [smem:$0x3FFC];
	_ =	sdelay $0x3  }
0x94: {  	_ =	strace s2  }
0x95: {  	s2 =	sld [smem:$0x3FFD];
	_ =	sdelay $0x3  }
0x96: {  	_ =	strace s2  }
0x97: {  	_ =	strace $0x8FFFFFFF  }
0x98: {  	s18 =	sld [smem:$0x3FDB];
	_ =	sdelay $0x1  }
0x99: {  	s19 =	simm.s32 $_scs_section_size  }
0x9a: {  	s4 =	simm.s32 $_size__tile_overlayer_lowered;
	s5 =	simm.s32 $_tile_overlayer_lowered  }
0x9b: {  	s22 =	simm.s32 $0x1BFF;
	s21 =	sshll.u32 s5, $0x1;
	s2 =	sadd.s32 s19, s18  }
0x9c: {  	s6 =	simm.s32 $0x0;
	s20 =	sshll.u32 s4, $0x1;
	s4 =	sadd.s32 s21, s2  }
0x9d: {  	[timem:s6], [sflag:s22] =	dma.local [hbm:s4], s20  }
0x9e: {  	_ =	swait.ge [sflag:s22], s20  }
0x9f: {  	s3 =	ssub.s32 $0x0, s20;
	[sflag:s22] =	ssyncset.done $0x0  }
0xa0: {  	[sflag:s22] =	ssyncadd.s32 s3;
	_ =	sdelay $0x1  }
0xa1: {  	s23 =	simm.s32 $0x1B8B  }
0xa2: {  	_ =	swait.ge [sflag:s23], $0x1  }
0xa3: {  	[sflag:s23] =	ssyncset.done $0x0  }
0xa4: {  	s25 =	simm.s32 $0x1B8E;
	s24 =	sld [smem:$0x3FFE];
	[sflag:s23] =	ssyncadd.s32 $0xFFFFFFFF  }
0xa5: {  	s26 =	simm.s32 $execute0_lowered;
	[smem:$0x3FD2] =	sst s25  }
0xa6: {  	s4 =	sshll.u32 s26, $0x1;
	_ =	strace $0x8000004C;
	[dreg:$0x1] =	wrdreg $0xFFFFFFFF  }
0xa7: {  	s28 =	simm.s32 $_size_execute0_lowered;
	s2 =	sadd.s32 s2, s4;
	[dreg:$0x0] =	wrdreg $0x0  }
0xa8: {  	s4 =	sshll.u32 s28, $0x1;
	[dreg:$0x2] =	wrdreg s2  }
0xa9: {  	[dreg:$0x3] =	wrdreg s4  }
0xaa: {  	[dreg:$0x4] =	wrdreg $0xC0  }
0xab: {  	_ =	task [dreg:s6], $0x5FFFF  }
0xac: {  	[dreg:$0x1] =	wrdreg $0xFFFFFFFF  }
0xad: {  	[dreg:$0x0] =	wrdreg $0x60  }
0xae: {  	[dreg:$0x2] =	wrdreg s24  }
0xaf: {  	[dreg:$0x3] =	wrdreg $0x70000  }
0xb0: {  	[dreg:$0x4] =	wrdreg $0x98000  }
0xb1: {  	[dreg:$0x5] =	wrdreg $0x9  }
0xb2: {  	_ =	task.clear_ibuf [dreg:s6], $0x6FFFF;
	_ =	strace $0x9000004C  }
0xb3: {  	s29 =	simm.s32 $0x9;
	_ =	strace $0x8000004E  }
0xb4: {  	_ =	swait.ge [sflag:s29], $0x1  }
0xb5: {  	[sflag:s29] =	ssyncadd.s32 $0xFFFFFFFF  }
0xb6: {  	_ =	strace $0x9000004E  }
0xb7: {  	_ =	sfence  }
0xb8: {  	s30 =	sld [smem:$0x0];
	_ =	sdelay $0x2  }
0xb9: {  	s31 =	sshll.u32 s1, $0xD;
	s1 =	sshrl.u32 s1, $0x2  }
0xba: {  	s3 =	sand.u32 $0x4000, s31;
	s1 =	sadd.s32 s1, s30  }
0xbb: {  	s0 =	sor.u32 s3, s0;
	s1 =	sshll.u32 s1, $0x11  }
0xbc: {  	s0 =	sor.u32 s1, s0  }
0xbd: {  	s0 =	sadd.s32 $0x8F2B, s0  }
0xbe: {  	[sflag:s0] =	ssyncadd.remote.s32 $0x1  }
0xbf: {  	_ =	sfence.sel $0xFFFF  }
0xc0: {  	[dreg:$0x0] =	wrdreg $0xFFFFFFFF;
	(pc) =	sbr.abs _section_cstart, $3  }
0xc1: {  	[dreg:$0x1] =	wrdreg $0xFFFFFFFF  }
0xc2: {  	_ =	task.clear_ibuf [dreg:s6], $0x2FFFF;
	_ =	strace $0x9FFFFFFF  }
0xc3: {  	(tm) =	ssettm $0x7FFFFFFF  }
tec
execute0_lowered:
.L_overlay_start_1:
0x0: {  	(tag) =	ssettag $0x1  }
0x1: {  	s0 =	rddreg [dreg:$0x0]  }
0x2: {  	s2 =	rddreg [dreg:$0x1]  }
0x3: {  	s3 =	rddreg [dreg:$0x2]  }
0x4: {  	s10 =	stileid.u32;
	s1 =	srdreg.scid;
	s7 =	simm.s32 $0x0  }
0x5: {  	s13 =	simm.s32 $0x5;
	s15 =	simm.s32 $0x9;
	s19 =	simm.s32 $0x80  }
0x6: {  	s20 =	simm.s32 $0x5000;
	s21 =	simm.s32 $0x5800;
	s28 =	simm.s32 $0x2  }
0x7: {  	s29 =	simm.s32 $0x3;
	s30 =	simm.s32 $0x4;
	s31 =	simm.s32 $0x6  }
0x8: {  	s4 =	smul.u32 $0x2800, s10;
	s1 =	sand.u32 $0x1, s1;
	s5 =	sshll.u32 s10, $0x1  }
0x9: {  	[smem:$0x7FF] =	sst s7;
	s25 =	sshll.u32 s10, $0x6;
	s18 =	sadd.s32 $0xC040, s0  }
0xa: {  	s6 =	smul.u32 $0x28000, s1;
	s5 =	sor.u32 s1, s5;
	_ =	strace $0x8000004D  }
0xb: {  	s1 =	ssub.s32 $0x2, s1;
	s23 =	sshrl.u32 s4, $0x3;
	s8 =	smul.u32 $0x500, s5  }
0xc: {  	s24 =	sshrl.u32 s1, $0x1;
	p0 =	seq.s32 s5, $0x1F;
	s5 =	simm.s32 $0x5  }
0xd: {  	s14 =	sadd.s32 s4, s2;
	s6 =	sadd.s32 s4, s6;
	s7 =	sadd.s32 s23, s0  }
0xe: {  	s1 =	ssub.s32 s1, s24;
	s13 =	simm.s32 @!p0 $0x14;
	s4 =	sadd.s32 s4, s3  }
0xf: {  	s14 =	sshrl.u32 s14, $0x3;
	s17 =	sadd.s32 @p0 $0x9B00, s18;
	s23 =	simm.s32 $0x6000  }
0x10: {  	s6 =	sshrl.u32 s6, $0x3;
	s9 =	sadd.s32 s8, s0;
	s10 =	sadd.s32 $0xFFFFFFFF, s13  }
0x11: {  	s12 =	smax.u32 s1, $0x1;
	s26 =	sshll.u32 s13, $0xB;
	s16 =	sshrl.u32 s4, $0x3  }
0x12: {  	s18 =	sadd.s32 @!p0 s8, s18;
	s1 =	simm.s32 $0x8;
	s4 =	simm.s32 $0x0  }
0x13: {  	s11 =	sadd.s32 s6, s0;
	s6 =	sadd.s32 $0x15E00, s7;
	s7 =	sor.u32 $0x1C09, s25  }
0x14: {  	s9 =	sadd.s32 $0x2400, s9;
	s0 =	sadd.s32 $0xBF00, s0;
	s13 =	sadd.s32 $0xFFFFF800, s26  }
0x15: {  	s25 =	simm.s32 $0x6800;
	s26 =	simm.s32 $0x1;
	[dreg:$0x4] =	wrdreg s9  }
0x16: {  	[dreg:$0x5] =	wrdreg s0;
	s11 =	sadd.s32 $0x1AE00, s11;
	s0 =	simm.s32 $0x7  }
.LBB2_1:
0x17: {  	[spmem:s14], [sflag:s7] =	dma.local [hbm:s6], $0x500  }
0x18: {  	_ =	swait.ge [sflag:s15], $0x500  }
0x19: {  	[sflag:s15] =	ssyncset.done $0x0  }
0x1a: {  	[sflag:s15] =	ssyncadd.s32 $0xFFFFFB00  }
0x1b: {  	[spmem:s16], [sflag:s7] =	dma.local [hbm:s6], $0x500  }
0x1c: {  	_ =	swait.ge [sflag:s15], $0x500  }
0x1d: {  	s8 =	simm.s32 @p0 $0x0;
	[sflag:s15] =	ssyncset.done $0x0  }
0x1e: {  	s22 =	simm.s32 @p0 $0x9;
	s9 =	rddreg [dreg:$0x5];
	[sflag:s15] =	ssyncadd.s32 $0xFFFFFB00  }
0x1f: {  	[tilespmem:s8], [sflag:$0x9] =	stream.linear.gather @p0 [hbm4b:s9+s8], $0xA00, $0x38;
	[tilespmem:$0xC000] =	vst v63  }
0x20: {  	_ =	swait.ge @p0 [sflag:s22], $0xA00  }
0x21: {  	[sflag:s22] =	ssyncset.done @p0 $0x0  }
0x22: {  	s24 =	simm.s32 @p0 $0x2800;
	[sflag:s22] =	ssyncadd.s32 @p0 $0xFFFFF600  }
0x23: {  	[tilespmem:s24], [sflag:$0x9] =	stream.linear.gather @p0 [hbm4b:s17+s8], $0xA00, $0x38;
	[tilespmem:$0xC000] =	vst v63  }
0x24: {  	_ =	swait.ge @p0 [sflag:s22], $0xA00  }
0x25: {  	s8 =	simm.s32 @!p0 $0x0;
	[sflag:s22] =	ssyncset.done @p0 $0x0  }
0x26: {  	s9 =	rddreg [dreg:$0x4];
	[sflag:s22] =	ssyncadd.s32 @p0 $0xFFFFF600;
	s22 =	simm.s32 @!p0 $0x9  }
0x27: {  	[tilespmem:s8], [sflag:$0x9] =	stream.linear.gather @!p0 [hbm4b:s9+s8], $0x2800, $0x38;
	[tilespmem:$0xC000] =	vst v63  }
0x28: {  	_ =	swait.ge @!p0 [sflag:s22], $0x2800  }
0x29: {  	[sflag:s22] =	ssyncset.done @!p0 $0x0  }
0x2a: {  	s24 =	simm.s32 @!p0 $0x2800;
	[sflag:s22] =	ssyncadd.s32 @!p0 $0xFFFFD800  }
0x2b: {  	[tilespmem:s24], [sflag:$0x9] =	stream.linear.gather @!p0 [hbm4b:s18+s8], $0x2800, $0x38;
	[tilespmem:$0xC000] =	vst v63  }
0x2c: {  	_ =	swait.ge @!p0 [sflag:s22], $0x2800  }
0x2d: {  	[sflag:s22] =	ssyncset.done @!p0 $0x0  }
0x2e: {  	[sflag:s22] =	ssyncadd.s32 @!p0 $0xFFFFD800  }
0x2f: {  	s24 =	simm.s32 $0x0;
	[bflag:$0x0] =	sbarrier.arrive $0xFFFF  }
0x30: {  	[tilespmem:s20], [sflag:$0x1] =	stream.indirect.gather [spmem:s2], $0x10, s24, s19, $0xb8;
	[tilespmem:$0xC000] =	vst v63  }
0x31: {  	_ = 	snop  }
0x32: {  	[tilespmem:s21], [sflag:$0x2] =	stream.indirect.gather [spmem:s2], $0x10, s19, s19, $0xb8;
	[tilespmem:$0xC000] =	vst v63  }
0x33: {  	s9 =	simm.s32 $0x100  }
0x34: {  	[tilespmem:s23], [sflag:$0x3] =	stream.indirect.gather [spmem:s2], $0x10, s9, s19, $0xb8;
	[tilespmem:$0xC000] =	vst v63  }
0x35: {  	s22 =	simm.s32 $0x180  }
0x36: {  	[tilespmem:s25], [sflag:$0x4] =	stream.indirect.gather [spmem:s2], $0x10, s22, s19, $0xb8;
	[tilespmem:$0xC000] =	vst v63  }
0x37: {  	_ =	swait.ge [sflag:s26], $0x800  }
0x38: {  	[sflag:s26] =	ssyncset.done $0x0  }
0x39: {  	s24 =	simm.s32 $0x2800;
	[sflag:s26] =	ssyncadd.s32 $0xFFFFF800  }
0x3a: {  	[spmem:s3] =	stream.indirect.scatter.add.f32 [tilespmem:s20], [sflag:$0x5], $0x10, s24, s19, $0xb8;
	[tilespmem:$0xC000] =	vst v63  }
0x3b: {  	_ =	swait.ge [sflag:s28], $0x800  }
0x3c: {  	[sflag:s28] =	ssyncset.done $0x0  }
0x3d: {  	s9 =	simm.s32 $0x2880;
	[sflag:s28] =	ssyncadd.s32 $0xFFFFF800  }
0x3e: {  	[spmem:s3] =	stream.indirect.scatter.add.f32 [tilespmem:s21], [sflag:$0x6], $0x10, s9, s19, $0xb8;
	[tilespmem:$0xC000] =	vst v63  }
0x3f: {  	_ =	swait.ge [sflag:s29], $0x800  }
0x40: {  	[sflag:s29] =	ssyncset.done $0x0  }
0x41: {  	s22 =	simm.s32 $0x2900;
	[sflag:s29] =	ssyncadd.s32 $0xFFFFF800  }
0x42: {  	[spmem:s3] =	stream.indirect.scatter.add.f32 [tilespmem:s23], [sflag:$0x7], $0x10, s22, s19, $0xb8;
	[tilespmem:$0xC000] =	vst v63  }
0x43: {  	_ =	swait.ge [sflag:s30], $0x800  }
0x44: {  	[sflag:s30] =	ssyncset.done $0x0  }
0x45: {  	s24 =	simm.s32 $0x2980;
	[sflag:s30] =	ssyncadd.s32 $0xFFFFF800  }
0x46: {  	[spmem:s3] =	stream.indirect.scatter.add.f32 [tilespmem:s25], [sflag:$0x8], $0x10, s24, s19, $0xb8;
	[tilespmem:$0xC000] =	vst v63  }
0x47: {  	_ =	swait.ge [sflag:s5], $0x800  }
0x48: {  	[sflag:s5] =	ssyncset.done $0x0  }
0x49: {  	s9 =	simm.s32 $0x200;
	[sflag:s5] =	ssyncadd.s32 $0xFFFFF800  }
0x4a: {  	[tilespmem:s20], [sflag:$0x1] =	stream.indirect.gather [spmem:s2], $0x10, s9, s19, $0xb8;
	[tilespmem:$0xC000] =	vst v63  }
0x4b: {  	_ =	swait.ge [sflag:s31], $0x800  }
0x4c: {  	[sflag:s31] =	ssyncset.done $0x0  }
0x4d: {  	s22 =	simm.s32 $0x280;
	[sflag:s31] =	ssyncadd.s32 $0xFFFFF800  }
0x4e: {  	[tilespmem:s21], [sflag:$0x2] =	stream.indirect.gather [spmem:s2], $0x10, s22, s19, $0xb8;
	[tilespmem:$0xC000] =	vst v63  }
0x4f: {  	_ =	swait.ge [sflag:s0], $0x800  }
0x50: {  	p1 =	sne.s32 s13, $0x800;
	[sflag:s0] =	ssyncset.done $0x0  }
.Ltmp0:
0x51: {  	s24 =	simm.s32 $0x300;
	[sflag:s0] =	ssyncadd.s32 $0xFFFFF800;
	(pc) =	sbr.rel @!p1 .LBB2_3-.Ltmp0, $4  }
0x52: {  	[tilespmem:s23], [sflag:$0x3] =	stream.indirect.gather [spmem:s2], $0x10, s24, s19, $0xb8;
	[tilespmem:$0xC000] =	vst v63  }
0x53: {  	_ =	swait.ge [sflag:s1], $0x800  }
0x54: {  	s8 =	simm.s32 $0x380;
	[sflag:s1] =	ssyncset.done $0x0  }
0x55: {  	s22 =	simm.s32 $0x800;
	s24 =	simm.s32 $0x1;
	[sflag:s1] =	ssyncadd.s32 $0xFFFFF800  }
.LBB2_2:
0x56: {  	[tilespmem:s25], [sflag:$0x4] =	stream.indirect.gather [spmem:s2], $0x10, s8, s19, $0xb8;
	[tilespmem:$0xC000] =	vst v63  }
0x57: {  	s8 =	smov.u32 s22;
	s22 =	sadd.s32 $0x800, s22;
	_ =	swait.ge [sflag:s26], $0x800  }
0x58: {  	s8 =	sshra.s32 s8, $0x2;
	p1 =	sne.s32 s13, s22;
	[sflag:s26] =	ssyncset.done $0x0  }
0x59: {  	s9 =	sadd.s32 $0x2800, s8;
	[sflag:s26] =	ssyncadd.s32 $0xFFFFF800  }
0x5a: {  	[spmem:s3] =	stream.indirect.scatter.add.f32 [tilespmem:s20], [sflag:$0x5], $0x10, s9, s19, $0xb8;
	[tilespmem:$0xC000] =	vst v63  }
0x5b: {  	_ =	swait.ge [sflag:s28], $0x800  }
0x5c: {  	[sflag:s28] =	ssyncset.done $0x0  }
0x5d: {  	s9 =	sadd.s32 $0x2880, s8;
	[sflag:s28] =	ssyncadd.s32 $0xFFFFF800  }
0x5e: {  	[spmem:s3] =	stream.indirect.scatter.add.f32 [tilespmem:s21], [sflag:$0x6], $0x10, s9, s19, $0xb8;
	[tilespmem:$0xC000] =	vst v63  }
0x5f: {  	_ =	swait.ge [sflag:s29], $0x800  }
0x60: {  	[sflag:s29] =	ssyncset.done $0x0  }
0x61: {  	s9 =	sadd.s32 $0x2900, s8;
	[sflag:s29] =	ssyncadd.s32 $0xFFFFF800  }
0x62: {  	[spmem:s3] =	stream.indirect.scatter.add.f32 [tilespmem:s23], [sflag:$0x7], $0x10, s9, s19, $0xb8;
	[tilespmem:$0xC000] =	vst v63  }
0x63: {  	_ =	swait.ge [sflag:s30], $0x800  }
0x64: {  	[sflag:s30] =	ssyncset.done $0x0  }
0x65: {  	s9 =	sadd.s32 $0x2980, s8;
	[sflag:s30] =	ssyncadd.s32 $0xFFFFF800  }
0x66: {  	[spmem:s3] =	stream.indirect.scatter.add.f32 [tilespmem:s25], [sflag:$0x8], $0x10, s9, s19, $0xb8;
	[tilespmem:$0xC000] =	vst v63  }
0x67: {  	_ =	swait.ge [sflag:s5], $0x800  }
0x68: {  	[sflag:s5] =	ssyncset.done $0x0  }
0x69: {  	s9 =	sadd.s32 $0x200, s8;
	[sflag:s5] =	ssyncadd.s32 $0xFFFFF800  }
0x6a: {  	[tilespmem:s20], [sflag:$0x1] =	stream.indirect.gather [spmem:s2], $0x10, s9, s19, $0xb8;
	[tilespmem:$0xC000] =	vst v63  }
0x6b: {  	_ =	swait.ge [sflag:s31], $0x800  }
0x6c: {  	[sflag:s31] =	ssyncset.done $0x0  }
0x6d: {  	s9 =	sadd.s32 $0x280, s8;
	[sflag:s31] =	ssyncadd.s32 $0xFFFFF800  }
0x6e: {  	[tilespmem:s21], [sflag:$0x2] =	stream.indirect.gather [spmem:s2], $0x10, s9, s19, $0xb8;
	[tilespmem:$0xC000] =	vst v63  }
0x6f: {  	_ =	swait.ge [sflag:s0], $0x800  }
0x70: {  	[sflag:s0] =	ssyncset.done $0x0  }
.Ltmp1:
0x71: {  	s9 =	sadd.s32 $0x300, s8;
	[sflag:s0] =	ssyncadd.s32 $0xFFFFF800;
	(pc) =	sbr.rel @p1 .LBB2_2-.Ltmp1, $4  }
0x72: {  	[tilespmem:s23], [sflag:$0x3] =	stream.indirect.gather [spmem:s2], $0x10, s9, s19, $0xb8;
	[tilespmem:$0xC000] =	vst v63  }
0x73: {  	_ =	swait.ge [sflag:s1], $0x800  }
0x74: {  	[sflag:s1] =	ssyncset.done $0x0  }
0x75: {  	s24 =	sadd.s32 $0x1, s24;
	s8 =	sadd.s32 $0x380, s8;
	[sflag:s1] =	ssyncadd.s32 $0xFFFFF800  }
.LBB2_3:
0x76: {  	[tilespmem:s25], [sflag:$0x4] =	stream.indirect.gather [spmem:s2], $0x10, s8, s19, $0xb8;
	[tilespmem:$0xC000] =	vst v63  }
0x77: {  	_ =	swait.ge [sflag:s26], $0x800  }
0x78: {  	s8 =	sshra.s32 s22, $0x2;
	[sflag:s26] =	ssyncset.done $0x0  }
0x79: {  	s9 =	sadd.s32 $0x2800, s8;
	[sflag:s26] =	ssyncadd.s32 $0xFFFFF800  }
0x7a: {  	[spmem:s3] =	stream.indirect.scatter.add.f32 [tilespmem:s20], [sflag:$0x5], $0x10, s9, s19, $0xb8;
	[tilespmem:$0xC000] =	vst v63  }
0x7b: {  	_ =	swait.ge [sflag:s28], $0x800  }
0x7c: {  	[sflag:s28] =	ssyncset.done $0x0  }
0x7d: {  	s9 =	sadd.s32 $0x2880, s8;
	[sflag:s28] =	ssyncadd.s32 $0xFFFFF800  }
0x7e: {  	[spmem:s3] =	stream.indirect.scatter.add.f32 [tilespmem:s21], [sflag:$0x6], $0x10, s9, s19, $0xb8;
	[tilespmem:$0xC000] =	vst v63  }
0x7f: {  	_ =	swait.ge [sflag:s29], $0x800  }
0x80: {  	[sflag:s29] =	ssyncset.done $0x0  }
0x81: {  	s9 =	sadd.s32 $0x2900, s8;
	[sflag:s29] =	ssyncadd.s32 $0xFFFFF800  }
0x82: {  	[spmem:s3] =	stream.indirect.scatter.add.f32 [tilespmem:s23], [sflag:$0x7], $0x10, s9, s19, $0xb8;
	[tilespmem:$0xC000] =	vst v63  }
0x83: {  	_ =	swait.ge [sflag:s30], $0x800  }
0x84: {  	[sflag:s30] =	ssyncset.done $0x0  }
0x85: {  	p1 =	sge.u32 s24, s10;
	s8 =	sadd.s32 $0x2980, s8;
	[sflag:s30] =	ssyncadd.s32 $0xFFFFF800  }
0x86: {  	[spmem:s3] =	stream.indirect.scatter.add.f32 [tilespmem:s25], [sflag:$0x8], $0x10, s8, s19, $0xb8;
	[tilespmem:$0xC000] =	vst v63  }
0x87: {  	s8 =	simm.s32 @!p1 $0x5  }
0x88: {  	_ =	swait.ge @!p1 [sflag:s8], $0x800  }
0x89: {  	[sflag:s8] =	ssyncset.done @!p1 $0x0  }
0x8a: {  	[sflag:s8] =	ssyncadd.s32 @!p1 $0xFFFFF800;
	s8 =	sshra.s32 @!p1 s22, $0x2  }
0x8b: {  	s24 =	simm.s32 @!p1 $0x5000;
	s22 =	simm.s32 @!p1 $0x80;
	s9 =	sadd.s32 @!p1 $0x200, s8  }
0x8c: {  	[tilespmem:s24], [sflag:$0x1] =	stream.indirect.gather @!p1 [spmem:s2], $0x10, s9, s22, $0xb8;
	[tilespmem:$0xC000] =	vst v63  }
0x8d: {  	s9 =	simm.s32 @!p1 $0x6  }
0x8e: {  	_ =	swait.ge @!p1 [sflag:s9], $0x800  }
0x8f: {  	[sflag:s9] =	ssyncset.done @!p1 $0x0  }
0x90: {  	s24 =	simm.s32 @!p1 $0x5800;
	[sflag:s9] =	ssyncadd.s32 @!p1 $0xFFFFF800;
	s9 =	sadd.s32 @!p1 $0x280, s8  }
0x91: {  	[tilespmem:s24], [sflag:$0x2] =	stream.indirect.gather @!p1 [spmem:s2], $0x10, s9, s22, $0xb8;
	[tilespmem:$0xC000] =	vst v63  }
0x92: {  	s9 =	simm.s32 @!p1 $0x7  }
0x93: {  	_ =	swait.ge @!p1 [sflag:s9], $0x800  }
0x94: {  	[sflag:s9] =	ssyncset.done @!p1 $0x0  }
0x95: {  	s24 =	simm.s32 @!p1 $0x6000;
	[sflag:s9] =	ssyncadd.s32 @!p1 $0xFFFFF800;
	s9 =	sadd.s32 @!p1 $0x300, s8  }
0x96: {  	[tilespmem:s24], [sflag:$0x3] =	stream.indirect.gather @!p1 [spmem:s2], $0x10, s9, s22, $0xb8;
	[tilespmem:$0xC000] =	vst v63  }
0x97: {  	s9 =	simm.s32 @!p1 $0x8  }
0x98: {  	_ =	swait.ge @!p1 [sflag:s9], $0x800  }
0x99: {  	[sflag:s9] =	ssyncset.done @!p1 $0x0  }
0x9a: {  	s8 =	sadd.s32 @!p1 $0x380, s8;
	[sflag:s9] =	ssyncadd.s32 @!p1 $0xFFFFF800;
	s9 =	simm.s32 @!p1 $0x6800  }
0x9b: {  	[tilespmem:s9], [sflag:$0x4] =	stream.indirect.gather @!p1 [spmem:s2], $0x10, s8, s22, $0xb8;
	[tilespmem:$0xC000] =	vst v63  }
0x9c: {  	_ =	swait.ge [sflag:s5], $0x800  }
0x9d: {  	[sflag:s5] =	ssyncset.done $0x0  }
0x9e: {  	[sflag:s5] =	ssyncadd.s32 $0xFFFFF800  }
0x9f: {  	_ =	swait.ge [sflag:s31], $0x800  }
0xa0: {  	[sflag:s31] =	ssyncset.done $0x0  }
0xa1: {  	[sflag:s31] =	ssyncadd.s32 $0xFFFFF800  }
0xa2: {  	_ =	swait.ge [sflag:s0], $0x800  }
0xa3: {  	[sflag:s0] =	ssyncset.done $0x0  }
0xa4: {  	[sflag:s0] =	ssyncadd.s32 $0xFFFFF800  }
0xa5: {  	_ =	swait.ge [sflag:s1], $0x800  }
0xa6: {  	[sflag:s1] =	ssyncset.done $0x0  }
0xa7: {  	s4 =	sadd.s32 $0x1, s4;
	[sflag:s1] =	ssyncadd.s32 $0xFFFFF800  }
0xa8: {  	p1 =	sne.s32 s4, s12;
	[bflag:$0x0] =	sbarrier.arrive $0xFFFF  }
.Ltmp2:
0xa9: {  	[bflag:$0x0] =	sbarrier.arrive $0xFFFF;
	(pc) =	sbr.rel @p1 .LBB2_1-.Ltmp2, $4  }
0xaa: {  	[hbm:s11], [sflag:s7] =	dma.local [spmem:s16], $0x500  }
0xab: {  	_ =	swait.ge [sflag:s15], $0x500  }
0xac: {  	[sflag:s15] =	ssyncset.done $0x0  }
0xad: {  	[sflag:s15] =	ssyncadd.s32 $0xFFFFFB00  }
0xae: {  	_ =	sfence.sel $0x180000  }
0xaf: {  	[bflag:$0x0] =	sbarrier.arrive $0xFFFF  }
0xb0: {  	_ =	strace $0x9000004D  }
0xb1: {  	s0 =	stileid.u32;
	[bflag:$0x2] =	sbarrier.arrive $0xFFFF  }
0xb2: {  	p0 =	sne.s32 s0, $0x0;
	s0 =	rddreg [dreg:$0x3]  }
0xb3: {  	s0 =	sadd.s32 @!p0 $0x100000, s0  }
0xb4: {  	[sflag:s0] =	ssyncadd.tile.s32 @!p0 $0x1;
	_ =	shalt  }
.Lfunc_end2:
_tile_overlayer_lowered:
.L_overlay_start_2:
0xb5: {  	(tag) =	ssettag $0x2  }
0xb6: {  	s0 =	rddreg [dreg:$0x0];
	s2 =	stileid.u32  }
0xb7: {  	s1 =	rddreg [dreg:$0x1];
	p0 =	sne.s32 s2, $0x0  }
0xb8: {  	s3 =	rddreg [dreg:$0x2];
	[bflag:$0x3] =	sbarrier.arrive $0xFFFF;
	s2 =	simm.s32 @!p0 $0x1C09  }
0xb9: {  	[timem:s3], [sflag:s2] =	dma.local @!p0 [hbm:s0], s1  }
0xba: {  	s0 =	simm.s32 @!p0 $0x9  }
0xbb: {  	_ =	swait.ge @!p0 [sflag:s0], s1  }
0xbc: {  	s1 =	ssub.s32 @!p0 $0x0, s1;
	[sflag:s0] =	ssyncset.done @!p0 $0x0  }
0xbd: {  	[sflag:s0] =	ssyncadd.s32 @!p0 s1  }
0xbe: {  	[bflag:$0x3] =	sbarrier.arrive $0xFFFF  }
0xbf: {  	_ =	shalt  }

// kernel: kernel.8.cloned.1.call-start
scs
__scs_entry_jumppad:
0x0: {  	(pc) =	sbr.rel $0x88, $3  }
0x1: {  	(tag) =	ssettag $0x0;
	lr =	simm.s32 $0x1  }
0x2: {  	[smem:$0x3F9B] =	sst lr;
	_ =	strace $0xD0000000  }
0x3: {  	_ = 	snop  }
0x4: {  	_ = 	snop  }
0x5: {  	_ = 	snop  }
0x6: {  	_ = 	snop  }
0x7: {  	_ = 	snop  }
__scs_overlays_trampoline_lowered:
0x8: {  	[smem:$0x3FAA] =	sst s0  }
0x9: {  	[smem:$0x3FAB] =	sst s1  }
0xa: {  	[smem:$0x3FAC] =	sst s2  }
0xb: {  	[smem:$0x3FAD] =	sst s3  }
0xc: {  	[smem:$0x3FAE] =	sst s4  }
0xd: {  	[smem:$0x3FAF] =	sst s5  }
0xe: {  	[smem:$0x3FB0] =	sst s6  }
0xf: {  	[smem:$0x3FB1] =	sst s7  }
0x10: {  	[smem:$0x3FB2] =	sst s8  }
0x11: {  	[smem:$0x3FB3] =	sst s9;
	s0 =	simm.s32 @!p0 $0x0  }
0x12: {  	s1 =	sld [smem:$0x3F99];
	s0 =	simm.s32 @p0 $0x1  }
0x13: {  	[smem:$0x3FB4] =	sst s0;
	s0 =	simm.s32 @!p1 $0x0  }
0x14: {  	s2 =	sld [smem:$0x3F98];
	s0 =	simm.s32 @p1 $0x1  }
0x15: {  	[smem:$0x3FB5] =	sst s0;
	s0 =	simm.s32 @!p2 $0x0  }
0x16: {  	s3 =	sld [smem:$0x3FDB];
	s0 =	simm.s32 @p2 $0x1  }
0x17: {  	s4 =	simm.s32 $0x1BF5;
	[smem:$0x3FB7] =	sst s0  }
0x18: {  	s0 =	sld [smem:$0x3F9A];
	_ =	swait.ge [sflag:s4], $0x0  }
0x19: {  	s7 =	sld [smem:$0x3F9B]  }
0x1a: {  	s8 =	sadd.s32 $0xFFFFE003, lr  }
0x1b: {  	s9 =	sadd.s32 $0xFFFFFEF7, lr;
	s5 =	simm.s32 $0xFFFFFFFF;
	p2 =	slt.u32 s8, $0xFFFFF086  }
0x1c: {  	p1 =	slt.u32 s9, $0xF7A;
	s5 =	simm.s32 @!p2 $0x0  }
0x1d: {  	s5 =	simm.s32 @p1 $0x1;
	p0 =	seq.s32 s7, s2  }
0x1e: {  	s7 =	smul.u32 @!p0 $0xF7A, s2;
	p2 =	seq.s32 @!p0 s5, $0x0  }
0x1f: {  	s9 =	smul.u32 $0xF7A, s1;
	s8 =	simm.s32 @!p0 $0x1BF5;
	p2 =	por !p2, p0  }
0x20: {  	[sflag:s8] =	ssyncset.s32 @!p0 $0xFFFFF086;
	s6 =	sadd.s32 @!p0 s3, s7;
	s7 =	simm.s32 @!p0 $0x108  }
0x21: {  	s3 =	sadd.s32 s3, s9;
	s6 =	sadd.s32 @!p0 $0x88, s6;
	s7 =	simm.s32 @p2 $0x1082  }
0x22: {  	[simem:s7], [sflag:s8] =	dma.local @!p0 [hbm:s6], $0xF7A  }
0x23: {  	s9 =	sor.u32 $0xD0000000, s2;
	s6 =	simm.s32 $0x108;
	_ =	swait.ge @!p0 [sflag:s8], $0x0  }
0x24: {  	s3 =	sadd.s32 $0x88, s3;
	s6 =	simm.s32 @!p1 $0x1082;
	[sflag:s4] =	ssyncset.s32 $0xFFFFF086  }
0x25: {  	[simem:s6], [sflag:s4] =	dma.local [hbm:s3], $0xF7A  }
0x26: {  	[smem:$0x3F9B] =	sst s1;
	(tag) =	ssettag s2;
	_ =	strace s9  }
0x27: {  	s1 =	sld [smem:$0x3FAB]  }
0x28: {  	s2 =	sld [smem:$0x3FAC]  }
0x29: {  	s4 =	sld [smem:$0x3FAE]  }
0x2a: {  	p0 =	seq.s32 s5, $0x0;
	s5 =	sld [smem:$0x3FAF]  }
0x2b: {  	s6 =	sld [smem:$0x3FB0]  }
0x2c: {  	s7 =	sld [smem:$0x3FB1]  }
0x2d: {  	s3 =	simm.s32 $0x108;
	s8 =	sld [smem:$0x3FB2]  }
0x2e: {  	s3 =	simm.s32 @!p0 $0x1082;
	s9 =	sld [smem:$0x3FB3]  }
0x2f: {  	lr =	sadd.s32 s0, s3;
	s0 =	sld [smem:$0x3FAA]  }
0x30: {  	s3 =	sld [smem:$0x3FAD]  }
0x31: {  	[smem:$0x3FB6] =	sst s10  }
0x32: {  	s10 =	sld [smem:$0x3FB4];
	_ =	sdelay $0x3  }
0x33: {  	p0 =	seq.s32 s10, $0x1;
	s10 =	sld [smem:$0x3FB6];
	_ =	sdelay $0x3  }
0x34: {  	[smem:$0x3FB6] =	sst s10  }
0x35: {  	s10 =	sld [smem:$0x3FB5];
	_ =	sdelay $0x3  }
0x36: {  	p1 =	seq.s32 s10, $0x1;
	s10 =	sld [smem:$0x3FB6];
	_ =	sdelay $0x3  }
0x37: {  	[smem:$0x3FB6] =	sst s10  }
0x38: {  	s10 =	sld [smem:$0x3FB7]  }
0x39: {  	_ = 	snop;
	(pc) =	sbr.ind lr, $3  }
0x3a: {  	_ = 	snop  }
0x3b: {  	_ = 	snop  }
0x3c: {  	p2 =	seq.s32 s10, $0x1;
	s10 =	sld [smem:$0x3FB6]  }
0x3d: {  	_ =	shalt  }
0x3e: {  	_ =	shalt  }
0x3f: {  	_ =	shalt  }
0x40: {  	_ =	shalt  }
0x41: {  	_ =	shalt  }
0x42: {  	_ =	shalt  }
0x43: {  	_ =	shalt  }
0x44: {  	_ =	shalt  }
0x45: {  	_ =	shalt  }
0x46: {  	_ =	shalt  }
0x47: {  	_ =	shalt  }
0x48: {  	_ =	shalt  }
0x49: {  	_ =	shalt  }
0x4a: {  	_ =	shalt  }
0x4b: {  	_ =	shalt  }
0x4c: {  	_ =	shalt  }
0x4d: {  	_ =	shalt  }
0x4e: {  	_ =	shalt  }
0x4f: {  	_ =	shalt  }
0x50: {  	_ =	shalt  }
0x51: {  	_ =	shalt  }
0x52: {  	_ =	shalt  }
0x53: {  	_ =	shalt  }
0x54: {  	_ =	shalt  }
0x55: {  	_ =	shalt  }
0x56: {  	_ =	shalt  }
0x57: {  	_ =	shalt  }
0x58: {  	_ =	shalt  }
0x59: {  	_ =	shalt  }
0x5a: {  	_ =	shalt  }
0x5b: {  	_ =	shalt  }
0x5c: {  	_ =	shalt  }
0x5d: {  	_ =	shalt  }
0x5e: {  	_ =	shalt  }
0x5f: {  	_ =	shalt  }
0x60: {  	_ =	shalt  }
0x61: {  	_ =	shalt  }
0x62: {  	_ =	shalt  }
0x63: {  	_ =	shalt  }
0x64: {  	_ =	shalt  }
0x65: {  	_ =	shalt  }
0x66: {  	_ =	shalt  }
0x67: {  	_ =	shalt  }
0x68: {  	_ =	shalt  }
0x69: {  	_ =	shalt  }
0x6a: {  	_ =	shalt  }
0x6b: {  	_ =	shalt  }
0x6c: {  	_ =	shalt  }
0x6d: {  	_ =	shalt  }
0x6e: {  	_ =	shalt  }
0x6f: {  	_ =	shalt  }
0x70: {  	_ =	shalt  }
0x71: {  	_ =	shalt  }
0x72: {  	_ =	shalt  }
0x73: {  	_ =	shalt  }
0x74: {  	_ =	shalt  }
0x75: {  	_ =	shalt  }
0x76: {  	_ =	shalt  }
0x77: {  	_ =	shalt  }
0x78: {  	_ =	shalt  }
0x79: {  	_ =	shalt  }
0x7a: {  	_ =	shalt  }
0x7b: {  	_ =	shalt  }
0x7c: {  	_ =	shalt  }
0x7d: {  	_ =	shalt  }
0x7e: {  	_ =	shalt  }
0x7f: {  	_ =	shalt  }
0x80: {  	_ =	shalt  }
0x81: {  	_ =	shalt  }
0x82: {  	_ =	shalt  }
0x83: {  	_ =	shalt  }
0x84: {  	_ =	shalt  }
0x85: {  	_ =	shalt  }
0x86: {  	_ =	shalt  }
0x87: {  	_ =	shalt  }
.Lfunc_end0:
.L_simem_size_0:
called_computation_lowered:
.L_overlay_start_0:
0x88: {  	s2 =	sld [smem:$0x3FD9]  }
0x89: {  	s3 =	sld [smem:$0x3FFE];
	_ =	sdelay $0x1  }
0x8a: {  	s1 =	srdreg.scid  }
0x8b: {  	s0 =	sand.u32 $0x1, s1  }
0x8c: {  	s17 =	sshll.u32 s0, $0xA;
	s2 =	sadd.s32 s3, s2  }
0x8d: {  	s2 =	sadd.s32 s2, s17  }
0x8e: {  	[smem:$0x3FC2] =	sst s2  }
0x8f: {  	_ = 	snop  }
0x90: {  	s2 =	sld [smem:$0x3FD0];
	(tm) =	ssettm $0x1  }
0x91: {  	s18 =	sld [smem:$0x3FFB];
	_ =	sdelay $0x3  }
0x92: {  	_ =	strace s18  }
0x93: {  	s3 =	sld [smem:$0x3FFC];
	_ =	sdelay $0x3  }
0x94: {  	_ =	strace s3  }
0x95: {  	s3 =	sld [smem:$0x3FFD];
	_ =	sdelay $0x3  }
0x96: {  	_ =	strace s3  }
0x97: {  	_ =	strace $0x8FFFFFFF  }
0x98: {  	s19 =	sld [smem:$0x3FDB];
	_ =	sdelay $0x1  }
0x99: {  	s4 =	simm.s32 $_scs_section_size  }
0x9a: {  	s5 =	simm.s32 $_size__tile_overlayer_lowered;
	s6 =	simm.s32 $_tile_overlayer_lowered  }
0x9b: {  	s22 =	simm.s32 $0x1BFF;
	s21 =	sshll.u32 s6, $0x1;
	s3 =	sadd.s32 s4, s19  }
0x9c: {  	s7 =	simm.s32 $0x0;
	s20 =	sshll.u32 s5, $0x1;
	s5 =	sadd.s32 s21, s3  }
0x9d: {  	[timem:s7], [sflag:s22] =	dma.local [hbm:s5], s20  }
0x9e: {  	_ =	swait.ge [sflag:s22], s20  }
0x9f: {  	s4 =	ssub.s32 $0x0, s20;
	[sflag:s22] =	ssyncset.done $0x0  }
0xa0: {  	[sflag:s22] =	ssyncadd.s32 s4;
	_ =	sdelay $0x1  }
0xa1: {  	s23 =	simm.s32 $0x1B8B  }
0xa2: {  	_ =	swait.ge [sflag:s23], $0x1  }
0xa3: {  	[sflag:s23] =	ssyncset.done $0x0  }
0xa4: {  	s25 =	simm.s32 $0x1B8E;
	s24 =	sld [smem:$0x3FFE];
	[sflag:s23] =	ssyncadd.s32 $0xFFFFFFFF  }
0xa5: {  	s26 =	simm.s32 $execute0_lowered;
	[smem:$0x3FD2] =	sst s25  }
0xa6: {  	s5 =	sshll.u32 s26, $0x1;
	_ =	strace $0x80000046;
	[dreg:$0x1] =	wrdreg $0xFFFFFFFF  }
0xa7: {  	s28 =	simm.s32 $_size_execute0_lowered;
	s3 =	sadd.s32 s3, s5;
	[dreg:$0x0] =	wrdreg $0x0  }
0xa8: {  	s5 =	sshll.u32 s28, $0x1;
	[dreg:$0x2] =	wrdreg s3  }
0xa9: {  	[dreg:$0x3] =	wrdreg s5  }
0xaa: {  	[dreg:$0x4] =	wrdreg $0xC0  }
0xab: {  	_ =	task [dreg:s7], $0x5FFFF  }
0xac: {  	[dreg:$0x1] =	wrdreg $0xFFFFFFFF  }
0xad: {  	[dreg:$0x0] =	wrdreg $0x60  }
0xae: {  	[dreg:$0x2] =	wrdreg s24  }
0xaf: {  	[dreg:$0x3] =	wrdreg s2  }
0xb0: {  	[dreg:$0x4] =	wrdreg $0x28800  }
0xb1: {  	[dreg:$0x5] =	wrdreg $0x9  }
0xb2: {  	_ =	task.clear_ibuf [dreg:s7], $0x6FFFF;
	_ =	strace $0x90000046  }
0xb3: {  	s29 =	simm.s32 $0x9;
	_ =	strace $0x80000048  }
0xb4: {  	_ =	swait.ge [sflag:s29], $0x1  }
0xb5: {  	[sflag:s29] =	ssyncadd.s32 $0xFFFFFFFF  }
0xb6: {  	_ =	strace $0x90000048  }
0xb7: {  	_ =	sfence  }
0xb8: {  	s30 =	sld [smem:$0x0];
	_ =	sdelay $0x2  }
0xb9: {  	s31 =	sshll.u32 s1, $0xD;
	s1 =	sshrl.u32 s1, $0x2  }
0xba: {  	s3 =	sand.u32 $0x4000, s31;
	s1 =	sadd.s32 s1, s30  }
0xbb: {  	s0 =	sor.u32 s3, s0;
	s1 =	sshll.u32 s1, $0x11  }
0xbc: {  	s0 =	sor.u32 s1, s0  }
0xbd: {  	s0 =	sadd.s32 $0x8F2B, s0  }
0xbe: {  	[sflag:s0] =	ssyncadd.remote.s32 $0x1  }
0xbf: {  	_ =	sfence.sel $0xFFFF  }
0xc0: {  	[dreg:$0x0] =	wrdreg $0xFFFFFFFF;
	(pc) =	sbr.abs _section_cstart, $3  }
0xc1: {  	[dreg:$0x1] =	wrdreg $0xFFFFFFFF  }
0xc2: {  	_ =	task.clear_ibuf [dreg:s7], $0x2FFFF;
	_ =	strace $0x9FFFFFFF  }
0xc3: {  	(tm) =	ssettm $0x7FFFFFFF  }
tec
execute0_lowered:
.L_overlay_start_1:
0x0: {  	(tag) =	ssettag $0x1  }
0x1: {  	s8 =	rddreg [dreg:$0x0]  }
0x2: {  	s5 =	rddreg [dreg:$0x1]  }
0x3: {  	s1 =	rddreg [dreg:$0x2];
	s2 =	srdreg.scid  }
0x4: {  	s0 =	rddreg [dreg:$0x3];
	s3 =	simm.s32 $0x0;
	s13 =	simm.s32 $0x16400  }
0x5: {  	s15 =	simm.s32 $0x1;
	s16 =	simm.s32 $0x0;
	s6 =	sand.u32 $0x1, s2  }
0x6: {  	[smem:$0x7FF] =	sst s3;
	s2 =	stileid.u32;
	s4 =	ssub.s32 $0x2, s6  }
0x7: {  	s9 =	sshll.u32 s2, $0x1;
	s10 =	smul.u32 $0x280, s2;
	_ =	strace $0x80000047  }
0x8: {  	s12 =	sshll.u32 s2, $0x6;
	p1 =	seq.s32 s6, $0x1;
	s7 =	sshrl.u32 s4, $0x1  }
0x9: {  	s9 =	sor.u32 s6, s9;
	s6 =	sor.u32 $0x1C02, s12;
	s12 =	sadd.s32 $0xC040, s8  }
0xa: {  	s13 =	simm.s32 @!p1 $0x15E00;
	s7 =	ssub.s32 s4, s7;
	p0 =	seq.s32 s9, $0x1F  }
0xb: {  	s4 =	simm.s32 $0x14;
	s11 =	sshrl.u32 s10, $0x3;
	s10 =	sadd.s32 s10, s1  }
0xc: {  	s14 =	smul.u32 $0x500, s9;
	s8 =	sadd.s32 s13, s8;
	s13 =	simm.s32 $0x80  }
0xd: {  	s4 =	simm.s32 @!p0 $0x50;
	s5 =	sadd.s32 s5, s11;
	s7 =	smax.u32 s7, $0x1  }
0xe: {  	s8 =	sadd.s32 s8, s11;
	s9 =	sshrl.u32 s10, $0x3;
	s10 =	simm.s32 $0x2  }
0xf: {  	v0 =	vimm.f32 $1.000000000e+00;
	s11 =	sadd.s32 @p0 $0x9B00, s12;
	s12 =	sadd.s32 @!p0 s14, s12;
	s14 =	simm.s32 $0x2800  }
.LBB2_1:
0x10: {  	[spmem:s9], [sflag:s6] =	dma.local [hbm:s5], $0x50  }
0x11: {  	_ =	swait.ge [sflag:s10], $0x50  }
0x12: {  	[sflag:s10] =	ssyncset.done $0x0  }
0x13: {  	[sflag:s10] =	ssyncadd.s32 $0xFFFFFFB0  }
0x14: {  	[tilespmem:$0x2800] =	vst v0  }
0x15: {  	[tilespmem:$0x2810] =	vst v0  }
0x16: {  	[tilespmem:$0x2820] =	vst v0  }
0x17: {  	[tilespmem:$0x2830] =	vst v0  }
0x18: {  	[tilespmem:$0x2840] =	vst v0  }
0x19: {  	[tilespmem:$0x2850] =	vst v0  }
0x1a: {  	[tilespmem:$0x2860] =	vst v0  }
0x1b: {  	s17 =	simm.s32 @p0 $0x0;
	[tilespmem:$0x2870] =	vst v0  }
0x1c: {  	[tilespmem:s17], [sflag:$0x2] =	stream.linear.gather @p0 [hbm4b:s11+s17], $0xA00, $0x38;
	[tilespmem:$0x2B00] =	vst v63  }
0x1d: {  	s17 =	simm.s32 @p0 $0x2  }
0x1e: {  	_ =	swait.ge @p0 [sflag:s17], $0xA00  }
0x1f: {  	[sflag:s17] =	ssyncset.done @p0 $0x0  }
0x20: {  	[sflag:s17] =	ssyncadd.s32 @p0 $0xFFFFF600;
	s17 =	simm.s32 @!p0 $0x0  }
0x21: {  	[tilespmem:s17], [sflag:$0x2] =	stream.linear.gather @!p0 [hbm4b:s12+s17], $0x2800, $0x38;
	[tilespmem:$0x2B00] =	vst v63  }
0x22: {  	s17 =	simm.s32 @!p0 $0x2  }
0x23: {  	_ =	swait.ge @!p0 [sflag:s17], $0x2800  }
0x24: {  	p2 =	sne.s32 s4, $0x1;
	[sflag:s17] =	ssyncset.done @!p0 $0x0  }
.Ltmp0:
0x25: {  	p1 =	por $0x1, $0x1;
	[sflag:s17] =	ssyncadd.s32 @!p0 $0xFFFFD800;
	(pc) =	sbr.rel @!p2 .LBB2_3-.Ltmp0, $4  }
0x26: {  	s19 =	simm.s32 @!p1 $0x1;
	[bflag:$0x0] =	sbarrier.arrive $0xFFFF  }
0x27: {  	[spmem:s1] =	stream.indirect.scatter.add.f32 [tilespmem:s14], [sflag:$0x1], $0x1, s3, s13, $0xb8;
	[tilespmem:$0x2B00] =	vst v63  }
0x28: {  	_ =	swait.ge @!p1 [sflag:s19], $0x80  }
0x29: {  	s18 =	simm.s32 $0x0;
	s17 =	simm.s32 $0x1;
	[sflag:s19] =	ssyncset.done @!p1 $0x0  }
.LBB2_2:
0x2a: {  	[sflag:s19] =	ssyncadd.s32 @!p1 $0xFFFFFF80  }
0x2b: {  	s18 =	sadd.s32 $0x80, s18;
	s19 =	smov.u32 s17;
	s17 =	sadd.s32 $0x1, s17  }
0x2c: {  	p2 =	sne.s32 s4, s17  }
0x2d: {  	[spmem:s1] =	stream.indirect.scatter.add.f32 [tilespmem:s14], [sflag:$0x1], $0x1, s18, s13, $0xb8;
	[tilespmem:$0x2B00] =	vst v63  }
.Ltmp1:
0x2e: {  	_ = 	snop;
	(pc) =	sbr.rel @p2 .LBB2_2-.Ltmp1, $4  }
0x2f: {  	p1 =	slt.u32 s19, $0x8  }
0x30: {  	s19 =	simm.s32 @!p1 $0x1  }
0x31: {  	_ =	swait.ge @!p1 [sflag:s19], $0x80  }
0x32: {  	[sflag:s19] =	ssyncset.done @!p1 $0x0  }
.LBB2_3:
0x33: {  	[sflag:s19] =	ssyncadd.s32 @!p1 $0xFFFFFF80  }
0x34: {  	_ =	swait.ge [sflag:s15], $0x80  }
0x35: {  	[sflag:s15] =	ssyncset.done $0x0  }
0x36: {  	[sflag:s15] =	ssyncadd.s32 $0xFFFFFF80  }
0x37: {  	_ =	swait.ge [sflag:s15], $0x80  }
0x38: {  	[sflag:s15] =	ssyncset.done $0x0  }
0x39: {  	[sflag:s15] =	ssyncadd.s32 $0xFFFFFF80  }
0x3a: {  	_ =	swait.ge [sflag:s15], $0x80  }
0x3b: {  	[sflag:s15] =	ssyncset.done $0x0  }
0x3c: {  	[sflag:s15] =	ssyncadd.s32 $0xFFFFFF80  }
0x3d: {  	_ =	swait.ge [sflag:s15], $0x80  }
0x3e: {  	[sflag:s15] =	ssyncset.done $0x0  }
0x3f: {  	[sflag:s15] =	ssyncadd.s32 $0xFFFFFF80  }
0x40: {  	_ =	swait.ge [sflag:s15], $0x80  }
0x41: {  	[sflag:s15] =	ssyncset.done $0x0  }
0x42: {  	[sflag:s15] =	ssyncadd.s32 $0xFFFFFF80  }
0x43: {  	_ =	swait.ge [sflag:s15], $0x80  }
0x44: {  	[sflag:s15] =	ssyncset.done $0x0  }
0x45: {  	[sflag:s15] =	ssyncadd.s32 $0xFFFFFF80  }
0x46: {  	_ =	swait.ge [sflag:s15], $0x80  }
0x47: {  	[sflag:s15] =	ssyncset.done $0x0  }
0x48: {  	[sflag:s15] =	ssyncadd.s32 $0xFFFFFF80  }
0x49: {  	_ =	swait.ge [sflag:s15], $0x80  }
0x4a: {  	[sflag:s15] =	ssyncset.done $0x0  }
0x4b: {  	s16 =	sadd.s32 $0x1, s16;
	[sflag:s15] =	ssyncadd.s32 $0xFFFFFF80  }
0x4c: {  	p1 =	sne.s32 s16, s7;
	[bflag:$0x0] =	sbarrier.arrive $0xFFFF  }
.Ltmp2:
0x4d: {  	[bflag:$0x0] =	sbarrier.arrive $0xFFFF;
	(pc) =	sbr.rel @p1 .LBB2_1-.Ltmp2, $4  }
0x4e: {  	[hbm:s8], [sflag:s6] =	dma.local [spmem:s9], $0x50  }
0x4f: {  	_ =	swait.ge [sflag:s10], $0x50  }
0x50: {  	[sflag:s10] =	ssyncset.done $0x0  }
0x51: {  	[sflag:s10] =	ssyncadd.s32 $0xFFFFFFB0  }
0x52: {  	_ =	sfence.sel $0x180000  }
0x53: {  	[bflag:$0x0] =	sbarrier.arrive $0xFFFF  }
0x54: {  	p0 =	sne.s32 s2, $0x0;
	_ =	strace $0x90000047  }
0x55: {  	s0 =	sadd.s32 @!p0 $0x100000, s0;
	[bflag:$0x2] =	sbarrier.arrive $0xFFFF  }
0x56: {  	[sflag:s0] =	ssyncadd.tile.s32 @!p0 $0x1;
	_ =	shalt  }
.Lfunc_end2:
_tile_overlayer_lowered:
.L_overlay_start_2:
0x57: {  	(tag) =	ssettag $0x2  }
0x58: {  	s0 =	rddreg [dreg:$0x0];
	s2 =	stileid.u32  }
0x59: {  	s1 =	rddreg [dreg:$0x1];
	p0 =	sne.s32 s2, $0x0  }
0x5a: {  	s3 =	rddreg [dreg:$0x2];
	[bflag:$0x3] =	sbarrier.arrive $0xFFFF;
	s2 =	simm.s32 @!p0 $0x1C02  }
0x5b: {  	[timem:s3], [sflag:s2] =	dma.local @!p0 [hbm:s0], s1  }
0x5c: {  	s0 =	simm.s32 @!p0 $0x2  }
0x5d: {  	_ =	swait.ge @!p0 [sflag:s0], s1  }
0x5e: {  	s1 =	ssub.s32 @!p0 $0x0, s1;
	[sflag:s0] =	ssyncset.done @!p0 $0x0  }
0x5f: {  	[sflag:s0] =	ssyncadd.s32 @!p0 s1  }
0x60: {  	[bflag:$0x3] =	sbarrier.arrive $0xFFFF  }
0x61: {  	_ =	shalt  }

</sc_bundles>
